<compile_context>
chip_gen: v7x
topology: tpu7x:2x2x1
jax: 0.10.2.dev20260603
libtpu: 0.0.44.dev20260713+nightly
codegen_flags: <defaults>
</compile_context>

<pallas_src>
import functools

import jax
import jax.numpy as jnp
import numpy as np
from jax import lax
from jax.experimental import pallas as pl
from jax.experimental.pallas import tpu as pltpu
from jax.experimental.pallas import tpu_sc as plsc

N = 10000
E = 320000
D = 128
H = 128
HW = H // 2
ET = 4

NC = 2
NS = 16
NW = NC * NS
EW = E // NW
KS = 40
NCHS = EW // KS
KR = 80
NCHR = EW // KR
CHR = 40
NRCH = N // CHR
LANES = 16
NG = H // 32

BN = 1000
BE = 4000

_IDX = np.arange(H).reshape(NG, 32)
_PACKPERM = np.concatenate([_IDX[:, :LANES].ravel(), _IDX[:, LANES:].ravel()])

QC = 8192.0


def _pack_rows(full, q):
    iq = jnp.clip(jnp.round(full * q), -32767.0, 32767.0).astype(jnp.int32)
    lo = iq[:, :HW]
    hi = iq[:, HW:]
    return (hi << 16) | (lo & jnp.int32(0xFFFF))


def _dense0_body(x_ref, ex_ref, wc_ref, bc_ref, wa_ref, wb_ref,
                 a_ref, b_ref, s_ref):
    cf = jnp.maximum(
        jnp.dot(x_ref[...], wc_ref[...], preferred_element_type=jnp.float32)
        + bc_ref[...], 0.0)
    cf = cf * ex_ref[...]
    a_ref[...] = jnp.dot(cf, wa_ref[...], preferred_element_type=jnp.float32)
    b_ref[...] = jnp.dot(cf, wb_ref[...], preferred_element_type=jnp.float32)

    @pl.when(pl.program_id(0) == 0)
    def _():
        s_ref[...] = jnp.zeros_like(s_ref)
    s_ref[...] += jnp.sum(cf, axis=0, keepdims=True)


def _dense0(x, ex, wc, bc, wa, wb):
    return pl.pallas_call(
        _dense0_body,
        grid=(N // BN,),
        in_specs=[
            pl.BlockSpec((BN, D), lambda i: (i, 0)),
            pl.BlockSpec((BN, 1), lambda i: (i, 0)),
            pl.BlockSpec((D, H), lambda i: (0, 0)),
            pl.BlockSpec((1, H), lambda i: (0, 0)),
            pl.BlockSpec((H, H), lambda i: (0, 0)),
            pl.BlockSpec((H, H), lambda i: (0, 0)),
        ],
        out_specs=[
            pl.BlockSpec((BN, H), lambda i: (i, 0)),
            pl.BlockSpec((BN, H), lambda i: (i, 0)),
            pl.BlockSpec((1, H), lambda i: (0, 0)),
        ],
        out_shape=[
            jax.ShapeDtypeStruct((N, H), jnp.float32),
            jax.ShapeDtypeStruct((N, H), jnp.float32),
            jax.ShapeDtypeStruct((1, H), jnp.float32),
        ],
    )(x, ex, wc, bc, wa, wb)


def _edgeC_body(ef_ref, w0_ref, b0_ref, w1_ref, b1_ref, c0_ref, c1_ref):
    ef = ef_ref[...]
    c0_ref[...] = (jnp.dot(ef, w0_ref[...], preferred_element_type=jnp.float32)
                   + b0_ref[...])
    c1_ref[...] = (jnp.dot(ef, w1_ref[...], preferred_element_type=jnp.float32)
                   + b1_ref[...])


def _edgeC(ef, w0, b0, w1, b1):
    return pl.pallas_call(
        _edgeC_body,
        grid=(E // BE,),
        in_specs=[
            pl.BlockSpec((BE, ET), lambda i: (i, 0)),
            pl.BlockSpec((ET, H), lambda i: (0, 0)),
            pl.BlockSpec((1, H), lambda i: (0, 0)),
            pl.BlockSpec((ET, H), lambda i: (0, 0)),
            pl.BlockSpec((1, H), lambda i: (0, 0)),
        ],
        out_specs=[
            pl.BlockSpec((BE, H), lambda i: (i, 0)),
            pl.BlockSpec((BE, H), lambda i: (i, 0)),
        ],
        out_shape=[
            jax.ShapeDtypeStruct((E, H), jnp.float32),
            jax.ShapeDtypeStruct((E, H), jnp.float32),
        ],
    )(ef, w0, b0, w1, b1)


def _relu_sum_group(ra, rb, rc, r, g):
    s0 = pl.ds(g * 32, LANES)
    s1 = pl.ds(g * 32 + LANES, LANES)
    e0 = jnp.maximum(ra[r, s0] + rb[r, s0] + rc[r, s0], 0.0)
    e1 = jnp.maximum(ra[r, s1] + rb[r, s1] + rc[r, s1], 0.0)
    return e0, e1, s0, s1


def _stage_idx(spk, sbuf, dbuf, t, k, offsets):
    for o in offsets:
        v = spk[pl.ds(t * k + o, LANES)]
        sbuf[pl.ds(o, LANES)] = v & jnp.int32(0xFFFF)
        dbuf[pl.ds(o, LANES)] = v >> 16


@functools.cache
def _sc_scatter_kernel():
    return pl.kernel(
        _sc_scatter_body,
        out_type=jax.ShapeDtypeStruct((NC, N, H), jnp.float32),
        mesh=plsc.VectorSubcoreMesh(core_axis_name="c", subcore_axis_name="s"),
        scratch_types=[
            pltpu.VMEM_SHARED((N, H), jnp.float32),
            pltpu.VMEM((EW,), jnp.int32),
            pltpu.VMEM((KS,), jnp.int32),
            pltpu.VMEM((KS,), jnp.int32),
            pltpu.VMEM((KS,), jnp.int32),
            pltpu.VMEM((KS,), jnp.int32),
            pltpu.VMEM((KS, H), jnp.float32),
            pltpu.VMEM((KS, H), jnp.float32),
            pltpu.VMEM((KS, H), jnp.float32),
            pltpu.VMEM((KS, H), jnp.float32),
            pltpu.VMEM((KS, H), jnp.float32),
            pltpu.VMEM((KS, H), jnp.float32),
            pltpu.SemaphoreType.DMA,
            pltpu.SemaphoreType.DMA,
            pltpu.SemaphoreType.DMA,
            pltpu.SemaphoreType.DMA,
            pltpu.SemaphoreType.DMA,
            pltpu.SemaphoreType.DMA,
        ],
    )


def _sc_scatter(a0, b0, c0, spack):
    return _sc_scatter_kernel()(a0, b0, c0, spack)


def _sc_scatter_body(a_hbm, b_hbm, c_hbm, spk_hbm, out_hbm,
                     acc_sh, spk, si0, di0, si1, di1,
                     ra0, rb0, rc0, ra1, rb1, rc1,
                     sa0, sb0, sc0, sa1, sb1, sc1):
    c = lax.axis_index("c")
    s = lax.axis_index("s")
    wid = c * NS + s
    base0 = wid * EW
    bufs = ((ra0, rb0, rc0, si0, di0, sa0, sb0, sc0),
            (ra1, rb1, rc1, si1, di1, sa1, sb1, sc1))

    pltpu.sync_copy(spk_hbm.at[wid], spk)

    def zrow(i, _):
        for j in range(H // LANES):
            ra0[i, pl.ds(j * LANES, LANES)] = jnp.zeros((LANES,), jnp.float32)
        return 0
    lax.fori_loop(0, CHR, zrow, 0)

    def zcp(k, _):
        cid = s + k * NS

        @pl.when(cid < NRCH)
        def _():
            pltpu.sync_copy(ra0, acc_sh.at[pl.ds(cid * CHR, CHR)])
        return 0
    lax.fori_loop(0, pl.cdiv(NRCH, NS), zcp, 0)
    plsc.subcore_barrier()

    def issue(t, bi):
        ra, rb, rc, si, di, sa, sb, sc_ = bufs[bi]
        _stage_idx(spk, si, di, t, KS, (0, LANES, KS - LANES))
        pltpu.async_copy(a_hbm.at[si], ra, sa)
        pltpu.async_copy(b_hbm.at[di], rb, sb)
        pltpu.async_copy(c_hbm.at[pl.ds(base0 + t * KS, KS)], rc, sc_)

    def process(t, bi):
        ra, rb, rc, si, di, sa, sb, sc_ = bufs[bi]
        pltpu.make_async_copy(a_hbm.at[si], ra, sa).wait()
        pltpu.make_async_copy(b_hbm.at[di], rb, sb).wait()
        pltpu.make_async_copy(c_hbm.at[pl.ds(base0 + t * KS, KS)], rc,
                              sc_).wait()

        def erow(i, _):
            for u in range(2):
                r = 2 * i + u
                for g in range(NG):
                    e0, e1, s0, s1 = _relu_sum_group(ra, rb, rc, r, g)
                    ra[r, s0] = e0
                    ra[r, s1] = e1
            return 0
        lax.fori_loop(0, KS // 2, erow, 0)

        pltpu.sync_copy(ra, acc_sh.at[si], add=True)

    issue(0, 0)
    issue(1, 1)

    def pair(t2, _):
        t0 = 2 * t2
        process(t0, 0)

        @pl.when(t0 + 2 < NCHS)
        def _():
            issue(t0 + 2, 0)
        process(t0 + 1, 1)

        @pl.when(t0 + 3 < NCHS)
        def _():
            issue(t0 + 3, 1)
        return 0
    lax.fori_loop(0, NCHS // 2, pair, 0)
    plsc.subcore_barrier()

    def ocp(k, _):
        cid = s + k * NS

        @pl.when(cid < NRCH)
        def _():
            pltpu.sync_copy(acc_sh.at[pl.ds(cid * CHR, CHR)],
                            out_hbm.at[c, pl.ds(cid * CHR, CHR)])
        return 0
    lax.fori_loop(0, pl.cdiv(NRCH, NS), ocp, 0)


def _mid_body(p_ref, wa_ref, wb_ref, a_ref, b_ref, s_ref):
    cf = p_ref[0] + p_ref[1]
    a_ref[...] = jnp.dot(cf, wa_ref[...], preferred_element_type=jnp.float32)
    b_ref[...] = jnp.dot(cf, wb_ref[...], preferred_element_type=jnp.float32)

    @pl.when(pl.program_id(0) == 0)
    def _():
        s_ref[...] = jnp.zeros_like(s_ref)
    s_ref[...] += jnp.sum(cf, axis=0, keepdims=True)


def _mid(p, wa, wb):
    return pl.pallas_call(
        _mid_body,
        grid=(N // BN,),
        in_specs=[
            pl.BlockSpec((NC, BN, H), lambda i: (0, i, 0)),
            pl.BlockSpec((H, H), lambda i: (0, 0)),
            pl.BlockSpec((H, H), lambda i: (0, 0)),
        ],
        out_specs=[
            pl.BlockSpec((BN, H), lambda i: (i, 0)),
            pl.BlockSpec((BN, H), lambda i: (i, 0)),
            pl.BlockSpec((1, H), lambda i: (0, 0)),
        ],
        out_shape=[
            jax.ShapeDtypeStruct((N, H), jnp.float32),
            jax.ShapeDtypeStruct((N, H), jnp.float32),
            jax.ShapeDtypeStruct((1, H), jnp.float32),
        ],
    )(p, wa, wb)


@functools.cache
def _sc_reduce_kernel():
    return pl.kernel(
        _sc_reduce_body,
        out_type=jax.ShapeDtypeStruct((NW, H), jnp.float32),
        mesh=plsc.VectorSubcoreMesh(core_axis_name="c", subcore_axis_name="s"),
        scratch_types=[
            pltpu.VMEM((EW,), jnp.int32),
            pltpu.VMEM((KR,), jnp.int32),
            pltpu.VMEM((KR,), jnp.int32),
            pltpu.VMEM((KR,), jnp.int32),
            pltpu.VMEM((KR,), jnp.int32),
            pltpu.VMEM((KR, H), jnp.float32),
            pltpu.VMEM((KR, H), jnp.float32),
            pltpu.VMEM((KR, H), jnp.float32),
            pltpu.VMEM((KR, H), jnp.float32),
            pltpu.VMEM((KR, H), jnp.float32),
            pltpu.VMEM((KR, H), jnp.float32),
            pltpu.VMEM((H,), jnp.float32),
            pltpu.SemaphoreType.DMA,
            pltpu.SemaphoreType.DMA,
            pltpu.SemaphoreType.DMA,
            pltpu.SemaphoreType.DMA,
            pltpu.SemaphoreType.DMA,
            pltpu.SemaphoreType.DMA,
        ],
    )


def _sc_reduce(a1, b1, c1, spack):
    return _sc_reduce_kernel()(a1, b1, c1, spack)


def _sc_reduce_body(a_hbm, b_hbm, c_hbm, spk_hbm, out_hbm,
                    spk, si0, di0, si1, di1,
                    ra0, rb0, rc0, ra1, rb1, rc1, sbuf,
                    sa0, sb0, sc0, sa1, sb1, sc1):
    c = lax.axis_index("c")
    s = lax.axis_index("s")
    wid = c * NS + s
    base0 = wid * EW
    bufs = ((ra0, rb0, rc0, si0, di0, sa0, sb0, sc0),
            (ra1, rb1, rc1, si1, di1, sa1, sb1, sc1))

    pltpu.sync_copy(spk_hbm.at[wid], spk)

    def issue(t, bi):
        ra, rb, rc, si, di, sa, sb, sc_ = bufs[bi]
        _stage_idx(spk, si, di, t, KR, tuple(range(0, KR, LANES)))
        pltpu.async_copy(a_hbm.at[si], ra, sa)
        pltpu.async_copy(b_hbm.at[di], rb, sb)
        pltpu.async_copy(c_hbm.at[pl.ds(base0 + t * KR, KR)], rc, sc_)

    def process(t, bi, acc):
        ra, rb, rc, si, di, sa, sb, sc_ = bufs[bi]
        pltpu.make_async_copy(a_hbm.at[si], ra, sa).wait()
        pltpu.make_async_copy(b_hbm.at[di], rb, sb).wait()
        pltpu.make_async_copy(c_hbm.at[pl.ds(base0 + t * KR, KR)], rc,
                              sc_).wait()

        def erow(i, acc):
            new = list(acc)
            for u in range(2):
                r = 2 * i + u
                for g in range(NG):
                    e0, e1, _, _ = _relu_sum_group(ra, rb, rc, r, g)
                    new[2 * g] = new[2 * g] + e0
                    new[2 * g + 1] = new[2 * g + 1] + e1
            return tuple(new)
        return lax.fori_loop(0, KR // 2, erow, acc)

    issue(0, 0)
    issue(1, 1)
    acc0 = tuple(jnp.zeros((LANES,), jnp.float32) for _ in range(H // LANES))

    def pair(t2, acc):
        t0 = 2 * t2
        acc = process(t0, 0, acc)
        issue(t0 + 2, 0)
        acc = process(t0 + 1, 1, acc)

        @pl.when(t0 + 3 < NCHR)
        def _():
            issue(t0 + 3, 1)
        return acc
    acc = lax.fori_loop(0, (NCHR - 1) // 2, pair, acc0)
    acc = process(NCHR - 1, 0, acc)
    for j in range(H // LANES):
        sbuf[pl.ds(j * LANES, LANES)] = acc[j]
    pltpu.sync_copy(sbuf, out_hbm.at[wid])


def _post_body(s0_ref, s1_ref, s2p_ref, wp0_ref, wp1_ref, wp2_ref, bp_ref,
               o_ref):
    s2 = jnp.sum(s2p_ref[...], axis=0, keepdims=True)
    acc = (jnp.dot(s0_ref[...], wp0_ref[...], preferred_element_type=jnp.float32)
           + jnp.dot(s1_ref[...], wp1_ref[...], preferred_element_type=jnp.float32)
           + jnp.dot(s2, wp2_ref[...], preferred_element_type=jnp.float32)
           + bp_ref[...])
    o_ref[...] = jnp.maximum(acc, 0.0)


def _post(s0, s1, s2p, wp0, wp1, wp2, bp):
    return pl.pallas_call(
        _post_body,
        out_shape=jax.ShapeDtypeStruct((1, D), jnp.float32),
    )(s0, s1, s2p, wp0, wp1, wp2, bp)


def kernel(child_feats, child_exists, edge_type_onehot, edge_indices,
           W_child, b_child, W_ne0, b_ne0, W_ne1, b_ne1, W_parent, b_parent):
    x = child_feats[0]
    ex = child_exists[0]
    ef = edge_type_onehot[0]
    ei = edge_indices[0]
    spack = (ei[:, 0] | (ei[:, 1] << 16)).reshape(NW, EW)

    w0a, w0b, w0c = W_ne0[:H], W_ne0[H:2 * H], W_ne0[2 * H:]
    w1a, w1b, w1c = W_ne1[:H], W_ne1[H:2 * H], W_ne1[2 * H:]
    wp0, wp1, wp2 = W_parent[:H], W_parent[H:2 * H], W_parent[2 * H:]
    bc = b_child[None]
    b0 = b_ne0[None]
    b1 = b_ne1[None]
    bp = b_parent[None]

    a0, b0rows, s0 = _dense0(x, ex, W_child, bc, w0a, w0b)
    c0, c1 = _edgeC(ef, w0c, b0, w1c, b1)
    p = _sc_scatter(a0, b0rows, c0, spack)
    a1, b1rows, s1 = _mid(p, w1a, w1b)
    s2p = _sc_reduce(a1, b1rows, c1, spack)
    return _post(s0, s1, s2p, wp0, wp1, wp2, bp)

# --- scband reference (transcript-rebuilt; emitter-appended) ---
"""Pipeline reference for scband-gnnchild-encoder-16681652978505 (READ-ONLY COPY).

The authoritative reference and input builder live on the scoring server;
editing this copy changes nothing except your own understanding.
"""

import jax, jax.numpy as jnp
import numpy as np

N = 10000
E = 320000
D = 128   # node_feat_size (Tree.num_sem assumed 0)
H = 128   # hidden_size
ET = 4    # edge_type_num
ITERS = 2


def setup_inputs(seed: int = 0) -> dict:
    key = jax.random.key(seed)
    ks = jax.random.split(key, 12)
    s = 0.05
    inp = {}
    inp['child_feats'] = jax.random.normal(ks[0], (1, N, D), dtype=jnp.float32)
    inp['child_exists'] = jnp.ones((1, N, 1), dtype=jnp.float32)
    inp['edge_type_onehot'] = jax.random.uniform(ks[1], (1, E, ET), dtype=jnp.float32)
    inp['edge_indices'] = jax.random.randint(ks[2], (1, E, 2), 0, N, dtype=jnp.int32)
    inp['W_child'] = jax.random.normal(ks[3], (D, H), dtype=jnp.float32) * s
    inp['b_child'] = jnp.zeros((H,), dtype=jnp.float32)
    inp['W_ne0'] = jax.random.normal(ks[4], (2 * H + ET, H), dtype=jnp.float32) * s
    inp['b_ne0'] = jnp.zeros((H,), dtype=jnp.float32)
    inp['W_ne1'] = jax.random.normal(ks[5], (2 * H + ET, H), dtype=jnp.float32) * s
    inp['b_ne1'] = jnp.zeros((H,), dtype=jnp.float32)
    inp['W_parent'] = jax.random.normal(ks[6], (H * (ITERS + 1), D), dtype=jnp.float32) * s
    inp['b_parent'] = jnp.zeros((D,), dtype=jnp.float32)
    return inp


def reference(child_feats, child_exists, edge_type_onehot, edge_indices,
              W_child, b_child, W_ne0, b_ne0, W_ne1, b_ne1, W_parent, b_parent):
    # child_op + relu, mask by existence
    cf = jax.nn.relu(child_feats @ W_child + b_child)  # [1, N, H]
    cf = cf * child_exists
    src = edge_indices[0, :, 0]
    dst = edge_indices[0, :, 1]
    ef = edge_type_onehot[0]  # [E, ET]
    iter_parent_feats = [jnp.sum(cf, axis=1)]  # node_symmetric_type == 'sum'
    W_nes = [(W_ne0, b_ne0), (W_ne1, b_ne1)]
    for i in range(ITERS):
        W_ne, b_ne = W_nes[i]
        nef = jnp.concatenate([cf[0][src], cf[0][dst], ef], axis=1)  # [E, 2H+ET]
        nef = jax.nn.relu(nef @ W_ne + b_ne)  # [E, H]
        # edge_symmetric_type == 'sum': scatter-add by src node
        new_cf = jax.ops.segment_sum(nef, src, num_segments=N)  # [N, H]
        cf = new_cf[None, :, :]
        iter_parent_feats.append(jnp.sum(cf, axis=1))
    parent_feat = jnp.concatenate(iter_parent_feats, axis=1)  # [1, H*(ITERS+1)]
    parent_feat = jax.nn.relu(parent_feat @ W_parent + b_parent)  # [1, D]
    return parent_feat

if __name__ == "__main__":
    import jax
    _d = setup_inputs()
    print(jax.jit(kernel)(*tuple(_d.values())))

</pallas_src>

<mosaic_0001>
#map = affine_map<(d0, d1) -> (0, 0)>
#map1 = affine_map<(d0, d1) -> (0, 0, 0)>
module attributes {stable_mosaic.version = 14 : i64} {
  func.func @_sc_scatter_body(%arg0: i32, %arg1: i32, %arg2: memref<10000x128xf32, #tpu.memory_space<hbm>>, %arg3: memref<10000x128xf32, #tpu.memory_space<hbm>>, %arg4: memref<320000x128xf32, #tpu.memory_space<hbm>>, %arg5: memref<32x10000xi32, #tpu.memory_space<hbm>>, %arg6: memref<2x10000x128xf32, #tpu.memory_space<hbm>>, %arg7: memref<10000x128xf32, #tpu.memory_space<vmem_shared>>, %arg8: memref<10000xi32, #tpu.memory_space<vmem>>, %arg9: memref<40xi32, #tpu.memory_space<vmem>>, %arg10: memref<40xi32, #tpu.memory_space<vmem>>, %arg11: memref<40xi32, #tpu.memory_space<vmem>>, %arg12: memref<40xi32, #tpu.memory_space<vmem>>, %arg13: memref<40x128xf32, #tpu.memory_space<vmem>>, %arg14: memref<40x128xf32, #tpu.memory_space<vmem>>, %arg15: memref<40x128xf32, #tpu.memory_space<vmem>>, %arg16: memref<40x128xf32, #tpu.memory_space<vmem>>, %arg17: memref<40x128xf32, #tpu.memory_space<vmem>>, %arg18: memref<40x128xf32, #tpu.memory_space<vmem>>, %arg19: memref<!tpu.dma_semaphore, #tpu.memory_space<semaphore_mem>>, %arg20: memref<!tpu.dma_semaphore, #tpu.memory_space<semaphore_mem>>, %arg21: memref<!tpu.dma_semaphore, #tpu.memory_space<semaphore_mem>>, %arg22: memref<!tpu.dma_semaphore, #tpu.memory_space<semaphore_mem>>, %arg23: memref<!tpu.dma_semaphore, #tpu.memory_space<semaphore_mem>>, %arg24: memref<!tpu.dma_semaphore, #tpu.memory_space<semaphore_mem>>) attributes {dimension_semantics = [#tpu.dimension_semantics<core_parallel>, #tpu.dimension_semantics<subcore_parallel>], iteration_bounds = array<i64: 2, 16>, scalar_prefetch = 0 : i64, scratch_operands = 18 : i64, tpu.core_type = #tpu.core_type<sc_vector_subcore>, window_params = [{transform_indices = #map}, {transform_indices = #map}, {transform_indices = #map}, {transform_indices = #map}, {transform_indices = #map1}]} {
    %mul3A = arith.constant 16 : i32
    %mul3A_0 = arith.muli %arg0, %mul3A : i32
    %add3A = arith.addi %mul3A_0, %arg1 : i32
    %mul3A_1 = arith.constant 10000 : i32
    %mul3A_2 = arith.muli %add3A, %mul3A_1 : i32
    "tpu.region"() ({
      %run_scoped3A = tpu.sem_alloc : memref<!tpu.dma_semaphore, #tpu.memory_space<semaphore_mem>>
      %dma_start3A_152 = arith.constant 0 : i32
      %dma_start3A_153 = tpu.memref_slice %arg5[%add3A, %dma_start3A_152] : memref<32x10000xi32, #tpu.memory_space<hbm>> -> memref<1x10000xi32, #tpu.memory_space<hbm>>
      %dma_start3A_154 = tpu.memref_squeeze %dma_start3A_153 : memref<1x10000xi32, #tpu.memory_space<hbm>> -> memref<10000xi32, #tpu.memory_space<hbm>>
      %dma_start3A_155 = arith.constant 0 : i32
      %dma_start3A_156 = tpu.memref_slice %arg5[%add3A, %dma_start3A_155] : memref<32x10000xi32, #tpu.memory_space<hbm>> -> memref<1x10000xi32, #tpu.memory_space<hbm>>
      %dma_start3A_157 = tpu.memref_squeeze %dma_start3A_156 : memref<1x10000xi32, #tpu.memory_space<hbm>> -> memref<10000xi32, #tpu.memory_space<hbm>>
      tpu.enqueue_dma source(%dma_start3A_157 : memref<10000xi32, #tpu.memory_space<hbm>>) target(%arg8 : memref<10000xi32, #tpu.memory_space<vmem>>) target_semaphore(%run_scoped3A : memref<!tpu.dma_semaphore, #tpu.memory_space<semaphore_mem>>)
      %dma_wait3A = arith.constant 0 : i32
      %dma_wait3A_158 = tpu.memref_slice %arg5[%add3A, %dma_wait3A] : memref<32x10000xi32, #tpu.memory_space<hbm>> -> memref<1x10000xi32, #tpu.memory_space<hbm>>
      %dma_wait3A_159 = tpu.memref_squeeze %dma_wait3A_158 : memref<1x10000xi32, #tpu.memory_space<hbm>> -> memref<10000xi32, #tpu.memory_space<hbm>>
      %dma_wait3A_160 = arith.constant 0 : i32
      %dma_wait3A_161 = tpu.memref_slice %arg5[%add3A, %dma_wait3A_160] : memref<32x10000xi32, #tpu.memory_space<hbm>> -> memref<1x10000xi32, #tpu.memory_space<hbm>>
      %dma_wait3A_162 = tpu.memref_squeeze %dma_wait3A_161 : memref<1x10000xi32, #tpu.memory_space<hbm>> -> memref<10000xi32, #tpu.memory_space<hbm>>
      tpu.wait_dma2 semaphore(%run_scoped3A : memref<!tpu.dma_semaphore, #tpu.memory_space<semaphore_mem>>) src(%dma_wait3A_162 : memref<10000xi32, #tpu.memory_space<hbm>>) dst(%arg8 : memref<10000xi32, #tpu.memory_space<vmem>>)
      tpu.yield
    }) : () -> ()
    %scan3A = arith.constant 0 : i32
    %scan3A_3 = arith.constant 0 : i32
    %scan3A_4 = arith.constant 40 : i32
    %scan3A_5 = arith.addi %scan3A_3, %scan3A_4 : i32
    %scan3A_6 = arith.constant 1 : i32
    %scan3A_7 = scf.for %scan3A_152 = %scan3A_3 to %scan3A_5 step %scan3A_6 iter_args(%scan3A_153 = %scan3A) -> (i32)  : i32 {
      %broadcast_in_dim3A = arith.constant 0.000000e+00 : f32
      %broadcast_in_dim3A_154 = vector.broadcast %broadcast_in_dim3A : f32 to vector<16xf32>
      %swap3A_155 = arith.index_cast %scan3A_152 : i32 to index
      %swap3A_156 = arith.constant 0 : index
      %swap3A_157 = tpu.vector_load %arg13[%swap3A_155, %swap3A_156] {strides = array<i32>} : memref<40x128xf32, #tpu.memory_space<vmem>>, vector<1x16xf32>,
      %swap3A_158 = vector.shape_cast %swap3A_157 : vector<1x16xf32> to vector<16xf32>
      %swap3A_159 = vector.shape_cast %broadcast_in_dim3A_154 : vector<16xf32> to vector<1x16xf32>
      tpu.vector_store %arg13[%swap3A_155, %swap3A_156], %swap3A_159 {strides = array<i32>} : memref<40x128xf32, #tpu.memory_space<vmem>>, vector<1x16xf32>,
      %broadcast_in_dim3A_160 = arith.constant 0.000000e+00 : f32
      %broadcast_in_dim3A_161 = vector.broadcast %broadcast_in_dim3A_160 : f32 to vector<16xf32>
      %swap3A_162 = arith.index_cast %scan3A_152 : i32 to index
      %swap3A_163 = arith.constant 16 : index
      %swap3A_164 = tpu.vector_load %arg13[%swap3A_162, %swap3A_163] {strides = array<i32>} : memref<40x128xf32, #tpu.memory_space<vmem>>, vector<1x16xf32>,
      %swap3A_165 = vector.shape_cast %swap3A_164 : vector<1x16xf32> to vector<16xf32>
      %swap3A_166 = vector.shape_cast %broadcast_in_dim3A_161 : vector<16xf32> to vector<1x16xf32>
      tpu.vector_store %arg13[%swap3A_162, %swap3A_163], %swap3A_166 {strides = array<i32>} : memref<40x128xf32, #tpu.memory_space<vmem>>, vector<1x16xf32>,
      %broadcast_in_dim3A_167 = arith.constant 0.000000e+00 : f32
      %broadcast_in_dim3A_168 = vector.broadcast %broadcast_in_dim3A_167 : f32 to vector<16xf32>
      %swap3A_169 = arith.index_cast %scan3A_152 : i32 to index
      %swap3A_170 = arith.constant 32 : index
      %swap3A_171 = tpu.vector_load %arg13[%swap3A_169, %swap3A_170] {strides = array<i32>} : memref<40x128xf32, #tpu.memory_space<vmem>>, vector<1x16xf32>,
      %swap3A_172 = vector.shape_cast %swap3A_171 : vector<1x16xf32> to vector<16xf32>
      %swap3A_173 = vector.shape_cast %broadcast_in_dim3A_168 : vector<16xf32> to vector<1x16xf32>
      tpu.vector_store %arg13[%swap3A_169, %swap3A_170], %swap3A_173 {strides = array<i32>} : memref<40x128xf32, #tpu.memory_space<vmem>>, vector<1x16xf32>,
      %broadcast_in_dim3A_174 = arith.constant 0.000000e+00 : f32
      %broadcast_in_dim3A_175 = vector.broadcast %broadcast_in_dim3A_174 : f32 to vector<16xf32>
      %swap3A_176 = arith.index_cast %scan3A_152 : i32 to index
      %swap3A_177 = arith.constant 48 : index
      %swap3A_178 = tpu.vector_load %arg13[%swap3A_176, %swap3A_177] {strides = array<i32>} : memref<40x128xf32, #tpu.memory_space<vmem>>, vector<1x16xf32>,
      %swap3A_179 = vector.shape_cast %swap3A_178 : vector<1x16xf32> to vector<16xf32>
      %swap3A_180 = vector.shape_cast %broadcast_in_dim3A_175 : vector<16xf32> to vector<1x16xf32>
      tpu.vector_store %arg13[%swap3A_176, %swap3A_177], %swap3A_180 {strides = array<i32>} : memref<40x128xf32, #tpu.memory_space<vmem>>, vector<1x16xf32>,
      %broadcast_in_dim3A_181 = arith.constant 0.000000e+00 : f32
      %broadcast_in_dim3A_182 = vector.broadcast %broadcast_in_dim3A_181 : f32 to vector<16xf32>
      %swap3A_183 = arith.index_cast %scan3A_152 : i32 to index
      %swap3A_184 = arith.constant 64 : index
      %swap3A_185 = tpu.vector_load %arg13[%swap3A_183, %swap3A_184] {strides = array<i32>} : memref<40x128xf32, #tpu.memory_space<vmem>>, vector<1x16xf32>,
      %swap3A_186 = vector.shape_cast %swap3A_185 : vector<1x16xf32> to vector<16xf32>
      %swap3A_187 = vector.shape_cast %broadcast_in_dim3A_182 : vector<16xf32> to vector<1x16xf32>
      tpu.vector_store %arg13[%swap3A_183, %swap3A_184], %swap3A_187 {strides = array<i32>} : memref<40x128xf32, #tpu.memory_space<vmem>>, vector<1x16xf32>,
      %broadcast_in_dim3A_188 = arith.constant 0.000000e+00 : f32
      %broadcast_in_dim3A_189 = vector.broadcast %broadcast_in_dim3A_188 : f32 to vector<16xf32>
      %swap3A_190 = arith.index_cast %scan3A_152 : i32 to index
      %swap3A_191 = arith.constant 80 : index
      %swap3A_192 = tpu.vector_load %arg13[%swap3A_190, %swap3A_191] {strides = array<i32>} : memref<40x128xf32, #tpu.memory_space<vmem>>, vector<1x16xf32>,
      %swap3A_193 = vector.shape_cast %swap3A_192 : vector<1x16xf32> to vector<16xf32>
      %swap3A_194 = vector.shape_cast %broadcast_in_dim3A_189 : vector<16xf32> to vector<1x16xf32>
      tpu.vector_store %arg13[%swap3A_190, %swap3A_191], %swap3A_194 {strides = array<i32>} : memref<40x128xf32, #tpu.memory_space<vmem>>, vector<1x16xf32>,
      %broadcast_in_dim3A_195 = arith.constant 0.000000e+00 : f32
      %broadcast_in_dim3A_196 = vector.broadcast %broadcast_in_dim3A_195 : f32 to vector<16xf32>
      %swap3A_197 = arith.index_cast %scan3A_152 : i32 to index
      %swap3A_198 = arith.constant 96 : index
      %swap3A_199 = tpu.vector_load %arg13[%swap3A_197, %swap3A_198] {strides = array<i32>} : memref<40x128xf32, #tpu.memory_space<vmem>>, vector<1x16xf32>,
      %swap3A_200 = vector.shape_cast %swap3A_199 : vector<1x16xf32> to vector<16xf32>
      %swap3A_201 = vector.shape_cast %broadcast_in_dim3A_196 : vector<16xf32> to vector<1x16xf32>
      tpu.vector_store %arg13[%swap3A_197, %swap3A_198], %swap3A_201 {strides = array<i32>} : memref<40x128xf32, #tpu.memory_space<vmem>>, vector<1x16xf32>,
      %broadcast_in_dim3A_202 = arith.constant 0.000000e+00 : f32
      %broadcast_in_dim3A_203 = vector.broadcast %broadcast_in_dim3A_202 : f32 to vector<16xf32>
      %swap3A_204 = arith.index_cast %scan3A_152 : i32 to index
      %swap3A_205 = arith.constant 112 : index
      %swap3A_206 = tpu.vector_load %arg13[%swap3A_204, %swap3A_205] {strides = array<i32>} : memref<40x128xf32, #tpu.memory_space<vmem>>, vector<1x16xf32>,
      %swap3A_207 = vector.shape_cast %swap3A_206 : vector<1x16xf32> to vector<16xf32>
      %swap3A_208 = vector.shape_cast %broadcast_in_dim3A_203 : vector<16xf32> to vector<1x16xf32>
      tpu.vector_store %arg13[%swap3A_204, %swap3A_205], %swap3A_208 {strides = array<i32>} : memref<40x128xf32, #tpu.memory_space<vmem>>, vector<1x16xf32>,
      %scan3A_209 = arith.constant 0 : i32
      scf.yield %scan3A_209 : i32
    }
    %scan3A_8 = arith.constant 40 : i32
    %scan3A_9 = arith.constant 0 : i32
    %scan3A_10 = arith.constant 0 : i32
    %scan3A_11 = arith.constant 16 : i32
    %scan3A_12 = arith.addi %scan3A_10, %scan3A_11 : i32
    %scan3A_13 = arith.constant 1 : i32
    %scan3A_14 = scf.for %scan3A_152 = %scan3A_10 to %scan3A_12 step %scan3A_13 iter_args(%scan3A_153 = %scan3A_9) -> (i32)  : i32 {
      %mul3A_154 = arith.constant 16 : i32
      %mul3A_155 = arith.muli %scan3A_152, %mul3A_154 : i32
      %add3A_156 = arith.addi %arg1, %mul3A_155 : i32
      %lt3A = arith.constant 250 : i32
      %lt3A_157 = arith.cmpi slt, %add3A_156, %lt3A : i32
      %convert_element_type3A = arith.extui %lt3A_157 : i1 to i32
      %cond3A = arith.constant 0 : i32
      %cond3A_158 = arith.cmpi ne, %convert_element_type3A, %cond3A : i32
      scf.if %cond3A_158 {
        %mul3A_160 = arith.constant 40 : i32
        %mul3A_161 = arith.muli %add3A_156, %mul3A_160 : i32
        "tpu.region"() ({
          %run_scoped3A = tpu.sem_alloc : memref<!tpu.dma_semaphore, #tpu.memory_space<semaphore_mem>>
          %dma_start3A_162 = arith.constant 0 : i32
          %dma_start3A_163 = tpu.memref_slice %arg7[%mul3A_161, %dma_start3A_162] : memref<10000x128xf32, #tpu.memory_space<vmem_shared>> -> memref<40x128xf32, #tpu.memory_space<vmem_shared>>
          %dma_start3A_164 = arith.constant 0 : i32
          %dma_start3A_165 = tpu.memref_slice %arg7[%mul3A_161, %dma_start3A_164] : memref<10000x128xf32, #tpu.memory_space<vmem_shared>> -> memref<40x128xf32, #tpu.memory_space<vmem_shared>>
          tpu.enqueue_dma source(%arg13 : memref<40x128xf32, #tpu.memory_space<vmem>>) target(%dma_start3A_165 : memref<40x128xf32, #tpu.memory_space<vmem_shared>>) target_semaphore(%run_scoped3A : memref<!tpu.dma_semaphore, #tpu.memory_space<semaphore_mem>>)
          %dma_wait3A = arith.constant 0 : i32
          %dma_wait3A_166 = tpu.memref_slice %arg7[%mul3A_161, %dma_wait3A] : memref<10000x128xf32, #tpu.memory_space<vmem_shared>> -> memref<40x128xf32, #tpu.memory_space<vmem_shared>>
          %dma_wait3A_167 = arith.constant 0 : i32
          %dma_wait3A_168 = tpu.memref_slice %arg7[%mul3A_161, %dma_wait3A_167] : memref<10000x128xf32, #tpu.memory_space<vmem_shared>> -> memref<40x128xf32, #tpu.memory_space<vmem_shared>>
          tpu.wait_dma2 semaphore(%run_scoped3A : memref<!tpu.dma_semaphore, #tpu.memory_space<semaphore_mem>>) src(%arg13 : memref<40x128xf32, #tpu.memory_space<vmem>>) dst(%dma_wait3A_168 : memref<40x128xf32, #tpu.memory_space<vmem_shared>>)
          tpu.yield
        }) : () -> ()
      } else {
      }
      %scan3A_159 = arith.constant 0 : i32
      scf.yield %scan3A_159 : i32
    }
    %scan3A_15 = arith.constant 16 : i32
    %barrier3A = arith.constant 0 : index
    tpu.barrier barrier_id(%barrier3A)
    %get3A = arith.constant 0 : index
    %get3A_16 = tpu.vector_load %arg8[%get3A] {strides = array<i32>} : memref<10000xi32, #tpu.memory_space<vmem>>, vector<16xi32>,
    %get3A_17 = vector.shape_cast %get3A_16 : vector<16xi32> to vector<16xi32>
    %and3A = arith.constant 65535 : i32
    %and3A_18 = vector.broadcast %and3A : i32 to vector<16xi32>
    %and3A_19 = arith.andi %get3A_17, %and3A_18 : vector<16xi32>
    %swap3A = arith.constant 0 : index
    %swap3A_20 = tpu.vector_load %arg9[%swap3A] {strides = array<i32>} : memref<40xi32, #tpu.memory_space<vmem>>, vector<16xi32>,
    %swap3A_21 = vector.shape_cast %swap3A_20 : vector<16xi32> to vector<16xi32>
    %swap3A_22 = vector.shape_cast %and3A_19 : vector<16xi32> to vector<16xi32>
    tpu.vector_store %arg9[%swap3A], %swap3A_22 {strides = array<i32>} : memref<40xi32, #tpu.memory_space<vmem>>, vector<16xi32>,
    %shift_right_arithmetic3A = arith.constant 16 : i32
    %shift_right_arithmetic3A_23 = vector.broadcast %shift_right_arithmetic3A : i32 to vector<16xi32>
    %shift_right_arithmetic3A_24 = arith.shrsi %get3A_17, %shift_right_arithmetic3A_23 : vector<16xi32>
    %swap3A_25 = arith.constant 0 : index
    %swap3A_26 = tpu.vector_load %arg10[%swap3A_25] {strides = array<i32>} : memref<40xi32, #tpu.memory_space<vmem>>, vector<16xi32>,
    %swap3A_27 = vector.shape_cast %swap3A_26 : vector<16xi32> to vector<16xi32>
    %swap3A_28 = vector.shape_cast %shift_right_arithmetic3A_24 : vector<16xi32> to vector<16xi32>
    tpu.vector_store %arg10[%swap3A_25], %swap3A_28 {strides = array<i32>} : memref<40xi32, #tpu.memory_space<vmem>>, vector<16xi32>,
    %get3A_29 = arith.constant 16 : index
    %get3A_30 = tpu.vector_load %arg8[%get3A_29] {strides = array<i32>} : memref<10000xi32, #tpu.memory_space<vmem>>, vector<16xi32>,
    %get3A_31 = vector.shape_cast %get3A_30 : vector<16xi32> to vector<16xi32>
    %and3A_32 = arith.constant 65535 : i32
    %and3A_33 = vector.broadcast %and3A_32 : i32 to vector<16xi32>
    %and3A_34 = arith.andi %get3A_31, %and3A_33 : vector<16xi32>
    %swap3A_35 = arith.constant 16 : index
    %swap3A_36 = tpu.vector_load %arg9[%swap3A_35] {strides = array<i32>} : memref<40xi32, #tpu.memory_space<vmem>>, vector<16xi32>,
    %swap3A_37 = vector.shape_cast %swap3A_36 : vector<16xi32> to vector<16xi32>
    %swap3A_38 = vector.shape_cast %and3A_34 : vector<16xi32> to vector<16xi32>
    tpu.vector_store %arg9[%swap3A_35], %swap3A_38 {strides = array<i32>} : memref<40xi32, #tpu.memory_space<vmem>>, vector<16xi32>,
    %shift_right_arithmetic3A_39 = arith.constant 16 : i32
    %shift_right_arithmetic3A_40 = vector.broadcast %shift_right_arithmetic3A_39 : i32 to vector<16xi32>
    %shift_right_arithmetic3A_41 = arith.shrsi %get3A_31, %shift_right_arithmetic3A_40 : vector<16xi32>
    %swap3A_42 = arith.constant 16 : index
    %swap3A_43 = tpu.vector_load %arg10[%swap3A_42] {strides = array<i32>} : memref<40xi32, #tpu.memory_space<vmem>>, vector<16xi32>,
    %swap3A_44 = vector.shape_cast %swap3A_43 : vector<16xi32> to vector<16xi32>
    %swap3A_45 = vector.shape_cast %shift_right_arithmetic3A_41 : vector<16xi32> to vector<16xi32>
    tpu.vector_store %arg10[%swap3A_42], %swap3A_45 {strides = array<i32>} : memref<40xi32, #tpu.memory_space<vmem>>, vector<16xi32>,
    %get3A_46 = arith.constant 24 : index
    %get3A_47 = tpu.vector_load %arg8[%get3A_46] {strides = array<i32>} : memref<10000xi32, #tpu.memory_space<vmem>>, vector<16xi32>,
    %get3A_48 = vector.shape_cast %get3A_47 : vector<16xi32> to vector<16xi32>
    %and3A_49 = arith.constant 65535 : i32
    %and3A_50 = vector.broadcast %and3A_49 : i32 to vector<16xi32>
    %and3A_51 = arith.andi %get3A_48, %and3A_50 : vector<16xi32>
    %swap3A_52 = arith.constant 24 : index
    %swap3A_53 = tpu.vector_load %arg9[%swap3A_52] {strides = array<i32>} : memref<40xi32, #tpu.memory_space<vmem>>, vector<16xi32>,
    %swap3A_54 = vector.shape_cast %swap3A_53 : vector<16xi32> to vector<16xi32>
    %swap3A_55 = vector.shape_cast %and3A_51 : vector<16xi32> to vector<16xi32>
    tpu.vector_store %arg9[%swap3A_52], %swap3A_55 {strides = array<i32>} : memref<40xi32, #tpu.memory_space<vmem>>, vector<16xi32>,
    %shift_right_arithmetic3A_56 = arith.constant 16 : i32
    %shift_right_arithmetic3A_57 = vector.broadcast %shift_right_arithmetic3A_56 : i32 to vector<16xi32>
    %shift_right_arithmetic3A_58 = arith.shrsi %get3A_48, %shift_right_arithmetic3A_57 : vector<16xi32>
    %swap3A_59 = arith.constant 24 : index
    %swap3A_60 = tpu.vector_load %arg10[%swap3A_59] {strides = array<i32>} : memref<40xi32, #tpu.memory_space<vmem>>, vector<16xi32>,
    %swap3A_61 = vector.shape_cast %swap3A_60 : vector<16xi32> to vector<16xi32>
    %swap3A_62 = vector.shape_cast %shift_right_arithmetic3A_58 : vector<16xi32> to vector<16xi32>
    tpu.vector_store %arg10[%swap3A_59], %swap3A_62 {strides = array<i32>} : memref<40xi32, #tpu.memory_space<vmem>>, vector<16xi32>,
    %dma_start3A = arith.constant 0 : i32
    %dma_start3A_63 = arith.constant 0 : i32
    %dma_start3A_64 = tpu.memref_slice %arg2[%dma_start3A, %dma_start3A_63] : memref<10000x128xf32, #tpu.memory_space<hbm>> -> memref<10000x128xf32, #tpu.memory_space<hbm>>
    tpu.enqueue_indirect_dma source(%dma_start3A_64 : memref<10000x128xf32, #tpu.memory_space<hbm>>) target(%arg13 : memref<40x128xf32, #tpu.memory_space<vmem>>) offsets(%arg9 : memref<40xi32, #tpu.memory_space<vmem>>) semaphore(%arg19 : memref<!tpu.dma_semaphore, #tpu.memory_space<semaphore_mem>>)
    %dma_start3A_65 = arith.constant 0 : i32
    %dma_start3A_66 = arith.constant 0 : i32
    %dma_start3A_67 = tpu.memref_slice %arg3[%dma_start3A_65, %dma_start3A_66] : memref<10000x128xf32, #tpu.memory_space<hbm>> -> memref<10000x128xf32, #tpu.memory_space<hbm>>
    tpu.enqueue_indirect_dma source(%dma_start3A_67 : memref<10000x128xf32, #tpu.memory_space<hbm>>) target(%arg14 : memref<40x128xf32, #tpu.memory_space<vmem>>) offsets(%arg10 : memref<40xi32, #tpu.memory_space<vmem>>) semaphore(%arg20 : memref<!tpu.dma_semaphore, #tpu.memory_space<semaphore_mem>>)
    %add3A_68 = arith.constant 0 : i32
    %add3A_69 = arith.addi %mul3A_2, %add3A_68 : i32
    %dma_start3A_70 = arith.constant 0 : i32
    %dma_start3A_71 = tpu.memref_slice %arg4[%add3A_69, %dma_start3A_70] : memref<320000x128xf32, #tpu.memory_space<hbm>> -> memref<40x128xf32, #tpu.memory_space<hbm>>
    %dma_start3A_72 = arith.constant 0 : i32
    %dma_start3A_73 = tpu.memref_slice %arg4[%add3A_69, %dma_start3A_72] : memref<320000x128xf32, #tpu.memory_space<hbm>> -> memref<40x128xf32, #tpu.memory_space<hbm>>
    tpu.enqueue_dma source(%dma_start3A_73 : memref<40x128xf32, #tpu.memory_space<hbm>>) target(%arg15 : memref<40x128xf32, #tpu.memory_space<vmem>>) target_semaphore(%arg21 : memref<!tpu.dma_semaphore, #tpu.memory_space<semaphore_mem>>)
    %get3A_74 = arith.constant 40 : index
    %get3A_75 = tpu.vector_load %arg8[%get3A_74] {strides = array<i32>} : memref<10000xi32, #tpu.memory_space<vmem>>, vector<16xi32>,
    %get3A_76 = vector.shape_cast %get3A_75 : vector<16xi32> to vector<16xi32>
    %and3A_77 = arith.constant 65535 : i32
    %and3A_78 = vector.broadcast %and3A_77 : i32 to vector<16xi32>
    %and3A_79 = arith.andi %get3A_76, %and3A_78 : vector<16xi32>
    %swap3A_80 = arith.constant 0 : index
    %swap3A_81 = tpu.vector_load %arg11[%swap3A_80] {strides = array<i32>} : memref<40xi32, #tpu.memory_space<vmem>>, vector<16xi32>,
    %swap3A_82 = vector.shape_cast %swap3A_81 : vector<16xi32> to vector<16xi32>
    %swap3A_83 = vector.shape_cast %and3A_79 : vector<16xi32> to vector<16xi32>
    tpu.vector_store %arg11[%swap3A_80], %swap3A_83 {strides = array<i32>} : memref<40xi32, #tpu.memory_space<vmem>>, vector<16xi32>,
    %shift_right_arithmetic3A_84 = arith.constant 16 : i32
    %shift_right_arithmetic3A_85 = vector.broadcast %shift_right_arithmetic3A_84 : i32 to vector<16xi32>
    %shift_right_arithmetic3A_86 = arith.shrsi %get3A_76, %shift_right_arithmetic3A_85 : vector<16xi32>
    %swap3A_87 = arith.constant 0 : index
    %swap3A_88 = tpu.vector_load %arg12[%swap3A_87] {strides = array<i32>} : memref<40xi32, #tpu.memory_space<vmem>>, vector<16xi32>,
    %swap3A_89 = vector.shape_cast %swap3A_88 : vector<16xi32> to vector<16xi32>
    %swap3A_90 = vector.shape_cast %shift_right_arithmetic3A_86 : vector<16xi32> to vector<16xi32>
    tpu.vector_store %arg12[%swap3A_87], %swap3A_90 {strides = array<i32>} : memref<40xi32, #tpu.memory_space<vmem>>, vector<16xi32>,
    %get3A_91 = arith.constant 56 : index
    %get3A_92 = tpu.vector_load %arg8[%get3A_91] {strides = array<i32>} : memref<10000xi32, #tpu.memory_space<vmem>>, vector<16xi32>,
    %get3A_93 = vector.shape_cast %get3A_92 : vector<16xi32> to vector<16xi32>
    %and3A_94 = arith.constant 65535 : i32
    %and3A_95 = vector.broadcast %and3A_94 : i32 to vector<16xi32>
    %and3A_96 = arith.andi %get3A_93, %and3A_95 : vector<16xi32>
    %swap3A_97 = arith.constant 16 : index
    %swap3A_98 = tpu.vector_load %arg11[%swap3A_97] {strides = array<i32>} : memref<40xi32, #tpu.memory_space<vmem>>, vector<16xi32>,
    %swap3A_99 = vector.shape_cast %swap3A_98 : vector<16xi32> to vector<16xi32>
    %swap3A_100 = vector.shape_cast %and3A_96 : vector<16xi32> to vector<16xi32>
    tpu.vector_store %arg11[%swap3A_97], %swap3A_100 {strides = array<i32>} : memref<40xi32, #tpu.memory_space<vmem>>, vector<16xi32>,
    %shift_right_arithmetic3A_101 = arith.constant 16 : i32
    %shift_right_arithmetic3A_102 = vector.broadcast %shift_right_arithmetic3A_101 : i32 to vector<16xi32>
    %shift_right_arithmetic3A_103 = arith.shrsi %get3A_93, %shift_right_arithmetic3A_102 : vector<16xi32>
    %swap3A_104 = arith.constant 16 : index
    %swap3A_105 = tpu.vector_load %arg12[%swap3A_104] {strides = array<i32>} : memref<40xi32, #tpu.memory_space<vmem>>, vector<16xi32>,
    %swap3A_106 = vector.shape_cast %swap3A_105 : vector<16xi32> to vector<16xi32>
    %swap3A_107 = vector.shape_cast %shift_right_arithmetic3A_103 : vector<16xi32> to vector<16xi32>
    tpu.vector_store %arg12[%swap3A_104], %swap3A_107 {strides = array<i32>} : memref<40xi32, #tpu.memory_space<vmem>>, vector<16xi32>,
    %get3A_108 = arith.constant 64 : index
    %get3A_109 = tpu.vector_load %arg8[%get3A_108] {strides = array<i32>} : memref<10000xi32, #tpu.memory_space<vmem>>, vector<16xi32>,
    %get3A_110 = vector.shape_cast %get3A_109 : vector<16xi32> to vector<16xi32>
    %and3A_111 = arith.constant 65535 : i32
    %and3A_112 = vector.broadcast %and3A_111 : i32 to vector<16xi32>
    %and3A_113 = arith.andi %get3A_110, %and3A_112 : vector<16xi32>
    %swap3A_114 = arith.constant 24 : index
    %swap3A_115 = tpu.vector_load %arg11[%swap3A_114] {strides = array<i32>} : memref<40xi32, #tpu.memory_space<vmem>>, vector<16xi32>,
    %swap3A_116 = vector.shape_cast %swap3A_115 : vector<16xi32> to vector<16xi32>
    %swap3A_117 = vector.shape_cast %and3A_113 : vector<16xi32> to vector<16xi32>
    tpu.vector_store %arg11[%swap3A_114], %swap3A_117 {strides = array<i32>} : memref<40xi32, #tpu.memory_space<vmem>>, vector<16xi32>,
    %shift_right_arithmetic3A_118 = arith.constant 16 : i32
    %shift_right_arithmetic3A_119 = vector.broadcast %shift_right_arithmetic3A_118 : i32 to vector<16xi32>
    %shift_right_arithmetic3A_120 = arith.shrsi %get3A_110, %shift_right_arithmetic3A_119 : vector<16xi32>
    %swap3A_121 = arith.constant 24 : index
    %swap3A_122 = tpu.vector_load %arg12[%swap3A_121] {strides = array<i32>} : memref<40xi32, #tpu.memory_space<vmem>>, vector<16xi32>,
    %swap3A_123 = vector.shape_cast %swap3A_122 : vector<16xi32> to vector<16xi32>
    %swap3A_124 = vector.shape_cast %shift_right_arithmetic3A_120 : vector<16xi32> to vector<16xi32>
    tpu.vector_store %arg12[%swap3A_121], %swap3A_124 {strides = array<i32>} : memref<40xi32, #tpu.memory_space<vmem>>, vector<16xi32>,
    %dma_start3A_125 = arith.constant 0 : i32
    %dma_start3A_126 = arith.constant 0 : i32
    %dma_start3A_127 = tpu.memref_slice %arg2[%dma_start3A_125, %dma_start3A_126] : memref<10000x128xf32, #tpu.memory_space<hbm>> -> memref<10000x128xf32, #tpu.memory_space<hbm>>
    tpu.enqueue_indirect_dma source(%dma_start3A_127 : memref<10000x128xf32, #tpu.memory_space<hbm>>) target(%arg16 : memref<40x128xf32, #tpu.memory_space<vmem>>) offsets(%arg11 : memref<40xi32, #tpu.memory_space<vmem>>) semaphore(%arg22 : memref<!tpu.dma_semaphore, #tpu.memory_space<semaphore_mem>>)
    %dma_start3A_128 = arith.constant 0 : i32
    %dma_start3A_129 = arith.constant 0 : i32
    %dma_start3A_130 = tpu.memref_slice %arg3[%dma_start3A_128, %dma_start3A_129] : memref<10000x128xf32, #tpu.memory_space<hbm>> -> memref<10000x128xf32, #tpu.memory_space<hbm>>
    tpu.enqueue_indirect_dma source(%dma_start3A_130 : memref<10000x128xf32, #tpu.memory_space<hbm>>) target(%arg17 : memref<40x128xf32, #tpu.memory_space<vmem>>) offsets(%arg12 : memref<40xi32, #tpu.memory_space<vmem>>) semaphore(%arg23 : memref<!tpu.dma_semaphore, #tpu.memory_space<semaphore_mem>>)
    %add3A_131 = arith.constant 40 : i32
    %add3A_132 = arith.addi %mul3A_2, %add3A_131 : i32
    %dma_start3A_133 = arith.constant 0 : i32
    %dma_start3A_134 = tpu.memref_slice %arg4[%add3A_132, %dma_start3A_133] : memref<320000x128xf32, #tpu.memory_space<hbm>> -> memref<40x128xf32, #tpu.memory_space<hbm>>
    %dma_start3A_135 = arith.constant 0 : i32
    %dma_start3A_136 = tpu.memref_slice %arg4[%add3A_132, %dma_start3A_135] : memref<320000x128xf32, #tpu.memory_space<hbm>> -> memref<40x128xf32, #tpu.memory_space<hbm>>
    tpu.enqueue_dma source(%dma_start3A_136 : memref<40x128xf32, #tpu.memory_space<hbm>>) target(%arg18 : memref<40x128xf32, #tpu.memory_space<vmem>>) target_semaphore(%arg24 : memref<!tpu.dma_semaphore, #tpu.memory_space<semaphore_mem>>)
    %scan3A_137 = arith.constant 0 : i32
    %scan3A_138 = arith.constant 0 : i32
    %scan3A_139 = arith.constant 125 : i32
    %scan3A_140 = arith.addi %scan3A_138, %scan3A_139 : i32
    %scan3A_141 = arith.constant 1 : i32
    %scan3A_142 = scf.for %scan3A_152 = %scan3A_138 to %scan3A_140 step %scan3A_141 iter_args(%scan3A_153 = %scan3A_137) -> (i32)  : i32 {
      %mul3A_154 = arith.constant 2 : i32
      %mul3A_155 = arith.muli %mul3A_154, %scan3A_152 : i32
      %dma_wait3A = arith.constant 0 : i32
      %dma_wait3A_156 = arith.constant 0 : i32
      %dma_wait3A_157 = tpu.memref_slice %arg2[%dma_wait3A, %dma_wait3A_156] : memref<10000x128xf32, #tpu.memory_space<hbm>> -> memref<10000x128xf32, #tpu.memory_space<hbm>>
      tpu.wait_indirect_dma semaphore(%arg19 : memref<!tpu.dma_semaphore, #tpu.memory_space<semaphore_mem>>) src(%dma_wait3A_157 : memref<10000x128xf32, #tpu.memory_space<hbm>>) dst(%arg13 : memref<40x128xf32, #tpu.memory_space<vmem>>)
      %dma_wait3A_158 = arith.constant 0 : i32
      %dma_wait3A_159 = arith.constant 0 : i32
      %dma_wait3A_160 = tpu.memref_slice %arg3[%dma_wait3A_158, %dma_wait3A_159] : memref<10000x128xf32, #tpu.memory_space<hbm>> -> memref<10000x128xf32, #tpu.memory_space<hbm>>
      tpu.wait_indirect_dma semaphore(%arg20 : memref<!tpu.dma_semaphore, #tpu.memory_space<semaphore_mem>>) src(%dma_wait3A_160 : memref<10000x128xf32, #tpu.memory_space<hbm>>) dst(%arg14 : memref<40x128xf32, #tpu.memory_space<vmem>>)
      %mul3A_161 = arith.constant 40 : i32
      %mul3A_162 = arith.muli %mul3A_155, %mul3A_161 : i32
      %add3A_163 = arith.addi %mul3A_2, %mul3A_162 : i32
      %dma_wait3A_164 = arith.constant 0 : i32
      %dma_wait3A_165 = tpu.memref_slice %arg4[%add3A_163, %dma_wait3A_164] : memref<320000x128xf32, #tpu.memory_space<hbm>> -> memref<40x128xf32, #tpu.memory_space<hbm>>
      %dma_wait3A_166 = arith.constant 0 : i32
      %dma_wait3A_167 = tpu.memref_slice %arg4[%add3A_163, %dma_wait3A_166] : memref<320000x128xf32, #tpu.memory_space<hbm>> -> memref<40x128xf32, #tpu.memory_space<hbm>>
      tpu.wait_dma2 semaphore(%arg21 : memref<!tpu.dma_semaphore, #tpu.memory_space<semaphore_mem>>) src(%dma_wait3A_167 : memref<40x128xf32, #tpu.memory_space<hbm>>) dst(%arg15 : memref<40x128xf32, #tpu.memory_space<vmem>>)
      %scan3A_168 = arith.constant 0 : i32
      %scan3A_169 = arith.constant 0 : i32
      %scan3A_170 = arith.constant 20 : i32
      %scan3A_171 = arith.addi %scan3A_169, %scan3A_170 : i32
      %scan3A_172 = arith.constant 1 : i32
      %scan3A_173 = scf.for %scan3A_209 = %scan3A_169 to %scan3A_171 step %scan3A_172 iter_args(%scan3A_210 = %scan3A_168) -> (i32)  : i32 {
        %mul3A_211 = arith.constant 2 : i32
        %mul3A_212 = arith.muli %mul3A_211, %scan3A_209 : i32
        %add3A_213 = arith.constant 0 : i32
        %add3A_214 = arith.addi %mul3A_212, %add3A_213 : i32
        %get3A_215 = arith.index_cast %add3A_214 : i32 to index
        %get3A_216 = arith.constant 0 : index
        %get3A_217 = tpu.vector_load %arg13[%get3A_215, %get3A_216] {strides = array<i32>} : memref<40x128xf32, #tpu.memory_space<vmem>>, vector<1x16xf32>,
        %get3A_218 = vector.shape_cast %get3A_217 : vector<1x16xf32> to vector<16xf32>
        %get3A_219 = arith.index_cast %add3A_214 : i32 to index
        %get3A_220 = arith.constant 0 : index
        %get3A_221 = tpu.vector_load %arg14[%get3A_219, %get3A_220] {strides = array<i32>} : memref<40x128xf32, #tpu.memory_space<vmem>>, vector<1x16xf32>,
        %get3A_222 = vector.shape_cast %get3A_221 : vector<1x16xf32> to vector<16xf32>
        %add3A_223 = arith.addf %get3A_218, %get3A_222 : vector<16xf32>
        %get3A_224 = arith.index_cast %add3A_214 : i32 to index
        %get3A_225 = arith.constant 0 : index
        %get3A_226 = tpu.vector_load %arg15[%get3A_224, %get3A_225] {strides = array<i32>} : memref<40x128xf32, #tpu.memory_space<vmem>>, vector<1x16xf32>,
        %get3A_227 = vector.shape_cast %get3A_226 : vector<1x16xf32> to vector<16xf32>
        %add3A_228 = arith.addf %add3A_223, %get3A_227 : vector<16xf32>
        %max3A = arith.constant 0.000000e+00 : f32
        %max3A_229 = vector.broadcast %max3A : f32 to vector<16xf32>
        %max3A_230 = arith.maximumf %add3A_228, %max3A_229 : vector<16xf32>
        %get3A_231 = arith.index_cast %add3A_214 : i32 to index
        %get3A_232 = arith.constant 16 : index
        %get3A_233 = tpu.vector_load %arg13[%get3A_231, %get3A_232] {strides = array<i32>} : memref<40x128xf32, #tpu.memory_space<vmem>>, vector<1x16xf32>,
        %get3A_234 = vector.shape_cast %get3A_233 : vector<1x16xf32> to vector<16xf32>
        %get3A_235 = arith.index_cast %add3A_214 : i32 to index
        %get3A_236 = arith.constant 16 : index
        %get3A_237 = tpu.vector_load %arg14[%get3A_235, %get3A_236] {strides = array<i32>} : memref<40x128xf32, #tpu.memory_space<vmem>>, vector<1x16xf32>,
        %get3A_238 = vector.shape_cast %get3A_237 : vector<1x16xf32> to vector<16xf32>
        %add3A_239 = arith.addf %get3A_234, %get3A_238 : vector<16xf32>
        %get3A_240 = arith.index_cast %add3A_214 : i32 to index
        %get3A_241 = arith.constant 16 : index
        %get3A_242 = tpu.vector_load %arg15[%get3A_240, %get3A_241] {strides = array<i32>} : memref<40x128xf32, #tpu.memory_space<vmem>>, vector<1x16xf32>,
        %get3A_243 = vector.shape_cast %get3A_242 : vector<1x16xf32> to vector<16xf32>
        %add3A_244 = arith.addf %add3A_239, %get3A_243 : vector<16xf32>
        %max3A_245 = arith.constant 0.000000e+00 : f32
        %max3A_246 = vector.broadcast %max3A_245 : f32 to vector<16xf32>
        %max3A_247 = arith.maximumf %add3A_244, %max3A_246 : vector<16xf32>
        %swap3A_248 = arith.index_cast %add3A_214 : i32 to index
        %swap3A_249 = arith.constant 0 : index
        %swap3A_250 = tpu.vector_load %arg13[%swap3A_248, %swap3A_249] {strides = array<i32>} : memref<40x128xf32, #tpu.memory_space<vmem>>, vector<1x16xf32>,
        %swap3A_251 = vector.shape_cast %swap3A_250 : vector<1x16xf32> to vector<16xf32>
        %swap3A_252 = vector.shape_cast %max3A_230 : vector<16xf32> to vector<1x16xf32>
        tpu.vector_store %arg13[%swap3A_248, %swap3A_249], %swap3A_252 {strides = array<i32>} : memref<40x128xf32, #tpu.memory_space<vmem>>, vector<1x16xf32>,
        %swap3A_253 = arith.index_cast %add3A_214 : i32 to index
        %swap3A_254 = arith.constant 16 : index
        %swap3A_255 = tpu.vector_load %arg13[%swap3A_253, %swap3A_254] {strides = array<i32>} : memref<40x128xf32, #tpu.memory_space<vmem>>, vector<1x16xf32>,
        %swap3A_256 = vector.shape_cast %swap3A_255 : vector<1x16xf32> to vector<16xf32>
        %swap3A_257 = vector.shape_cast %max3A_247 : vector<16xf32> to vector<1x16xf32>
        tpu.vector_store %arg13[%swap3A_253, %swap3A_254], %swap3A_257 {strides = array<i32>} : memref<40x128xf32, #tpu.memory_space<vmem>>, vector<1x16xf32>,
        %get3A_258 = arith.index_cast %add3A_214 : i32 to index
        %get3A_259 = arith.constant 32 : index
        %get3A_260 = tpu.vector_load %arg13[%get3A_258, %get3A_259] {strides = array<i32>} : memref<40x128xf32, #tpu.memory_space<vmem>>, vector<1x16xf32>,
        %get3A_261 = vector.shape_cast %get3A_260 : vector<1x16xf32> to vector<16xf32>
        %get3A_262 = arith.index_cast %add3A_214 : i32 to index
        %get3A_263 = arith.constant 32 : index
        %get3A_264 = tpu.vector_load %arg14[%get3A_262, %get3A_263] {strides = array<i32>} : memref<40x128xf32, #tpu.memory_space<vmem>>, vector<1x16xf32>,
        %get3A_265 = vector.shape_cast %get3A_264 : vector<1x16xf32> to vector<16xf32>
        %add3A_266 = arith.addf %get3A_261, %get3A_265 : vector<16xf32>
        %get3A_267 = arith.index_cast %add3A_214 : i32 to index
        %get3A_268 = arith.constant 32 : index
        %get3A_269 = tpu.vector_load %arg15[%get3A_267, %get3A_268] {strides = array<i32>} : memref<40x128xf32, #tpu.memory_space<vmem>>, vector<1x16xf32>,
        %get3A_270 = vector.shape_cast %get3A_269 : vector<1x16xf32> to vector<16xf32>
        %add3A_271 = arith.addf %add3A_266, %get3A_270 : vector<16xf32>
        %max3A_272 = arith.constant 0.000000e+00 : f32
        %max3A_273 = vector.broadcast %max3A_272 : f32 to vector<16xf32>
        %max3A_274 = arith.maximumf %add3A_271, %max3A_273 : vector<16xf32>
        %get3A_275 = arith.index_cast %add3A_214 : i32 to index
        %get3A_276 = arith.constant 48 : index
        %get3A_277 = tpu.vector_load %arg13[%get3A_275, %get3A_276] {strides = array<i32>} : memref<40x128xf32, #tpu.memory_space<vmem>>, vector<1x16xf32>,
        %get3A_278 = vector.shape_cast %get3A_277 : vector<1x16xf32> to vector<16xf32>
        %get3A_279 = arith.index_cast %add3A_214 : i32 to index
        %get3A_280 = arith.constant 48 : index
        %get3A_281 = tpu.vector_load %arg14[%get3A_279, %get3A_280] {strides = array<i32>} : memref<40x128xf32, #tpu.memory_space<vmem>>, vector<1x16xf32>,
        %get3A_282 = vector.shape_cast %get3A_281 : vector<1x16xf32> to vector<16xf32>
        %add3A_283 = arith.addf %get3A_278, %get3A_282 : vector<16xf32>
        %get3A_284 = arith.index_cast %add3A_214 : i32 to index
        %get3A_285 = arith.constant 48 : index
        %get3A_286 = tpu.vector_load %arg15[%get3A_284, %get3A_285] {strides = array<i32>} : memref<40x128xf32, #tpu.memory_space<vmem>>, vector<1x16xf32>,
        %get3A_287 = vector.shape_cast %get3A_286 : vector<1x16xf32> to vector<16xf32>
        %add3A_288 = arith.addf %add3A_283, %get3A_287 : vector<16xf32>
        %max3A_289 = arith.constant 0.000000e+00 : f32
        %max3A_290 = vector.broadcast %max3A_289 : f32 to vector<16xf32>
        %max3A_291 = arith.maximumf %add3A_288, %max3A_290 : vector<16xf32>
        %swap3A_292 = arith.index_cast %add3A_214 : i32 to index
        %swap3A_293 = arith.constant 32 : index
        %swap3A_294 = tpu.vector_load %arg13[%swap3A_292, %swap3A_293] {strides = array<i32>} : memref<40x128xf32, #tpu.memory_space<vmem>>, vector<1x16xf32>,
        %swap3A_295 = vector.shape_cast %swap3A_294 : vector<1x16xf32> to vector<16xf32>
        %swap3A_296 = vector.shape_cast %max3A_274 : vector<16xf32> to vector<1x16xf32>
        tpu.vector_store %arg13[%swap3A_292, %swap3A_293], %swap3A_296 {strides = array<i32>} : memref<40x128xf32, #tpu.memory_space<vmem>>, vector<1x16xf32>,
        %swap3A_297 = arith.index_cast %add3A_214 : i32 to index
        %swap3A_298 = arith.constant 48 : index
        %swap3A_299 = tpu.vector_load %arg13[%swap3A_297, %swap3A_298] {strides = array<i32>} : memref<40x128xf32, #tpu.memory_space<vmem>>, vector<1x16xf32>,
        %swap3A_300 = vector.shape_cast %swap3A_299 : vector<1x16xf32> to vector<16xf32>
        %swap3A_301 = vector.shape_cast %max3A_291 : vector<16xf32> to vector<1x16xf32>
        tpu.vector_store %arg13[%swap3A_297, %swap3A_298], %swap3A_301 {strides = array<i32>} : memref<40x128xf32, #tpu.memory_space<vmem>>, vector<1x16xf32>,
        %get3A_302 = arith.index_cast %add3A_214 : i32 to index
        %get3A_303 = arith.constant 64 : index
        %get3A_304 = tpu.vector_load %arg13[%get3A_302, %get3A_303] {strides = array<i32>} : memref<40x128xf32, #tpu.memory_space<vmem>>, vector<1x16xf32>,
        %get3A_305 = vector.shape_cast %get3A_304 : vector<1x16xf32> to vector<16xf32>
        %get3A_306 = arith.index_cast %add3A_214 : i32 to index
        %get3A_307 = arith.constant 64 : index
        %get3A_308 = tpu.vector_load %arg14[%get3A_306, %get3A_307] {strides = array<i32>} : memref<40x128xf32, #tpu.memory_space<vmem>>, vector<1x16xf32>,
        %get3A_309 = vector.shape_cast %get3A_308 : vector<1x16xf32> to vector<16xf32>
        %add3A_310 = arith.addf %get3A_305, %get3A_309 : vector<16xf32>
        %get3A_311 = arith.index_cast %add3A_214 : i32 to index
        %get3A_312 = arith.constant 64 : index
        %get3A_313 = tpu.vector_load %arg15[%get3A_311, %get3A_312] {strides = array<i32>} : memref<40x128xf32, #tpu.memory_space<vmem>>, vector<1x16xf32>,
        %get3A_314 = vector.shape_cast %get3A_313 : vector<1x16xf32> to vector<16xf32>
        %add3A_315 = arith.addf %add3A_310, %get3A_314 : vector<16xf32>
        %max3A_316 = arith.constant 0.000000e+00 : f32
        %max3A_317 = vector.broadcast %max3A_316 : f32 to vector<16xf32>
        %max3A_318 = arith.maximumf %add3A_315, %max3A_317 : vector<16xf32>
        %get3A_319 = arith.index_cast %add3A_214 : i32 to index
        %get3A_320 = arith.constant 80 : index
        %get3A_321 = tpu.vector_load %arg13[%get3A_319, %get3A_320] {strides = array<i32>} : memref<40x128xf32, #tpu.memory_space<vmem>>, vector<1x16xf32>,
        %get3A_322 = vector.shape_cast %get3A_321 : vector<1x16xf32> to vector<16xf32>
        %get3A_323 = arith.index_cast %add3A_214 : i32 to index
        %get3A_324 = arith.constant 80 : index
        %get3A_325 = tpu.vector_load %arg14[%get3A_323, %get3A_324] {strides = array<i32>} : memref<40x128xf32, #tpu.memory_space<vmem>>, vector<1x16xf32>,
        %get3A_326 = vector.shape_cast %get3A_325 : vector<1x16xf32> to vector<16xf32>
        %add3A_327 = arith.addf %get3A_322, %get3A_326 : vector<16xf32>
        %get3A_328 = arith.index_cast %add3A_214 : i32 to index
        %get3A_329 = arith.constant 80 : index
        %get3A_330 = tpu.vector_load %arg15[%get3A_328, %get3A_329] {strides = array<i32>} : memref<40x128xf32, #tpu.memory_space<vmem>>, vector<1x16xf32>,
        %get3A_331 = vector.shape_cast %get3A_330 : vector<1x16xf32> to vector<16xf32>
        %add3A_332 = arith.addf %add3A_327, %get3A_331 : vector<16xf32>
        %max3A_333 = arith.constant 0.000000e+00 : f32
        %max3A_334 = vector.broadcast %max3A_333 : f32 to vector<16xf32>
        %max3A_335 = arith.maximumf %add3A_332, %max3A_334 : vector<16xf32>
        %swap3A_336 = arith.index_cast %add3A_214 : i32 to index
        %swap3A_337 = arith.constant 64 : index
        %swap3A_338 = tpu.vector_load %arg13[%swap3A_336, %swap3A_337] {strides = array<i32>} : memref<40x128xf32, #tpu.memory_space<vmem>>, vector<1x16xf32>,
        %swap3A_339 = vector.shape_cast %swap3A_338 : vector<1x16xf32> to vector<16xf32>
        %swap3A_340 = vector.shape_cast %max3A_318 : vector<16xf32> to vector<1x16xf32>
        tpu.vector_store %arg13[%swap3A_336, %swap3A_337], %swap3A_340 {strides = array<i32>} : memref<40x128xf32, #tpu.memory_space<vmem>>, vector<1x16xf32>,
        %swap3A_341 = arith.index_cast %add3A_214 : i32 to index
        %swap3A_342 = arith.constant 80 : index
        %swap3A_343 = tpu.vector_load %arg13[%swap3A_341, %swap3A_342] {strides = array<i32>} : memref<40x128xf32, #tpu.memory_space<vmem>>, vector<1x16xf32>,
        %swap3A_344 = vector.shape_cast %swap3A_343 : vector<1x16xf32> to vector<16xf32>
        %swap3A_345 = vector.shape_cast %max3A_335 : vector<16xf32> to vector<1x16xf32>
        tpu.vector_store %arg13[%swap3A_341, %swap3A_342], %swap3A_345 {strides = array<i32>} : memref<40x128xf32, #tpu.memory_space<vmem>>, vector<1x16xf32>,
        %get3A_346 = arith.index_cast %add3A_214 : i32 to index
        %get3A_347 = arith.constant 96 : index
        %get3A_348 = tpu.vector_load %arg13[%get3A_346, %get3A_347] {strides = array<i32>} : memref<40x128xf32, #tpu.memory_space<vmem>>, vector<1x16xf32>,
        %get3A_349 = vector.shape_cast %get3A_348 : vector<1x16xf32> to vector<16xf32>
        %get3A_350 = arith.index_cast %add3A_214 : i32 to index
        %get3A_351 = arith.constant 96 : index
        %get3A_352 = tpu.vector_load %arg14[%get3A_350, %get3A_351] {strides = array<i32>} : memref<40x128xf32, #tpu.memory_space<vmem>>, vector<1x16xf32>,
        %get3A_353 = vector.shape_cast %get3A_352 : vector<1x16xf32> to vector<16xf32>
        %add3A_354 = arith.addf %get3A_349, %get3A_353 : vector<16xf32>
        %get3A_355 = arith.index_cast %add3A_214 : i32 to index
        %get3A_356 = arith.constant 96 : index
        %get3A_357 = tpu.vector_load %arg15[%get3A_355, %get3A_356] {strides = array<i32>} : memref<40x128xf32, #tpu.memory_space<vmem>>, vector<1x16xf32>,
        %get3A_358 = vector.shape_cast %get3A_357 : vector<1x16xf32> to vector<16xf32>
        %add3A_359 = arith.addf %add3A_354, %get3A_358 : vector<16xf32>
        %max3A_360 = arith.constant 0.000000e+00 : f32
        %max3A_361 = vector.broadcast %max3A_360 : f32 to vector<16xf32>
        %max3A_362 = arith.maximumf %add3A_359, %max3A_361 : vector<16xf32>
        %get3A_363 = arith.index_cast %add3A_214 : i32 to index
        %get3A_364 = arith.constant 112 : index
        %get3A_365 = tpu.vector_load %arg13[%get3A_363, %get3A_364] {strides = array<i32>} : memref<40x128xf32, #tpu.memory_space<vmem>>, vector<1x16xf32>,
        %get3A_366 = vector.shape_cast %get3A_365 : vector<1x16xf32> to vector<16xf32>
        %get3A_367 = arith.index_cast %add3A_214 : i32 to index
        %get3A_368 = arith.constant 112 : index
        %get3A_369 = tpu.vector_load %arg14[%get3A_367, %get3A_368] {strides = array<i32>} : memref<40x128xf32, #tpu.memory_space<vmem>>, vector<1x16xf32>,
        %get3A_370 = vector.shape_cast %get3A_369 : vector<1x16xf32> to vector<16xf32>
        %add3A_371 = arith.addf %get3A_366, %get3A_370 : vector<16xf32>
        %get3A_372 = arith.index_cast %add3A_214 : i32 to index
        %get3A_373 = arith.constant 112 : index
        %get3A_374 = tpu.vector_load %arg15[%get3A_372, %get3A_373] {strides = array<i32>} : memref<40x128xf32, #tpu.memory_space<vmem>>, vector<1x16xf32>,
        %get3A_375 = vector.shape_cast %get3A_374 : vector<1x16xf32> to vector<16xf32>
        %add3A_376 = arith.addf %add3A_371, %get3A_375 : vector<16xf32>
        %max3A_377 = arith.constant 0.000000e+00 : f32
        %max3A_378 = vector.broadcast %max3A_377 : f32 to vector<16xf32>
        %max3A_379 = arith.maximumf %add3A_376, %max3A_378 : vector<16xf32>
        %swap3A_380 = arith.index_cast %add3A_214 : i32 to index
        %swap3A_381 = arith.constant 96 : index
        %swap3A_382 = tpu.vector_load %arg13[%swap3A_380, %swap3A_381] {strides = array<i32>} : memref<40x128xf32, #tpu.memory_space<vmem>>, vector<1x16xf32>,
        %swap3A_383 = vector.shape_cast %swap3A_382 : vector<1x16xf32> to vector<16xf32>
        %swap3A_384 = vector.shape_cast %max3A_362 : vector<16xf32> to vector<1x16xf32>
        tpu.vector_store %arg13[%swap3A_380, %swap3A_381], %swap3A_384 {strides = array<i32>} : memref<40x128xf32, #tpu.memory_space<vmem>>, vector<1x16xf32>,
        %swap3A_385 = arith.index_cast %add3A_214 : i32 to index
        %swap3A_386 = arith.constant 112 : index
        %swap3A_387 = tpu.vector_load %arg13[%swap3A_385, %swap3A_386] {strides = array<i32>} : memref<40x128xf32, #tpu.memory_space<vmem>>, vector<1x16xf32>,
        %swap3A_388 = vector.shape_cast %swap3A_387 : vector<1x16xf32> to vector<16xf32>
        %swap3A_389 = vector.shape_cast %max3A_379 : vector<16xf32> to vector<1x16xf32>
        tpu.vector_store %arg13[%swap3A_385, %swap3A_386], %swap3A_389 {strides = array<i32>} : memref<40x128xf32, #tpu.memory_space<vmem>>, vector<1x16xf32>,
        %mul3A_390 = arith.constant 2 : i32
        %mul3A_391 = arith.muli %mul3A_390, %scan3A_209 : i32
        %add3A_392 = arith.constant 1 : i32
        %add3A_393 = arith.addi %mul3A_391, %add3A_392 : i32
        %get3A_394 = arith.index_cast %add3A_393 : i32 to index
        %get3A_395 = arith.constant 0 : index
        %get3A_396 = tpu.vector_load %arg13[%get3A_394, %get3A_395] {strides = array<i32>} : memref<40x128xf32, #tpu.memory_space<vmem>>, vector<1x16xf32>,
        %get3A_397 = vector.shape_cast %get3A_396 : vector<1x16xf32> to vector<16xf32>
        %get3A_398 = arith.index_cast %add3A_393 : i32 to index
        %get3A_399 = arith.constant 0 : index
        %get3A_400 = tpu.vector_load %arg14[%get3A_398, %get3A_399] {strides = array<i32>} : memref<40x128xf32, #tpu.memory_space<vmem>>, vector<1x16xf32>,
        %get3A_401 = vector.shape_cast %get3A_400 : vector<1x16xf32> to vector<16xf32>
        %add3A_402 = arith.addf %get3A_397, %get3A_401 : vector<16xf32>
        %get3A_403 = arith.index_cast %add3A_393 : i32 to index
        %get3A_404 = arith.constant 0 : index
        %get3A_405 = tpu.vector_load %arg15[%get3A_403, %get3A_404] {strides = array<i32>} : memref<40x128xf32, #tpu.memory_space<vmem>>, vector<1x16xf32>,
        %get3A_406 = vector.shape_cast %get3A_405 : vector<1x16xf32> to vector<16xf32>
        %add3A_407 = arith.addf %add3A_402, %get3A_406 : vector<16xf32>
        %max3A_408 = arith.constant 0.000000e+00 : f32
        %max3A_409 = vector.broadcast %max3A_408 : f32 to vector<16xf32>
        %max3A_410 = arith.maximumf %add3A_407, %max3A_409 : vector<16xf32>
        %get3A_411 = arith.index_cast %add3A_393 : i32 to index
        %get3A_412 = arith.constant 16 : index
        %get3A_413 = tpu.vector_load %arg13[%get3A_411, %get3A_412] {strides = array<i32>} : memref<40x128xf32, #tpu.memory_space<vmem>>, vector<1x16xf32>,
        %get3A_414 = vector.shape_cast %get3A_413 : vector<1x16xf32> to vector<16xf32>
        %get3A_415 = arith.index_cast %add3A_393 : i32 to index
        %get3A_416 = arith.constant 16 : index
        %get3A_417 = tpu.vector_load %arg14[%get3A_415, %get3A_416] {strides = array<i32>} : memref<40x128xf32, #tpu.memory_space<vmem>>, vector<1x16xf32>,
        %get3A_418 = vector.shape_cast %get3A_417 : vector<1x16xf32> to vector<16xf32>
        %add3A_419 = arith.addf %get3A_414, %get3A_418 : vector<16xf32>
        %get3A_420 = arith.index_cast %add3A_393 : i32 to index
        %get3A_421 = arith.constant 16 : index
        %get3A_422 = tpu.vector_load %arg15[%get3A_420, %get3A_421] {strides = array<i32>} : memref<40x128xf32, #tpu.memory_space<vmem>>, vector<1x16xf32>,
        %get3A_423 = vector.shape_cast %get3A_422 : vector<1x16xf32> to vector<16xf32>
        %add3A_424 = arith.addf %add3A_419, %get3A_423 : vector<16xf32>
        %max3A_425 = arith.constant 0.000000e+00 : f32
        %max3A_426 = vector.broadcast %max3A_425 : f32 to vector<16xf32>
        %max3A_427 = arith.maximumf %add3A_424, %max3A_426 : vector<16xf32>
        %swap3A_428 = arith.index_cast %add3A_393 : i32 to index
        %swap3A_429 = arith.constant 0 : index
        %swap3A_430 = tpu.vector_load %arg13[%swap3A_428, %swap3A_429] {strides = array<i32>} : memref<40x128xf32, #tpu.memory_space<vmem>>, vector<1x16xf32>,
        %swap3A_431 = vector.shape_cast %swap3A_430 : vector<1x16xf32> to vector<16xf32>
        %swap3A_432 = vector.shape_cast %max3A_410 : vector<16xf32> to vector<1x16xf32>
        tpu.vector_store %arg13[%swap3A_428, %swap3A_429], %swap3A_432 {strides = array<i32>} : memref<40x128xf32, #tpu.memory_space<vmem>>, vector<1x16xf32>,
        %swap3A_433 = arith.index_cast %add3A_393 : i32 to index
        %swap3A_434 = arith.constant 16 : index
        %swap3A_435 = tpu.vector_load %arg13[%swap3A_433, %swap3A_434] {strides = array<i32>} : memref<40x128xf32, #tpu.memory_space<vmem>>, vector<1x16xf32>,
        %swap3A_436 = vector.shape_cast %swap3A_435 : vector<1x16xf32> to vector<16xf32>
        %swap3A_437 = vector.shape_cast %max3A_427 : vector<16xf32> to vector<1x16xf32>
        tpu.vector_store %arg13[%swap3A_433, %swap3A_434], %swap3A_437 {strides = array<i32>} : memref<40x128xf32, #tpu.memory_space<vmem>>, vector<1x16xf32>,
        %get3A_438 = arith.index_cast %add3A_393 : i32 to index
        %get3A_439 = arith.constant 32 : index
        %get3A_440 = tpu.vector_load %arg13[%get3A_438, %get3A_439] {strides = array<i32>} : memref<40x128xf32, #tpu.memory_space<vmem>>, vector<1x16xf32>,
        %get3A_441 = vector.shape_cast %get3A_440 : vector<1x16xf32> to vector<16xf32>
        %get3A_442 = arith.index_cast %add3A_393 : i32 to index
        %get3A_443 = arith.constant 32 : index
        %get3A_444 = tpu.vector_load %arg14[%get3A_442, %get3A_443] {strides = array<i32>} : memref<40x128xf32, #tpu.memory_space<vmem>>, vector<1x16xf32>,
        %get3A_445 = vector.shape_cast %get3A_444 : vector<1x16xf32> to vector<16xf32>
        %add3A_446 = arith.addf %get3A_441, %get3A_445 : vector<16xf32>
        %get3A_447 = arith.index_cast %add3A_393 : i32 to index
        %get3A_448 = arith.constant 32 : index
        %get3A_449 = tpu.vector_load %arg15[%get3A_447, %get3A_448] {strides = array<i32>} : memref<40x128xf32, #tpu.memory_space<vmem>>, vector<1x16xf32>,
        %get3A_450 = vector.shape_cast %get3A_449 : vector<1x16xf32> to vector<16xf32>
        %add3A_451 = arith.addf %add3A_446, %get3A_450 : vector<16xf32>
        %max3A_452 = arith.constant 0.000000e+00 : f32
        %max3A_453 = vector.broadcast %max3A_452 : f32 to vector<16xf32>
        %max3A_454 = arith.maximumf %add3A_451, %max3A_453 : vector<16xf32>
        %get3A_455 = arith.index_cast %add3A_393 : i32 to index
        %get3A_456 = arith.constant 48 : index
        %get3A_457 = tpu.vector_load %arg13[%get3A_455, %get3A_456] {strides = array<i32>} : memref<40x128xf32, #tpu.memory_space<vmem>>, vector<1x16xf32>,
        %get3A_458 = vector.shape_cast %get3A_457 : vector<1x16xf32> to vector<16xf32>
        %get3A_459 = arith.index_cast %add3A_393 : i32 to index
        %get3A_460 = arith.constant 48 : index
        %get3A_461 = tpu.vector_load %arg14[%get3A_459, %get3A_460] {strides = array<i32>} : memref<40x128xf32, #tpu.memory_space<vmem>>, vector<1x16xf32>,
        %get3A_462 = vector.shape_cast %get3A_461 : vector<1x16xf32> to vector<16xf32>
        %add3A_463 = arith.addf %get3A_458, %get3A_462 : vector<16xf32>
        %get3A_464 = arith.index_cast %add3A_393 : i32 to index
        %get3A_465 = arith.constant 48 : index
        %get3A_466 = tpu.vector_load %arg15[%get3A_464, %get3A_465] {strides = array<i32>} : memref<40x128xf32, #tpu.memory_space<vmem>>, vector<1x16xf32>,
        %get3A_467 = vector.shape_cast %get3A_466 : vector<1x16xf32> to vector<16xf32>
        %add3A_468 = arith.addf %add3A_463, %get3A_467 : vector<16xf32>
        %max3A_469 = arith.constant 0.000000e+00 : f32
        %max3A_470 = vector.broadcast %max3A_469 : f32 to vector<16xf32>
        %max3A_471 = arith.maximumf %add3A_468, %max3A_470 : vector<16xf32>
        %swap3A_472 = arith.index_cast %add3A_393 : i32 to index
        %swap3A_473 = arith.constant 32 : index
        %swap3A_474 = tpu.vector_load %arg13[%swap3A_472, %swap3A_473] {strides = array<i32>} : memref<40x128xf32, #tpu.memory_space<vmem>>, vector<1x16xf32>,
        %swap3A_475 = vector.shape_cast %swap3A_474 : vector<1x16xf32> to vector<16xf32>
        %swap3A_476 = vector.shape_cast %max3A_454 : vector<16xf32> to vector<1x16xf32>
        tpu.vector_store %arg13[%swap3A_472, %swap3A_473], %swap3A_476 {strides = array<i32>} : memref<40x128xf32, #tpu.memory_space<vmem>>, vector<1x16xf32>,
        %swap3A_477 = arith.index_cast %add3A_393 : i32 to index
        %swap3A_478 = arith.constant 48 : index
        %swap3A_479 = tpu.vector_load %arg13[%swap3A_477, %swap3A_478] {strides = array<i32>} : memref<40x128xf32, #tpu.memory_space<vmem>>, vector<1x16xf32>,
        %swap3A_480 = vector.shape_cast %swap3A_479 : vector<1x16xf32> to vector<16xf32>
        %swap3A_481 = vector.shape_cast %max3A_471 : vector<16xf32> to vector<1x16xf32>
        tpu.vector_store %arg13[%swap3A_477, %swap3A_478], %swap3A_481 {strides = array<i32>} : memref<40x128xf32, #tpu.memory_space<vmem>>, vector<1x16xf32>,
        %get3A_482 = arith.index_cast %add3A_393 : i32 to index
        %get3A_483 = arith.constant 64 : index
        %get3A_484 = tpu.vector_load %arg13[%get3A_482, %get3A_483] {strides = array<i32>} : memref<40x128xf32, #tpu.memory_space<vmem>>, vector<1x16xf32>,
        %get3A_485 = vector.shape_cast %get3A_484 : vector<1x16xf32> to vector<16xf32>
        %get3A_486 = arith.index_cast %add3A_393 : i32 to index
        %get3A_487 = arith.constant 64 : index
        %get3A_488 = tpu.vector_load %arg14[%get3A_486, %get3A_487] {strides = array<i32>} : memref<40x128xf32, #tpu.memory_space<vmem>>, vector<1x16xf32>,
        %get3A_489 = vector.shape_cast %get3A_488 : vector<1x16xf32> to vector<16xf32>
        %add3A_490 = arith.addf %get3A_485, %get3A_489 : vector<16xf32>
        %get3A_491 = arith.index_cast %add3A_393 : i32 to index
        %get3A_492 = arith.constant 64 : index
        %get3A_493 = tpu.vector_load %arg15[%get3A_491, %get3A_492] {strides = array<i32>} : memref<40x128xf32, #tpu.memory_space<vmem>>, vector<1x16xf32>,
        %get3A_494 = vector.shape_cast %get3A_493 : vector<1x16xf32> to vector<16xf32>
        %add3A_495 = arith.addf %add3A_490, %get3A_494 : vector<16xf32>
        %max3A_496 = arith.constant 0.000000e+00 : f32
        %max3A_497 = vector.broadcast %max3A_496 : f32 to vector<16xf32>
        %max3A_498 = arith.maximumf %add3A_495, %max3A_497 : vector<16xf32>
        %get3A_499 = arith.index_cast %add3A_393 : i32 to index
        %get3A_500 = arith.constant 80 : index
        %get3A_501 = tpu.vector_load %arg13[%get3A_499, %get3A_500] {strides = array<i32>} : memref<40x128xf32, #tpu.memory_space<vmem>>, vector<1x16xf32>,
        %get3A_502 = vector.shape_cast %get3A_501 : vector<1x16xf32> to vector<16xf32>
        %get3A_503 = arith.index_cast %add3A_393 : i32 to index
        %get3A_504 = arith.constant 80 : index
        %get3A_505 = tpu.vector_load %arg14[%get3A_503, %get3A_504] {strides = array<i32>} : memref<40x128xf32, #tpu.memory_space<vmem>>, vector<1x16xf32>,
        %get3A_506 = vector.shape_cast %get3A_505 : vector<1x16xf32> to vector<16xf32>
        %add3A_507 = arith.addf %get3A_502, %get3A_506 : vector<16xf32>
        %get3A_508 = arith.index_cast %add3A_393 : i32 to index
        %get3A_509 = arith.constant 80 : index
        %get3A_510 = tpu.vector_load %arg15[%get3A_508, %get3A_509] {strides = array<i32>} : memref<40x128xf32, #tpu.memory_space<vmem>>, vector<1x16xf32>,
        %get3A_511 = vector.shape_cast %get3A_510 : vector<1x16xf32> to vector<16xf32>
        %add3A_512 = arith.addf %add3A_507, %get3A_511 : vector<16xf32>
        %max3A_513 = arith.constant 0.000000e+00 : f32
        %max3A_514 = vector.broadcast %max3A_513 : f32 to vector<16xf32>
        %max3A_515 = arith.maximumf %add3A_512, %max3A_514 : vector<16xf32>
        %swap3A_516 = arith.index_cast %add3A_393 : i32 to index
        %swap3A_517 = arith.constant 64 : index
        %swap3A_518 = tpu.vector_load %arg13[%swap3A_516, %swap3A_517] {strides = array<i32>} : memref<40x128xf32, #tpu.memory_space<vmem>>, vector<1x16xf32>,
        %swap3A_519 = vector.shape_cast %swap3A_518 : vector<1x16xf32> to vector<16xf32>
        %swap3A_520 = vector.shape_cast %max3A_498 : vector<16xf32> to vector<1x16xf32>
        tpu.vector_store %arg13[%swap3A_516, %swap3A_517], %swap3A_520 {strides = array<i32>} : memref<40x128xf32, #tpu.memory_space<vmem>>, vector<1x16xf32>,
        %swap3A_521 = arith.index_cast %add3A_393 : i32 to index
        %swap3A_522 = arith.constant 80 : index
        %swap3A_523 = tpu.vector_load %arg13[%swap3A_521, %swap3A_522] {strides = array<i32>} : memref<40x128xf32, #tpu.memory_space<vmem>>, vector<1x16xf32>,
        %swap3A_524 = vector.shape_cast %swap3A_523 : vector<1x16xf32> to vector<16xf32>
        %swap3A_525 = vector.shape_cast %max3A_515 : vector<16xf32> to vector<1x16xf32>
        tpu.vector_store %arg13[%swap3A_521, %swap3A_522], %swap3A_525 {strides = array<i32>} : memref<40x128xf32, #tpu.memory_space<vmem>>, vector<1x16xf32>,
        %get3A_526 = arith.index_cast %add3A_393 : i32 to index
        %get3A_527 = arith.constant 96 : index
        %get3A_528 = tpu.vector_load %arg13[%get3A_526, %get3A_527] {strides = array<i32>} : memref<40x128xf32, #tpu.memory_space<vmem>>, vector<1x16xf32>,
        %get3A_529 = vector.shape_cast %get3A_528 : vector<1x16xf32> to vector<16xf32>
        %get3A_530 = arith.index_cast %add3A_393 : i32 to index
        %get3A_531 = arith.constant 96 : index
        %get3A_532 = tpu.vector_load %arg14[%get3A_530, %get3A_531] {strides = array<i32>} : memref<40x128xf32, #tpu.memory_space<vmem>>, vector<1x16xf32>,
        %get3A_533 = vector.shape_cast %get3A_532 : vector<1x16xf32> to vector<16xf32>
        %add3A_534 = arith.addf %get3A_529, %get3A_533 : vector<16xf32>
        %get3A_535 = arith.index_cast %add3A_393 : i32 to index
        %get3A_536 = arith.constant 96 : index
        %get3A_537 = tpu.vector_load %arg15[%get3A_535, %get3A_536] {strides = array<i32>} : memref<40x128xf32, #tpu.memory_space<vmem>>, vector<1x16xf32>,
        %get3A_538 = vector.shape_cast %get3A_537 : vector<1x16xf32> to vector<16xf32>
        %add3A_539 = arith.addf %add3A_534, %get3A_538 : vector<16xf32>
        %max3A_540 = arith.constant 0.000000e+00 : f32
        %max3A_541 = vector.broadcast %max3A_540 : f32 to vector<16xf32>
        %max3A_542 = arith.maximumf %add3A_539, %max3A_541 : vector<16xf32>
        %get3A_543 = arith.index_cast %add3A_393 : i32 to index
        %get3A_544 = arith.constant 112 : index
        %get3A_545 = tpu.vector_load %arg13[%get3A_543, %get3A_544] {strides = array<i32>} : memref<40x128xf32, #tpu.memory_space<vmem>>, vector<1x16xf32>,
        %get3A_546 = vector.shape_cast %get3A_545 : vector<1x16xf32> to vector<16xf32>
        %get3A_547 = arith.index_cast %add3A_393 : i32 to index
        %get3A_548 = arith.constant 112 : index
        %get3A_549 = tpu.vector_load %arg14[%get3A_547, %get3A_548] {strides = array<i32>} : memref<40x128xf32, #tpu.memory_space<vmem>>, vector<1x16xf32>,
        %get3A_550 = vector.shape_cast %get3A_549 : vector<1x16xf32> to vector<16xf32>
        %add3A_551 = arith.addf %get3A_546, %get3A_550 : vector<16xf32>
        %get3A_552 = arith.index_cast %add3A_393 : i32 to index
        %get3A_553 = arith.constant 112 : index
        %get3A_554 = tpu.vector_load %arg15[%get3A_552, %get3A_553] {strides = array<i32>} : memref<40x128xf32, #tpu.memory_space<vmem>>, vector<1x16xf32>,
        %get3A_555 = vector.shape_cast %get3A_554 : vector<1x16xf32> to vector<16xf32>
        %add3A_556 = arith.addf %add3A_551, %get3A_555 : vector<16xf32>
        %max3A_557 = arith.constant 0.000000e+00 : f32
        %max3A_558 = vector.broadcast %max3A_557 : f32 to vector<16xf32>
        %max3A_559 = arith.maximumf %add3A_556, %max3A_558 : vector<16xf32>
        %swap3A_560 = arith.index_cast %add3A_393 : i32 to index
        %swap3A_561 = arith.constant 96 : index
        %swap3A_562 = tpu.vector_load %arg13[%swap3A_560, %swap3A_561] {strides = array<i32>} : memref<40x128xf32, #tpu.memory_space<vmem>>, vector<1x16xf32>,
        %swap3A_563 = vector.shape_cast %swap3A_562 : vector<1x16xf32> to vector<16xf32>
        %swap3A_564 = vector.shape_cast %max3A_542 : vector<16xf32> to vector<1x16xf32>
        tpu.vector_store %arg13[%swap3A_560, %swap3A_561], %swap3A_564 {strides = array<i32>} : memref<40x128xf32, #tpu.memory_space<vmem>>, vector<1x16xf32>,
        %swap3A_565 = arith.index_cast %add3A_393 : i32 to index
        %swap3A_566 = arith.constant 112 : index
        %swap3A_567 = tpu.vector_load %arg13[%swap3A_565, %swap3A_566] {strides = array<i32>} : memref<40x128xf32, #tpu.memory_space<vmem>>, vector<1x16xf32>,
        %swap3A_568 = vector.shape_cast %swap3A_567 : vector<1x16xf32> to vector<16xf32>
        %swap3A_569 = vector.shape_cast %max3A_559 : vector<16xf32> to vector<1x16xf32>
        tpu.vector_store %arg13[%swap3A_565, %swap3A_566], %swap3A_569 {strides = array<i32>} : memref<40x128xf32, #tpu.memory_space<vmem>>, vector<1x16xf32>,
        %scan3A_570 = arith.constant 0 : i32
        scf.yield %scan3A_570 : i32
      }
      %scan3A_174 = arith.constant 20 : i32
      "tpu.region"() ({
        %run_scoped3A = tpu.sem_alloc : memref<!tpu.dma_semaphore, #tpu.memory_space<semaphore_mem>>
        %dma_start3A_209 = arith.constant 0 : i32
        %dma_start3A_210 = arith.constant 0 : i32
        %dma_start3A_211 = tpu.memref_slice %arg7[%dma_start3A_209, %dma_start3A_210] : memref<10000x128xf32, #tpu.memory_space<vmem_shared>> -> memref<10000x128xf32, #tpu.memory_space<vmem_shared>>
        tpu.enqueue_indirect_dma source(%arg13 : memref<40x128xf32, #tpu.memory_space<vmem>>) target(%dma_start3A_211 : memref<10000x128xf32, #tpu.memory_space<vmem_shared>>) offsets(%arg9 : memref<40xi32, #tpu.memory_space<vmem>>) semaphore(%run_scoped3A : memref<!tpu.dma_semaphore, #tpu.memory_space<semaphore_mem>>) {add = true}
        %dma_wait3A_212 = arith.constant 0 : i32
        %dma_wait3A_213 = arith.constant 0 : i32
        %dma_wait3A_214 = tpu.memref_slice %arg7[%dma_wait3A_212, %dma_wait3A_213] : memref<10000x128xf32, #tpu.memory_space<vmem_shared>> -> memref<10000x128xf32, #tpu.memory_space<vmem_shared>>
        tpu.wait_indirect_dma semaphore(%run_scoped3A : memref<!tpu.dma_semaphore, #tpu.memory_space<semaphore_mem>>) src(%arg13 : memref<40x128xf32, #tpu.memory_space<vmem>>) dst(%dma_wait3A_214 : memref<10000x128xf32, #tpu.memory_space<vmem_shared>>)
        tpu.yield
      }) : () -> ()
      %add3A_175 = arith.constant 2 : i32
      %add3A_176 = arith.addi %mul3A_155, %add3A_175 : i32
      %lt3A = arith.constant 250 : i32
      %lt3A_177 = arith.cmpi slt, %add3A_176, %lt3A : i32
      %convert_element_type3A = arith.extui %lt3A_177 : i1 to i32
      %cond3A = arith.constant 0 : i32
      %cond3A_178 = arith.cmpi ne, %convert_element_type3A, %cond3A : i32
      scf.if %cond3A_178 {
        %add3A_209 = arith.constant 2 : i32
        %add3A_210 = arith.addi %mul3A_155, %add3A_209 : i32
        %mul3A_211 = arith.constant 40 : i32
        %mul3A_212 = arith.muli %add3A_210, %mul3A_211 : i32
        %add3A_213 = arith.constant 0 : i32
        %add3A_214 = arith.addi %mul3A_212, %add3A_213 : i32
        %get3A_215 = arith.index_cast %add3A_214 : i32 to index
        %get3A_216 = tpu.vector_load %arg8[%get3A_215] {strides = array<i32>} : memref<10000xi32, #tpu.memory_space<vmem>>, vector<16xi32>,
        %get3A_217 = vector.shape_cast %get3A_216 : vector<16xi32> to vector<16xi32>
        %and3A_218 = arith.constant 65535 : i32
        %and3A_219 = vector.broadcast %and3A_218 : i32 to vector<16xi32>
        %and3A_220 = arith.andi %get3A_217, %and3A_219 : vector<16xi32>
        %swap3A_221 = arith.constant 0 : index
        %swap3A_222 = tpu.vector_load %arg9[%swap3A_221] {strides = array<i32>} : memref<40xi32, #tpu.memory_space<vmem>>, vector<16xi32>,
        %swap3A_223 = vector.shape_cast %swap3A_222 : vector<16xi32> to vector<16xi32>
        %swap3A_224 = vector.shape_cast %and3A_220 : vector<16xi32> to vector<16xi32>
        tpu.vector_store %arg9[%swap3A_221], %swap3A_224 {strides = array<i32>} : memref<40xi32, #tpu.memory_space<vmem>>, vector<16xi32>,
        %shift_right_arithmetic3A_225 = arith.constant 16 : i32
        %shift_right_arithmetic3A_226 = vector.broadcast %shift_right_arithmetic3A_225 : i32 to vector<16xi32>
        %shift_right_arithmetic3A_227 = arith.shrsi %get3A_217, %shift_right_arithmetic3A_226 : vector<16xi32>
        %swap3A_228 = arith.constant 0 : index
        %swap3A_229 = tpu.vector_load %arg10[%swap3A_228] {strides = array<i32>} : memref<40xi32, #tpu.memory_space<vmem>>, vector<16xi32>,
        %swap3A_230 = vector.shape_cast %swap3A_229 : vector<16xi32> to vector<16xi32>
        %swap3A_231 = vector.shape_cast %shift_right_arithmetic3A_227 : vector<16xi32> to vector<16xi32>
        tpu.vector_store %arg10[%swap3A_228], %swap3A_231 {strides = array<i32>} : memref<40xi32, #tpu.memory_space<vmem>>, vector<16xi32>,
        %mul3A_232 = arith.constant 40 : i32
        %mul3A_233 = arith.muli %add3A_210, %mul3A_232 : i32
        %add3A_234 = arith.constant 16 : i32
        %add3A_235 = arith.addi %mul3A_233, %add3A_234 : i32
        %get3A_236 = arith.index_cast %add3A_235 : i32 to index
        %get3A_237 = tpu.vector_load %arg8[%get3A_236] {strides = array<i32>} : memref<10000xi32, #tpu.memory_space<vmem>>, vector<16xi32>,
        %get3A_238 = vector.shape_cast %get3A_237 : vector<16xi32> to vector<16xi32>
        %and3A_239 = arith.constant 65535 : i32
        %and3A_240 = vector.broadcast %and3A_239 : i32 to vector<16xi32>
        %and3A_241 = arith.andi %get3A_238, %and3A_240 : vector<16xi32>
        %swap3A_242 = arith.constant 16 : index
        %swap3A_243 = tpu.vector_load %arg9[%swap3A_242] {strides = array<i32>} : memref<40xi32, #tpu.memory_space<vmem>>, vector<16xi32>,
        %swap3A_244 = vector.shape_cast %swap3A_243 : vector<16xi32> to vector<16xi32>
        %swap3A_245 = vector.shape_cast %and3A_241 : vector<16xi32> to vector<16xi32>
        tpu.vector_store %arg9[%swap3A_242], %swap3A_245 {strides = array<i32>} : memref<40xi32, #tpu.memory_space<vmem>>, vector<16xi32>,
        %shift_right_arithmetic3A_246 = arith.constant 16 : i32
        %shift_right_arithmetic3A_247 = vector.broadcast %shift_right_arithmetic3A_246 : i32 to vector<16xi32>
        %shift_right_arithmetic3A_248 = arith.shrsi %get3A_238, %shift_right_arithmetic3A_247 : vector<16xi32>
        %swap3A_249 = arith.constant 16 : index
        %swap3A_250 = tpu.vector_load %arg10[%swap3A_249] {strides = array<i32>} : memref<40xi32, #tpu.memory_space<vmem>>, vector<16xi32>,
        %swap3A_251 = vector.shape_cast %swap3A_250 : vector<16xi32> to vector<16xi32>
        %swap3A_252 = vector.shape_cast %shift_right_arithmetic3A_248 : vector<16xi32> to vector<16xi32>
        tpu.vector_store %arg10[%swap3A_249], %swap3A_252 {strides = array<i32>} : memref<40xi32, #tpu.memory_space<vmem>>, vector<16xi32>,
        %mul3A_253 = arith.constant 40 : i32
        %mul3A_254 = arith.muli %add3A_210, %mul3A_253 : i32
        %add3A_255 = arith.constant 24 : i32
        %add3A_256 = arith.addi %mul3A_254, %add3A_255 : i32
        %get3A_257 = arith.index_cast %add3A_256 : i32 to index
        %get3A_258 = tpu.vector_load %arg8[%get3A_257] {strides = array<i32>} : memref<10000xi32, #tpu.memory_space<vmem>>, vector<16xi32>,
        %get3A_259 = vector.shape_cast %get3A_258 : vector<16xi32> to vector<16xi32>
        %and3A_260 = arith.constant 65535 : i32
        %and3A_261 = vector.broadcast %and3A_260 : i32 to vector<16xi32>
        %and3A_262 = arith.andi %get3A_259, %and3A_261 : vector<16xi32>
        %swap3A_263 = arith.constant 24 : index
        %swap3A_264 = tpu.vector_load %arg9[%swap3A_263] {strides = array<i32>} : memref<40xi32, #tpu.memory_space<vmem>>, vector<16xi32>,
        %swap3A_265 = vector.shape_cast %swap3A_264 : vector<16xi32> to vector<16xi32>
        %swap3A_266 = vector.shape_cast %and3A_262 : vector<16xi32> to vector<16xi32>
        tpu.vector_store %arg9[%swap3A_263], %swap3A_266 {strides = array<i32>} : memref<40xi32, #tpu.memory_space<vmem>>, vector<16xi32>,
        %shift_right_arithmetic3A_267 = arith.constant 16 : i32
        %shift_right_arithmetic3A_268 = vector.broadcast %shift_right_arithmetic3A_267 : i32 to vector<16xi32>
        %shift_right_arithmetic3A_269 = arith.shrsi %get3A_259, %shift_right_arithmetic3A_268 : vector<16xi32>
        %swap3A_270 = arith.constant 24 : index
        %swap3A_271 = tpu.vector_load %arg10[%swap3A_270] {strides = array<i32>} : memref<40xi32, #tpu.memory_space<vmem>>, vector<16xi32>,
        %swap3A_272 = vector.shape_cast %swap3A_271 : vector<16xi32> to vector<16xi32>
        %swap3A_273 = vector.shape_cast %shift_right_arithmetic3A_269 : vector<16xi32> to vector<16xi32>
        tpu.vector_store %arg10[%swap3A_270], %swap3A_273 {strides = array<i32>} : memref<40xi32, #tpu.memory_space<vmem>>, vector<16xi32>,
        %dma_start3A_274 = arith.constant 0 : i32
        %dma_start3A_275 = arith.constant 0 : i32
        %dma_start3A_276 = tpu.memref_slice %arg2[%dma_start3A_274, %dma_start3A_275] : memref<10000x128xf32, #tpu.memory_space<hbm>> -> memref<10000x128xf32, #tpu.memory_space<hbm>>
        tpu.enqueue_indirect_dma source(%dma_start3A_276 : memref<10000x128xf32, #tpu.memory_space<hbm>>) target(%arg13 : memref<40x128xf32, #tpu.memory_space<vmem>>) offsets(%arg9 : memref<40xi32, #tpu.memory_space<vmem>>) semaphore(%arg19 : memref<!tpu.dma_semaphore, #tpu.memory_space<semaphore_mem>>)
        %dma_start3A_277 = arith.constant 0 : i32
        %dma_start3A_278 = arith.constant 0 : i32
        %dma_start3A_279 = tpu.memref_slice %arg3[%dma_start3A_277, %dma_start3A_278] : memref<10000x128xf32, #tpu.memory_space<hbm>> -> memref<10000x128xf32, #tpu.memory_space<hbm>>
        tpu.enqueue_indirect_dma source(%dma_start3A_279 : memref<10000x128xf32, #tpu.memory_space<hbm>>) target(%arg14 : memref<40x128xf32, #tpu.memory_space<vmem>>) offsets(%arg10 : memref<40xi32, #tpu.memory_space<vmem>>) semaphore(%arg20 : memref<!tpu.dma_semaphore, #tpu.memory_space<semaphore_mem>>)
        %mul3A_280 = arith.constant 40 : i32
        %mul3A_281 = arith.muli %add3A_210, %mul3A_280 : i32
        %add3A_282 = arith.addi %mul3A_2, %mul3A_281 : i32
        %dma_start3A_283 = arith.constant 0 : i32
        %dma_start3A_284 = tpu.memref_slice %arg4[%add3A_282, %dma_start3A_283] : memref<320000x128xf32, #tpu.memory_space<hbm>> -> memref<40x128xf32, #tpu.memory_space<hbm>>
        %dma_start3A_285 = arith.constant 0 : i32
        %dma_start3A_286 = tpu.memref_slice %arg4[%add3A_282, %dma_start3A_285] : memref<320000x128xf32, #tpu.memory_space<hbm>> -> memref<40x128xf32, #tpu.memory_space<hbm>>
        tpu.enqueue_dma source(%dma_start3A_286 : memref<40x128xf32, #tpu.memory_space<hbm>>) target(%arg15 : memref<40x128xf32, #tpu.memory_space<vmem>>) target_semaphore(%arg21 : memref<!tpu.dma_semaphore, #tpu.memory_space<semaphore_mem>>)
      } else {
      }
      %add3A_179 = arith.constant 1 : i32
      %add3A_180 = arith.addi %mul3A_155, %add3A_179 : i32
      %dma_wait3A_181 = arith.constant 0 : i32
      %dma_wait3A_182 = arith.constant 0 : i32
      %dma_wait3A_183 = tpu.memref_slice %arg2[%dma_wait3A_181, %dma_wait3A_182] : memref<10000x128xf32, #tpu.memory_space<hbm>> -> memref<10000x128xf32, #tpu.memory_space<hbm>>
      tpu.wait_indirect_dma semaphore(%arg22 : memref<!tpu.dma_semaphore, #tpu.memory_space<semaphore_mem>>) src(%dma_wait3A_183 : memref<10000x128xf32, #tpu.memory_space<hbm>>) dst(%arg16 : memref<40x128xf32, #tpu.memory_space<vmem>>)
      %dma_wait3A_184 = arith.constant 0 : i32
      %dma_wait3A_185 = arith.constant 0 : i32
      %dma_wait3A_186 = tpu.memref_slice %arg3[%dma_wait3A_184, %dma_wait3A_185] : memref<10000x128xf32, #tpu.memory_space<hbm>> -> memref<10000x128xf32, #tpu.memory_space<hbm>>
      tpu.wait_indirect_dma semaphore(%arg23 : memref<!tpu.dma_semaphore, #tpu.memory_space<semaphore_mem>>) src(%dma_wait3A_186 : memref<10000x128xf32, #tpu.memory_space<hbm>>) dst(%arg17 : memref<40x128xf32, #tpu.memory_space<vmem>>)
      %mul3A_187 = arith.constant 40 : i32
      %mul3A_188 = arith.muli %add3A_180, %mul3A_187 : i32
      %add3A_189 = arith.addi %mul3A_2, %mul3A_188 : i32
      %dma_wait3A_190 = arith.constant 0 : i32
      %dma_wait3A_191 = tpu.memref_slice %arg4[%add3A_189, %dma_wait3A_190] : memref<320000x128xf32, #tpu.memory_space<hbm>> -> memref<40x128xf32, #tpu.memory_space<hbm>>
      %dma_wait3A_192 = arith.constant 0 : i32
      %dma_wait3A_193 = tpu.memref_slice %arg4[%add3A_189, %dma_wait3A_192] : memref<320000x128xf32, #tpu.memory_space<hbm>> -> memref<40x128xf32, #tpu.memory_space<hbm>>
      tpu.wait_dma2 semaphore(%arg24 : memref<!tpu.dma_semaphore, #tpu.memory_space<semaphore_mem>>) src(%dma_wait3A_193 : memref<40x128xf32, #tpu.memory_space<hbm>>) dst(%arg18 : memref<40x128xf32, #tpu.memory_space<vmem>>)
      %scan3A_194 = arith.constant 0 : i32
      %scan3A_195 = arith.constant 0 : i32
      %scan3A_196 = arith.constant 20 : i32
      %scan3A_197 = arith.addi %scan3A_195, %scan3A_196 : i32
      %scan3A_198 = arith.constant 1 : i32
      %scan3A_199 = scf.for %scan3A_209 = %scan3A_195 to %scan3A_197 step %scan3A_198 iter_args(%scan3A_210 = %scan3A_194) -> (i32)  : i32 {
        %mul3A_211 = arith.constant 2 : i32
        %mul3A_212 = arith.muli %mul3A_211, %scan3A_209 : i32
        %add3A_213 = arith.constant 0 : i32
        %add3A_214 = arith.addi %mul3A_212, %add3A_213 : i32
        %get3A_215 = arith.index_cast %add3A_214 : i32 to index
        %get3A_216 = arith.constant 0 : index
        %get3A_217 = tpu.vector_load %arg16[%get3A_215, %get3A_216] {strides = array<i32>} : memref<40x128xf32, #tpu.memory_space<vmem>>, vector<1x16xf32>,
        %get3A_218 = vector.shape_cast %get3A_217 : vector<1x16xf32> to vector<16xf32>
        %get3A_219 = arith.index_cast %add3A_214 : i32 to index
        %get3A_220 = arith.constant 0 : index
        %get3A_221 = tpu.vector_load %arg17[%get3A_219, %get3A_220] {strides = array<i32>} : memref<40x128xf32, #tpu.memory_space<vmem>>, vector<1x16xf32>,
        %get3A_222 = vector.shape_cast %get3A_221 : vector<1x16xf32> to vector<16xf32>
        %add3A_223 = arith.addf %get3A_218, %get3A_222 : vector<16xf32>
        %get3A_224 = arith.index_cast %add3A_214 : i32 to index
        %get3A_225 = arith.constant 0 : index
        %get3A_226 = tpu.vector_load %arg18[%get3A_224, %get3A_225] {strides = array<i32>} : memref<40x128xf32, #tpu.memory_space<vmem>>, vector<1x16xf32>,
        %get3A_227 = vector.shape_cast %get3A_226 : vector<1x16xf32> to vector<16xf32>
        %add3A_228 = arith.addf %add3A_223, %get3A_227 : vector<16xf32>
        %max3A = arith.constant 0.000000e+00 : f32
        %max3A_229 = vector.broadcast %max3A : f32 to vector<16xf32>
        %max3A_230 = arith.maximumf %add3A_228, %max3A_229 : vector<16xf32>
        %get3A_231 = arith.index_cast %add3A_214 : i32 to index
        %get3A_232 = arith.constant 16 : index
        %get3A_233 = tpu.vector_load %arg16[%get3A_231, %get3A_232] {strides = array<i32>} : memref<40x128xf32, #tpu.memory_space<vmem>>, vector<1x16xf32>,
        %get3A_234 = vector.shape_cast %get3A_233 : vector<1x16xf32> to vector<16xf32>
        %get3A_235 = arith.index_cast %add3A_214 : i32 to index
        %get3A_236 = arith.constant 16 : index
        %get3A_237 = tpu.vector_load %arg17[%get3A_235, %get3A_236] {strides = array<i32>} : memref<40x128xf32, #tpu.memory_space<vmem>>, vector<1x16xf32>,
        %get3A_238 = vector.shape_cast %get3A_237 : vector<1x16xf32> to vector<16xf32>
        %add3A_239 = arith.addf %get3A_234, %get3A_238 : vector<16xf32>
        %get3A_240 = arith.index_cast %add3A_214 : i32 to index
        %get3A_241 = arith.constant 16 : index
        %get3A_242 = tpu.vector_load %arg18[%get3A_240, %get3A_241] {strides = array<i32>} : memref<40x128xf32, #tpu.memory_space<vmem>>, vector<1x16xf32>,
        %get3A_243 = vector.shape_cast %get3A_242 : vector<1x16xf32> to vector<16xf32>
        %add3A_244 = arith.addf %add3A_239, %get3A_243 : vector<16xf32>
        %max3A_245 = arith.constant 0.000000e+00 : f32
        %max3A_246 = vector.broadcast %max3A_245 : f32 to vector<16xf32>
        %max3A_247 = arith.maximumf %add3A_244, %max3A_246 : vector<16xf32>
        %swap3A_248 = arith.index_cast %add3A_214 : i32 to index
        %swap3A_249 = arith.constant 0 : index
        %swap3A_250 = tpu.vector_load %arg16[%swap3A_248, %swap3A_249] {strides = array<i32>} : memref<40x128xf32, #tpu.memory_space<vmem>>, vector<1x16xf32>,
        %swap3A_251 = vector.shape_cast %swap3A_250 : vector<1x16xf32> to vector<16xf32>
        %swap3A_252 = vector.shape_cast %max3A_230 : vector<16xf32> to vector<1x16xf32>
        tpu.vector_store %arg16[%swap3A_248, %swap3A_249], %swap3A_252 {strides = array<i32>} : memref<40x128xf32, #tpu.memory_space<vmem>>, vector<1x16xf32>,
        %swap3A_253 = arith.index_cast %add3A_214 : i32 to index
        %swap3A_254 = arith.constant 16 : index
        %swap3A_255 = tpu.vector_load %arg16[%swap3A_253, %swap3A_254] {strides = array<i32>} : memref<40x128xf32, #tpu.memory_space<vmem>>, vector<1x16xf32>,
        %swap3A_256 = vector.shape_cast %swap3A_255 : vector<1x16xf32> to vector<16xf32>
        %swap3A_257 = vector.shape_cast %max3A_247 : vector<16xf32> to vector<1x16xf32>
        tpu.vector_store %arg16[%swap3A_253, %swap3A_254], %swap3A_257 {strides = array<i32>} : memref<40x128xf32, #tpu.memory_space<vmem>>, vector<1x16xf32>,
        %get3A_258 = arith.index_cast %add3A_214 : i32 to index
        %get3A_259 = arith.constant 32 : index
        %get3A_260 = tpu.vector_load %arg16[%get3A_258, %get3A_259] {strides = array<i32>} : memref<40x128xf32, #tpu.memory_space<vmem>>, vector<1x16xf32>,
        %get3A_261 = vector.shape_cast %get3A_260 : vector<1x16xf32> to vector<16xf32>
        %get3A_262 = arith.index_cast %add3A_214 : i32 to index
        %get3A_263 = arith.constant 32 : index
        %get3A_264 = tpu.vector_load %arg17[%get3A_262, %get3A_263] {strides = array<i32>} : memref<40x128xf32, #tpu.memory_space<vmem>>, vector<1x16xf32>,
        %get3A_265 = vector.shape_cast %get3A_264 : vector<1x16xf32> to vector<16xf32>
        %add3A_266 = arith.addf %get3A_261, %get3A_265 : vector<16xf32>
        %get3A_267 = arith.index_cast %add3A_214 : i32 to index
        %get3A_268 = arith.constant 32 : index
        %get3A_269 = tpu.vector_load %arg18[%get3A_267, %get3A_268] {strides = array<i32>} : memref<40x128xf32, #tpu.memory_space<vmem>>, vector<1x16xf32>,
        %get3A_270 = vector.shape_cast %get3A_269 : vector<1x16xf32> to vector<16xf32>
        %add3A_271 = arith.addf %add3A_266, %get3A_270 : vector<16xf32>
        %max3A_272 = arith.constant 0.000000e+00 : f32
        %max3A_273 = vector.broadcast %max3A_272 : f32 to vector<16xf32>
        %max3A_274 = arith.maximumf %add3A_271, %max3A_273 : vector<16xf32>
        %get3A_275 = arith.index_cast %add3A_214 : i32 to index
        %get3A_276 = arith.constant 48 : index
        %get3A_277 = tpu.vector_load %arg16[%get3A_275, %get3A_276] {strides = array<i32>} : memref<40x128xf32, #tpu.memory_space<vmem>>, vector<1x16xf32>,
        %get3A_278 = vector.shape_cast %get3A_277 : vector<1x16xf32> to vector<16xf32>
        %get3A_279 = arith.index_cast %add3A_214 : i32 to index
        %get3A_280 = arith.constant 48 : index
        %get3A_281 = tpu.vector_load %arg17[%get3A_279, %get3A_280] {strides = array<i32>} : memref<40x128xf32, #tpu.memory_space<vmem>>, vector<1x16xf32>,
        %get3A_282 = vector.shape_cast %get3A_281 : vector<1x16xf32> to vector<16xf32>
        %add3A_283 = arith.addf %get3A_278, %get3A_282 : vector<16xf32>
        %get3A_284 = arith.index_cast %add3A_214 : i32 to index
        %get3A_285 = arith.constant 48 : index
        %get3A_286 = tpu.vector_load %arg18[%get3A_284, %get3A_285] {strides = array<i32>} : memref<40x128xf32, #tpu.memory_space<vmem>>, vector<1x16xf32>,
        %get3A_287 = vector.shape_cast %get3A_286 : vector<1x16xf32> to vector<16xf32>
        %add3A_288 = arith.addf %add3A_283, %get3A_287 : vector<16xf32>
        %max3A_289 = arith.constant 0.000000e+00 : f32
        %max3A_290 = vector.broadcast %max3A_289 : f32 to vector<16xf32>
        %max3A_291 = arith.maximumf %add3A_288, %max3A_290 : vector<16xf32>
        %swap3A_292 = arith.index_cast %add3A_214 : i32 to index
        %swap3A_293 = arith.constant 32 : index
        %swap3A_294 = tpu.vector_load %arg16[%swap3A_292, %swap3A_293] {strides = array<i32>} : memref<40x128xf32, #tpu.memory_space<vmem>>, vector<1x16xf32>,
        %swap3A_295 = vector.shape_cast %swap3A_294 : vector<1x16xf32> to vector<16xf32>
        %swap3A_296 = vector.shape_cast %max3A_274 : vector<16xf32> to vector<1x16xf32>
        tpu.vector_store %arg16[%swap3A_292, %swap3A_293], %swap3A_296 {strides = array<i32>} : memref<40x128xf32, #tpu.memory_space<vmem>>, vector<1x16xf32>,
        %swap3A_297 = arith.index_cast %add3A_214 : i32 to index
        %swap3A_298 = arith.constant 48 : index
        %swap3A_299 = tpu.vector_load %arg16[%swap3A_297, %swap3A_298] {strides = array<i32>} : memref<40x128xf32, #tpu.memory_space<vmem>>, vector<1x16xf32>,
        %swap3A_300 = vector.shape_cast %swap3A_299 : vector<1x16xf32> to vector<16xf32>
        %swap3A_301 = vector.shape_cast %max3A_291 : vector<16xf32> to vector<1x16xf32>
        tpu.vector_store %arg16[%swap3A_297, %swap3A_298], %swap3A_301 {strides = array<i32>} : memref<40x128xf32, #tpu.memory_space<vmem>>, vector<1x16xf32>,
        %get3A_302 = arith.index_cast %add3A_214 : i32 to index
        %get3A_303 = arith.constant 64 : index
        %get3A_304 = tpu.vector_load %arg16[%get3A_302, %get3A_303] {strides = array<i32>} : memref<40x128xf32, #tpu.memory_space<vmem>>, vector<1x16xf32>,
        %get3A_305 = vector.shape_cast %get3A_304 : vector<1x16xf32> to vector<16xf32>
        %get3A_306 = arith.index_cast %add3A_214 : i32 to index
        %get3A_307 = arith.constant 64 : index
        %get3A_308 = tpu.vector_load %arg17[%get3A_306, %get3A_307] {strides = array<i32>} : memref<40x128xf32, #tpu.memory_space<vmem>>, vector<1x16xf32>,
        %get3A_309 = vector.shape_cast %get3A_308 : vector<1x16xf32> to vector<16xf32>
        %add3A_310 = arith.addf %get3A_305, %get3A_309 : vector<16xf32>
        %get3A_311 = arith.index_cast %add3A_214 : i32 to index
        %get3A_312 = arith.constant 64 : index
        %get3A_313 = tpu.vector_load %arg18[%get3A_311, %get3A_312] {strides = array<i32>} : memref<40x128xf32, #tpu.memory_space<vmem>>, vector<1x16xf32>,
        %get3A_314 = vector.shape_cast %get3A_313 : vector<1x16xf32> to vector<16xf32>
        %add3A_315 = arith.addf %add3A_310, %get3A_314 : vector<16xf32>
        %max3A_316 = arith.constant 0.000000e+00 : f32
        %max3A_317 = vector.broadcast %max3A_316 : f32 to vector<16xf32>
        %max3A_318 = arith.maximumf %add3A_315, %max3A_317 : vector<16xf32>
        %get3A_319 = arith.index_cast %add3A_214 : i32 to index
        %get3A_320 = arith.constant 80 : index
        %get3A_321 = tpu.vector_load %arg16[%get3A_319, %get3A_320] {strides = array<i32>} : memref<40x128xf32, #tpu.memory_space<vmem>>, vector<1x16xf32>,
        %get3A_322 = vector.shape_cast %get3A_321 : vector<1x16xf32> to vector<16xf32>
        %get3A_323 = arith.index_cast %add3A_214 : i32 to index
        %get3A_324 = arith.constant 80 : index
        %get3A_325 = tpu.vector_load %arg17[%get3A_323, %get3A_324] {strides = array<i32>} : memref<40x128xf32, #tpu.memory_space<vmem>>, vector<1x16xf32>,
        %get3A_326 = vector.shape_cast %get3A_325 : vector<1x16xf32> to vector<16xf32>
        %add3A_327 = arith.addf %get3A_322, %get3A_326 : vector<16xf32>
        %get3A_328 = arith.index_cast %add3A_214 : i32 to index
        %get3A_329 = arith.constant 80 : index
        %get3A_330 = tpu.vector_load %arg18[%get3A_328, %get3A_329] {strides = array<i32>} : memref<40x128xf32, #tpu.memory_space<vmem>>, vector<1x16xf32>,
        %get3A_331 = vector.shape_cast %get3A_330 : vector<1x16xf32> to vector<16xf32>
        %add3A_332 = arith.addf %add3A_327, %get3A_331 : vector<16xf32>
        %max3A_333 = arith.constant 0.000000e+00 : f32
        %max3A_334 = vector.broadcast %max3A_333 : f32 to vector<16xf32>
        %max3A_335 = arith.maximumf %add3A_332, %max3A_334 : vector<16xf32>
        %swap3A_336 = arith.index_cast %add3A_214 : i32 to index
        %swap3A_337 = arith.constant 64 : index
        %swap3A_338 = tpu.vector_load %arg16[%swap3A_336, %swap3A_337] {strides = array<i32>} : memref<40x128xf32, #tpu.memory_space<vmem>>, vector<1x16xf32>,
        %swap3A_339 = vector.shape_cast %swap3A_338 : vector<1x16xf32> to vector<16xf32>
        %swap3A_340 = vector.shape_cast %max3A_318 : vector<16xf32> to vector<1x16xf32>
        tpu.vector_store %arg16[%swap3A_336, %swap3A_337], %swap3A_340 {strides = array<i32>} : memref<40x128xf32, #tpu.memory_space<vmem>>, vector<1x16xf32>,
        %swap3A_341 = arith.index_cast %add3A_214 : i32 to index
        %swap3A_342 = arith.constant 80 : index
        %swap3A_343 = tpu.vector_load %arg16[%swap3A_341, %swap3A_342] {strides = array<i32>} : memref<40x128xf32, #tpu.memory_space<vmem>>, vector<1x16xf32>,
        %swap3A_344 = vector.shape_cast %swap3A_343 : vector<1x16xf32> to vector<16xf32>
        %swap3A_345 = vector.shape_cast %max3A_335 : vector<16xf32> to vector<1x16xf32>
        tpu.vector_store %arg16[%swap3A_341, %swap3A_342], %swap3A_345 {strides = array<i32>} : memref<40x128xf32, #tpu.memory_space<vmem>>, vector<1x16xf32>,
        %get3A_346 = arith.index_cast %add3A_214 : i32 to index
        %get3A_347 = arith.constant 96 : index
        %get3A_348 = tpu.vector_load %arg16[%get3A_346, %get3A_347] {strides = array<i32>} : memref<40x128xf32, #tpu.memory_space<vmem>>, vector<1x16xf32>,
        %get3A_349 = vector.shape_cast %get3A_348 : vector<1x16xf32> to vector<16xf32>
        %get3A_350 = arith.index_cast %add3A_214 : i32 to index
        %get3A_351 = arith.constant 96 : index
        %get3A_352 = tpu.vector_load %arg17[%get3A_350, %get3A_351] {strides = array<i32>} : memref<40x128xf32, #tpu.memory_space<vmem>>, vector<1x16xf32>,
        %get3A_353 = vector.shape_cast %get3A_352 : vector<1x16xf32> to vector<16xf32>
        %add3A_354 = arith.addf %get3A_349, %get3A_353 : vector<16xf32>
        %get3A_355 = arith.index_cast %add3A_214 : i32 to index
        %get3A_356 = arith.constant 96 : index
        %get3A_357 = tpu.vector_load %arg18[%get3A_355, %get3A_356] {strides = array<i32>} : memref<40x128xf32, #tpu.memory_space<vmem>>, vector<1x16xf32>,
        %get3A_358 = vector.shape_cast %get3A_357 : vector<1x16xf32> to vector<16xf32>
        %add3A_359 = arith.addf %add3A_354, %get3A_358 : vector<16xf32>
        %max3A_360 = arith.constant 0.000000e+00 : f32
        %max3A_361 = vector.broadcast %max3A_360 : f32 to vector<16xf32>
        %max3A_362 = arith.maximumf %add3A_359, %max3A_361 : vector<16xf32>
        %get3A_363 = arith.index_cast %add3A_214 : i32 to index
        %get3A_364 = arith.constant 112 : index
        %get3A_365 = tpu.vector_load %arg16[%get3A_363, %get3A_364] {strides = array<i32>} : memref<40x128xf32, #tpu.memory_space<vmem>>, vector<1x16xf32>,
        %get3A_366 = vector.shape_cast %get3A_365 : vector<1x16xf32> to vector<16xf32>
        %get3A_367 = arith.index_cast %add3A_214 : i32 to index
        %get3A_368 = arith.constant 112 : index
        %get3A_369 = tpu.vector_load %arg17[%get3A_367, %get3A_368] {strides = array<i32>} : memref<40x128xf32, #tpu.memory_space<vmem>>, vector<1x16xf32>,
        %get3A_370 = vector.shape_cast %get3A_369 : vector<1x16xf32> to vector<16xf32>
        %add3A_371 = arith.addf %get3A_366, %get3A_370 : vector<16xf32>
        %get3A_372 = arith.index_cast %add3A_214 : i32 to index
        %get3A_373 = arith.constant 112 : index
        %get3A_374 = tpu.vector_load %arg18[%get3A_372, %get3A_373] {strides = array<i32>} : memref<40x128xf32, #tpu.memory_space<vmem>>, vector<1x16xf32>,
        %get3A_375 = vector.shape_cast %get3A_374 : vector<1x16xf32> to vector<16xf32>
        %add3A_376 = arith.addf %add3A_371, %get3A_375 : vector<16xf32>
        %max3A_377 = arith.constant 0.000000e+00 : f32
        %max3A_378 = vector.broadcast %max3A_377 : f32 to vector<16xf32>
        %max3A_379 = arith.maximumf %add3A_376, %max3A_378 : vector<16xf32>
        %swap3A_380 = arith.index_cast %add3A_214 : i32 to index
        %swap3A_381 = arith.constant 96 : index
        %swap3A_382 = tpu.vector_load %arg16[%swap3A_380, %swap3A_381] {strides = array<i32>} : memref<40x128xf32, #tpu.memory_space<vmem>>, vector<1x16xf32>,
        %swap3A_383 = vector.shape_cast %swap3A_382 : vector<1x16xf32> to vector<16xf32>
        %swap3A_384 = vector.shape_cast %max3A_362 : vector<16xf32> to vector<1x16xf32>
        tpu.vector_store %arg16[%swap3A_380, %swap3A_381], %swap3A_384 {strides = array<i32>} : memref<40x128xf32, #tpu.memory_space<vmem>>, vector<1x16xf32>,
        %swap3A_385 = arith.index_cast %add3A_214 : i32 to index
        %swap3A_386 = arith.constant 112 : index
        %swap3A_387 = tpu.vector_load %arg16[%swap3A_385, %swap3A_386] {strides = array<i32>} : memref<40x128xf32, #tpu.memory_space<vmem>>, vector<1x16xf32>,
        %swap3A_388 = vector.shape_cast %swap3A_387 : vector<1x16xf32> to vector<16xf32>
        %swap3A_389 = vector.shape_cast %max3A_379 : vector<16xf32> to vector<1x16xf32>
        tpu.vector_store %arg16[%swap3A_385, %swap3A_386], %swap3A_389 {strides = array<i32>} : memref<40x128xf32, #tpu.memory_space<vmem>>, vector<1x16xf32>,
        %mul3A_390 = arith.constant 2 : i32
        %mul3A_391 = arith.muli %mul3A_390, %scan3A_209 : i32
        %add3A_392 = arith.constant 1 : i32
        %add3A_393 = arith.addi %mul3A_391, %add3A_392 : i32
        %get3A_394 = arith.index_cast %add3A_393 : i32 to index
        %get3A_395 = arith.constant 0 : index
        %get3A_396 = tpu.vector_load %arg16[%get3A_394, %get3A_395] {strides = array<i32>} : memref<40x128xf32, #tpu.memory_space<vmem>>, vector<1x16xf32>,
        %get3A_397 = vector.shape_cast %get3A_396 : vector<1x16xf32> to vector<16xf32>
        %get3A_398 = arith.index_cast %add3A_393 : i32 to index
        %get3A_399 = arith.constant 0 : index
        %get3A_400 = tpu.vector_load %arg17[%get3A_398, %get3A_399] {strides = array<i32>} : memref<40x128xf32, #tpu.memory_space<vmem>>, vector<1x16xf32>,
        %get3A_401 = vector.shape_cast %get3A_400 : vector<1x16xf32> to vector<16xf32>
        %add3A_402 = arith.addf %get3A_397, %get3A_401 : vector<16xf32>
        %get3A_403 = arith.index_cast %add3A_393 : i32 to index
        %get3A_404 = arith.constant 0 : index
        %get3A_405 = tpu.vector_load %arg18[%get3A_403, %get3A_404] {strides = array<i32>} : memref<40x128xf32, #tpu.memory_space<vmem>>, vector<1x16xf32>,
        %get3A_406 = vector.shape_cast %get3A_405 : vector<1x16xf32> to vector<16xf32>
        %add3A_407 = arith.addf %add3A_402, %get3A_406 : vector<16xf32>
        %max3A_408 = arith.constant 0.000000e+00 : f32
        %max3A_409 = vector.broadcast %max3A_408 : f32 to vector<16xf32>
        %max3A_410 = arith.maximumf %add3A_407, %max3A_409 : vector<16xf32>
        %get3A_411 = arith.index_cast %add3A_393 : i32 to index
        %get3A_412 = arith.constant 16 : index
        %get3A_413 = tpu.vector_load %arg16[%get3A_411, %get3A_412] {strides = array<i32>} : memref<40x128xf32, #tpu.memory_space<vmem>>, vector<1x16xf32>,
        %get3A_414 = vector.shape_cast %get3A_413 : vector<1x16xf32> to vector<16xf32>
        %get3A_415 = arith.index_cast %add3A_393 : i32 to index
        %get3A_416 = arith.constant 16 : index
        %get3A_417 = tpu.vector_load %arg17[%get3A_415, %get3A_416] {strides = array<i32>} : memref<40x128xf32, #tpu.memory_space<vmem>>, vector<1x16xf32>,
        %get3A_418 = vector.shape_cast %get3A_417 : vector<1x16xf32> to vector<16xf32>
        %add3A_419 = arith.addf %get3A_414, %get3A_418 : vector<16xf32>
        %get3A_420 = arith.index_cast %add3A_393 : i32 to index
        %get3A_421 = arith.constant 16 : index
        %get3A_422 = tpu.vector_load %arg18[%get3A_420, %get3A_421] {strides = array<i32>} : memref<40x128xf32, #tpu.memory_space<vmem>>, vector<1x16xf32>,
        %get3A_423 = vector.shape_cast %get3A_422 : vector<1x16xf32> to vector<16xf32>
        %add3A_424 = arith.addf %add3A_419, %get3A_423 : vector<16xf32>
        %max3A_425 = arith.constant 0.000000e+00 : f32
        %max3A_426 = vector.broadcast %max3A_425 : f32 to vector<16xf32>
        %max3A_427 = arith.maximumf %add3A_424, %max3A_426 : vector<16xf32>
        %swap3A_428 = arith.index_cast %add3A_393 : i32 to index
        %swap3A_429 = arith.constant 0 : index
        %swap3A_430 = tpu.vector_load %arg16[%swap3A_428, %swap3A_429] {strides = array<i32>} : memref<40x128xf32, #tpu.memory_space<vmem>>, vector<1x16xf32>,
        %swap3A_431 = vector.shape_cast %swap3A_430 : vector<1x16xf32> to vector<16xf32>
        %swap3A_432 = vector.shape_cast %max3A_410 : vector<16xf32> to vector<1x16xf32>
        tpu.vector_store %arg16[%swap3A_428, %swap3A_429], %swap3A_432 {strides = array<i32>} : memref<40x128xf32, #tpu.memory_space<vmem>>, vector<1x16xf32>,
        %swap3A_433 = arith.index_cast %add3A_393 : i32 to index
        %swap3A_434 = arith.constant 16 : index
        %swap3A_435 = tpu.vector_load %arg16[%swap3A_433, %swap3A_434] {strides = array<i32>} : memref<40x128xf32, #tpu.memory_space<vmem>>, vector<1x16xf32>,
        %swap3A_436 = vector.shape_cast %swap3A_435 : vector<1x16xf32> to vector<16xf32>
        %swap3A_437 = vector.shape_cast %max3A_427 : vector<16xf32> to vector<1x16xf32>
        tpu.vector_store %arg16[%swap3A_433, %swap3A_434], %swap3A_437 {strides = array<i32>} : memref<40x128xf32, #tpu.memory_space<vmem>>, vector<1x16xf32>,
        %get3A_438 = arith.index_cast %add3A_393 : i32 to index
        %get3A_439 = arith.constant 32 : index
        %get3A_440 = tpu.vector_load %arg16[%get3A_438, %get3A_439] {strides = array<i32>} : memref<40x128xf32, #tpu.memory_space<vmem>>, vector<1x16xf32>,
        %get3A_441 = vector.shape_cast %get3A_440 : vector<1x16xf32> to vector<16xf32>
        %get3A_442 = arith.index_cast %add3A_393 : i32 to index
        %get3A_443 = arith.constant 32 : index
        %get3A_444 = tpu.vector_load %arg17[%get3A_442, %get3A_443] {strides = array<i32>} : memref<40x128xf32, #tpu.memory_space<vmem>>, vector<1x16xf32>,
        %get3A_445 = vector.shape_cast %get3A_444 : vector<1x16xf32> to vector<16xf32>
        %add3A_446 = arith.addf %get3A_441, %get3A_445 : vector<16xf32>
        %get3A_447 = arith.index_cast %add3A_393 : i32 to index
        %get3A_448 = arith.constant 32 : index
        %get3A_449 = tpu.vector_load %arg18[%get3A_447, %get3A_448] {strides = array<i32>} : memref<40x128xf32, #tpu.memory_space<vmem>>, vector<1x16xf32>,
        %get3A_450 = vector.shape_cast %get3A_449 : vector<1x16xf32> to vector<16xf32>
        %add3A_451 = arith.addf %add3A_446, %get3A_450 : vector<16xf32>
        %max3A_452 = arith.constant 0.000000e+00 : f32
        %max3A_453 = vector.broadcast %max3A_452 : f32 to vector<16xf32>
        %max3A_454 = arith.maximumf %add3A_451, %max3A_453 : vector<16xf32>
        %get3A_455 = arith.index_cast %add3A_393 : i32 to index
        %get3A_456 = arith.constant 48 : index
        %get3A_457 = tpu.vector_load %arg16[%get3A_455, %get3A_456] {strides = array<i32>} : memref<40x128xf32, #tpu.memory_space<vmem>>, vector<1x16xf32>,
        %get3A_458 = vector.shape_cast %get3A_457 : vector<1x16xf32> to vector<16xf32>
        %get3A_459 = arith.index_cast %add3A_393 : i32 to index
        %get3A_460 = arith.constant 48 : index
        %get3A_461 = tpu.vector_load %arg17[%get3A_459, %get3A_460] {strides = array<i32>} : memref<40x128xf32, #tpu.memory_space<vmem>>, vector<1x16xf32>,
        %get3A_462 = vector.shape_cast %get3A_461 : vector<1x16xf32> to vector<16xf32>
        %add3A_463 = arith.addf %get3A_458, %get3A_462 : vector<16xf32>
        %get3A_464 = arith.index_cast %add3A_393 : i32 to index
        %get3A_465 = arith.constant 48 : index
        %get3A_466 = tpu.vector_load %arg18[%get3A_464, %get3A_465] {strides = array<i32>} : memref<40x128xf32, #tpu.memory_space<vmem>>, vector<1x16xf32>,
        %get3A_467 = vector.shape_cast %get3A_466 : vector<1x16xf32> to vector<16xf32>
        %add3A_468 = arith.addf %add3A_463, %get3A_467 : vector<16xf32>
        %max3A_469 = arith.constant 0.000000e+00 : f32
        %max3A_470 = vector.broadcast %max3A_469 : f32 to vector<16xf32>
        %max3A_471 = arith.maximumf %add3A_468, %max3A_470 : vector<16xf32>
        %swap3A_472 = arith.index_cast %add3A_393 : i32 to index
        %swap3A_473 = arith.constant 32 : index
        %swap3A_474 = tpu.vector_load %arg16[%swap3A_472, %swap3A_473] {strides = array<i32>} : memref<40x128xf32, #tpu.memory_space<vmem>>, vector<1x16xf32>,
        %swap3A_475 = vector.shape_cast %swap3A_474 : vector<1x16xf32> to vector<16xf32>
        %swap3A_476 = vector.shape_cast %max3A_454 : vector<16xf32> to vector<1x16xf32>
        tpu.vector_store %arg16[%swap3A_472, %swap3A_473], %swap3A_476 {strides = array<i32>} : memref<40x128xf32, #tpu.memory_space<vmem>>, vector<1x16xf32>,
        %swap3A_477 = arith.index_cast %add3A_393 : i32 to index
        %swap3A_478 = arith.constant 48 : index
        %swap3A_479 = tpu.vector_load %arg16[%swap3A_477, %swap3A_478] {strides = array<i32>} : memref<40x128xf32, #tpu.memory_space<vmem>>, vector<1x16xf32>,
        %swap3A_480 = vector.shape_cast %swap3A_479 : vector<1x16xf32> to vector<16xf32>
        %swap3A_481 = vector.shape_cast %max3A_471 : vector<16xf32> to vector<1x16xf32>
        tpu.vector_store %arg16[%swap3A_477, %swap3A_478], %swap3A_481 {strides = array<i32>} : memref<40x128xf32, #tpu.memory_space<vmem>>, vector<1x16xf32>,
        %get3A_482 = arith.index_cast %add3A_393 : i32 to index
        %get3A_483 = arith.constant 64 : index
        %get3A_484 = tpu.vector_load %arg16[%get3A_482, %get3A_483] {strides = array<i32>} : memref<40x128xf32, #tpu.memory_space<vmem>>, vector<1x16xf32>,
        %get3A_485 = vector.shape_cast %get3A_484 : vector<1x16xf32> to vector<16xf32>
        %get3A_486 = arith.index_cast %add3A_393 : i32 to index
        %get3A_487 = arith.constant 64 : index
        %get3A_488 = tpu.vector_load %arg17[%get3A_486, %get3A_487] {strides = array<i32>} : memref<40x128xf32, #tpu.memory_space<vmem>>, vector<1x16xf32>,
        %get3A_489 = vector.shape_cast %get3A_488 : vector<1x16xf32> to vector<16xf32>
        %add3A_490 = arith.addf %get3A_485, %get3A_489 : vector<16xf32>
        %get3A_491 = arith.index_cast %add3A_393 : i32 to index
        %get3A_492 = arith.constant 64 : index
        %get3A_493 = tpu.vector_load %arg18[%get3A_491, %get3A_492] {strides = array<i32>} : memref<40x128xf32, #tpu.memory_space<vmem>>, vector<1x16xf32>,
        %get3A_494 = vector.shape_cast %get3A_493 : vector<1x16xf32> to vector<16xf32>
        %add3A_495 = arith.addf %add3A_490, %get3A_494 : vector<16xf32>
        %max3A_496 = arith.constant 0.000000e+00 : f32
        %max3A_497 = vector.broadcast %max3A_496 : f32 to vector<16xf32>
        %max3A_498 = arith.maximumf %add3A_495, %max3A_497 : vector<16xf32>
        %get3A_499 = arith.index_cast %add3A_393 : i32 to index
        %get3A_500 = arith.constant 80 : index
        %get3A_501 = tpu.vector_load %arg16[%get3A_499, %get3A_500] {strides = array<i32>} : memref<40x128xf32, #tpu.memory_space<vmem>>, vector<1x16xf32>,
        %get3A_502 = vector.shape_cast %get3A_501 : vector<1x16xf32> to vector<16xf32>
        %get3A_503 = arith.index_cast %add3A_393 : i32 to index
        %get3A_504 = arith.constant 80 : index
        %get3A_505 = tpu.vector_load %arg17[%get3A_503, %get3A_504] {strides = array<i32>} : memref<40x128xf32, #tpu.memory_space<vmem>>, vector<1x16xf32>,
        %get3A_506 = vector.shape_cast %get3A_505 : vector<1x16xf32> to vector<16xf32>
        %add3A_507 = arith.addf %get3A_502, %get3A_506 : vector<16xf32>
        %get3A_508 = arith.index_cast %add3A_393 : i32 to index
        %get3A_509 = arith.constant 80 : index
        %get3A_510 = tpu.vector_load %arg18[%get3A_508, %get3A_509] {strides = array<i32>} : memref<40x128xf32, #tpu.memory_space<vmem>>, vector<1x16xf32>,
        %get3A_511 = vector.shape_cast %get3A_510 : vector<1x16xf32> to vector<16xf32>
        %add3A_512 = arith.addf %add3A_507, %get3A_511 : vector<16xf32>
        %max3A_513 = arith.constant 0.000000e+00 : f32
        %max3A_514 = vector.broadcast %max3A_513 : f32 to vector<16xf32>
        %max3A_515 = arith.maximumf %add3A_512, %max3A_514 : vector<16xf32>
        %swap3A_516 = arith.index_cast %add3A_393 : i32 to index
        %swap3A_517 = arith.constant 64 : index
        %swap3A_518 = tpu.vector_load %arg16[%swap3A_516, %swap3A_517] {strides = array<i32>} : memref<40x128xf32, #tpu.memory_space<vmem>>, vector<1x16xf32>,
        %swap3A_519 = vector.shape_cast %swap3A_518 : vector<1x16xf32> to vector<16xf32>
        %swap3A_520 = vector.shape_cast %max3A_498 : vector<16xf32> to vector<1x16xf32>
        tpu.vector_store %arg16[%swap3A_516, %swap3A_517], %swap3A_520 {strides = array<i32>} : memref<40x128xf32, #tpu.memory_space<vmem>>, vector<1x16xf32>,
        %swap3A_521 = arith.index_cast %add3A_393 : i32 to index
        %swap3A_522 = arith.constant 80 : index
        %swap3A_523 = tpu.vector_load %arg16[%swap3A_521, %swap3A_522] {strides = array<i32>} : memref<40x128xf32, #tpu.memory_space<vmem>>, vector<1x16xf32>,
        %swap3A_524 = vector.shape_cast %swap3A_523 : vector<1x16xf32> to vector<16xf32>
        %swap3A_525 = vector.shape_cast %max3A_515 : vector<16xf32> to vector<1x16xf32>
        tpu.vector_store %arg16[%swap3A_521, %swap3A_522], %swap3A_525 {strides = array<i32>} : memref<40x128xf32, #tpu.memory_space<vmem>>, vector<1x16xf32>,
        %get3A_526 = arith.index_cast %add3A_393 : i32 to index
        %get3A_527 = arith.constant 96 : index
        %get3A_528 = tpu.vector_load %arg16[%get3A_526, %get3A_527] {strides = array<i32>} : memref<40x128xf32, #tpu.memory_space<vmem>>, vector<1x16xf32>,
        %get3A_529 = vector.shape_cast %get3A_528 : vector<1x16xf32> to vector<16xf32>
        %get3A_530 = arith.index_cast %add3A_393 : i32 to index
        %get3A_531 = arith.constant 96 : index
        %get3A_532 = tpu.vector_load %arg17[%get3A_530, %get3A_531] {strides = array<i32>} : memref<40x128xf32, #tpu.memory_space<vmem>>, vector<1x16xf32>,
        %get3A_533 = vector.shape_cast %get3A_532 : vector<1x16xf32> to vector<16xf32>
        %add3A_534 = arith.addf %get3A_529, %get3A_533 : vector<16xf32>
        %get3A_535 = arith.index_cast %add3A_393 : i32 to index
        %get3A_536 = arith.constant 96 : index
        %get3A_537 = tpu.vector_load %arg18[%get3A_535, %get3A_536] {strides = array<i32>} : memref<40x128xf32, #tpu.memory_space<vmem>>, vector<1x16xf32>,
        %get3A_538 = vector.shape_cast %get3A_537 : vector<1x16xf32> to vector<16xf32>
        %add3A_539 = arith.addf %add3A_534, %get3A_538 : vector<16xf32>
        %max3A_540 = arith.constant 0.000000e+00 : f32
        %max3A_541 = vector.broadcast %max3A_540 : f32 to vector<16xf32>
        %max3A_542 = arith.maximumf %add3A_539, %max3A_541 : vector<16xf32>
        %get3A_543 = arith.index_cast %add3A_393 : i32 to index
        %get3A_544 = arith.constant 112 : index
        %get3A_545 = tpu.vector_load %arg16[%get3A_543, %get3A_544] {strides = array<i32>} : memref<40x128xf32, #tpu.memory_space<vmem>>, vector<1x16xf32>,
        %get3A_546 = vector.shape_cast %get3A_545 : vector<1x16xf32> to vector<16xf32>
        %get3A_547 = arith.index_cast %add3A_393 : i32 to index
        %get3A_548 = arith.constant 112 : index
        %get3A_549 = tpu.vector_load %arg17[%get3A_547, %get3A_548] {strides = array<i32>} : memref<40x128xf32, #tpu.memory_space<vmem>>, vector<1x16xf32>,
        %get3A_550 = vector.shape_cast %get3A_549 : vector<1x16xf32> to vector<16xf32>
        %add3A_551 = arith.addf %get3A_546, %get3A_550 : vector<16xf32>
        %get3A_552 = arith.index_cast %add3A_393 : i32 to index
        %get3A_553 = arith.constant 112 : index
        %get3A_554 = tpu.vector_load %arg18[%get3A_552, %get3A_553] {strides = array<i32>} : memref<40x128xf32, #tpu.memory_space<vmem>>, vector<1x16xf32>,
        %get3A_555 = vector.shape_cast %get3A_554 : vector<1x16xf32> to vector<16xf32>
        %add3A_556 = arith.addf %add3A_551, %get3A_555 : vector<16xf32>
        %max3A_557 = arith.constant 0.000000e+00 : f32
        %max3A_558 = vector.broadcast %max3A_557 : f32 to vector<16xf32>
        %max3A_559 = arith.maximumf %add3A_556, %max3A_558 : vector<16xf32>
        %swap3A_560 = arith.index_cast %add3A_393 : i32 to index
        %swap3A_561 = arith.constant 96 : index
        %swap3A_562 = tpu.vector_load %arg16[%swap3A_560, %swap3A_561] {strides = array<i32>} : memref<40x128xf32, #tpu.memory_space<vmem>>, vector<1x16xf32>,
        %swap3A_563 = vector.shape_cast %swap3A_562 : vector<1x16xf32> to vector<16xf32>
        %swap3A_564 = vector.shape_cast %max3A_542 : vector<16xf32> to vector<1x16xf32>
        tpu.vector_store %arg16[%swap3A_560, %swap3A_561], %swap3A_564 {strides = array<i32>} : memref<40x128xf32, #tpu.memory_space<vmem>>, vector<1x16xf32>,
        %swap3A_565 = arith.index_cast %add3A_393 : i32 to index
        %swap3A_566 = arith.constant 112 : index
        %swap3A_567 = tpu.vector_load %arg16[%swap3A_565, %swap3A_566] {strides = array<i32>} : memref<40x128xf32, #tpu.memory_space<vmem>>, vector<1x16xf32>,
        %swap3A_568 = vector.shape_cast %swap3A_567 : vector<1x16xf32> to vector<16xf32>
        %swap3A_569 = vector.shape_cast %max3A_559 : vector<16xf32> to vector<1x16xf32>
        tpu.vector_store %arg16[%swap3A_565, %swap3A_566], %swap3A_569 {strides = array<i32>} : memref<40x128xf32, #tpu.memory_space<vmem>>, vector<1x16xf32>,
        %scan3A_570 = arith.constant 0 : i32
        scf.yield %scan3A_570 : i32
      }
      %scan3A_200 = arith.constant 20 : i32
      "tpu.region"() ({
        %run_scoped3A = tpu.sem_alloc : memref<!tpu.dma_semaphore, #tpu.memory_space<semaphore_mem>>
        %dma_start3A_209 = arith.constant 0 : i32
        %dma_start3A_210 = arith.constant 0 : i32
        %dma_start3A_211 = tpu.memref_slice %arg7[%dma_start3A_209, %dma_start3A_210] : memref<10000x128xf32, #tpu.memory_space<vmem_shared>> -> memref<10000x128xf32, #tpu.memory_space<vmem_shared>>
        tpu.enqueue_indirect_dma source(%arg16 : memref<40x128xf32, #tpu.memory_space<vmem>>) target(%dma_start3A_211 : memref<10000x128xf32, #tpu.memory_space<vmem_shared>>) offsets(%arg11 : memref<40xi32, #tpu.memory_space<vmem>>) semaphore(%run_scoped3A : memref<!tpu.dma_semaphore, #tpu.memory_space<semaphore_mem>>) {add = true}
        %dma_wait3A_212 = arith.constant 0 : i32
        %dma_wait3A_213 = arith.constant 0 : i32
        %dma_wait3A_214 = tpu.memref_slice %arg7[%dma_wait3A_212, %dma_wait3A_213] : memref<10000x128xf32, #tpu.memory_space<vmem_shared>> -> memref<10000x128xf32, #tpu.memory_space<vmem_shared>>
        tpu.wait_indirect_dma semaphore(%run_scoped3A : memref<!tpu.dma_semaphore, #tpu.memory_space<semaphore_mem>>) src(%arg16 : memref<40x128xf32, #tpu.memory_space<vmem>>) dst(%dma_wait3A_214 : memref<10000x128xf32, #tpu.memory_space<vmem_shared>>)
        tpu.yield
      }) : () -> ()
      %add3A_201 = arith.constant 3 : i32
      %add3A_202 = arith.addi %mul3A_155, %add3A_201 : i32
      %lt3A_203 = arith.constant 250 : i32
      %lt3A_204 = arith.cmpi slt, %add3A_202, %lt3A_203 : i32
      %convert_element_type3A_205 = arith.extui %lt3A_204 : i1 to i32
      %cond3A_206 = arith.constant 0 : i32
      %cond3A_207 = arith.cmpi ne, %convert_element_type3A_205, %cond3A_206 : i32
      scf.if %cond3A_207 {
        %add3A_209 = arith.constant 3 : i32
        %add3A_210 = arith.addi %mul3A_155, %add3A_209 : i32
        %mul3A_211 = arith.constant 40 : i32
        %mul3A_212 = arith.muli %add3A_210, %mul3A_211 : i32
        %add3A_213 = arith.constant 0 : i32
        %add3A_214 = arith.addi %mul3A_212, %add3A_213 : i32
        %get3A_215 = arith.index_cast %add3A_214 : i32 to index
        %get3A_216 = tpu.vector_load %arg8[%get3A_215] {strides = array<i32>} : memref<10000xi32, #tpu.memory_space<vmem>>, vector<16xi32>,
        %get3A_217 = vector.shape_cast %get3A_216 : vector<16xi32> to vector<16xi32>
        %and3A_218 = arith.constant 65535 : i32
        %and3A_219 = vector.broadcast %and3A_218 : i32 to vector<16xi32>
        %and3A_220 = arith.andi %get3A_217, %and3A_219 : vector<16xi32>
        %swap3A_221 = arith.constant 0 : index
        %swap3A_222 = tpu.vector_load %arg11[%swap3A_221] {strides = array<i32>} : memref<40xi32, #tpu.memory_space<vmem>>, vector<16xi32>,
        %swap3A_223 = vector.shape_cast %swap3A_222 : vector<16xi32> to vector<16xi32>
        %swap3A_224 = vector.shape_cast %and3A_220 : vector<16xi32> to vector<16xi32>
        tpu.vector_store %arg11[%swap3A_221], %swap3A_224 {strides = array<i32>} : memref<40xi32, #tpu.memory_space<vmem>>, vector<16xi32>,
        %shift_right_arithmetic3A_225 = arith.constant 16 : i32
        %shift_right_arithmetic3A_226 = vector.broadcast %shift_right_arithmetic3A_225 : i32 to vector<16xi32>
        %shift_right_arithmetic3A_227 = arith.shrsi %get3A_217, %shift_right_arithmetic3A_226 : vector<16xi32>
        %swap3A_228 = arith.constant 0 : index
        %swap3A_229 = tpu.vector_load %arg12[%swap3A_228] {strides = array<i32>} : memref<40xi32, #tpu.memory_space<vmem>>, vector<16xi32>,
        %swap3A_230 = vector.shape_cast %swap3A_229 : vector<16xi32> to vector<16xi32>
        %swap3A_231 = vector.shape_cast %shift_right_arithmetic3A_227 : vector<16xi32> to vector<16xi32>
        tpu.vector_store %arg12[%swap3A_228], %swap3A_231 {strides = array<i32>} : memref<40xi32, #tpu.memory_space<vmem>>, vector<16xi32>,
        %mul3A_232 = arith.constant 40 : i32
        %mul3A_233 = arith.muli %add3A_210, %mul3A_232 : i32
        %add3A_234 = arith.constant 16 : i32
        %add3A_235 = arith.addi %mul3A_233, %add3A_234 : i32
        %get3A_236 = arith.index_cast %add3A_235 : i32 to index
        %get3A_237 = tpu.vector_load %arg8[%get3A_236] {strides = array<i32>} : memref<10000xi32, #tpu.memory_space<vmem>>, vector<16xi32>,
        %get3A_238 = vector.shape_cast %get3A_237 : vector<16xi32> to vector<16xi32>
        %and3A_239 = arith.constant 65535 : i32
        %and3A_240 = vector.broadcast %and3A_239 : i32 to vector<16xi32>
        %and3A_241 = arith.andi %get3A_238, %and3A_240 : vector<16xi32>
        %swap3A_242 = arith.constant 16 : index
        %swap3A_243 = tpu.vector_load %arg11[%swap3A_242] {strides = array<i32>} : memref<40xi32, #tpu.memory_space<vmem>>, vector<16xi32>,
        %swap3A_244 = vector.shape_cast %swap3A_243 : vector<16xi32> to vector<16xi32>
        %swap3A_245 = vector.shape_cast %and3A_241 : vector<16xi32> to vector<16xi32>
        tpu.vector_store %arg11[%swap3A_242], %swap3A_245 {strides = array<i32>} : memref<40xi32, #tpu.memory_space<vmem>>, vector<16xi32>,
        %shift_right_arithmetic3A_246 = arith.constant 16 : i32
        %shift_right_arithmetic3A_247 = vector.broadcast %shift_right_arithmetic3A_246 : i32 to vector<16xi32>
        %shift_right_arithmetic3A_248 = arith.shrsi %get3A_238, %shift_right_arithmetic3A_247 : vector<16xi32>
        %swap3A_249 = arith.constant 16 : index
        %swap3A_250 = tpu.vector_load %arg12[%swap3A_249] {strides = array<i32>} : memref<40xi32, #tpu.memory_space<vmem>>, vector<16xi32>,
        %swap3A_251 = vector.shape_cast %swap3A_250 : vector<16xi32> to vector<16xi32>
        %swap3A_252 = vector.shape_cast %shift_right_arithmetic3A_248 : vector<16xi32> to vector<16xi32>
        tpu.vector_store %arg12[%swap3A_249], %swap3A_252 {strides = array<i32>} : memref<40xi32, #tpu.memory_space<vmem>>, vector<16xi32>,
        %mul3A_253 = arith.constant 40 : i32
        %mul3A_254 = arith.muli %add3A_210, %mul3A_253 : i32
        %add3A_255 = arith.constant 24 : i32
        %add3A_256 = arith.addi %mul3A_254, %add3A_255 : i32
        %get3A_257 = arith.index_cast %add3A_256 : i32 to index
        %get3A_258 = tpu.vector_load %arg8[%get3A_257] {strides = array<i32>} : memref<10000xi32, #tpu.memory_space<vmem>>, vector<16xi32>,
        %get3A_259 = vector.shape_cast %get3A_258 : vector<16xi32> to vector<16xi32>
        %and3A_260 = arith.constant 65535 : i32
        %and3A_261 = vector.broadcast %and3A_260 : i32 to vector<16xi32>
        %and3A_262 = arith.andi %get3A_259, %and3A_261 : vector<16xi32>
        %swap3A_263 = arith.constant 24 : index
        %swap3A_264 = tpu.vector_load %arg11[%swap3A_263] {strides = array<i32>} : memref<40xi32, #tpu.memory_space<vmem>>, vector<16xi32>,
        %swap3A_265 = vector.shape_cast %swap3A_264 : vector<16xi32> to vector<16xi32>
        %swap3A_266 = vector.shape_cast %and3A_262 : vector<16xi32> to vector<16xi32>
        tpu.vector_store %arg11[%swap3A_263], %swap3A_266 {strides = array<i32>} : memref<40xi32, #tpu.memory_space<vmem>>, vector<16xi32>,
        %shift_right_arithmetic3A_267 = arith.constant 16 : i32
        %shift_right_arithmetic3A_268 = vector.broadcast %shift_right_arithmetic3A_267 : i32 to vector<16xi32>
        %shift_right_arithmetic3A_269 = arith.shrsi %get3A_259, %shift_right_arithmetic3A_268 : vector<16xi32>
        %swap3A_270 = arith.constant 24 : index
        %swap3A_271 = tpu.vector_load %arg12[%swap3A_270] {strides = array<i32>} : memref<40xi32, #tpu.memory_space<vmem>>, vector<16xi32>,
        %swap3A_272 = vector.shape_cast %swap3A_271 : vector<16xi32> to vector<16xi32>
        %swap3A_273 = vector.shape_cast %shift_right_arithmetic3A_269 : vector<16xi32> to vector<16xi32>
        tpu.vector_store %arg12[%swap3A_270], %swap3A_273 {strides = array<i32>} : memref<40xi32, #tpu.memory_space<vmem>>, vector<16xi32>,
        %dma_start3A_274 = arith.constant 0 : i32
        %dma_start3A_275 = arith.constant 0 : i32
        %dma_start3A_276 = tpu.memref_slice %arg2[%dma_start3A_274, %dma_start3A_275] : memref<10000x128xf32, #tpu.memory_space<hbm>> -> memref<10000x128xf32, #tpu.memory_space<hbm>>
        tpu.enqueue_indirect_dma source(%dma_start3A_276 : memref<10000x128xf32, #tpu.memory_space<hbm>>) target(%arg16 : memref<40x128xf32, #tpu.memory_space<vmem>>) offsets(%arg11 : memref<40xi32, #tpu.memory_space<vmem>>) semaphore(%arg22 : memref<!tpu.dma_semaphore, #tpu.memory_space<semaphore_mem>>)
        %dma_start3A_277 = arith.constant 0 : i32
        %dma_start3A_278 = arith.constant 0 : i32
        %dma_start3A_279 = tpu.memref_slice %arg3[%dma_start3A_277, %dma_start3A_278] : memref<10000x128xf32, #tpu.memory_space<hbm>> -> memref<10000x128xf32, #tpu.memory_space<hbm>>
        tpu.enqueue_indirect_dma source(%dma_start3A_279 : memref<10000x128xf32, #tpu.memory_space<hbm>>) target(%arg17 : memref<40x128xf32, #tpu.memory_space<vmem>>) offsets(%arg12 : memref<40xi32, #tpu.memory_space<vmem>>) semaphore(%arg23 : memref<!tpu.dma_semaphore, #tpu.memory_space<semaphore_mem>>)
        %mul3A_280 = arith.constant 40 : i32
        %mul3A_281 = arith.muli %add3A_210, %mul3A_280 : i32
        %add3A_282 = arith.addi %mul3A_2, %mul3A_281 : i32
        %dma_start3A_283 = arith.constant 0 : i32
        %dma_start3A_284 = tpu.memref_slice %arg4[%add3A_282, %dma_start3A_283] : memref<320000x128xf32, #tpu.memory_space<hbm>> -> memref<40x128xf32, #tpu.memory_space<hbm>>
        %dma_start3A_285 = arith.constant 0 : i32
        %dma_start3A_286 = tpu.memref_slice %arg4[%add3A_282, %dma_start3A_285] : memref<320000x128xf32, #tpu.memory_space<hbm>> -> memref<40x128xf32, #tpu.memory_space<hbm>>
        tpu.enqueue_dma source(%dma_start3A_286 : memref<40x128xf32, #tpu.memory_space<hbm>>) target(%arg18 : memref<40x128xf32, #tpu.memory_space<vmem>>) target_semaphore(%arg24 : memref<!tpu.dma_semaphore, #tpu.memory_space<semaphore_mem>>)
      } else {
      }
      %scan3A_208 = arith.constant 0 : i32
      scf.yield %scan3A_208 : i32
    }
    %scan3A_143 = arith.constant 125 : i32
    %barrier3A_144 = arith.constant 0 : index
    tpu.barrier barrier_id(%barrier3A_144)
    %scan3A_145 = arith.constant 0 : i32
    %scan3A_146 = arith.constant 0 : i32
    %scan3A_147 = arith.constant 16 : i32
    %scan3A_148 = arith.addi %scan3A_146, %scan3A_147 : i32
    %scan3A_149 = arith.constant 1 : i32
    %scan3A_150 = scf.for %scan3A_152 = %scan3A_146 to %scan3A_148 step %scan3A_149 iter_args(%scan3A_153 = %scan3A_145) -> (i32)  : i32 {
      %mul3A_154 = arith.constant 16 : i32
      %mul3A_155 = arith.muli %scan3A_152, %mul3A_154 : i32
      %add3A_156 = arith.addi %arg1, %mul3A_155 : i32
      %lt3A = arith.constant 250 : i32
      %lt3A_157 = arith.cmpi slt, %add3A_156, %lt3A : i32
      %convert_element_type3A = arith.extui %lt3A_157 : i1 to i32
      %cond3A = arith.constant 0 : i32
      %cond3A_158 = arith.cmpi ne, %convert_element_type3A, %cond3A : i32
      scf.if %cond3A_158 {
        %mul3A_160 = arith.constant 40 : i32
        %mul3A_161 = arith.muli %add3A_156, %mul3A_160 : i32
        %mul3A_162 = arith.constant 40 : i32
        %mul3A_163 = arith.muli %add3A_156, %mul3A_162 : i32
        "tpu.region"() ({
          %run_scoped3A = tpu.sem_alloc : memref<!tpu.dma_semaphore, #tpu.memory_space<semaphore_mem>>
          %dma_start3A_164 = arith.constant 0 : i32
          %dma_start3A_165 = tpu.memref_slice %arg6[%arg0, %mul3A_163, %dma_start3A_164] : memref<2x10000x128xf32, #tpu.memory_space<hbm>> -> memref<1x40x128xf32, #tpu.memory_space<hbm>>
          %dma_start3A_166 = tpu.memref_squeeze %dma_start3A_165 : memref<1x40x128xf32, #tpu.memory_space<hbm>> -> memref<40x128xf32, #tpu.memory_space<hbm>>
          %dma_start3A_167 = arith.constant 0 : i32
          %dma_start3A_168 = tpu.memref_slice %arg7[%mul3A_161, %dma_start3A_167] : memref<10000x128xf32, #tpu.memory_space<vmem_shared>> -> memref<40x128xf32, #tpu.memory_space<vmem_shared>>
          tpu.enqueue_dma source(%dma_start3A_168 : memref<40x128xf32, #tpu.memory_space<vmem_shared>>) target(%dma_start3A_166 : memref<40x128xf32, #tpu.memory_space<hbm>>) target_semaphore(%run_scoped3A : memref<!tpu.dma_semaphore, #tpu.memory_space<semaphore_mem>>)
          %dma_wait3A = arith.constant 0 : i32
          %dma_wait3A_169 = tpu.memref_slice %arg6[%arg0, %mul3A_163, %dma_wait3A] : memref<2x10000x128xf32, #tpu.memory_space<hbm>> -> memref<1x40x128xf32, #tpu.memory_space<hbm>>
          %dma_wait3A_170 = tpu.memref_squeeze %dma_wait3A_169 : memref<1x40x128xf32, #tpu.memory_space<hbm>> -> memref<40x128xf32, #tpu.memory_space<hbm>>
          %dma_wait3A_171 = arith.constant 0 : i32
          %dma_wait3A_172 = tpu.memref_slice %arg7[%mul3A_161, %dma_wait3A_171] : memref<10000x128xf32, #tpu.memory_space<vmem_shared>> -> memref<40x128xf32, #tpu.memory_space<vmem_shared>>
          tpu.wait_dma2 semaphore(%run_scoped3A : memref<!tpu.dma_semaphore, #tpu.memory_space<semaphore_mem>>) src(%dma_wait3A_172 : memref<40x128xf32, #tpu.memory_space<vmem_shared>>) dst(%dma_wait3A_170 : memref<40x128xf32, #tpu.memory_space<hbm>>)
          tpu.yield
        }) : () -> ()
      } else {
      }
      %scan3A_159 = arith.constant 0 : i32
      scf.yield %scan3A_159 : i32
    }
    %scan3A_151 = arith.constant 16 : i32
    return
  }
}

#map = affine_map<(d0, d1) -> (0, 0)>
module attributes {stable_mosaic.version = 14 : i64} {
  func.func @_sc_reduce_body(%arg0: i32, %arg1: i32, %arg2: memref<10000x128xf32, #tpu.memory_space<hbm>>, %arg3: memref<10000x128xf32, #tpu.memory_space<hbm>>, %arg4: memref<320000x128xf32, #tpu.memory_space<hbm>>, %arg5: memref<32x10000xi32, #tpu.memory_space<hbm>>, %arg6: memref<32x128xf32, #tpu.memory_space<hbm>>, %arg7: memref<10000xi32, #tpu.memory_space<vmem>>, %arg8: memref<80xi32, #tpu.memory_space<vmem>>, %arg9: memref<80xi32, #tpu.memory_space<vmem>>, %arg10: memref<80xi32, #tpu.memory_space<vmem>>, %arg11: memref<80xi32, #tpu.memory_space<vmem>>, %arg12: memref<80x128xf32, #tpu.memory_space<vmem>>, %arg13: memref<80x128xf32, #tpu.memory_space<vmem>>, %arg14: memref<80x128xf32, #tpu.memory_space<vmem>>, %arg15: memref<80x128xf32, #tpu.memory_space<vmem>>, %arg16: memref<80x128xf32, #tpu.memory_space<vmem>>, %arg17: memref<80x128xf32, #tpu.memory_space<vmem>>, %arg18: memref<128xf32, #tpu.memory_space<vmem>>, %arg19: memref<!tpu.dma_semaphore, #tpu.memory_space<semaphore_mem>>, %arg20: memref<!tpu.dma_semaphore, #tpu.memory_space<semaphore_mem>>, %arg21: memref<!tpu.dma_semaphore, #tpu.memory_space<semaphore_mem>>, %arg22: memref<!tpu.dma_semaphore, #tpu.memory_space<semaphore_mem>>, %arg23: memref<!tpu.dma_semaphore, #tpu.memory_space<semaphore_mem>>, %arg24: memref<!tpu.dma_semaphore, #tpu.memory_space<semaphore_mem>>) attributes {dimension_semantics = [#tpu.dimension_semantics<core_parallel>, #tpu.dimension_semantics<subcore_parallel>], iteration_bounds = array<i64: 2, 16>, scalar_prefetch = 0 : i64, scratch_operands = 18 : i64, tpu.core_type = #tpu.core_type<sc_vector_subcore>, window_params = [{transform_indices = #map}, {transform_indices = #map}, {transform_indices = #map}, {transform_indices = #map}, {transform_indices = #map}]} {
    %mul3A = arith.constant 16 : i32
    %mul3A_0 = arith.muli %arg0, %mul3A : i32
    %add3A = arith.addi %mul3A_0, %arg1 : i32
    %mul3A_1 = arith.constant 10000 : i32
    %mul3A_2 = arith.muli %add3A, %mul3A_1 : i32
    "tpu.region"() ({
      %run_scoped3A = tpu.sem_alloc : memref<!tpu.dma_semaphore, #tpu.memory_space<semaphore_mem>>
      %dma_start3A_261 = arith.constant 0 : i32
      %dma_start3A_262 = tpu.memref_slice %arg5[%add3A, %dma_start3A_261] : memref<32x10000xi32, #tpu.memory_space<hbm>> -> memref<1x10000xi32, #tpu.memory_space<hbm>>
      %dma_start3A_263 = tpu.memref_squeeze %dma_start3A_262 : memref<1x10000xi32, #tpu.memory_space<hbm>> -> memref<10000xi32, #tpu.memory_space<hbm>>
      %dma_start3A_264 = arith.constant 0 : i32
      %dma_start3A_265 = tpu.memref_slice %arg5[%add3A, %dma_start3A_264] : memref<32x10000xi32, #tpu.memory_space<hbm>> -> memref<1x10000xi32, #tpu.memory_space<hbm>>
      %dma_start3A_266 = tpu.memref_squeeze %dma_start3A_265 : memref<1x10000xi32, #tpu.memory_space<hbm>> -> memref<10000xi32, #tpu.memory_space<hbm>>
      tpu.enqueue_dma source(%dma_start3A_266 : memref<10000xi32, #tpu.memory_space<hbm>>) target(%arg7 : memref<10000xi32, #tpu.memory_space<vmem>>) target_semaphore(%run_scoped3A : memref<!tpu.dma_semaphore, #tpu.memory_space<semaphore_mem>>)
      %dma_wait3A_267 = arith.constant 0 : i32
      %dma_wait3A_268 = tpu.memref_slice %arg5[%add3A, %dma_wait3A_267] : memref<32x10000xi32, #tpu.memory_space<hbm>> -> memref<1x10000xi32, #tpu.memory_space<hbm>>
      %dma_wait3A_269 = tpu.memref_squeeze %dma_wait3A_268 : memref<1x10000xi32, #tpu.memory_space<hbm>> -> memref<10000xi32, #tpu.memory_space<hbm>>
      %dma_wait3A_270 = arith.constant 0 : i32
      %dma_wait3A_271 = tpu.memref_slice %arg5[%add3A, %dma_wait3A_270] : memref<32x10000xi32, #tpu.memory_space<hbm>> -> memref<1x10000xi32, #tpu.memory_space<hbm>>
      %dma_wait3A_272 = tpu.memref_squeeze %dma_wait3A_271 : memref<1x10000xi32, #tpu.memory_space<hbm>> -> memref<10000xi32, #tpu.memory_space<hbm>>
      tpu.wait_dma2 semaphore(%run_scoped3A : memref<!tpu.dma_semaphore, #tpu.memory_space<semaphore_mem>>) src(%dma_wait3A_272 : memref<10000xi32, #tpu.memory_space<hbm>>) dst(%arg7 : memref<10000xi32, #tpu.memory_space<vmem>>)
      tpu.yield
    }) : () -> ()
    %get3A = arith.constant 0 : index
    %get3A_3 = tpu.vector_load %arg7[%get3A] {strides = array<i32>} : memref<10000xi32, #tpu.memory_space<vmem>>, vector<16xi32>,
    %get3A_4 = vector.shape_cast %get3A_3 : vector<16xi32> to vector<16xi32>
    %and3A = arith.constant 65535 : i32
    %and3A_5 = vector.broadcast %and3A : i32 to vector<16xi32>
    %and3A_6 = arith.andi %get3A_4, %and3A_5 : vector<16xi32>
    %swap3A = arith.constant 0 : index
    %swap3A_7 = tpu.vector_load %arg8[%swap3A] {strides = array<i32>} : memref<80xi32, #tpu.memory_space<vmem>>, vector<16xi32>,
    %swap3A_8 = vector.shape_cast %swap3A_7 : vector<16xi32> to vector<16xi32>
    %swap3A_9 = vector.shape_cast %and3A_6 : vector<16xi32> to vector<16xi32>
    tpu.vector_store %arg8[%swap3A], %swap3A_9 {strides = array<i32>} : memref<80xi32, #tpu.memory_space<vmem>>, vector<16xi32>,
    %shift_right_arithmetic3A = arith.constant 16 : i32
    %shift_right_arithmetic3A_10 = vector.broadcast %shift_right_arithmetic3A : i32 to vector<16xi32>
    %shift_right_arithmetic3A_11 = arith.shrsi %get3A_4, %shift_right_arithmetic3A_10 : vector<16xi32>
    %swap3A_12 = arith.constant 0 : index
    %swap3A_13 = tpu.vector_load %arg9[%swap3A_12] {strides = array<i32>} : memref<80xi32, #tpu.memory_space<vmem>>, vector<16xi32>,
    %swap3A_14 = vector.shape_cast %swap3A_13 : vector<16xi32> to vector<16xi32>
    %swap3A_15 = vector.shape_cast %shift_right_arithmetic3A_11 : vector<16xi32> to vector<16xi32>
    tpu.vector_store %arg9[%swap3A_12], %swap3A_15 {strides = array<i32>} : memref<80xi32, #tpu.memory_space<vmem>>, vector<16xi32>,
    %get3A_16 = arith.constant 16 : index
    %get3A_17 = tpu.vector_load %arg7[%get3A_16] {strides = array<i32>} : memref<10000xi32, #tpu.memory_space<vmem>>, vector<16xi32>,
    %get3A_18 = vector.shape_cast %get3A_17 : vector<16xi32> to vector<16xi32>
    %and3A_19 = arith.constant 65535 : i32
    %and3A_20 = vector.broadcast %and3A_19 : i32 to vector<16xi32>
    %and3A_21 = arith.andi %get3A_18, %and3A_20 : vector<16xi32>
    %swap3A_22 = arith.constant 16 : index
    %swap3A_23 = tpu.vector_load %arg8[%swap3A_22] {strides = array<i32>} : memref<80xi32, #tpu.memory_space<vmem>>, vector<16xi32>,
    %swap3A_24 = vector.shape_cast %swap3A_23 : vector<16xi32> to vector<16xi32>
    %swap3A_25 = vector.shape_cast %and3A_21 : vector<16xi32> to vector<16xi32>
    tpu.vector_store %arg8[%swap3A_22], %swap3A_25 {strides = array<i32>} : memref<80xi32, #tpu.memory_space<vmem>>, vector<16xi32>,
    %shift_right_arithmetic3A_26 = arith.constant 16 : i32
    %shift_right_arithmetic3A_27 = vector.broadcast %shift_right_arithmetic3A_26 : i32 to vector<16xi32>
    %shift_right_arithmetic3A_28 = arith.shrsi %get3A_18, %shift_right_arithmetic3A_27 : vector<16xi32>
    %swap3A_29 = arith.constant 16 : index
    %swap3A_30 = tpu.vector_load %arg9[%swap3A_29] {strides = array<i32>} : memref<80xi32, #tpu.memory_space<vmem>>, vector<16xi32>,
    %swap3A_31 = vector.shape_cast %swap3A_30 : vector<16xi32> to vector<16xi32>
    %swap3A_32 = vector.shape_cast %shift_right_arithmetic3A_28 : vector<16xi32> to vector<16xi32>
    tpu.vector_store %arg9[%swap3A_29], %swap3A_32 {strides = array<i32>} : memref<80xi32, #tpu.memory_space<vmem>>, vector<16xi32>,
    %get3A_33 = arith.constant 32 : index
    %get3A_34 = tpu.vector_load %arg7[%get3A_33] {strides = array<i32>} : memref<10000xi32, #tpu.memory_space<vmem>>, vector<16xi32>,
    %get3A_35 = vector.shape_cast %get3A_34 : vector<16xi32> to vector<16xi32>
    %and3A_36 = arith.constant 65535 : i32
    %and3A_37 = vector.broadcast %and3A_36 : i32 to vector<16xi32>
    %and3A_38 = arith.andi %get3A_35, %and3A_37 : vector<16xi32>
    %swap3A_39 = arith.constant 32 : index
    %swap3A_40 = tpu.vector_load %arg8[%swap3A_39] {strides = array<i32>} : memref<80xi32, #tpu.memory_space<vmem>>, vector<16xi32>,
    %swap3A_41 = vector.shape_cast %swap3A_40 : vector<16xi32> to vector<16xi32>
    %swap3A_42 = vector.shape_cast %and3A_38 : vector<16xi32> to vector<16xi32>
    tpu.vector_store %arg8[%swap3A_39], %swap3A_42 {strides = array<i32>} : memref<80xi32, #tpu.memory_space<vmem>>, vector<16xi32>,
    %shift_right_arithmetic3A_43 = arith.constant 16 : i32
    %shift_right_arithmetic3A_44 = vector.broadcast %shift_right_arithmetic3A_43 : i32 to vector<16xi32>
    %shift_right_arithmetic3A_45 = arith.shrsi %get3A_35, %shift_right_arithmetic3A_44 : vector<16xi32>
    %swap3A_46 = arith.constant 32 : index
    %swap3A_47 = tpu.vector_load %arg9[%swap3A_46] {strides = array<i32>} : memref<80xi32, #tpu.memory_space<vmem>>, vector<16xi32>,
    %swap3A_48 = vector.shape_cast %swap3A_47 : vector<16xi32> to vector<16xi32>
    %swap3A_49 = vector.shape_cast %shift_right_arithmetic3A_45 : vector<16xi32> to vector<16xi32>
    tpu.vector_store %arg9[%swap3A_46], %swap3A_49 {strides = array<i32>} : memref<80xi32, #tpu.memory_space<vmem>>, vector<16xi32>,
    %get3A_50 = arith.constant 48 : index
    %get3A_51 = tpu.vector_load %arg7[%get3A_50] {strides = array<i32>} : memref<10000xi32, #tpu.memory_space<vmem>>, vector<16xi32>,
    %get3A_52 = vector.shape_cast %get3A_51 : vector<16xi32> to vector<16xi32>
    %and3A_53 = arith.constant 65535 : i32
    %and3A_54 = vector.broadcast %and3A_53 : i32 to vector<16xi32>
    %and3A_55 = arith.andi %get3A_52, %and3A_54 : vector<16xi32>
    %swap3A_56 = arith.constant 48 : index
    %swap3A_57 = tpu.vector_load %arg8[%swap3A_56] {strides = array<i32>} : memref<80xi32, #tpu.memory_space<vmem>>, vector<16xi32>,
    %swap3A_58 = vector.shape_cast %swap3A_57 : vector<16xi32> to vector<16xi32>
    %swap3A_59 = vector.shape_cast %and3A_55 : vector<16xi32> to vector<16xi32>
    tpu.vector_store %arg8[%swap3A_56], %swap3A_59 {strides = array<i32>} : memref<80xi32, #tpu.memory_space<vmem>>, vector<16xi32>,
    %shift_right_arithmetic3A_60 = arith.constant 16 : i32
    %shift_right_arithmetic3A_61 = vector.broadcast %shift_right_arithmetic3A_60 : i32 to vector<16xi32>
    %shift_right_arithmetic3A_62 = arith.shrsi %get3A_52, %shift_right_arithmetic3A_61 : vector<16xi32>
    %swap3A_63 = arith.constant 48 : index
    %swap3A_64 = tpu.vector_load %arg9[%swap3A_63] {strides = array<i32>} : memref<80xi32, #tpu.memory_space<vmem>>, vector<16xi32>,
    %swap3A_65 = vector.shape_cast %swap3A_64 : vector<16xi32> to vector<16xi32>
    %swap3A_66 = vector.shape_cast %shift_right_arithmetic3A_62 : vector<16xi32> to vector<16xi32>
    tpu.vector_store %arg9[%swap3A_63], %swap3A_66 {strides = array<i32>} : memref<80xi32, #tpu.memory_space<vmem>>, vector<16xi32>,
    %get3A_67 = arith.constant 64 : index
    %get3A_68 = tpu.vector_load %arg7[%get3A_67] {strides = array<i32>} : memref<10000xi32, #tpu.memory_space<vmem>>, vector<16xi32>,
    %get3A_69 = vector.shape_cast %get3A_68 : vector<16xi32> to vector<16xi32>
    %and3A_70 = arith.constant 65535 : i32
    %and3A_71 = vector.broadcast %and3A_70 : i32 to vector<16xi32>
    %and3A_72 = arith.andi %get3A_69, %and3A_71 : vector<16xi32>
    %swap3A_73 = arith.constant 64 : index
    %swap3A_74 = tpu.vector_load %arg8[%swap3A_73] {strides = array<i32>} : memref<80xi32, #tpu.memory_space<vmem>>, vector<16xi32>,
    %swap3A_75 = vector.shape_cast %swap3A_74 : vector<16xi32> to vector<16xi32>
    %swap3A_76 = vector.shape_cast %and3A_72 : vector<16xi32> to vector<16xi32>
    tpu.vector_store %arg8[%swap3A_73], %swap3A_76 {strides = array<i32>} : memref<80xi32, #tpu.memory_space<vmem>>, vector<16xi32>,
    %shift_right_arithmetic3A_77 = arith.constant 16 : i32
    %shift_right_arithmetic3A_78 = vector.broadcast %shift_right_arithmetic3A_77 : i32 to vector<16xi32>
    %shift_right_arithmetic3A_79 = arith.shrsi %get3A_69, %shift_right_arithmetic3A_78 : vector<16xi32>
    %swap3A_80 = arith.constant 64 : index
    %swap3A_81 = tpu.vector_load %arg9[%swap3A_80] {strides = array<i32>} : memref<80xi32, #tpu.memory_space<vmem>>, vector<16xi32>,
    %swap3A_82 = vector.shape_cast %swap3A_81 : vector<16xi32> to vector<16xi32>
    %swap3A_83 = vector.shape_cast %shift_right_arithmetic3A_79 : vector<16xi32> to vector<16xi32>
    tpu.vector_store %arg9[%swap3A_80], %swap3A_83 {strides = array<i32>} : memref<80xi32, #tpu.memory_space<vmem>>, vector<16xi32>,
    %dma_start3A = arith.constant 0 : i32
    %dma_start3A_84 = arith.constant 0 : i32
    %dma_start3A_85 = tpu.memref_slice %arg2[%dma_start3A, %dma_start3A_84] : memref<10000x128xf32, #tpu.memory_space<hbm>> -> memref<10000x128xf32, #tpu.memory_space<hbm>>
    tpu.enqueue_indirect_dma source(%dma_start3A_85 : memref<10000x128xf32, #tpu.memory_space<hbm>>) target(%arg12 : memref<80x128xf32, #tpu.memory_space<vmem>>) offsets(%arg8 : memref<80xi32, #tpu.memory_space<vmem>>) semaphore(%arg19 : memref<!tpu.dma_semaphore, #tpu.memory_space<semaphore_mem>>)
    %dma_start3A_86 = arith.constant 0 : i32
    %dma_start3A_87 = arith.constant 0 : i32
    %dma_start3A_88 = tpu.memref_slice %arg3[%dma_start3A_86, %dma_start3A_87] : memref<10000x128xf32, #tpu.memory_space<hbm>> -> memref<10000x128xf32, #tpu.memory_space<hbm>>
    tpu.enqueue_indirect_dma source(%dma_start3A_88 : memref<10000x128xf32, #tpu.memory_space<hbm>>) target(%arg13 : memref<80x128xf32, #tpu.memory_space<vmem>>) offsets(%arg9 : memref<80xi32, #tpu.memory_space<vmem>>) semaphore(%arg20 : memref<!tpu.dma_semaphore, #tpu.memory_space<semaphore_mem>>)
    %add3A_89 = arith.constant 0 : i32
    %add3A_90 = arith.addi %mul3A_2, %add3A_89 : i32
    %dma_start3A_91 = arith.constant 0 : i32
    %dma_start3A_92 = tpu.memref_slice %arg4[%add3A_90, %dma_start3A_91] : memref<320000x128xf32, #tpu.memory_space<hbm>> -> memref<80x128xf32, #tpu.memory_space<hbm>>
    %dma_start3A_93 = arith.constant 0 : i32
    %dma_start3A_94 = tpu.memref_slice %arg4[%add3A_90, %dma_start3A_93] : memref<320000x128xf32, #tpu.memory_space<hbm>> -> memref<80x128xf32, #tpu.memory_space<hbm>>
    tpu.enqueue_dma source(%dma_start3A_94 : memref<80x128xf32, #tpu.memory_space<hbm>>) target(%arg14 : memref<80x128xf32, #tpu.memory_space<vmem>>) target_semaphore(%arg21 : memref<!tpu.dma_semaphore, #tpu.memory_space<semaphore_mem>>)
    %get3A_95 = arith.constant 80 : index
    %get3A_96 = tpu.vector_load %arg7[%get3A_95] {strides = array<i32>} : memref<10000xi32, #tpu.memory_space<vmem>>, vector<16xi32>,
    %get3A_97 = vector.shape_cast %get3A_96 : vector<16xi32> to vector<16xi32>
    %and3A_98 = arith.constant 65535 : i32
    %and3A_99 = vector.broadcast %and3A_98 : i32 to vector<16xi32>
    %and3A_100 = arith.andi %get3A_97, %and3A_99 : vector<16xi32>
    %swap3A_101 = arith.constant 0 : index
    %swap3A_102 = tpu.vector_load %arg10[%swap3A_101] {strides = array<i32>} : memref<80xi32, #tpu.memory_space<vmem>>, vector<16xi32>,
    %swap3A_103 = vector.shape_cast %swap3A_102 : vector<16xi32> to vector<16xi32>
    %swap3A_104 = vector.shape_cast %and3A_100 : vector<16xi32> to vector<16xi32>
    tpu.vector_store %arg10[%swap3A_101], %swap3A_104 {strides = array<i32>} : memref<80xi32, #tpu.memory_space<vmem>>, vector<16xi32>,
    %shift_right_arithmetic3A_105 = arith.constant 16 : i32
    %shift_right_arithmetic3A_106 = vector.broadcast %shift_right_arithmetic3A_105 : i32 to vector<16xi32>
    %shift_right_arithmetic3A_107 = arith.shrsi %get3A_97, %shift_right_arithmetic3A_106 : vector<16xi32>
    %swap3A_108 = arith.constant 0 : index
    %swap3A_109 = tpu.vector_load %arg11[%swap3A_108] {strides = array<i32>} : memref<80xi32, #tpu.memory_space<vmem>>, vector<16xi32>,
    %swap3A_110 = vector.shape_cast %swap3A_109 : vector<16xi32> to vector<16xi32>
    %swap3A_111 = vector.shape_cast %shift_right_arithmetic3A_107 : vector<16xi32> to vector<16xi32>
    tpu.vector_store %arg11[%swap3A_108], %swap3A_111 {strides = array<i32>} : memref<80xi32, #tpu.memory_space<vmem>>, vector<16xi32>,
    %get3A_112 = arith.constant 96 : index
    %get3A_113 = tpu.vector_load %arg7[%get3A_112] {strides = array<i32>} : memref<10000xi32, #tpu.memory_space<vmem>>, vector<16xi32>,
    %get3A_114 = vector.shape_cast %get3A_113 : vector<16xi32> to vector<16xi32>
    %and3A_115 = arith.constant 65535 : i32
    %and3A_116 = vector.broadcast %and3A_115 : i32 to vector<16xi32>
    %and3A_117 = arith.andi %get3A_114, %and3A_116 : vector<16xi32>
    %swap3A_118 = arith.constant 16 : index
    %swap3A_119 = tpu.vector_load %arg10[%swap3A_118] {strides = array<i32>} : memref<80xi32, #tpu.memory_space<vmem>>, vector<16xi32>,
    %swap3A_120 = vector.shape_cast %swap3A_119 : vector<16xi32> to vector<16xi32>
    %swap3A_121 = vector.shape_cast %and3A_117 : vector<16xi32> to vector<16xi32>
    tpu.vector_store %arg10[%swap3A_118], %swap3A_121 {strides = array<i32>} : memref<80xi32, #tpu.memory_space<vmem>>, vector<16xi32>,
    %shift_right_arithmetic3A_122 = arith.constant 16 : i32
    %shift_right_arithmetic3A_123 = vector.broadcast %shift_right_arithmetic3A_122 : i32 to vector<16xi32>
    %shift_right_arithmetic3A_124 = arith.shrsi %get3A_114, %shift_right_arithmetic3A_123 : vector<16xi32>
    %swap3A_125 = arith.constant 16 : index
    %swap3A_126 = tpu.vector_load %arg11[%swap3A_125] {strides = array<i32>} : memref<80xi32, #tpu.memory_space<vmem>>, vector<16xi32>,
    %swap3A_127 = vector.shape_cast %swap3A_126 : vector<16xi32> to vector<16xi32>
    %swap3A_128 = vector.shape_cast %shift_right_arithmetic3A_124 : vector<16xi32> to vector<16xi32>
    tpu.vector_store %arg11[%swap3A_125], %swap3A_128 {strides = array<i32>} : memref<80xi32, #tpu.memory_space<vmem>>, vector<16xi32>,
    %get3A_129 = arith.constant 112 : index
    %get3A_130 = tpu.vector_load %arg7[%get3A_129] {strides = array<i32>} : memref<10000xi32, #tpu.memory_space<vmem>>, vector<16xi32>,
    %get3A_131 = vector.shape_cast %get3A_130 : vector<16xi32> to vector<16xi32>
    %and3A_132 = arith.constant 65535 : i32
    %and3A_133 = vector.broadcast %and3A_132 : i32 to vector<16xi32>
    %and3A_134 = arith.andi %get3A_131, %and3A_133 : vector<16xi32>
    %swap3A_135 = arith.constant 32 : index
    %swap3A_136 = tpu.vector_load %arg10[%swap3A_135] {strides = array<i32>} : memref<80xi32, #tpu.memory_space<vmem>>, vector<16xi32>,
    %swap3A_137 = vector.shape_cast %swap3A_136 : vector<16xi32> to vector<16xi32>
    %swap3A_138 = vector.shape_cast %and3A_134 : vector<16xi32> to vector<16xi32>
    tpu.vector_store %arg10[%swap3A_135], %swap3A_138 {strides = array<i32>} : memref<80xi32, #tpu.memory_space<vmem>>, vector<16xi32>,
    %shift_right_arithmetic3A_139 = arith.constant 16 : i32
    %shift_right_arithmetic3A_140 = vector.broadcast %shift_right_arithmetic3A_139 : i32 to vector<16xi32>
    %shift_right_arithmetic3A_141 = arith.shrsi %get3A_131, %shift_right_arithmetic3A_140 : vector<16xi32>
    %swap3A_142 = arith.constant 32 : index
    %swap3A_143 = tpu.vector_load %arg11[%swap3A_142] {strides = array<i32>} : memref<80xi32, #tpu.memory_space<vmem>>, vector<16xi32>,
    %swap3A_144 = vector.shape_cast %swap3A_143 : vector<16xi32> to vector<16xi32>
    %swap3A_145 = vector.shape_cast %shift_right_arithmetic3A_141 : vector<16xi32> to vector<16xi32>
    tpu.vector_store %arg11[%swap3A_142], %swap3A_145 {strides = array<i32>} : memref<80xi32, #tpu.memory_space<vmem>>, vector<16xi32>,
    %get3A_146 = arith.constant 128 : index
    %get3A_147 = tpu.vector_load %arg7[%get3A_146] {strides = array<i32>} : memref<10000xi32, #tpu.memory_space<vmem>>, vector<16xi32>,
    %get3A_148 = vector.shape_cast %get3A_147 : vector<16xi32> to vector<16xi32>
    %and3A_149 = arith.constant 65535 : i32
    %and3A_150 = vector.broadcast %and3A_149 : i32 to vector<16xi32>
    %and3A_151 = arith.andi %get3A_148, %and3A_150 : vector<16xi32>
    %swap3A_152 = arith.constant 48 : index
    %swap3A_153 = tpu.vector_load %arg10[%swap3A_152] {strides = array<i32>} : memref<80xi32, #tpu.memory_space<vmem>>, vector<16xi32>,
    %swap3A_154 = vector.shape_cast %swap3A_153 : vector<16xi32> to vector<16xi32>
    %swap3A_155 = vector.shape_cast %and3A_151 : vector<16xi32> to vector<16xi32>
    tpu.vector_store %arg10[%swap3A_152], %swap3A_155 {strides = array<i32>} : memref<80xi32, #tpu.memory_space<vmem>>, vector<16xi32>,
    %shift_right_arithmetic3A_156 = arith.constant 16 : i32
    %shift_right_arithmetic3A_157 = vector.broadcast %shift_right_arithmetic3A_156 : i32 to vector<16xi32>
    %shift_right_arithmetic3A_158 = arith.shrsi %get3A_148, %shift_right_arithmetic3A_157 : vector<16xi32>
    %swap3A_159 = arith.constant 48 : index
    %swap3A_160 = tpu.vector_load %arg11[%swap3A_159] {strides = array<i32>} : memref<80xi32, #tpu.memory_space<vmem>>, vector<16xi32>,
    %swap3A_161 = vector.shape_cast %swap3A_160 : vector<16xi32> to vector<16xi32>
    %swap3A_162 = vector.shape_cast %shift_right_arithmetic3A_158 : vector<16xi32> to vector<16xi32>
    tpu.vector_store %arg11[%swap3A_159], %swap3A_162 {strides = array<i32>} : memref<80xi32, #tpu.memory_space<vmem>>, vector<16xi32>,
    %get3A_163 = arith.constant 144 : index
    %get3A_164 = tpu.vector_load %arg7[%get3A_163] {strides = array<i32>} : memref<10000xi32, #tpu.memory_space<vmem>>, vector<16xi32>,
    %get3A_165 = vector.shape_cast %get3A_164 : vector<16xi32> to vector<16xi32>
    %and3A_166 = arith.constant 65535 : i32
    %and3A_167 = vector.broadcast %and3A_166 : i32 to vector<16xi32>
    %and3A_168 = arith.andi %get3A_165, %and3A_167 : vector<16xi32>
    %swap3A_169 = arith.constant 64 : index
    %swap3A_170 = tpu.vector_load %arg10[%swap3A_169] {strides = array<i32>} : memref<80xi32, #tpu.memory_space<vmem>>, vector<16xi32>,
    %swap3A_171 = vector.shape_cast %swap3A_170 : vector<16xi32> to vector<16xi32>
    %swap3A_172 = vector.shape_cast %and3A_168 : vector<16xi32> to vector<16xi32>
    tpu.vector_store %arg10[%swap3A_169], %swap3A_172 {strides = array<i32>} : memref<80xi32, #tpu.memory_space<vmem>>, vector<16xi32>,
    %shift_right_arithmetic3A_173 = arith.constant 16 : i32
    %shift_right_arithmetic3A_174 = vector.broadcast %shift_right_arithmetic3A_173 : i32 to vector<16xi32>
    %shift_right_arithmetic3A_175 = arith.shrsi %get3A_165, %shift_right_arithmetic3A_174 : vector<16xi32>
    %swap3A_176 = arith.constant 64 : index
    %swap3A_177 = tpu.vector_load %arg11[%swap3A_176] {strides = array<i32>} : memref<80xi32, #tpu.memory_space<vmem>>, vector<16xi32>,
    %swap3A_178 = vector.shape_cast %swap3A_177 : vector<16xi32> to vector<16xi32>
    %swap3A_179 = vector.shape_cast %shift_right_arithmetic3A_175 : vector<16xi32> to vector<16xi32>
    tpu.vector_store %arg11[%swap3A_176], %swap3A_179 {strides = array<i32>} : memref<80xi32, #tpu.memory_space<vmem>>, vector<16xi32>,
    %dma_start3A_180 = arith.constant 0 : i32
    %dma_start3A_181 = arith.constant 0 : i32
    %dma_start3A_182 = tpu.memref_slice %arg2[%dma_start3A_180, %dma_start3A_181] : memref<10000x128xf32, #tpu.memory_space<hbm>> -> memref<10000x128xf32, #tpu.memory_space<hbm>>
    tpu.enqueue_indirect_dma source(%dma_start3A_182 : memref<10000x128xf32, #tpu.memory_space<hbm>>) target(%arg15 : memref<80x128xf32, #tpu.memory_space<vmem>>) offsets(%arg10 : memref<80xi32, #tpu.memory_space<vmem>>) semaphore(%arg22 : memref<!tpu.dma_semaphore, #tpu.memory_space<semaphore_mem>>)
    %dma_start3A_183 = arith.constant 0 : i32
    %dma_start3A_184 = arith.constant 0 : i32
    %dma_start3A_185 = tpu.memref_slice %arg3[%dma_start3A_183, %dma_start3A_184] : memref<10000x128xf32, #tpu.memory_space<hbm>> -> memref<10000x128xf32, #tpu.memory_space<hbm>>
    tpu.enqueue_indirect_dma source(%dma_start3A_185 : memref<10000x128xf32, #tpu.memory_space<hbm>>) target(%arg16 : memref<80x128xf32, #tpu.memory_space<vmem>>) offsets(%arg11 : memref<80xi32, #tpu.memory_space<vmem>>) semaphore(%arg23 : memref<!tpu.dma_semaphore, #tpu.memory_space<semaphore_mem>>)
    %add3A_186 = arith.constant 80 : i32
    %add3A_187 = arith.addi %mul3A_2, %add3A_186 : i32
    %dma_start3A_188 = arith.constant 0 : i32
    %dma_start3A_189 = tpu.memref_slice %arg4[%add3A_187, %dma_start3A_188] : memref<320000x128xf32, #tpu.memory_space<hbm>> -> memref<80x128xf32, #tpu.memory_space<hbm>>
    %dma_start3A_190 = arith.constant 0 : i32
    %dma_start3A_191 = tpu.memref_slice %arg4[%add3A_187, %dma_start3A_190] : memref<320000x128xf32, #tpu.memory_space<hbm>> -> memref<80x128xf32, #tpu.memory_space<hbm>>
    tpu.enqueue_dma source(%dma_start3A_191 : memref<80x128xf32, #tpu.memory_space<hbm>>) target(%arg17 : memref<80x128xf32, #tpu.memory_space<vmem>>) target_semaphore(%arg24 : memref<!tpu.dma_semaphore, #tpu.memory_space<semaphore_mem>>)
    %broadcast_in_dim3A = arith.constant 0.000000e+00 : f32
    %broadcast_in_dim3A_192 = vector.broadcast %broadcast_in_dim3A : f32 to vector<16xf32>
    %broadcast_in_dim3A_193 = arith.constant 0.000000e+00 : f32
    %broadcast_in_dim3A_194 = vector.broadcast %broadcast_in_dim3A_193 : f32 to vector<16xf32>
    %broadcast_in_dim3A_195 = arith.constant 0.000000e+00 : f32
    %broadcast_in_dim3A_196 = vector.broadcast %broadcast_in_dim3A_195 : f32 to vector<16xf32>
    %broadcast_in_dim3A_197 = arith.constant 0.000000e+00 : f32
    %broadcast_in_dim3A_198 = vector.broadcast %broadcast_in_dim3A_197 : f32 to vector<16xf32>
    %broadcast_in_dim3A_199 = arith.constant 0.000000e+00 : f32
    %broadcast_in_dim3A_200 = vector.broadcast %broadcast_in_dim3A_199 : f32 to vector<16xf32>
    %broadcast_in_dim3A_201 = arith.constant 0.000000e+00 : f32
    %broadcast_in_dim3A_202 = vector.broadcast %broadcast_in_dim3A_201 : f32 to vector<16xf32>
    %broadcast_in_dim3A_203 = arith.constant 0.000000e+00 : f32
    %broadcast_in_dim3A_204 = vector.broadcast %broadcast_in_dim3A_203 : f32 to vector<16xf32>
    %broadcast_in_dim3A_205 = arith.constant 0.000000e+00 : f32
    %broadcast_in_dim3A_206 = vector.broadcast %broadcast_in_dim3A_205 : f32 to vector<16xf32>
    %scan3A = arith.constant 0 : i32
    %scan3A_207 = arith.constant 62 : i32
    %scan3A_208 = arith.addi %scan3A, %scan3A_207 : i32
    %scan3A_209 = arith.constant 1 : i32
    %scan3A_210:8 = scf.for %scan3A_261 = %scan3A to %scan3A_208 step %scan3A_209 iter_args(%scan3A_262 = %broadcast_in_dim3A_192, %scan3A_263 = %broadcast_in_dim3A_194, %scan3A_264 = %broadcast_in_dim3A_196, %scan3A_265 = %broadcast_in_dim3A_198, %scan3A_266 = %broadcast_in_dim3A_200, %scan3A_267 = %broadcast_in_dim3A_202, %scan3A_268 = %broadcast_in_dim3A_204, %scan3A_269 = %broadcast_in_dim3A_206) -> (vector<16xf32>, vector<16xf32>, vector<16xf32>, vector<16xf32>, vector<16xf32>, vector<16xf32>, vector<16xf32>, vector<16xf32>)  : i32 {
      %mul3A_270 = arith.constant 2 : i32
      %mul3A_271 = arith.muli %mul3A_270, %scan3A_261 : i32
      %dma_wait3A_272 = arith.constant 0 : i32
      %dma_wait3A_273 = arith.constant 0 : i32
      %dma_wait3A_274 = tpu.memref_slice %arg2[%dma_wait3A_272, %dma_wait3A_273] : memref<10000x128xf32, #tpu.memory_space<hbm>> -> memref<10000x128xf32, #tpu.memory_space<hbm>>
      tpu.wait_indirect_dma semaphore(%arg19 : memref<!tpu.dma_semaphore, #tpu.memory_space<semaphore_mem>>) src(%dma_wait3A_274 : memref<10000x128xf32, #tpu.memory_space<hbm>>) dst(%arg12 : memref<80x128xf32, #tpu.memory_space<vmem>>)
      %dma_wait3A_275 = arith.constant 0 : i32
      %dma_wait3A_276 = arith.constant 0 : i32
      %dma_wait3A_277 = tpu.memref_slice %arg3[%dma_wait3A_275, %dma_wait3A_276] : memref<10000x128xf32, #tpu.memory_space<hbm>> -> memref<10000x128xf32, #tpu.memory_space<hbm>>
      tpu.wait_indirect_dma semaphore(%arg20 : memref<!tpu.dma_semaphore, #tpu.memory_space<semaphore_mem>>) src(%dma_wait3A_277 : memref<10000x128xf32, #tpu.memory_space<hbm>>) dst(%arg13 : memref<80x128xf32, #tpu.memory_space<vmem>>)
      %mul3A_278 = arith.constant 80 : i32
      %mul3A_279 = arith.muli %mul3A_271, %mul3A_278 : i32
      %add3A_280 = arith.addi %mul3A_2, %mul3A_279 : i32
      %dma_wait3A_281 = arith.constant 0 : i32
      %dma_wait3A_282 = tpu.memref_slice %arg4[%add3A_280, %dma_wait3A_281] : memref<320000x128xf32, #tpu.memory_space<hbm>> -> memref<80x128xf32, #tpu.memory_space<hbm>>
      %dma_wait3A_283 = arith.constant 0 : i32
      %dma_wait3A_284 = tpu.memref_slice %arg4[%add3A_280, %dma_wait3A_283] : memref<320000x128xf32, #tpu.memory_space<hbm>> -> memref<80x128xf32, #tpu.memory_space<hbm>>
      tpu.wait_dma2 semaphore(%arg21 : memref<!tpu.dma_semaphore, #tpu.memory_space<semaphore_mem>>) src(%dma_wait3A_284 : memref<80x128xf32, #tpu.memory_space<hbm>>) dst(%arg14 : memref<80x128xf32, #tpu.memory_space<vmem>>)
      %scan3A_285 = arith.constant 0 : i32
      %scan3A_286 = arith.constant 40 : i32
      %scan3A_287 = arith.addi %scan3A_285, %scan3A_286 : i32
      %scan3A_288 = arith.constant 1 : i32
      %scan3A_289:8 = scf.for %scan3A_436 = %scan3A_285 to %scan3A_287 step %scan3A_288 iter_args(%scan3A_437 = %scan3A_262, %scan3A_438 = %scan3A_263, %scan3A_439 = %scan3A_264, %scan3A_440 = %scan3A_265, %scan3A_441 = %scan3A_266, %scan3A_442 = %scan3A_267, %scan3A_443 = %scan3A_268, %scan3A_444 = %scan3A_269) -> (vector<16xf32>, vector<16xf32>, vector<16xf32>, vector<16xf32>, vector<16xf32>, vector<16xf32>, vector<16xf32>, vector<16xf32>)  : i32 {
        %mul3A_445 = arith.constant 2 : i32
        %mul3A_446 = arith.muli %mul3A_445, %scan3A_436 : i32
        %add3A_447 = arith.constant 0 : i32
        %add3A_448 = arith.addi %mul3A_446, %add3A_447 : i32
        %get3A_449 = arith.index_cast %add3A_448 : i32 to index
        %get3A_450 = arith.constant 0 : index
        %get3A_451 = tpu.vector_load %arg12[%get3A_449, %get3A_450] {strides = array<i32>} : memref<80x128xf32, #tpu.memory_space<vmem>>, vector<1x16xf32>,
        %get3A_452 = vector.shape_cast %get3A_451 : vector<1x16xf32> to vector<16xf32>
        %get3A_453 = arith.index_cast %add3A_448 : i32 to index
        %get3A_454 = arith.constant 0 : index
        %get3A_455 = tpu.vector_load %arg13[%get3A_453, %get3A_454] {strides = array<i32>} : memref<80x128xf32, #tpu.memory_space<vmem>>, vector<1x16xf32>,
        %get3A_456 = vector.shape_cast %get3A_455 : vector<1x16xf32> to vector<16xf32>
        %add3A_457 = arith.addf %get3A_452, %get3A_456 : vector<16xf32>
        %get3A_458 = arith.index_cast %add3A_448 : i32 to index
        %get3A_459 = arith.constant 0 : index
        %get3A_460 = tpu.vector_load %arg14[%get3A_458, %get3A_459] {strides = array<i32>} : memref<80x128xf32, #tpu.memory_space<vmem>>, vector<1x16xf32>,
        %get3A_461 = vector.shape_cast %get3A_460 : vector<1x16xf32> to vector<16xf32>
        %add3A_462 = arith.addf %add3A_457, %get3A_461 : vector<16xf32>
        %max3A = arith.constant 0.000000e+00 : f32
        %max3A_463 = vector.broadcast %max3A : f32 to vector<16xf32>
        %max3A_464 = arith.maximumf %add3A_462, %max3A_463 : vector<16xf32>
        %get3A_465 = arith.index_cast %add3A_448 : i32 to index
        %get3A_466 = arith.constant 16 : index
        %get3A_467 = tpu.vector_load %arg12[%get3A_465, %get3A_466] {strides = array<i32>} : memref<80x128xf32, #tpu.memory_space<vmem>>, vector<1x16xf32>,
        %get3A_468 = vector.shape_cast %get3A_467 : vector<1x16xf32> to vector<16xf32>
        %get3A_469 = arith.index_cast %add3A_448 : i32 to index
        %get3A_470 = arith.constant 16 : index
        %get3A_471 = tpu.vector_load %arg13[%get3A_469, %get3A_470] {strides = array<i32>} : memref<80x128xf32, #tpu.memory_space<vmem>>, vector<1x16xf32>,
        %get3A_472 = vector.shape_cast %get3A_471 : vector<1x16xf32> to vector<16xf32>
        %add3A_473 = arith.addf %get3A_468, %get3A_472 : vector<16xf32>
        %get3A_474 = arith.index_cast %add3A_448 : i32 to index
        %get3A_475 = arith.constant 16 : index
        %get3A_476 = tpu.vector_load %arg14[%get3A_474, %get3A_475] {strides = array<i32>} : memref<80x128xf32, #tpu.memory_space<vmem>>, vector<1x16xf32>,
        %get3A_477 = vector.shape_cast %get3A_476 : vector<1x16xf32> to vector<16xf32>
        %add3A_478 = arith.addf %add3A_473, %get3A_477 : vector<16xf32>
        %max3A_479 = arith.constant 0.000000e+00 : f32
        %max3A_480 = vector.broadcast %max3A_479 : f32 to vector<16xf32>
        %max3A_481 = arith.maximumf %add3A_478, %max3A_480 : vector<16xf32>
        %add3A_482 = arith.addf %scan3A_437, %max3A_464 : vector<16xf32>
        %add3A_483 = arith.addf %scan3A_438, %max3A_481 : vector<16xf32>
        %get3A_484 = arith.index_cast %add3A_448 : i32 to index
        %get3A_485 = arith.constant 32 : index
        %get3A_486 = tpu.vector_load %arg12[%get3A_484, %get3A_485] {strides = array<i32>} : memref<80x128xf32, #tpu.memory_space<vmem>>, vector<1x16xf32>,
        %get3A_487 = vector.shape_cast %get3A_486 : vector<1x16xf32> to vector<16xf32>
        %get3A_488 = arith.index_cast %add3A_448 : i32 to index
        %get3A_489 = arith.constant 32 : index
        %get3A_490 = tpu.vector_load %arg13[%get3A_488, %get3A_489] {strides = array<i32>} : memref<80x128xf32, #tpu.memory_space<vmem>>, vector<1x16xf32>,
        %get3A_491 = vector.shape_cast %get3A_490 : vector<1x16xf32> to vector<16xf32>
        %add3A_492 = arith.addf %get3A_487, %get3A_491 : vector<16xf32>
        %get3A_493 = arith.index_cast %add3A_448 : i32 to index
        %get3A_494 = arith.constant 32 : index
        %get3A_495 = tpu.vector_load %arg14[%get3A_493, %get3A_494] {strides = array<i32>} : memref<80x128xf32, #tpu.memory_space<vmem>>, vector<1x16xf32>,
        %get3A_496 = vector.shape_cast %get3A_495 : vector<1x16xf32> to vector<16xf32>
        %add3A_497 = arith.addf %add3A_492, %get3A_496 : vector<16xf32>
        %max3A_498 = arith.constant 0.000000e+00 : f32
        %max3A_499 = vector.broadcast %max3A_498 : f32 to vector<16xf32>
        %max3A_500 = arith.maximumf %add3A_497, %max3A_499 : vector<16xf32>
        %get3A_501 = arith.index_cast %add3A_448 : i32 to index
        %get3A_502 = arith.constant 48 : index
        %get3A_503 = tpu.vector_load %arg12[%get3A_501, %get3A_502] {strides = array<i32>} : memref<80x128xf32, #tpu.memory_space<vmem>>, vector<1x16xf32>,
        %get3A_504 = vector.shape_cast %get3A_503 : vector<1x16xf32> to vector<16xf32>
        %get3A_505 = arith.index_cast %add3A_448 : i32 to index
        %get3A_506 = arith.constant 48 : index
        %get3A_507 = tpu.vector_load %arg13[%get3A_505, %get3A_506] {strides = array<i32>} : memref<80x128xf32, #tpu.memory_space<vmem>>, vector<1x16xf32>,
        %get3A_508 = vector.shape_cast %get3A_507 : vector<1x16xf32> to vector<16xf32>
        %add3A_509 = arith.addf %get3A_504, %get3A_508 : vector<16xf32>
        %get3A_510 = arith.index_cast %add3A_448 : i32 to index
        %get3A_511 = arith.constant 48 : index
        %get3A_512 = tpu.vector_load %arg14[%get3A_510, %get3A_511] {strides = array<i32>} : memref<80x128xf32, #tpu.memory_space<vmem>>, vector<1x16xf32>,
        %get3A_513 = vector.shape_cast %get3A_512 : vector<1x16xf32> to vector<16xf32>
        %add3A_514 = arith.addf %add3A_509, %get3A_513 : vector<16xf32>
        %max3A_515 = arith.constant 0.000000e+00 : f32
        %max3A_516 = vector.broadcast %max3A_515 : f32 to vector<16xf32>
        %max3A_517 = arith.maximumf %add3A_514, %max3A_516 : vector<16xf32>
        %add3A_518 = arith.addf %scan3A_439, %max3A_500 : vector<16xf32>
        %add3A_519 = arith.addf %scan3A_440, %max3A_517 : vector<16xf32>
        %get3A_520 = arith.index_cast %add3A_448 : i32 to index
        %get3A_521 = arith.constant 64 : index
        %get3A_522 = tpu.vector_load %arg12[%get3A_520, %get3A_521] {strides = array<i32>} : memref<80x128xf32, #tpu.memory_space<vmem>>, vector<1x16xf32>,
        %get3A_523 = vector.shape_cast %get3A_522 : vector<1x16xf32> to vector<16xf32>
        %get3A_524 = arith.index_cast %add3A_448 : i32 to index
        %get3A_525 = arith.constant 64 : index
        %get3A_526 = tpu.vector_load %arg13[%get3A_524, %get3A_525] {strides = array<i32>} : memref<80x128xf32, #tpu.memory_space<vmem>>, vector<1x16xf32>,
        %get3A_527 = vector.shape_cast %get3A_526 : vector<1x16xf32> to vector<16xf32>
        %add3A_528 = arith.addf %get3A_523, %get3A_527 : vector<16xf32>
        %get3A_529 = arith.index_cast %add3A_448 : i32 to index
        %get3A_530 = arith.constant 64 : index
        %get3A_531 = tpu.vector_load %arg14[%get3A_529, %get3A_530] {strides = array<i32>} : memref<80x128xf32, #tpu.memory_space<vmem>>, vector<1x16xf32>,
        %get3A_532 = vector.shape_cast %get3A_531 : vector<1x16xf32> to vector<16xf32>
        %add3A_533 = arith.addf %add3A_528, %get3A_532 : vector<16xf32>
        %max3A_534 = arith.constant 0.000000e+00 : f32
        %max3A_535 = vector.broadcast %max3A_534 : f32 to vector<16xf32>
        %max3A_536 = arith.maximumf %add3A_533, %max3A_535 : vector<16xf32>
        %get3A_537 = arith.index_cast %add3A_448 : i32 to index
        %get3A_538 = arith.constant 80 : index
        %get3A_539 = tpu.vector_load %arg12[%get3A_537, %get3A_538] {strides = array<i32>} : memref<80x128xf32, #tpu.memory_space<vmem>>, vector<1x16xf32>,
        %get3A_540 = vector.shape_cast %get3A_539 : vector<1x16xf32> to vector<16xf32>
        %get3A_541 = arith.index_cast %add3A_448 : i32 to index
        %get3A_542 = arith.constant 80 : index
        %get3A_543 = tpu.vector_load %arg13[%get3A_541, %get3A_542] {strides = array<i32>} : memref<80x128xf32, #tpu.memory_space<vmem>>, vector<1x16xf32>,
        %get3A_544 = vector.shape_cast %get3A_543 : vector<1x16xf32> to vector<16xf32>
        %add3A_545 = arith.addf %get3A_540, %get3A_544 : vector<16xf32>
        %get3A_546 = arith.index_cast %add3A_448 : i32 to index
        %get3A_547 = arith.constant 80 : index
        %get3A_548 = tpu.vector_load %arg14[%get3A_546, %get3A_547] {strides = array<i32>} : memref<80x128xf32, #tpu.memory_space<vmem>>, vector<1x16xf32>,
        %get3A_549 = vector.shape_cast %get3A_548 : vector<1x16xf32> to vector<16xf32>
        %add3A_550 = arith.addf %add3A_545, %get3A_549 : vector<16xf32>
        %max3A_551 = arith.constant 0.000000e+00 : f32
        %max3A_552 = vector.broadcast %max3A_551 : f32 to vector<16xf32>
        %max3A_553 = arith.maximumf %add3A_550, %max3A_552 : vector<16xf32>
        %add3A_554 = arith.addf %scan3A_441, %max3A_536 : vector<16xf32>
        %add3A_555 = arith.addf %scan3A_442, %max3A_553 : vector<16xf32>
        %get3A_556 = arith.index_cast %add3A_448 : i32 to index
        %get3A_557 = arith.constant 96 : index
        %get3A_558 = tpu.vector_load %arg12[%get3A_556, %get3A_557] {strides = array<i32>} : memref<80x128xf32, #tpu.memory_space<vmem>>, vector<1x16xf32>,
        %get3A_559 = vector.shape_cast %get3A_558 : vector<1x16xf32> to vector<16xf32>
        %get3A_560 = arith.index_cast %add3A_448 : i32 to index
        %get3A_561 = arith.constant 96 : index
        %get3A_562 = tpu.vector_load %arg13[%get3A_560, %get3A_561] {strides = array<i32>} : memref<80x128xf32, #tpu.memory_space<vmem>>, vector<1x16xf32>,
        %get3A_563 = vector.shape_cast %get3A_562 : vector<1x16xf32> to vector<16xf32>
        %add3A_564 = arith.addf %get3A_559, %get3A_563 : vector<16xf32>
        %get3A_565 = arith.index_cast %add3A_448 : i32 to index
        %get3A_566 = arith.constant 96 : index
        %get3A_567 = tpu.vector_load %arg14[%get3A_565, %get3A_566] {strides = array<i32>} : memref<80x128xf32, #tpu.memory_space<vmem>>, vector<1x16xf32>,
        %get3A_568 = vector.shape_cast %get3A_567 : vector<1x16xf32> to vector<16xf32>
        %add3A_569 = arith.addf %add3A_564, %get3A_568 : vector<16xf32>
        %max3A_570 = arith.constant 0.000000e+00 : f32
        %max3A_571 = vector.broadcast %max3A_570 : f32 to vector<16xf32>
        %max3A_572 = arith.maximumf %add3A_569, %max3A_571 : vector<16xf32>
        %get3A_573 = arith.index_cast %add3A_448 : i32 to index
        %get3A_574 = arith.constant 112 : index
        %get3A_575 = tpu.vector_load %arg12[%get3A_573, %get3A_574] {strides = array<i32>} : memref<80x128xf32, #tpu.memory_space<vmem>>, vector<1x16xf32>,
        %get3A_576 = vector.shape_cast %get3A_575 : vector<1x16xf32> to vector<16xf32>
        %get3A_577 = arith.index_cast %add3A_448 : i32 to index
        %get3A_578 = arith.constant 112 : index
        %get3A_579 = tpu.vector_load %arg13[%get3A_577, %get3A_578] {strides = array<i32>} : memref<80x128xf32, #tpu.memory_space<vmem>>, vector<1x16xf32>,
        %get3A_580 = vector.shape_cast %get3A_579 : vector<1x16xf32> to vector<16xf32>
        %add3A_581 = arith.addf %get3A_576, %get3A_580 : vector<16xf32>
        %get3A_582 = arith.index_cast %add3A_448 : i32 to index
        %get3A_583 = arith.constant 112 : index
        %get3A_584 = tpu.vector_load %arg14[%get3A_582, %get3A_583] {strides = array<i32>} : memref<80x128xf32, #tpu.memory_space<vmem>>, vector<1x16xf32>,
        %get3A_585 = vector.shape_cast %get3A_584 : vector<1x16xf32> to vector<16xf32>
        %add3A_586 = arith.addf %add3A_581, %get3A_585 : vector<16xf32>
        %max3A_587 = arith.constant 0.000000e+00 : f32
        %max3A_588 = vector.broadcast %max3A_587 : f32 to vector<16xf32>
        %max3A_589 = arith.maximumf %add3A_586, %max3A_588 : vector<16xf32>
        %add3A_590 = arith.addf %scan3A_443, %max3A_572 : vector<16xf32>
        %add3A_591 = arith.addf %scan3A_444, %max3A_589 : vector<16xf32>
        %mul3A_592 = arith.constant 2 : i32
        %mul3A_593 = arith.muli %mul3A_592, %scan3A_436 : i32
        %add3A_594 = arith.constant 1 : i32
        %add3A_595 = arith.addi %mul3A_593, %add3A_594 : i32
        %get3A_596 = arith.index_cast %add3A_595 : i32 to index
        %get3A_597 = arith.constant 0 : index
        %get3A_598 = tpu.vector_load %arg12[%get3A_596, %get3A_597] {strides = array<i32>} : memref<80x128xf32, #tpu.memory_space<vmem>>, vector<1x16xf32>,
        %get3A_599 = vector.shape_cast %get3A_598 : vector<1x16xf32> to vector<16xf32>
        %get3A_600 = arith.index_cast %add3A_595 : i32 to index
        %get3A_601 = arith.constant 0 : index
        %get3A_602 = tpu.vector_load %arg13[%get3A_600, %get3A_601] {strides = array<i32>} : memref<80x128xf32, #tpu.memory_space<vmem>>, vector<1x16xf32>,
        %get3A_603 = vector.shape_cast %get3A_602 : vector<1x16xf32> to vector<16xf32>
        %add3A_604 = arith.addf %get3A_599, %get3A_603 : vector<16xf32>
        %get3A_605 = arith.index_cast %add3A_595 : i32 to index
        %get3A_606 = arith.constant 0 : index
        %get3A_607 = tpu.vector_load %arg14[%get3A_605, %get3A_606] {strides = array<i32>} : memref<80x128xf32, #tpu.memory_space<vmem>>, vector<1x16xf32>,
        %get3A_608 = vector.shape_cast %get3A_607 : vector<1x16xf32> to vector<16xf32>
        %add3A_609 = arith.addf %add3A_604, %get3A_608 : vector<16xf32>
        %max3A_610 = arith.constant 0.000000e+00 : f32
        %max3A_611 = vector.broadcast %max3A_610 : f32 to vector<16xf32>
        %max3A_612 = arith.maximumf %add3A_609, %max3A_611 : vector<16xf32>
        %get3A_613 = arith.index_cast %add3A_595 : i32 to index
        %get3A_614 = arith.constant 16 : index
        %get3A_615 = tpu.vector_load %arg12[%get3A_613, %get3A_614] {strides = array<i32>} : memref<80x128xf32, #tpu.memory_space<vmem>>, vector<1x16xf32>,
        %get3A_616 = vector.shape_cast %get3A_615 : vector<1x16xf32> to vector<16xf32>
        %get3A_617 = arith.index_cast %add3A_595 : i32 to index
        %get3A_618 = arith.constant 16 : index
        %get3A_619 = tpu.vector_load %arg13[%get3A_617, %get3A_618] {strides = array<i32>} : memref<80x128xf32, #tpu.memory_space<vmem>>, vector<1x16xf32>,
        %get3A_620 = vector.shape_cast %get3A_619 : vector<1x16xf32> to vector<16xf32>
        %add3A_621 = arith.addf %get3A_616, %get3A_620 : vector<16xf32>
        %get3A_622 = arith.index_cast %add3A_595 : i32 to index
        %get3A_623 = arith.constant 16 : index
        %get3A_624 = tpu.vector_load %arg14[%get3A_622, %get3A_623] {strides = array<i32>} : memref<80x128xf32, #tpu.memory_space<vmem>>, vector<1x16xf32>,
        %get3A_625 = vector.shape_cast %get3A_624 : vector<1x16xf32> to vector<16xf32>
        %add3A_626 = arith.addf %add3A_621, %get3A_625 : vector<16xf32>
        %max3A_627 = arith.constant 0.000000e+00 : f32
        %max3A_628 = vector.broadcast %max3A_627 : f32 to vector<16xf32>
        %max3A_629 = arith.maximumf %add3A_626, %max3A_628 : vector<16xf32>
        %add3A_630 = arith.addf %add3A_482, %max3A_612 : vector<16xf32>
        %add3A_631 = arith.addf %add3A_483, %max3A_629 : vector<16xf32>
        %get3A_632 = arith.index_cast %add3A_595 : i32 to index
        %get3A_633 = arith.constant 32 : index
        %get3A_634 = tpu.vector_load %arg12[%get3A_632, %get3A_633] {strides = array<i32>} : memref<80x128xf32, #tpu.memory_space<vmem>>, vector<1x16xf32>,
        %get3A_635 = vector.shape_cast %get3A_634 : vector<1x16xf32> to vector<16xf32>
        %get3A_636 = arith.index_cast %add3A_595 : i32 to index
        %get3A_637 = arith.constant 32 : index
        %get3A_638 = tpu.vector_load %arg13[%get3A_636, %get3A_637] {strides = array<i32>} : memref<80x128xf32, #tpu.memory_space<vmem>>, vector<1x16xf32>,
        %get3A_639 = vector.shape_cast %get3A_638 : vector<1x16xf32> to vector<16xf32>
        %add3A_640 = arith.addf %get3A_635, %get3A_639 : vector<16xf32>
        %get3A_641 = arith.index_cast %add3A_595 : i32 to index
        %get3A_642 = arith.constant 32 : index
        %get3A_643 = tpu.vector_load %arg14[%get3A_641, %get3A_642] {strides = array<i32>} : memref<80x128xf32, #tpu.memory_space<vmem>>, vector<1x16xf32>,
        %get3A_644 = vector.shape_cast %get3A_643 : vector<1x16xf32> to vector<16xf32>
        %add3A_645 = arith.addf %add3A_640, %get3A_644 : vector<16xf32>
        %max3A_646 = arith.constant 0.000000e+00 : f32
        %max3A_647 = vector.broadcast %max3A_646 : f32 to vector<16xf32>
        %max3A_648 = arith.maximumf %add3A_645, %max3A_647 : vector<16xf32>
        %get3A_649 = arith.index_cast %add3A_595 : i32 to index
        %get3A_650 = arith.constant 48 : index
        %get3A_651 = tpu.vector_load %arg12[%get3A_649, %get3A_650] {strides = array<i32>} : memref<80x128xf32, #tpu.memory_space<vmem>>, vector<1x16xf32>,
        %get3A_652 = vector.shape_cast %get3A_651 : vector<1x16xf32> to vector<16xf32>
        %get3A_653 = arith.index_cast %add3A_595 : i32 to index
        %get3A_654 = arith.constant 48 : index
        %get3A_655 = tpu.vector_load %arg13[%get3A_653, %get3A_654] {strides = array<i32>} : memref<80x128xf32, #tpu.memory_space<vmem>>, vector<1x16xf32>,
        %get3A_656 = vector.shape_cast %get3A_655 : vector<1x16xf32> to vector<16xf32>
        %add3A_657 = arith.addf %get3A_652, %get3A_656 : vector<16xf32>
        %get3A_658 = arith.index_cast %add3A_595 : i32 to index
        %get3A_659 = arith.constant 48 : index
        %get3A_660 = tpu.vector_load %arg14[%get3A_658, %get3A_659] {strides = array<i32>} : memref<80x128xf32, #tpu.memory_space<vmem>>, vector<1x16xf32>,
        %get3A_661 = vector.shape_cast %get3A_660 : vector<1x16xf32> to vector<16xf32>
        %add3A_662 = arith.addf %add3A_657, %get3A_661 : vector<16xf32>
        %max3A_663 = arith.constant 0.000000e+00 : f32
        %max3A_664 = vector.broadcast %max3A_663 : f32 to vector<16xf32>
        %max3A_665 = arith.maximumf %add3A_662, %max3A_664 : vector<16xf32>
        %add3A_666 = arith.addf %add3A_518, %max3A_648 : vector<16xf32>
        %add3A_667 = arith.addf %add3A_519, %max3A_665 : vector<16xf32>
        %get3A_668 = arith.index_cast %add3A_595 : i32 to index
        %get3A_669 = arith.constant 64 : index
        %get3A_670 = tpu.vector_load %arg12[%get3A_668, %get3A_669] {strides = array<i32>} : memref<80x128xf32, #tpu.memory_space<vmem>>, vector<1x16xf32>,
        %get3A_671 = vector.shape_cast %get3A_670 : vector<1x16xf32> to vector<16xf32>
        %get3A_672 = arith.index_cast %add3A_595 : i32 to index
        %get3A_673 = arith.constant 64 : index
        %get3A_674 = tpu.vector_load %arg13[%get3A_672, %get3A_673] {strides = array<i32>} : memref<80x128xf32, #tpu.memory_space<vmem>>, vector<1x16xf32>,
        %get3A_675 = vector.shape_cast %get3A_674 : vector<1x16xf32> to vector<16xf32>
        %add3A_676 = arith.addf %get3A_671, %get3A_675 : vector<16xf32>
        %get3A_677 = arith.index_cast %add3A_595 : i32 to index
        %get3A_678 = arith.constant 64 : index
        %get3A_679 = tpu.vector_load %arg14[%get3A_677, %get3A_678] {strides = array<i32>} : memref<80x128xf32, #tpu.memory_space<vmem>>, vector<1x16xf32>,
        %get3A_680 = vector.shape_cast %get3A_679 : vector<1x16xf32> to vector<16xf32>
        %add3A_681 = arith.addf %add3A_676, %get3A_680 : vector<16xf32>
        %max3A_682 = arith.constant 0.000000e+00 : f32
        %max3A_683 = vector.broadcast %max3A_682 : f32 to vector<16xf32>
        %max3A_684 = arith.maximumf %add3A_681, %max3A_683 : vector<16xf32>
        %get3A_685 = arith.index_cast %add3A_595 : i32 to index
        %get3A_686 = arith.constant 80 : index
        %get3A_687 = tpu.vector_load %arg12[%get3A_685, %get3A_686] {strides = array<i32>} : memref<80x128xf32, #tpu.memory_space<vmem>>, vector<1x16xf32>,
        %get3A_688 = vector.shape_cast %get3A_687 : vector<1x16xf32> to vector<16xf32>
        %get3A_689 = arith.index_cast %add3A_595 : i32 to index
        %get3A_690 = arith.constant 80 : index
        %get3A_691 = tpu.vector_load %arg13[%get3A_689, %get3A_690] {strides = array<i32>} : memref<80x128xf32, #tpu.memory_space<vmem>>, vector<1x16xf32>,
        %get3A_692 = vector.shape_cast %get3A_691 : vector<1x16xf32> to vector<16xf32>
        %add3A_693 = arith.addf %get3A_688, %get3A_692 : vector<16xf32>
        %get3A_694 = arith.index_cast %add3A_595 : i32 to index
        %get3A_695 = arith.constant 80 : index
        %get3A_696 = tpu.vector_load %arg14[%get3A_694, %get3A_695] {strides = array<i32>} : memref<80x128xf32, #tpu.memory_space<vmem>>, vector<1x16xf32>,
        %get3A_697 = vector.shape_cast %get3A_696 : vector<1x16xf32> to vector<16xf32>
        %add3A_698 = arith.addf %add3A_693, %get3A_697 : vector<16xf32>
        %max3A_699 = arith.constant 0.000000e+00 : f32
        %max3A_700 = vector.broadcast %max3A_699 : f32 to vector<16xf32>
        %max3A_701 = arith.maximumf %add3A_698, %max3A_700 : vector<16xf32>
        %add3A_702 = arith.addf %add3A_554, %max3A_684 : vector<16xf32>
        %add3A_703 = arith.addf %add3A_555, %max3A_701 : vector<16xf32>
        %get3A_704 = arith.index_cast %add3A_595 : i32 to index
        %get3A_705 = arith.constant 96 : index
        %get3A_706 = tpu.vector_load %arg12[%get3A_704, %get3A_705] {strides = array<i32>} : memref<80x128xf32, #tpu.memory_space<vmem>>, vector<1x16xf32>,
        %get3A_707 = vector.shape_cast %get3A_706 : vector<1x16xf32> to vector<16xf32>
        %get3A_708 = arith.index_cast %add3A_595 : i32 to index
        %get3A_709 = arith.constant 96 : index
        %get3A_710 = tpu.vector_load %arg13[%get3A_708, %get3A_709] {strides = array<i32>} : memref<80x128xf32, #tpu.memory_space<vmem>>, vector<1x16xf32>,
        %get3A_711 = vector.shape_cast %get3A_710 : vector<1x16xf32> to vector<16xf32>
        %add3A_712 = arith.addf %get3A_707, %get3A_711 : vector<16xf32>
        %get3A_713 = arith.index_cast %add3A_595 : i32 to index
        %get3A_714 = arith.constant 96 : index
        %get3A_715 = tpu.vector_load %arg14[%get3A_713, %get3A_714] {strides = array<i32>} : memref<80x128xf32, #tpu.memory_space<vmem>>, vector<1x16xf32>,
        %get3A_716 = vector.shape_cast %get3A_715 : vector<1x16xf32> to vector<16xf32>
        %add3A_717 = arith.addf %add3A_712, %get3A_716 : vector<16xf32>
        %max3A_718 = arith.constant 0.000000e+00 : f32
        %max3A_719 = vector.broadcast %max3A_718 : f32 to vector<16xf32>
        %max3A_720 = arith.maximumf %add3A_717, %max3A_719 : vector<16xf32>
        %get3A_721 = arith.index_cast %add3A_595 : i32 to index
        %get3A_722 = arith.constant 112 : index
        %get3A_723 = tpu.vector_load %arg12[%get3A_721, %get3A_722] {strides = array<i32>} : memref<80x128xf32, #tpu.memory_space<vmem>>, vector<1x16xf32>,
        %get3A_724 = vector.shape_cast %get3A_723 : vector<1x16xf32> to vector<16xf32>
        %get3A_725 = arith.index_cast %add3A_595 : i32 to index
        %get3A_726 = arith.constant 112 : index
        %get3A_727 = tpu.vector_load %arg13[%get3A_725, %get3A_726] {strides = array<i32>} : memref<80x128xf32, #tpu.memory_space<vmem>>, vector<1x16xf32>,
        %get3A_728 = vector.shape_cast %get3A_727 : vector<1x16xf32> to vector<16xf32>
        %add3A_729 = arith.addf %get3A_724, %get3A_728 : vector<16xf32>
        %get3A_730 = arith.index_cast %add3A_595 : i32 to index
        %get3A_731 = arith.constant 112 : index
        %get3A_732 = tpu.vector_load %arg14[%get3A_730, %get3A_731] {strides = array<i32>} : memref<80x128xf32, #tpu.memory_space<vmem>>, vector<1x16xf32>,
        %get3A_733 = vector.shape_cast %get3A_732 : vector<1x16xf32> to vector<16xf32>
        %add3A_734 = arith.addf %add3A_729, %get3A_733 : vector<16xf32>
        %max3A_735 = arith.constant 0.000000e+00 : f32
        %max3A_736 = vector.broadcast %max3A_735 : f32 to vector<16xf32>
        %max3A_737 = arith.maximumf %add3A_734, %max3A_736 : vector<16xf32>
        %add3A_738 = arith.addf %add3A_590, %max3A_720 : vector<16xf32>
        %add3A_739 = arith.addf %add3A_591, %max3A_737 : vector<16xf32>
        scf.yield %add3A_630, %add3A_631, %add3A_666, %add3A_667, %add3A_702, %add3A_703, %add3A_738, %add3A_739 : vector<16xf32>, vector<16xf32>, vector<16xf32>, vector<16xf32>, vector<16xf32>, vector<16xf32>, vector<16xf32>, vector<16xf32>
      }
      %scan3A_290 = arith.constant 40 : i32
      %add3A_291 = arith.constant 2 : i32
      %add3A_292 = arith.addi %mul3A_271, %add3A_291 : i32
      %mul3A_293 = arith.constant 80 : i32
      %mul3A_294 = arith.muli %add3A_292, %mul3A_293 : i32
      %add3A_295 = arith.constant 0 : i32
      %add3A_296 = arith.addi %mul3A_294, %add3A_295 : i32
      %get3A_297 = arith.index_cast %add3A_296 : i32 to index
      %get3A_298 = tpu.vector_load %arg7[%get3A_297] {strides = array<i32>} : memref<10000xi32, #tpu.memory_space<vmem>>, vector<16xi32>,
      %get3A_299 = vector.shape_cast %get3A_298 : vector<16xi32> to vector<16xi32>
      %and3A_300 = arith.constant 65535 : i32
      %and3A_301 = vector.broadcast %and3A_300 : i32 to vector<16xi32>
      %and3A_302 = arith.andi %get3A_299, %and3A_301 : vector<16xi32>
      %swap3A_303 = arith.constant 0 : index
      %swap3A_304 = tpu.vector_load %arg8[%swap3A_303] {strides = array<i32>} : memref<80xi32, #tpu.memory_space<vmem>>, vector<16xi32>,
      %swap3A_305 = vector.shape_cast %swap3A_304 : vector<16xi32> to vector<16xi32>
      %swap3A_306 = vector.shape_cast %and3A_302 : vector<16xi32> to vector<16xi32>
      tpu.vector_store %arg8[%swap3A_303], %swap3A_306 {strides = array<i32>} : memref<80xi32, #tpu.memory_space<vmem>>, vector<16xi32>,
      %shift_right_arithmetic3A_307 = arith.constant 16 : i32
      %shift_right_arithmetic3A_308 = vector.broadcast %shift_right_arithmetic3A_307 : i32 to vector<16xi32>
      %shift_right_arithmetic3A_309 = arith.shrsi %get3A_299, %shift_right_arithmetic3A_308 : vector<16xi32>
      %swap3A_310 = arith.constant 0 : index
      %swap3A_311 = tpu.vector_load %arg9[%swap3A_310] {strides = array<i32>} : memref<80xi32, #tpu.memory_space<vmem>>, vector<16xi32>,
      %swap3A_312 = vector.shape_cast %swap3A_311 : vector<16xi32> to vector<16xi32>
      %swap3A_313 = vector.shape_cast %shift_right_arithmetic3A_309 : vector<16xi32> to vector<16xi32>
      tpu.vector_store %arg9[%swap3A_310], %swap3A_313 {strides = array<i32>} : memref<80xi32, #tpu.memory_space<vmem>>, vector<16xi32>,
      %mul3A_314 = arith.constant 80 : i32
      %mul3A_315 = arith.muli %add3A_292, %mul3A_314 : i32
      %add3A_316 = arith.constant 16 : i32
      %add3A_317 = arith.addi %mul3A_315, %add3A_316 : i32
      %get3A_318 = arith.index_cast %add3A_317 : i32 to index
      %get3A_319 = tpu.vector_load %arg7[%get3A_318] {strides = array<i32>} : memref<10000xi32, #tpu.memory_space<vmem>>, vector<16xi32>,
      %get3A_320 = vector.shape_cast %get3A_319 : vector<16xi32> to vector<16xi32>
      %and3A_321 = arith.constant 65535 : i32
      %and3A_322 = vector.broadcast %and3A_321 : i32 to vector<16xi32>
      %and3A_323 = arith.andi %get3A_320, %and3A_322 : vector<16xi32>
      %swap3A_324 = arith.constant 16 : index
      %swap3A_325 = tpu.vector_load %arg8[%swap3A_324] {strides = array<i32>} : memref<80xi32, #tpu.memory_space<vmem>>, vector<16xi32>,
      %swap3A_326 = vector.shape_cast %swap3A_325 : vector<16xi32> to vector<16xi32>
      %swap3A_327 = vector.shape_cast %and3A_323 : vector<16xi32> to vector<16xi32>
      tpu.vector_store %arg8[%swap3A_324], %swap3A_327 {strides = array<i32>} : memref<80xi32, #tpu.memory_space<vmem>>, vector<16xi32>,
      %shift_right_arithmetic3A_328 = arith.constant 16 : i32
      %shift_right_arithmetic3A_329 = vector.broadcast %shift_right_arithmetic3A_328 : i32 to vector<16xi32>
      %shift_right_arithmetic3A_330 = arith.shrsi %get3A_320, %shift_right_arithmetic3A_329 : vector<16xi32>
      %swap3A_331 = arith.constant 16 : index
      %swap3A_332 = tpu.vector_load %arg9[%swap3A_331] {strides = array<i32>} : memref<80xi32, #tpu.memory_space<vmem>>, vector<16xi32>,
      %swap3A_333 = vector.shape_cast %swap3A_332 : vector<16xi32> to vector<16xi32>
      %swap3A_334 = vector.shape_cast %shift_right_arithmetic3A_330 : vector<16xi32> to vector<16xi32>
      tpu.vector_store %arg9[%swap3A_331], %swap3A_334 {strides = array<i32>} : memref<80xi32, #tpu.memory_space<vmem>>, vector<16xi32>,
      %mul3A_335 = arith.constant 80 : i32
      %mul3A_336 = arith.muli %add3A_292, %mul3A_335 : i32
      %add3A_337 = arith.constant 32 : i32
      %add3A_338 = arith.addi %mul3A_336, %add3A_337 : i32
      %get3A_339 = arith.index_cast %add3A_338 : i32 to index
      %get3A_340 = tpu.vector_load %arg7[%get3A_339] {strides = array<i32>} : memref<10000xi32, #tpu.memory_space<vmem>>, vector<16xi32>,
      %get3A_341 = vector.shape_cast %get3A_340 : vector<16xi32> to vector<16xi32>
      %and3A_342 = arith.constant 65535 : i32
      %and3A_343 = vector.broadcast %and3A_342 : i32 to vector<16xi32>
      %and3A_344 = arith.andi %get3A_341, %and3A_343 : vector<16xi32>
      %swap3A_345 = arith.constant 32 : index
      %swap3A_346 = tpu.vector_load %arg8[%swap3A_345] {strides = array<i32>} : memref<80xi32, #tpu.memory_space<vmem>>, vector<16xi32>,
      %swap3A_347 = vector.shape_cast %swap3A_346 : vector<16xi32> to vector<16xi32>
      %swap3A_348 = vector.shape_cast %and3A_344 : vector<16xi32> to vector<16xi32>
      tpu.vector_store %arg8[%swap3A_345], %swap3A_348 {strides = array<i32>} : memref<80xi32, #tpu.memory_space<vmem>>, vector<16xi32>,
      %shift_right_arithmetic3A_349 = arith.constant 16 : i32
      %shift_right_arithmetic3A_350 = vector.broadcast %shift_right_arithmetic3A_349 : i32 to vector<16xi32>
      %shift_right_arithmetic3A_351 = arith.shrsi %get3A_341, %shift_right_arithmetic3A_350 : vector<16xi32>
      %swap3A_352 = arith.constant 32 : index
      %swap3A_353 = tpu.vector_load %arg9[%swap3A_352] {strides = array<i32>} : memref<80xi32, #tpu.memory_space<vmem>>, vector<16xi32>,
      %swap3A_354 = vector.shape_cast %swap3A_353 : vector<16xi32> to vector<16xi32>
      %swap3A_355 = vector.shape_cast %shift_right_arithmetic3A_351 : vector<16xi32> to vector<16xi32>
      tpu.vector_store %arg9[%swap3A_352], %swap3A_355 {strides = array<i32>} : memref<80xi32, #tpu.memory_space<vmem>>, vector<16xi32>,
      %mul3A_356 = arith.constant 80 : i32
      %mul3A_357 = arith.muli %add3A_292, %mul3A_356 : i32
      %add3A_358 = arith.constant 48 : i32
      %add3A_359 = arith.addi %mul3A_357, %add3A_358 : i32
      %get3A_360 = arith.index_cast %add3A_359 : i32 to index
      %get3A_361 = tpu.vector_load %arg7[%get3A_360] {strides = array<i32>} : memref<10000xi32, #tpu.memory_space<vmem>>, vector<16xi32>,
      %get3A_362 = vector.shape_cast %get3A_361 : vector<16xi32> to vector<16xi32>
      %and3A_363 = arith.constant 65535 : i32
      %and3A_364 = vector.broadcast %and3A_363 : i32 to vector<16xi32>
      %and3A_365 = arith.andi %get3A_362, %and3A_364 : vector<16xi32>
      %swap3A_366 = arith.constant 48 : index
      %swap3A_367 = tpu.vector_load %arg8[%swap3A_366] {strides = array<i32>} : memref<80xi32, #tpu.memory_space<vmem>>, vector<16xi32>,
      %swap3A_368 = vector.shape_cast %swap3A_367 : vector<16xi32> to vector<16xi32>
      %swap3A_369 = vector.shape_cast %and3A_365 : vector<16xi32> to vector<16xi32>
      tpu.vector_store %arg8[%swap3A_366], %swap3A_369 {strides = array<i32>} : memref<80xi32, #tpu.memory_space<vmem>>, vector<16xi32>,
      %shift_right_arithmetic3A_370 = arith.constant 16 : i32
      %shift_right_arithmetic3A_371 = vector.broadcast %shift_right_arithmetic3A_370 : i32 to vector<16xi32>
      %shift_right_arithmetic3A_372 = arith.shrsi %get3A_362, %shift_right_arithmetic3A_371 : vector<16xi32>
      %swap3A_373 = arith.constant 48 : index
      %swap3A_374 = tpu.vector_load %arg9[%swap3A_373] {strides = array<i32>} : memref<80xi32, #tpu.memory_space<vmem>>, vector<16xi32>,
      %swap3A_375 = vector.shape_cast %swap3A_374 : vector<16xi32> to vector<16xi32>
      %swap3A_376 = vector.shape_cast %shift_right_arithmetic3A_372 : vector<16xi32> to vector<16xi32>
      tpu.vector_store %arg9[%swap3A_373], %swap3A_376 {strides = array<i32>} : memref<80xi32, #tpu.memory_space<vmem>>, vector<16xi32>,
      %mul3A_377 = arith.constant 80 : i32
      %mul3A_378 = arith.muli %add3A_292, %mul3A_377 : i32
      %add3A_379 = arith.constant 64 : i32
      %add3A_380 = arith.addi %mul3A_378, %add3A_379 : i32
      %get3A_381 = arith.index_cast %add3A_380 : i32 to index
      %get3A_382 = tpu.vector_load %arg7[%get3A_381] {strides = array<i32>} : memref<10000xi32, #tpu.memory_space<vmem>>, vector<16xi32>,
      %get3A_383 = vector.shape_cast %get3A_382 : vector<16xi32> to vector<16xi32>
      %and3A_384 = arith.constant 65535 : i32
      %and3A_385 = vector.broadcast %and3A_384 : i32 to vector<16xi32>
      %and3A_386 = arith.andi %get3A_383, %and3A_385 : vector<16xi32>
      %swap3A_387 = arith.constant 64 : index
      %swap3A_388 = tpu.vector_load %arg8[%swap3A_387] {strides = array<i32>} : memref<80xi32, #tpu.memory_space<vmem>>, vector<16xi32>,
      %swap3A_389 = vector.shape_cast %swap3A_388 : vector<16xi32> to vector<16xi32>
      %swap3A_390 = vector.shape_cast %and3A_386 : vector<16xi32> to vector<16xi32>
      tpu.vector_store %arg8[%swap3A_387], %swap3A_390 {strides = array<i32>} : memref<80xi32, #tpu.memory_space<vmem>>, vector<16xi32>,
      %shift_right_arithmetic3A_391 = arith.constant 16 : i32
      %shift_right_arithmetic3A_392 = vector.broadcast %shift_right_arithmetic3A_391 : i32 to vector<16xi32>
      %shift_right_arithmetic3A_393 = arith.shrsi %get3A_383, %shift_right_arithmetic3A_392 : vector<16xi32>
      %swap3A_394 = arith.constant 64 : index
      %swap3A_395 = tpu.vector_load %arg9[%swap3A_394] {strides = array<i32>} : memref<80xi32, #tpu.memory_space<vmem>>, vector<16xi32>,
      %swap3A_396 = vector.shape_cast %swap3A_395 : vector<16xi32> to vector<16xi32>
      %swap3A_397 = vector.shape_cast %shift_right_arithmetic3A_393 : vector<16xi32> to vector<16xi32>
      tpu.vector_store %arg9[%swap3A_394], %swap3A_397 {strides = array<i32>} : memref<80xi32, #tpu.memory_space<vmem>>, vector<16xi32>,
      %dma_start3A_398 = arith.constant 0 : i32
      %dma_start3A_399 = arith.constant 0 : i32
      %dma_start3A_400 = tpu.memref_slice %arg2[%dma_start3A_398, %dma_start3A_399] : memref<10000x128xf32, #tpu.memory_space<hbm>> -> memref<10000x128xf32, #tpu.memory_space<hbm>>
      tpu.enqueue_indirect_dma source(%dma_start3A_400 : memref<10000x128xf32, #tpu.memory_space<hbm>>) target(%arg12 : memref<80x128xf32, #tpu.memory_space<vmem>>) offsets(%arg8 : memref<80xi32, #tpu.memory_space<vmem>>) semaphore(%arg19 : memref<!tpu.dma_semaphore, #tpu.memory_space<semaphore_mem>>)
      %dma_start3A_401 = arith.constant 0 : i32
      %dma_start3A_402 = arith.constant 0 : i32
      %dma_start3A_403 = tpu.memref_slice %arg3[%dma_start3A_401, %dma_start3A_402] : memref<10000x128xf32, #tpu.memory_space<hbm>> -> memref<10000x128xf32, #tpu.memory_space<hbm>>
      tpu.enqueue_indirect_dma source(%dma_start3A_403 : memref<10000x128xf32, #tpu.memory_space<hbm>>) target(%arg13 : memref<80x128xf32, #tpu.memory_space<vmem>>) offsets(%arg9 : memref<80xi32, #tpu.memory_space<vmem>>) semaphore(%arg20 : memref<!tpu.dma_semaphore, #tpu.memory_space<semaphore_mem>>)
      %mul3A_404 = arith.constant 80 : i32
      %mul3A_405 = arith.muli %add3A_292, %mul3A_404 : i32
      %add3A_406 = arith.addi %mul3A_2, %mul3A_405 : i32
      %dma_start3A_407 = arith.constant 0 : i32
      %dma_start3A_408 = tpu.memref_slice %arg4[%add3A_406, %dma_start3A_407] : memref<320000x128xf32, #tpu.memory_space<hbm>> -> memref<80x128xf32, #tpu.memory_space<hbm>>
      %dma_start3A_409 = arith.constant 0 : i32
      %dma_start3A_410 = tpu.memref_slice %arg4[%add3A_406, %dma_start3A_409] : memref<320000x128xf32, #tpu.memory_space<hbm>> -> memref<80x128xf32, #tpu.memory_space<hbm>>
      tpu.enqueue_dma source(%dma_start3A_410 : memref<80x128xf32, #tpu.memory_space<hbm>>) target(%arg14 : memref<80x128xf32, #tpu.memory_space<vmem>>) target_semaphore(%arg21 : memref<!tpu.dma_semaphore, #tpu.memory_space<semaphore_mem>>)
      %add3A_411 = arith.constant 1 : i32
      %add3A_412 = arith.addi %mul3A_271, %add3A_411 : i32
      %dma_wait3A_413 = arith.constant 0 : i32
      %dma_wait3A_414 = arith.constant 0 : i32
      %dma_wait3A_415 = tpu.memref_slice %arg2[%dma_wait3A_413, %dma_wait3A_414] : memref<10000x128xf32, #tpu.memory_space<hbm>> -> memref<10000x128xf32, #tpu.memory_space<hbm>>
      tpu.wait_indirect_dma semaphore(%arg22 : memref<!tpu.dma_semaphore, #tpu.memory_space<semaphore_mem>>) src(%dma_wait3A_415 : memref<10000x128xf32, #tpu.memory_space<hbm>>) dst(%arg15 : memref<80x128xf32, #tpu.memory_space<vmem>>)
      %dma_wait3A_416 = arith.constant 0 : i32
      %dma_wait3A_417 = arith.constant 0 : i32
      %dma_wait3A_418 = tpu.memref_slice %arg3[%dma_wait3A_416, %dma_wait3A_417] : memref<10000x128xf32, #tpu.memory_space<hbm>> -> memref<10000x128xf32, #tpu.memory_space<hbm>>
      tpu.wait_indirect_dma semaphore(%arg23 : memref<!tpu.dma_semaphore, #tpu.memory_space<semaphore_mem>>) src(%dma_wait3A_418 : memref<10000x128xf32, #tpu.memory_space<hbm>>) dst(%arg16 : memref<80x128xf32, #tpu.memory_space<vmem>>)
      %mul3A_419 = arith.constant 80 : i32
      %mul3A_420 = arith.muli %add3A_412, %mul3A_419 : i32
      %add3A_421 = arith.addi %mul3A_2, %mul3A_420 : i32
      %dma_wait3A_422 = arith.constant 0 : i32
      %dma_wait3A_423 = tpu.memref_slice %arg4[%add3A_421, %dma_wait3A_422] : memref<320000x128xf32, #tpu.memory_space<hbm>> -> memref<80x128xf32, #tpu.memory_space<hbm>>
      %dma_wait3A_424 = arith.constant 0 : i32
      %dma_wait3A_425 = tpu.memref_slice %arg4[%add3A_421, %dma_wait3A_424] : memref<320000x128xf32, #tpu.memory_space<hbm>> -> memref<80x128xf32, #tpu.memory_space<hbm>>
      tpu.wait_dma2 semaphore(%arg24 : memref<!tpu.dma_semaphore, #tpu.memory_space<semaphore_mem>>) src(%dma_wait3A_425 : memref<80x128xf32, #tpu.memory_space<hbm>>) dst(%arg17 : memref<80x128xf32, #tpu.memory_space<vmem>>)
      %scan3A_426 = arith.constant 0 : i32
      %scan3A_427 = arith.constant 40 : i32
      %scan3A_428 = arith.addi %scan3A_426, %scan3A_427 : i32
      %scan3A_429 = arith.constant 1 : i32
      %scan3A_430:8 = scf.for %scan3A_436 = %scan3A_426 to %scan3A_428 step %scan3A_429 iter_args(%scan3A_437 = %scan3A_289#0, %scan3A_438 = %scan3A_289#1, %scan3A_439 = %scan3A_289#2, %scan3A_440 = %scan3A_289#3, %scan3A_441 = %scan3A_289#4, %scan3A_442 = %scan3A_289#5, %scan3A_443 = %scan3A_289#6, %scan3A_444 = %scan3A_289#7) -> (vector<16xf32>, vector<16xf32>, vector<16xf32>, vector<16xf32>, vector<16xf32>, vector<16xf32>, vector<16xf32>, vector<16xf32>)  : i32 {
        %mul3A_445 = arith.constant 2 : i32
        %mul3A_446 = arith.muli %mul3A_445, %scan3A_436 : i32
        %add3A_447 = arith.constant 0 : i32
        %add3A_448 = arith.addi %mul3A_446, %add3A_447 : i32
        %get3A_449 = arith.index_cast %add3A_448 : i32 to index
        %get3A_450 = arith.constant 0 : index
        %get3A_451 = tpu.vector_load %arg15[%get3A_449, %get3A_450] {strides = array<i32>} : memref<80x128xf32, #tpu.memory_space<vmem>>, vector<1x16xf32>,
        %get3A_452 = vector.shape_cast %get3A_451 : vector<1x16xf32> to vector<16xf32>
        %get3A_453 = arith.index_cast %add3A_448 : i32 to index
        %get3A_454 = arith.constant 0 : index
        %get3A_455 = tpu.vector_load %arg16[%get3A_453, %get3A_454] {strides = array<i32>} : memref<80x128xf32, #tpu.memory_space<vmem>>, vector<1x16xf32>,
        %get3A_456 = vector.shape_cast %get3A_455 : vector<1x16xf32> to vector<16xf32>
        %add3A_457 = arith.addf %get3A_452, %get3A_456 : vector<16xf32>
        %get3A_458 = arith.index_cast %add3A_448 : i32 to index
        %get3A_459 = arith.constant 0 : index
        %get3A_460 = tpu.vector_load %arg17[%get3A_458, %get3A_459] {strides = array<i32>} : memref<80x128xf32, #tpu.memory_space<vmem>>, vector<1x16xf32>,
        %get3A_461 = vector.shape_cast %get3A_460 : vector<1x16xf32> to vector<16xf32>
        %add3A_462 = arith.addf %add3A_457, %get3A_461 : vector<16xf32>
        %max3A = arith.constant 0.000000e+00 : f32
        %max3A_463 = vector.broadcast %max3A : f32 to vector<16xf32>
        %max3A_464 = arith.maximumf %add3A_462, %max3A_463 : vector<16xf32>
        %get3A_465 = arith.index_cast %add3A_448 : i32 to index
        %get3A_466 = arith.constant 16 : index
        %get3A_467 = tpu.vector_load %arg15[%get3A_465, %get3A_466] {strides = array<i32>} : memref<80x128xf32, #tpu.memory_space<vmem>>, vector<1x16xf32>,
        %get3A_468 = vector.shape_cast %get3A_467 : vector<1x16xf32> to vector<16xf32>
        %get3A_469 = arith.index_cast %add3A_448 : i32 to index
        %get3A_470 = arith.constant 16 : index
        %get3A_471 = tpu.vector_load %arg16[%get3A_469, %get3A_470] {strides = array<i32>} : memref<80x128xf32, #tpu.memory_space<vmem>>, vector<1x16xf32>,
        %get3A_472 = vector.shape_cast %get3A_471 : vector<1x16xf32> to vector<16xf32>
        %add3A_473 = arith.addf %get3A_468, %get3A_472 : vector<16xf32>
        %get3A_474 = arith.index_cast %add3A_448 : i32 to index
        %get3A_475 = arith.constant 16 : index
        %get3A_476 = tpu.vector_load %arg17[%get3A_474, %get3A_475] {strides = array<i32>} : memref<80x128xf32, #tpu.memory_space<vmem>>, vector<1x16xf32>,
        %get3A_477 = vector.shape_cast %get3A_476 : vector<1x16xf32> to vector<16xf32>
        %add3A_478 = arith.addf %add3A_473, %get3A_477 : vector<16xf32>
        %max3A_479 = arith.constant 0.000000e+00 : f32
        %max3A_480 = vector.broadcast %max3A_479 : f32 to vector<16xf32>
        %max3A_481 = arith.maximumf %add3A_478, %max3A_480 : vector<16xf32>
        %add3A_482 = arith.addf %scan3A_437, %max3A_464 : vector<16xf32>
        %add3A_483 = arith.addf %scan3A_438, %max3A_481 : vector<16xf32>
        %get3A_484 = arith.index_cast %add3A_448 : i32 to index
        %get3A_485 = arith.constant 32 : index
        %get3A_486 = tpu.vector_load %arg15[%get3A_484, %get3A_485] {strides = array<i32>} : memref<80x128xf32, #tpu.memory_space<vmem>>, vector<1x16xf32>,
        %get3A_487 = vector.shape_cast %get3A_486 : vector<1x16xf32> to vector<16xf32>
        %get3A_488 = arith.index_cast %add3A_448 : i32 to index
        %get3A_489 = arith.constant 32 : index
        %get3A_490 = tpu.vector_load %arg16[%get3A_488, %get3A_489] {strides = array<i32>} : memref<80x128xf32, #tpu.memory_space<vmem>>, vector<1x16xf32>,
        %get3A_491 = vector.shape_cast %get3A_490 : vector<1x16xf32> to vector<16xf32>
        %add3A_492 = arith.addf %get3A_487, %get3A_491 : vector<16xf32>
        %get3A_493 = arith.index_cast %add3A_448 : i32 to index
        %get3A_494 = arith.constant 32 : index
        %get3A_495 = tpu.vector_load %arg17[%get3A_493, %get3A_494] {strides = array<i32>} : memref<80x128xf32, #tpu.memory_space<vmem>>, vector<1x16xf32>,
        %get3A_496 = vector.shape_cast %get3A_495 : vector<1x16xf32> to vector<16xf32>
        %add3A_497 = arith.addf %add3A_492, %get3A_496 : vector<16xf32>
        %max3A_498 = arith.constant 0.000000e+00 : f32
        %max3A_499 = vector.broadcast %max3A_498 : f32 to vector<16xf32>
        %max3A_500 = arith.maximumf %add3A_497, %max3A_499 : vector<16xf32>
        %get3A_501 = arith.index_cast %add3A_448 : i32 to index
        %get3A_502 = arith.constant 48 : index
        %get3A_503 = tpu.vector_load %arg15[%get3A_501, %get3A_502] {strides = array<i32>} : memref<80x128xf32, #tpu.memory_space<vmem>>, vector<1x16xf32>,
        %get3A_504 = vector.shape_cast %get3A_503 : vector<1x16xf32> to vector<16xf32>
        %get3A_505 = arith.index_cast %add3A_448 : i32 to index
        %get3A_506 = arith.constant 48 : index
        %get3A_507 = tpu.vector_load %arg16[%get3A_505, %get3A_506] {strides = array<i32>} : memref<80x128xf32, #tpu.memory_space<vmem>>, vector<1x16xf32>,
        %get3A_508 = vector.shape_cast %get3A_507 : vector<1x16xf32> to vector<16xf32>
        %add3A_509 = arith.addf %get3A_504, %get3A_508 : vector<16xf32>
        %get3A_510 = arith.index_cast %add3A_448 : i32 to index
        %get3A_511 = arith.constant 48 : index
        %get3A_512 = tpu.vector_load %arg17[%get3A_510, %get3A_511] {strides = array<i32>} : memref<80x128xf32, #tpu.memory_space<vmem>>, vector<1x16xf32>,
        %get3A_513 = vector.shape_cast %get3A_512 : vector<1x16xf32> to vector<16xf32>
        %add3A_514 = arith.addf %add3A_509, %get3A_513 : vector<16xf32>
        %max3A_515 = arith.constant 0.000000e+00 : f32
        %max3A_516 = vector.broadcast %max3A_515 : f32 to vector<16xf32>
        %max3A_517 = arith.maximumf %add3A_514, %max3A_516 : vector<16xf32>
        %add3A_518 = arith.addf %scan3A_439, %max3A_500 : vector<16xf32>
        %add3A_519 = arith.addf %scan3A_440, %max3A_517 : vector<16xf32>
        %get3A_520 = arith.index_cast %add3A_448 : i32 to index
        %get3A_521 = arith.constant 64 : index
        %get3A_522 = tpu.vector_load %arg15[%get3A_520, %get3A_521] {strides = array<i32>} : memref<80x128xf32, #tpu.memory_space<vmem>>, vector<1x16xf32>,
        %get3A_523 = vector.shape_cast %get3A_522 : vector<1x16xf32> to vector<16xf32>
        %get3A_524 = arith.index_cast %add3A_448 : i32 to index
        %get3A_525 = arith.constant 64 : index
        %get3A_526 = tpu.vector_load %arg16[%get3A_524, %get3A_525] {strides = array<i32>} : memref<80x128xf32, #tpu.memory_space<vmem>>, vector<1x16xf32>,
        %get3A_527 = vector.shape_cast %get3A_526 : vector<1x16xf32> to vector<16xf32>
        %add3A_528 = arith.addf %get3A_523, %get3A_527 : vector<16xf32>
        %get3A_529 = arith.index_cast %add3A_448 : i32 to index
        %get3A_530 = arith.constant 64 : index
        %get3A_531 = tpu.vector_load %arg17[%get3A_529, %get3A_530] {strides = array<i32>} : memref<80x128xf32, #tpu.memory_space<vmem>>, vector<1x16xf32>,
        %get3A_532 = vector.shape_cast %get3A_531 : vector<1x16xf32> to vector<16xf32>
        %add3A_533 = arith.addf %add3A_528, %get3A_532 : vector<16xf32>
        %max3A_534 = arith.constant 0.000000e+00 : f32
        %max3A_535 = vector.broadcast %max3A_534 : f32 to vector<16xf32>
        %max3A_536 = arith.maximumf %add3A_533, %max3A_535 : vector<16xf32>
        %get3A_537 = arith.index_cast %add3A_448 : i32 to index
        %get3A_538 = arith.constant 80 : index
        %get3A_539 = tpu.vector_load %arg15[%get3A_537, %get3A_538] {strides = array<i32>} : memref<80x128xf32, #tpu.memory_space<vmem>>, vector<1x16xf32>,
        %get3A_540 = vector.shape_cast %get3A_539 : vector<1x16xf32> to vector<16xf32>
        %get3A_541 = arith.index_cast %add3A_448 : i32 to index
        %get3A_542 = arith.constant 80 : index
        %get3A_543 = tpu.vector_load %arg16[%get3A_541, %get3A_542] {strides = array<i32>} : memref<80x128xf32, #tpu.memory_space<vmem>>, vector<1x16xf32>,
        %get3A_544 = vector.shape_cast %get3A_543 : vector<1x16xf32> to vector<16xf32>
        %add3A_545 = arith.addf %get3A_540, %get3A_544 : vector<16xf32>
        %get3A_546 = arith.index_cast %add3A_448 : i32 to index
        %get3A_547 = arith.constant 80 : index
        %get3A_548 = tpu.vector_load %arg17[%get3A_546, %get3A_547] {strides = array<i32>} : memref<80x128xf32, #tpu.memory_space<vmem>>, vector<1x16xf32>,
        %get3A_549 = vector.shape_cast %get3A_548 : vector<1x16xf32> to vector<16xf32>
        %add3A_550 = arith.addf %add3A_545, %get3A_549 : vector<16xf32>
        %max3A_551 = arith.constant 0.000000e+00 : f32
        %max3A_552 = vector.broadcast %max3A_551 : f32 to vector<16xf32>
        %max3A_553 = arith.maximumf %add3A_550, %max3A_552 : vector<16xf32>
        %add3A_554 = arith.addf %scan3A_441, %max3A_536 : vector<16xf32>
        %add3A_555 = arith.addf %scan3A_442, %max3A_553 : vector<16xf32>
        %get3A_556 = arith.index_cast %add3A_448 : i32 to index
        %get3A_557 = arith.constant 96 : index
        %get3A_558 = tpu.vector_load %arg15[%get3A_556, %get3A_557] {strides = array<i32>} : memref<80x128xf32, #tpu.memory_space<vmem>>, vector<1x16xf32>,
        %get3A_559 = vector.shape_cast %get3A_558 : vector<1x16xf32> to vector<16xf32>
        %get3A_560 = arith.index_cast %add3A_448 : i32 to index
        %get3A_561 = arith.constant 96 : index
        %get3A_562 = tpu.vector_load %arg16[%get3A_560, %get3A_561] {strides = array<i32>} : memref<80x128xf32, #tpu.memory_space<vmem>>, vector<1x16xf32>,
        %get3A_563 = vector.shape_cast %get3A_562 : vector<1x16xf32> to vector<16xf32>
        %add3A_564 = arith.addf %get3A_559, %get3A_563 : vector<16xf32>
        %get3A_565 = arith.index_cast %add3A_448 : i32 to index
        %get3A_566 = arith.constant 96 : index
        %get3A_567 = tpu.vector_load %arg17[%get3A_565, %get3A_566] {strides = array<i32>} : memref<80x128xf32, #tpu.memory_space<vmem>>, vector<1x16xf32>,
        %get3A_568 = vector.shape_cast %get3A_567 : vector<1x16xf32> to vector<16xf32>
        %add3A_569 = arith.addf %add3A_564, %get3A_568 : vector<16xf32>
        %max3A_570 = arith.constant 0.000000e+00 : f32
        %max3A_571 = vector.broadcast %max3A_570 : f32 to vector<16xf32>
        %max3A_572 = arith.maximumf %add3A_569, %max3A_571 : vector<16xf32>
        %get3A_573 = arith.index_cast %add3A_448 : i32 to index
        %get3A_574 = arith.constant 112 : index
        %get3A_575 = tpu.vector_load %arg15[%get3A_573, %get3A_574] {strides = array<i32>} : memref<80x128xf32, #tpu.memory_space<vmem>>, vector<1x16xf32>,
        %get3A_576 = vector.shape_cast %get3A_575 : vector<1x16xf32> to vector<16xf32>
        %get3A_577 = arith.index_cast %add3A_448 : i32 to index
        %get3A_578 = arith.constant 112 : index
        %get3A_579 = tpu.vector_load %arg16[%get3A_577, %get3A_578] {strides = array<i32>} : memref<80x128xf32, #tpu.memory_space<vmem>>, vector<1x16xf32>,
        %get3A_580 = vector.shape_cast %get3A_579 : vector<1x16xf32> to vector<16xf32>
        %add3A_581 = arith.addf %get3A_576, %get3A_580 : vector<16xf32>
        %get3A_582 = arith.index_cast %add3A_448 : i32 to index
        %get3A_583 = arith.constant 112 : index
        %get3A_584 = tpu.vector_load %arg17[%get3A_582, %get3A_583] {strides = array<i32>} : memref<80x128xf32, #tpu.memory_space<vmem>>, vector<1x16xf32>,
        %get3A_585 = vector.shape_cast %get3A_584 : vector<1x16xf32> to vector<16xf32>
        %add3A_586 = arith.addf %add3A_581, %get3A_585 : vector<16xf32>
        %max3A_587 = arith.constant 0.000000e+00 : f32
        %max3A_588 = vector.broadcast %max3A_587 : f32 to vector<16xf32>
        %max3A_589 = arith.maximumf %add3A_586, %max3A_588 : vector<16xf32>
        %add3A_590 = arith.addf %scan3A_443, %max3A_572 : vector<16xf32>
        %add3A_591 = arith.addf %scan3A_444, %max3A_589 : vector<16xf32>
        %mul3A_592 = arith.constant 2 : i32
        %mul3A_593 = arith.muli %mul3A_592, %scan3A_436 : i32
        %add3A_594 = arith.constant 1 : i32
        %add3A_595 = arith.addi %mul3A_593, %add3A_594 : i32
        %get3A_596 = arith.index_cast %add3A_595 : i32 to index
        %get3A_597 = arith.constant 0 : index
        %get3A_598 = tpu.vector_load %arg15[%get3A_596, %get3A_597] {strides = array<i32>} : memref<80x128xf32, #tpu.memory_space<vmem>>, vector<1x16xf32>,
        %get3A_599 = vector.shape_cast %get3A_598 : vector<1x16xf32> to vector<16xf32>
        %get3A_600 = arith.index_cast %add3A_595 : i32 to index
        %get3A_601 = arith.constant 0 : index
        %get3A_602 = tpu.vector_load %arg16[%get3A_600, %get3A_601] {strides = array<i32>} : memref<80x128xf32, #tpu.memory_space<vmem>>, vector<1x16xf32>,
        %get3A_603 = vector.shape_cast %get3A_602 : vector<1x16xf32> to vector<16xf32>
        %add3A_604 = arith.addf %get3A_599, %get3A_603 : vector<16xf32>
        %get3A_605 = arith.index_cast %add3A_595 : i32 to index
        %get3A_606 = arith.constant 0 : index
        %get3A_607 = tpu.vector_load %arg17[%get3A_605, %get3A_606] {strides = array<i32>} : memref<80x128xf32, #tpu.memory_space<vmem>>, vector<1x16xf32>,
        %get3A_608 = vector.shape_cast %get3A_607 : vector<1x16xf32> to vector<16xf32>
        %add3A_609 = arith.addf %add3A_604, %get3A_608 : vector<16xf32>
        %max3A_610 = arith.constant 0.000000e+00 : f32
        %max3A_611 = vector.broadcast %max3A_610 : f32 to vector<16xf32>
        %max3A_612 = arith.maximumf %add3A_609, %max3A_611 : vector<16xf32>
        %get3A_613 = arith.index_cast %add3A_595 : i32 to index
        %get3A_614 = arith.constant 16 : index
        %get3A_615 = tpu.vector_load %arg15[%get3A_613, %get3A_614] {strides = array<i32>} : memref<80x128xf32, #tpu.memory_space<vmem>>, vector<1x16xf32>,
        %get3A_616 = vector.shape_cast %get3A_615 : vector<1x16xf32> to vector<16xf32>
        %get3A_617 = arith.index_cast %add3A_595 : i32 to index
        %get3A_618 = arith.constant 16 : index
        %get3A_619 = tpu.vector_load %arg16[%get3A_617, %get3A_618] {strides = array<i32>} : memref<80x128xf32, #tpu.memory_space<vmem>>, vector<1x16xf32>,
        %get3A_620 = vector.shape_cast %get3A_619 : vector<1x16xf32> to vector<16xf32>
        %add3A_621 = arith.addf %get3A_616, %get3A_620 : vector<16xf32>
        %get3A_622 = arith.index_cast %add3A_595 : i32 to index
        %get3A_623 = arith.constant 16 : index
        %get3A_624 = tpu.vector_load %arg17[%get3A_622, %get3A_623] {strides = array<i32>} : memref<80x128xf32, #tpu.memory_space<vmem>>, vector<1x16xf32>,
        %get3A_625 = vector.shape_cast %get3A_624 : vector<1x16xf32> to vector<16xf32>
        %add3A_626 = arith.addf %add3A_621, %get3A_625 : vector<16xf32>
        %max3A_627 = arith.constant 0.000000e+00 : f32
        %max3A_628 = vector.broadcast %max3A_627 : f32 to vector<16xf32>
        %max3A_629 = arith.maximumf %add3A_626, %max3A_628 : vector<16xf32>
        %add3A_630 = arith.addf %add3A_482, %max3A_612 : vector<16xf32>
        %add3A_631 = arith.addf %add3A_483, %max3A_629 : vector<16xf32>
        %get3A_632 = arith.index_cast %add3A_595 : i32 to index
        %get3A_633 = arith.constant 32 : index
        %get3A_634 = tpu.vector_load %arg15[%get3A_632, %get3A_633] {strides = array<i32>} : memref<80x128xf32, #tpu.memory_space<vmem>>, vector<1x16xf32>,
        %get3A_635 = vector.shape_cast %get3A_634 : vector<1x16xf32> to vector<16xf32>
        %get3A_636 = arith.index_cast %add3A_595 : i32 to index
        %get3A_637 = arith.constant 32 : index
        %get3A_638 = tpu.vector_load %arg16[%get3A_636, %get3A_637] {strides = array<i32>} : memref<80x128xf32, #tpu.memory_space<vmem>>, vector<1x16xf32>,
        %get3A_639 = vector.shape_cast %get3A_638 : vector<1x16xf32> to vector<16xf32>
        %add3A_640 = arith.addf %get3A_635, %get3A_639 : vector<16xf32>
        %get3A_641 = arith.index_cast %add3A_595 : i32 to index
        %get3A_642 = arith.constant 32 : index
        %get3A_643 = tpu.vector_load %arg17[%get3A_641, %get3A_642] {strides = array<i32>} : memref<80x128xf32, #tpu.memory_space<vmem>>, vector<1x16xf32>,
        %get3A_644 = vector.shape_cast %get3A_643 : vector<1x16xf32> to vector<16xf32>
        %add3A_645 = arith.addf %add3A_640, %get3A_644 : vector<16xf32>
        %max3A_646 = arith.constant 0.000000e+00 : f32
        %max3A_647 = vector.broadcast %max3A_646 : f32 to vector<16xf32>
        %max3A_648 = arith.maximumf %add3A_645, %max3A_647 : vector<16xf32>
        %get3A_649 = arith.index_cast %add3A_595 : i32 to index
        %get3A_650 = arith.constant 48 : index
        %get3A_651 = tpu.vector_load %arg15[%get3A_649, %get3A_650] {strides = array<i32>} : memref<80x128xf32, #tpu.memory_space<vmem>>, vector<1x16xf32>,
        %get3A_652 = vector.shape_cast %get3A_651 : vector<1x16xf32> to vector<16xf32>
        %get3A_653 = arith.index_cast %add3A_595 : i32 to index
        %get3A_654 = arith.constant 48 : index
        %get3A_655 = tpu.vector_load %arg16[%get3A_653, %get3A_654] {strides = array<i32>} : memref<80x128xf32, #tpu.memory_space<vmem>>, vector<1x16xf32>,
        %get3A_656 = vector.shape_cast %get3A_655 : vector<1x16xf32> to vector<16xf32>
        %add3A_657 = arith.addf %get3A_652, %get3A_656 : vector<16xf32>
        %get3A_658 = arith.index_cast %add3A_595 : i32 to index
        %get3A_659 = arith.constant 48 : index
        %get3A_660 = tpu.vector_load %arg17[%get3A_658, %get3A_659] {strides = array<i32>} : memref<80x128xf32, #tpu.memory_space<vmem>>, vector<1x16xf32>,
        %get3A_661 = vector.shape_cast %get3A_660 : vector<1x16xf32> to vector<16xf32>
        %add3A_662 = arith.addf %add3A_657, %get3A_661 : vector<16xf32>
        %max3A_663 = arith.constant 0.000000e+00 : f32
        %max3A_664 = vector.broadcast %max3A_663 : f32 to vector<16xf32>
        %max3A_665 = arith.maximumf %add3A_662, %max3A_664 : vector<16xf32>
        %add3A_666 = arith.addf %add3A_518, %max3A_648 : vector<16xf32>
        %add3A_667 = arith.addf %add3A_519, %max3A_665 : vector<16xf32>
        %get3A_668 = arith.index_cast %add3A_595 : i32 to index
        %get3A_669 = arith.constant 64 : index
        %get3A_670 = tpu.vector_load %arg15[%get3A_668, %get3A_669] {strides = array<i32>} : memref<80x128xf32, #tpu.memory_space<vmem>>, vector<1x16xf32>,
        %get3A_671 = vector.shape_cast %get3A_670 : vector<1x16xf32> to vector<16xf32>
        %get3A_672 = arith.index_cast %add3A_595 : i32 to index
        %get3A_673 = arith.constant 64 : index
        %get3A_674 = tpu.vector_load %arg16[%get3A_672, %get3A_673] {strides = array<i32>} : memref<80x128xf32, #tpu.memory_space<vmem>>, vector<1x16xf32>,
        %get3A_675 = vector.shape_cast %get3A_674 : vector<1x16xf32> to vector<16xf32>
        %add3A_676 = arith.addf %get3A_671, %get3A_675 : vector<16xf32>
        %get3A_677 = arith.index_cast %add3A_595 : i32 to index
        %get3A_678 = arith.constant 64 : index
        %get3A_679 = tpu.vector_load %arg17[%get3A_677, %get3A_678] {strides = array<i32>} : memref<80x128xf32, #tpu.memory_space<vmem>>, vector<1x16xf32>,
        %get3A_680 = vector.shape_cast %get3A_679 : vector<1x16xf32> to vector<16xf32>
        %add3A_681 = arith.addf %add3A_676, %get3A_680 : vector<16xf32>
        %max3A_682 = arith.constant 0.000000e+00 : f32
        %max3A_683 = vector.broadcast %max3A_682 : f32 to vector<16xf32>
        %max3A_684 = arith.maximumf %add3A_681, %max3A_683 : vector<16xf32>
        %get3A_685 = arith.index_cast %add3A_595 : i32 to index
        %get3A_686 = arith.constant 80 : index
        %get3A_687 = tpu.vector_load %arg15[%get3A_685, %get3A_686] {strides = array<i32>} : memref<80x128xf32, #tpu.memory_space<vmem>>, vector<1x16xf32>,
        %get3A_688 = vector.shape_cast %get3A_687 : vector<1x16xf32> to vector<16xf32>
        %get3A_689 = arith.index_cast %add3A_595 : i32 to index
        %get3A_690 = arith.constant 80 : index
        %get3A_691 = tpu.vector_load %arg16[%get3A_689, %get3A_690] {strides = array<i32>} : memref<80x128xf32, #tpu.memory_space<vmem>>, vector<1x16xf32>,
        %get3A_692 = vector.shape_cast %get3A_691 : vector<1x16xf32> to vector<16xf32>
        %add3A_693 = arith.addf %get3A_688, %get3A_692 : vector<16xf32>
        %get3A_694 = arith.index_cast %add3A_595 : i32 to index
        %get3A_695 = arith.constant 80 : index
        %get3A_696 = tpu.vector_load %arg17[%get3A_694, %get3A_695] {strides = array<i32>} : memref<80x128xf32, #tpu.memory_space<vmem>>, vector<1x16xf32>,
        %get3A_697 = vector.shape_cast %get3A_696 : vector<1x16xf32> to vector<16xf32>
        %add3A_698 = arith.addf %add3A_693, %get3A_697 : vector<16xf32>
        %max3A_699 = arith.constant 0.000000e+00 : f32
        %max3A_700 = vector.broadcast %max3A_699 : f32 to vector<16xf32>
        %max3A_701 = arith.maximumf %add3A_698, %max3A_700 : vector<16xf32>
        %add3A_702 = arith.addf %add3A_554, %max3A_684 : vector<16xf32>
        %add3A_703 = arith.addf %add3A_555, %max3A_701 : vector<16xf32>
        %get3A_704 = arith.index_cast %add3A_595 : i32 to index
        %get3A_705 = arith.constant 96 : index
        %get3A_706 = tpu.vector_load %arg15[%get3A_704, %get3A_705] {strides = array<i32>} : memref<80x128xf32, #tpu.memory_space<vmem>>, vector<1x16xf32>,
        %get3A_707 = vector.shape_cast %get3A_706 : vector<1x16xf32> to vector<16xf32>
        %get3A_708 = arith.index_cast %add3A_595 : i32 to index
        %get3A_709 = arith.constant 96 : index
        %get3A_710 = tpu.vector_load %arg16[%get3A_708, %get3A_709] {strides = array<i32>} : memref<80x128xf32, #tpu.memory_space<vmem>>, vector<1x16xf32>,
        %get3A_711 = vector.shape_cast %get3A_710 : vector<1x16xf32> to vector<16xf32>
        %add3A_712 = arith.addf %get3A_707, %get3A_711 : vector<16xf32>
        %get3A_713 = arith.index_cast %add3A_595 : i32 to index
        %get3A_714 = arith.constant 96 : index
        %get3A_715 = tpu.vector_load %arg17[%get3A_713, %get3A_714] {strides = array<i32>} : memref<80x128xf32, #tpu.memory_space<vmem>>, vector<1x16xf32>,
        %get3A_716 = vector.shape_cast %get3A_715 : vector<1x16xf32> to vector<16xf32>
        %add3A_717 = arith.addf %add3A_712, %get3A_716 : vector<16xf32>
        %max3A_718 = arith.constant 0.000000e+00 : f32
        %max3A_719 = vector.broadcast %max3A_718 : f32 to vector<16xf32>
        %max3A_720 = arith.maximumf %add3A_717, %max3A_719 : vector<16xf32>
        %get3A_721 = arith.index_cast %add3A_595 : i32 to index
        %get3A_722 = arith.constant 112 : index
        %get3A_723 = tpu.vector_load %arg15[%get3A_721, %get3A_722] {strides = array<i32>} : memref<80x128xf32, #tpu.memory_space<vmem>>, vector<1x16xf32>,
        %get3A_724 = vector.shape_cast %get3A_723 : vector<1x16xf32> to vector<16xf32>
        %get3A_725 = arith.index_cast %add3A_595 : i32 to index
        %get3A_726 = arith.constant 112 : index
        %get3A_727 = tpu.vector_load %arg16[%get3A_725, %get3A_726] {strides = array<i32>} : memref<80x128xf32, #tpu.memory_space<vmem>>, vector<1x16xf32>,
        %get3A_728 = vector.shape_cast %get3A_727 : vector<1x16xf32> to vector<16xf32>
        %add3A_729 = arith.addf %get3A_724, %get3A_728 : vector<16xf32>
        %get3A_730 = arith.index_cast %add3A_595 : i32 to index
        %get3A_731 = arith.constant 112 : index
        %get3A_732 = tpu.vector_load %arg17[%get3A_730, %get3A_731] {strides = array<i32>} : memref<80x128xf32, #tpu.memory_space<vmem>>, vector<1x16xf32>,
        %get3A_733 = vector.shape_cast %get3A_732 : vector<1x16xf32> to vector<16xf32>
        %add3A_734 = arith.addf %add3A_729, %get3A_733 : vector<16xf32>
        %max3A_735 = arith.constant 0.000000e+00 : f32
        %max3A_736 = vector.broadcast %max3A_735 : f32 to vector<16xf32>
        %max3A_737 = arith.maximumf %add3A_734, %max3A_736 : vector<16xf32>
        %add3A_738 = arith.addf %add3A_590, %max3A_720 : vector<16xf32>
        %add3A_739 = arith.addf %add3A_591, %max3A_737 : vector<16xf32>
        scf.yield %add3A_630, %add3A_631, %add3A_666, %add3A_667, %add3A_702, %add3A_703, %add3A_738, %add3A_739 : vector<16xf32>, vector<16xf32>, vector<16xf32>, vector<16xf32>, vector<16xf32>, vector<16xf32>, vector<16xf32>, vector<16xf32>
      }
      %scan3A_431 = arith.constant 40 : i32
      %add3A_432 = arith.constant 3 : i32
      %add3A_433 = arith.addi %mul3A_271, %add3A_432 : i32
      %lt3A = arith.constant 125 : i32
      %lt3A_434 = arith.cmpi slt, %add3A_433, %lt3A : i32
      %convert_element_type3A = arith.extui %lt3A_434 : i1 to i32
      %cond3A = arith.constant 0 : i32
      %cond3A_435 = arith.cmpi ne, %convert_element_type3A, %cond3A : i32
      scf.if %cond3A_435 {
        %add3A_436 = arith.constant 3 : i32
        %add3A_437 = arith.addi %mul3A_271, %add3A_436 : i32
        %mul3A_438 = arith.constant 80 : i32
        %mul3A_439 = arith.muli %add3A_437, %mul3A_438 : i32
        %add3A_440 = arith.constant 0 : i32
        %add3A_441 = arith.addi %mul3A_439, %add3A_440 : i32
        %get3A_442 = arith.index_cast %add3A_441 : i32 to index
        %get3A_443 = tpu.vector_load %arg7[%get3A_442] {strides = array<i32>} : memref<10000xi32, #tpu.memory_space<vmem>>, vector<16xi32>,
        %get3A_444 = vector.shape_cast %get3A_443 : vector<16xi32> to vector<16xi32>
        %and3A_445 = arith.constant 65535 : i32
        %and3A_446 = vector.broadcast %and3A_445 : i32 to vector<16xi32>
        %and3A_447 = arith.andi %get3A_444, %and3A_446 : vector<16xi32>
        %swap3A_448 = arith.constant 0 : index
        %swap3A_449 = tpu.vector_load %arg10[%swap3A_448] {strides = array<i32>} : memref<80xi32, #tpu.memory_space<vmem>>, vector<16xi32>,
        %swap3A_450 = vector.shape_cast %swap3A_449 : vector<16xi32> to vector<16xi32>
        %swap3A_451 = vector.shape_cast %and3A_447 : vector<16xi32> to vector<16xi32>
        tpu.vector_store %arg10[%swap3A_448], %swap3A_451 {strides = array<i32>} : memref<80xi32, #tpu.memory_space<vmem>>, vector<16xi32>,
        %shift_right_arithmetic3A_452 = arith.constant 16 : i32
        %shift_right_arithmetic3A_453 = vector.broadcast %shift_right_arithmetic3A_452 : i32 to vector<16xi32>
        %shift_right_arithmetic3A_454 = arith.shrsi %get3A_444, %shift_right_arithmetic3A_453 : vector<16xi32>
        %swap3A_455 = arith.constant 0 : index
        %swap3A_456 = tpu.vector_load %arg11[%swap3A_455] {strides = array<i32>} : memref<80xi32, #tpu.memory_space<vmem>>, vector<16xi32>,
        %swap3A_457 = vector.shape_cast %swap3A_456 : vector<16xi32> to vector<16xi32>
        %swap3A_458 = vector.shape_cast %shift_right_arithmetic3A_454 : vector<16xi32> to vector<16xi32>
        tpu.vector_store %arg11[%swap3A_455], %swap3A_458 {strides = array<i32>} : memref<80xi32, #tpu.memory_space<vmem>>, vector<16xi32>,
        %mul3A_459 = arith.constant 80 : i32
        %mul3A_460 = arith.muli %add3A_437, %mul3A_459 : i32
        %add3A_461 = arith.constant 16 : i32
        %add3A_462 = arith.addi %mul3A_460, %add3A_461 : i32
        %get3A_463 = arith.index_cast %add3A_462 : i32 to index
        %get3A_464 = tpu.vector_load %arg7[%get3A_463] {strides = array<i32>} : memref<10000xi32, #tpu.memory_space<vmem>>, vector<16xi32>,
        %get3A_465 = vector.shape_cast %get3A_464 : vector<16xi32> to vector<16xi32>
        %and3A_466 = arith.constant 65535 : i32
        %and3A_467 = vector.broadcast %and3A_466 : i32 to vector<16xi32>
        %and3A_468 = arith.andi %get3A_465, %and3A_467 : vector<16xi32>
        %swap3A_469 = arith.constant 16 : index
        %swap3A_470 = tpu.vector_load %arg10[%swap3A_469] {strides = array<i32>} : memref<80xi32, #tpu.memory_space<vmem>>, vector<16xi32>,
        %swap3A_471 = vector.shape_cast %swap3A_470 : vector<16xi32> to vector<16xi32>
        %swap3A_472 = vector.shape_cast %and3A_468 : vector<16xi32> to vector<16xi32>
        tpu.vector_store %arg10[%swap3A_469], %swap3A_472 {strides = array<i32>} : memref<80xi32, #tpu.memory_space<vmem>>, vector<16xi32>,
        %shift_right_arithmetic3A_473 = arith.constant 16 : i32
        %shift_right_arithmetic3A_474 = vector.broadcast %shift_right_arithmetic3A_473 : i32 to vector<16xi32>
        %shift_right_arithmetic3A_475 = arith.shrsi %get3A_465, %shift_right_arithmetic3A_474 : vector<16xi32>
        %swap3A_476 = arith.constant 16 : index
        %swap3A_477 = tpu.vector_load %arg11[%swap3A_476] {strides = array<i32>} : memref<80xi32, #tpu.memory_space<vmem>>, vector<16xi32>,
        %swap3A_478 = vector.shape_cast %swap3A_477 : vector<16xi32> to vector<16xi32>
        %swap3A_479 = vector.shape_cast %shift_right_arithmetic3A_475 : vector<16xi32> to vector<16xi32>
        tpu.vector_store %arg11[%swap3A_476], %swap3A_479 {strides = array<i32>} : memref<80xi32, #tpu.memory_space<vmem>>, vector<16xi32>,
        %mul3A_480 = arith.constant 80 : i32
        %mul3A_481 = arith.muli %add3A_437, %mul3A_480 : i32
        %add3A_482 = arith.constant 32 : i32
        %add3A_483 = arith.addi %mul3A_481, %add3A_482 : i32
        %get3A_484 = arith.index_cast %add3A_483 : i32 to index
        %get3A_485 = tpu.vector_load %arg7[%get3A_484] {strides = array<i32>} : memref<10000xi32, #tpu.memory_space<vmem>>, vector<16xi32>,
        %get3A_486 = vector.shape_cast %get3A_485 : vector<16xi32> to vector<16xi32>
        %and3A_487 = arith.constant 65535 : i32
        %and3A_488 = vector.broadcast %and3A_487 : i32 to vector<16xi32>
        %and3A_489 = arith.andi %get3A_486, %and3A_488 : vector<16xi32>
        %swap3A_490 = arith.constant 32 : index
        %swap3A_491 = tpu.vector_load %arg10[%swap3A_490] {strides = array<i32>} : memref<80xi32, #tpu.memory_space<vmem>>, vector<16xi32>,
        %swap3A_492 = vector.shape_cast %swap3A_491 : vector<16xi32> to vector<16xi32>
        %swap3A_493 = vector.shape_cast %and3A_489 : vector<16xi32> to vector<16xi32>
        tpu.vector_store %arg10[%swap3A_490], %swap3A_493 {strides = array<i32>} : memref<80xi32, #tpu.memory_space<vmem>>, vector<16xi32>,
        %shift_right_arithmetic3A_494 = arith.constant 16 : i32
        %shift_right_arithmetic3A_495 = vector.broadcast %shift_right_arithmetic3A_494 : i32 to vector<16xi32>
        %shift_right_arithmetic3A_496 = arith.shrsi %get3A_486, %shift_right_arithmetic3A_495 : vector<16xi32>
        %swap3A_497 = arith.constant 32 : index
        %swap3A_498 = tpu.vector_load %arg11[%swap3A_497] {strides = array<i32>} : memref<80xi32, #tpu.memory_space<vmem>>, vector<16xi32>,
        %swap3A_499 = vector.shape_cast %swap3A_498 : vector<16xi32> to vector<16xi32>
        %swap3A_500 = vector.shape_cast %shift_right_arithmetic3A_496 : vector<16xi32> to vector<16xi32>
        tpu.vector_store %arg11[%swap3A_497], %swap3A_500 {strides = array<i32>} : memref<80xi32, #tpu.memory_space<vmem>>, vector<16xi32>,
        %mul3A_501 = arith.constant 80 : i32
        %mul3A_502 = arith.muli %add3A_437, %mul3A_501 : i32
        %add3A_503 = arith.constant 48 : i32
        %add3A_504 = arith.addi %mul3A_502, %add3A_503 : i32
        %get3A_505 = arith.index_cast %add3A_504 : i32 to index
        %get3A_506 = tpu.vector_load %arg7[%get3A_505] {strides = array<i32>} : memref<10000xi32, #tpu.memory_space<vmem>>, vector<16xi32>,
        %get3A_507 = vector.shape_cast %get3A_506 : vector<16xi32> to vector<16xi32>
        %and3A_508 = arith.constant 65535 : i32
        %and3A_509 = vector.broadcast %and3A_508 : i32 to vector<16xi32>
        %and3A_510 = arith.andi %get3A_507, %and3A_509 : vector<16xi32>
        %swap3A_511 = arith.constant 48 : index
        %swap3A_512 = tpu.vector_load %arg10[%swap3A_511] {strides = array<i32>} : memref<80xi32, #tpu.memory_space<vmem>>, vector<16xi32>,
        %swap3A_513 = vector.shape_cast %swap3A_512 : vector<16xi32> to vector<16xi32>
        %swap3A_514 = vector.shape_cast %and3A_510 : vector<16xi32> to vector<16xi32>
        tpu.vector_store %arg10[%swap3A_511], %swap3A_514 {strides = array<i32>} : memref<80xi32, #tpu.memory_space<vmem>>, vector<16xi32>,
        %shift_right_arithmetic3A_515 = arith.constant 16 : i32
        %shift_right_arithmetic3A_516 = vector.broadcast %shift_right_arithmetic3A_515 : i32 to vector<16xi32>
        %shift_right_arithmetic3A_517 = arith.shrsi %get3A_507, %shift_right_arithmetic3A_516 : vector<16xi32>
        %swap3A_518 = arith.constant 48 : index
        %swap3A_519 = tpu.vector_load %arg11[%swap3A_518] {strides = array<i32>} : memref<80xi32, #tpu.memory_space<vmem>>, vector<16xi32>,
        %swap3A_520 = vector.shape_cast %swap3A_519 : vector<16xi32> to vector<16xi32>
        %swap3A_521 = vector.shape_cast %shift_right_arithmetic3A_517 : vector<16xi32> to vector<16xi32>
        tpu.vector_store %arg11[%swap3A_518], %swap3A_521 {strides = array<i32>} : memref<80xi32, #tpu.memory_space<vmem>>, vector<16xi32>,
        %mul3A_522 = arith.constant 80 : i32
        %mul3A_523 = arith.muli %add3A_437, %mul3A_522 : i32
        %add3A_524 = arith.constant 64 : i32
        %add3A_525 = arith.addi %mul3A_523, %add3A_524 : i32
        %get3A_526 = arith.index_cast %add3A_525 : i32 to index
        %get3A_527 = tpu.vector_load %arg7[%get3A_526] {strides = array<i32>} : memref<10000xi32, #tpu.memory_space<vmem>>, vector<16xi32>,
        %get3A_528 = vector.shape_cast %get3A_527 : vector<16xi32> to vector<16xi32>
        %and3A_529 = arith.constant 65535 : i32
        %and3A_530 = vector.broadcast %and3A_529 : i32 to vector<16xi32>
        %and3A_531 = arith.andi %get3A_528, %and3A_530 : vector<16xi32>
        %swap3A_532 = arith.constant 64 : index
        %swap3A_533 = tpu.vector_load %arg10[%swap3A_532] {strides = array<i32>} : memref<80xi32, #tpu.memory_space<vmem>>, vector<16xi32>,
        %swap3A_534 = vector.shape_cast %swap3A_533 : vector<16xi32> to vector<16xi32>
        %swap3A_535 = vector.shape_cast %and3A_531 : vector<16xi32> to vector<16xi32>
        tpu.vector_store %arg10[%swap3A_532], %swap3A_535 {strides = array<i32>} : memref<80xi32, #tpu.memory_space<vmem>>, vector<16xi32>,
        %shift_right_arithmetic3A_536 = arith.constant 16 : i32
        %shift_right_arithmetic3A_537 = vector.broadcast %shift_right_arithmetic3A_536 : i32 to vector<16xi32>
        %shift_right_arithmetic3A_538 = arith.shrsi %get3A_528, %shift_right_arithmetic3A_537 : vector<16xi32>
        %swap3A_539 = arith.constant 64 : index
        %swap3A_540 = tpu.vector_load %arg11[%swap3A_539] {strides = array<i32>} : memref<80xi32, #tpu.memory_space<vmem>>, vector<16xi32>,
        %swap3A_541 = vector.shape_cast %swap3A_540 : vector<16xi32> to vector<16xi32>
        %swap3A_542 = vector.shape_cast %shift_right_arithmetic3A_538 : vector<16xi32> to vector<16xi32>
        tpu.vector_store %arg11[%swap3A_539], %swap3A_542 {strides = array<i32>} : memref<80xi32, #tpu.memory_space<vmem>>, vector<16xi32>,
        %dma_start3A_543 = arith.constant 0 : i32
        %dma_start3A_544 = arith.constant 0 : i32
        %dma_start3A_545 = tpu.memref_slice %arg2[%dma_start3A_543, %dma_start3A_544] : memref<10000x128xf32, #tpu.memory_space<hbm>> -> memref<10000x128xf32, #tpu.memory_space<hbm>>
        tpu.enqueue_indirect_dma source(%dma_start3A_545 : memref<10000x128xf32, #tpu.memory_space<hbm>>) target(%arg15 : memref<80x128xf32, #tpu.memory_space<vmem>>) offsets(%arg10 : memref<80xi32, #tpu.memory_space<vmem>>) semaphore(%arg22 : memref<!tpu.dma_semaphore, #tpu.memory_space<semaphore_mem>>)
        %dma_start3A_546 = arith.constant 0 : i32
        %dma_start3A_547 = arith.constant 0 : i32
        %dma_start3A_548 = tpu.memref_slice %arg3[%dma_start3A_546, %dma_start3A_547] : memref<10000x128xf32, #tpu.memory_space<hbm>> -> memref<10000x128xf32, #tpu.memory_space<hbm>>
        tpu.enqueue_indirect_dma source(%dma_start3A_548 : memref<10000x128xf32, #tpu.memory_space<hbm>>) target(%arg16 : memref<80x128xf32, #tpu.memory_space<vmem>>) offsets(%arg11 : memref<80xi32, #tpu.memory_space<vmem>>) semaphore(%arg23 : memref<!tpu.dma_semaphore, #tpu.memory_space<semaphore_mem>>)
        %mul3A_549 = arith.constant 80 : i32
        %mul3A_550 = arith.muli %add3A_437, %mul3A_549 : i32
        %add3A_551 = arith.addi %mul3A_2, %mul3A_550 : i32
        %dma_start3A_552 = arith.constant 0 : i32
        %dma_start3A_553 = tpu.memref_slice %arg4[%add3A_551, %dma_start3A_552] : memref<320000x128xf32, #tpu.memory_space<hbm>> -> memref<80x128xf32, #tpu.memory_space<hbm>>
        %dma_start3A_554 = arith.constant 0 : i32
        %dma_start3A_555 = tpu.memref_slice %arg4[%add3A_551, %dma_start3A_554] : memref<320000x128xf32, #tpu.memory_space<hbm>> -> memref<80x128xf32, #tpu.memory_space<hbm>>
        tpu.enqueue_dma source(%dma_start3A_555 : memref<80x128xf32, #tpu.memory_space<hbm>>) target(%arg17 : memref<80x128xf32, #tpu.memory_space<vmem>>) target_semaphore(%arg24 : memref<!tpu.dma_semaphore, #tpu.memory_space<semaphore_mem>>)
      } else {
      }
      scf.yield %scan3A_430#0, %scan3A_430#1, %scan3A_430#2, %scan3A_430#3, %scan3A_430#4, %scan3A_430#5, %scan3A_430#6, %scan3A_430#7 : vector<16xf32>, vector<16xf32>, vector<16xf32>, vector<16xf32>, vector<16xf32>, vector<16xf32>, vector<16xf32>, vector<16xf32>
    }
    %scan3A_211 = arith.constant 62 : i32
    %dma_wait3A = arith.constant 0 : i32
    %dma_wait3A_212 = arith.constant 0 : i32
    %dma_wait3A_213 = tpu.memref_slice %arg2[%dma_wait3A, %dma_wait3A_212] : memref<10000x128xf32, #tpu.memory_space<hbm>> -> memref<10000x128xf32, #tpu.memory_space<hbm>>
    tpu.wait_indirect_dma semaphore(%arg19 : memref<!tpu.dma_semaphore, #tpu.memory_space<semaphore_mem>>) src(%dma_wait3A_213 : memref<10000x128xf32, #tpu.memory_space<hbm>>) dst(%arg12 : memref<80x128xf32, #tpu.memory_space<vmem>>)
    %dma_wait3A_214 = arith.constant 0 : i32
    %dma_wait3A_215 = arith.constant 0 : i32
    %dma_wait3A_216 = tpu.memref_slice %arg3[%dma_wait3A_214, %dma_wait3A_215] : memref<10000x128xf32, #tpu.memory_space<hbm>> -> memref<10000x128xf32, #tpu.memory_space<hbm>>
    tpu.wait_indirect_dma semaphore(%arg20 : memref<!tpu.dma_semaphore, #tpu.memory_space<semaphore_mem>>) src(%dma_wait3A_216 : memref<10000x128xf32, #tpu.memory_space<hbm>>) dst(%arg13 : memref<80x128xf32, #tpu.memory_space<vmem>>)
    %add3A_217 = arith.constant 9920 : i32
    %add3A_218 = arith.addi %mul3A_2, %add3A_217 : i32
    %dma_wait3A_219 = arith.constant 0 : i32
    %dma_wait3A_220 = tpu.memref_slice %arg4[%add3A_218, %dma_wait3A_219] : memref<320000x128xf32, #tpu.memory_space<hbm>> -> memref<80x128xf32, #tpu.memory_space<hbm>>
    %dma_wait3A_221 = arith.constant 0 : i32
    %dma_wait3A_222 = tpu.memref_slice %arg4[%add3A_218, %dma_wait3A_221] : memref<320000x128xf32, #tpu.memory_space<hbm>> -> memref<80x128xf32, #tpu.memory_space<hbm>>
    tpu.wait_dma2 semaphore(%arg21 : memref<!tpu.dma_semaphore, #tpu.memory_space<semaphore_mem>>) src(%dma_wait3A_222 : memref<80x128xf32, #tpu.memory_space<hbm>>) dst(%arg14 : memref<80x128xf32, #tpu.memory_space<vmem>>)
    %scan3A_223 = arith.constant 0 : i32
    %scan3A_224 = arith.constant 40 : i32
    %scan3A_225 = arith.addi %scan3A_223, %scan3A_224 : i32
    %scan3A_226 = arith.constant 1 : i32
    %scan3A_227:8 = scf.for %scan3A_261 = %scan3A_223 to %scan3A_225 step %scan3A_226 iter_args(%scan3A_262 = %scan3A_210#0, %scan3A_263 = %scan3A_210#1, %scan3A_264 = %scan3A_210#2, %scan3A_265 = %scan3A_210#3, %scan3A_266 = %scan3A_210#4, %scan3A_267 = %scan3A_210#5, %scan3A_268 = %scan3A_210#6, %scan3A_269 = %scan3A_210#7) -> (vector<16xf32>, vector<16xf32>, vector<16xf32>, vector<16xf32>, vector<16xf32>, vector<16xf32>, vector<16xf32>, vector<16xf32>)  : i32 {
      %mul3A_270 = arith.constant 2 : i32
      %mul3A_271 = arith.muli %mul3A_270, %scan3A_261 : i32
      %add3A_272 = arith.constant 0 : i32
      %add3A_273 = arith.addi %mul3A_271, %add3A_272 : i32
      %get3A_274 = arith.index_cast %add3A_273 : i32 to index
      %get3A_275 = arith.constant 0 : index
      %get3A_276 = tpu.vector_load %arg12[%get3A_274, %get3A_275] {strides = array<i32>} : memref<80x128xf32, #tpu.memory_space<vmem>>, vector<1x16xf32>,
      %get3A_277 = vector.shape_cast %get3A_276 : vector<1x16xf32> to vector<16xf32>
      %get3A_278 = arith.index_cast %add3A_273 : i32 to index
      %get3A_279 = arith.constant 0 : index
      %get3A_280 = tpu.vector_load %arg13[%get3A_278, %get3A_279] {strides = array<i32>} : memref<80x128xf32, #tpu.memory_space<vmem>>, vector<1x16xf32>,
      %get3A_281 = vector.shape_cast %get3A_280 : vector<1x16xf32> to vector<16xf32>
      %add3A_282 = arith.addf %get3A_277, %get3A_281 : vector<16xf32>
      %get3A_283 = arith.index_cast %add3A_273 : i32 to index
      %get3A_284 = arith.constant 0 : index
      %get3A_285 = tpu.vector_load %arg14[%get3A_283, %get3A_284] {strides = array<i32>} : memref<80x128xf32, #tpu.memory_space<vmem>>, vector<1x16xf32>,
      %get3A_286 = vector.shape_cast %get3A_285 : vector<1x16xf32> to vector<16xf32>
      %add3A_287 = arith.addf %add3A_282, %get3A_286 : vector<16xf32>
      %max3A = arith.constant 0.000000e+00 : f32
      %max3A_288 = vector.broadcast %max3A : f32 to vector<16xf32>
      %max3A_289 = arith.maximumf %add3A_287, %max3A_288 : vector<16xf32>
      %get3A_290 = arith.index_cast %add3A_273 : i32 to index
      %get3A_291 = arith.constant 16 : index
      %get3A_292 = tpu.vector_load %arg12[%get3A_290, %get3A_291] {strides = array<i32>} : memref<80x128xf32, #tpu.memory_space<vmem>>, vector<1x16xf32>,
      %get3A_293 = vector.shape_cast %get3A_292 : vector<1x16xf32> to vector<16xf32>
      %get3A_294 = arith.index_cast %add3A_273 : i32 to index
      %get3A_295 = arith.constant 16 : index
      %get3A_296 = tpu.vector_load %arg13[%get3A_294, %get3A_295] {strides = array<i32>} : memref<80x128xf32, #tpu.memory_space<vmem>>, vector<1x16xf32>,
      %get3A_297 = vector.shape_cast %get3A_296 : vector<1x16xf32> to vector<16xf32>
      %add3A_298 = arith.addf %get3A_293, %get3A_297 : vector<16xf32>
      %get3A_299 = arith.index_cast %add3A_273 : i32 to index
      %get3A_300 = arith.constant 16 : index
      %get3A_301 = tpu.vector_load %arg14[%get3A_299, %get3A_300] {strides = array<i32>} : memref<80x128xf32, #tpu.memory_space<vmem>>, vector<1x16xf32>,
      %get3A_302 = vector.shape_cast %get3A_301 : vector<1x16xf32> to vector<16xf32>
      %add3A_303 = arith.addf %add3A_298, %get3A_302 : vector<16xf32>
      %max3A_304 = arith.constant 0.000000e+00 : f32
      %max3A_305 = vector.broadcast %max3A_304 : f32 to vector<16xf32>
      %max3A_306 = arith.maximumf %add3A_303, %max3A_305 : vector<16xf32>
      %add3A_307 = arith.addf %scan3A_262, %max3A_289 : vector<16xf32>
      %add3A_308 = arith.addf %scan3A_263, %max3A_306 : vector<16xf32>
      %get3A_309 = arith.index_cast %add3A_273 : i32 to index
      %get3A_310 = arith.constant 32 : index
      %get3A_311 = tpu.vector_load %arg12[%get3A_309, %get3A_310] {strides = array<i32>} : memref<80x128xf32, #tpu.memory_space<vmem>>, vector<1x16xf32>,
      %get3A_312 = vector.shape_cast %get3A_311 : vector<1x16xf32> to vector<16xf32>
      %get3A_313 = arith.index_cast %add3A_273 : i32 to index
      %get3A_314 = arith.constant 32 : index
      %get3A_315 = tpu.vector_load %arg13[%get3A_313, %get3A_314] {strides = array<i32>} : memref<80x128xf32, #tpu.memory_space<vmem>>, vector<1x16xf32>,
      %get3A_316 = vector.shape_cast %get3A_315 : vector<1x16xf32> to vector<16xf32>
      %add3A_317 = arith.addf %get3A_312, %get3A_316 : vector<16xf32>
      %get3A_318 = arith.index_cast %add3A_273 : i32 to index
      %get3A_319 = arith.constant 32 : index
      %get3A_320 = tpu.vector_load %arg14[%get3A_318, %get3A_319] {strides = array<i32>} : memref<80x128xf32, #tpu.memory_space<vmem>>, vector<1x16xf32>,
      %get3A_321 = vector.shape_cast %get3A_320 : vector<1x16xf32> to vector<16xf32>
      %add3A_322 = arith.addf %add3A_317, %get3A_321 : vector<16xf32>
      %max3A_323 = arith.constant 0.000000e+00 : f32
      %max3A_324 = vector.broadcast %max3A_323 : f32 to vector<16xf32>
      %max3A_325 = arith.maximumf %add3A_322, %max3A_324 : vector<16xf32>
      %get3A_326 = arith.index_cast %add3A_273 : i32 to index
      %get3A_327 = arith.constant 48 : index
      %get3A_328 = tpu.vector_load %arg12[%get3A_326, %get3A_327] {strides = array<i32>} : memref<80x128xf32, #tpu.memory_space<vmem>>, vector<1x16xf32>,
      %get3A_329 = vector.shape_cast %get3A_328 : vector<1x16xf32> to vector<16xf32>
      %get3A_330 = arith.index_cast %add3A_273 : i32 to index
      %get3A_331 = arith.constant 48 : index
      %get3A_332 = tpu.vector_load %arg13[%get3A_330, %get3A_331] {strides = array<i32>} : memref<80x128xf32, #tpu.memory_space<vmem>>, vector<1x16xf32>,
      %get3A_333 = vector.shape_cast %get3A_332 : vector<1x16xf32> to vector<16xf32>
      %add3A_334 = arith.addf %get3A_329, %get3A_333 : vector<16xf32>
      %get3A_335 = arith.index_cast %add3A_273 : i32 to index
      %get3A_336 = arith.constant 48 : index
      %get3A_337 = tpu.vector_load %arg14[%get3A_335, %get3A_336] {strides = array<i32>} : memref<80x128xf32, #tpu.memory_space<vmem>>, vector<1x16xf32>,
      %get3A_338 = vector.shape_cast %get3A_337 : vector<1x16xf32> to vector<16xf32>
      %add3A_339 = arith.addf %add3A_334, %get3A_338 : vector<16xf32>
      %max3A_340 = arith.constant 0.000000e+00 : f32
      %max3A_341 = vector.broadcast %max3A_340 : f32 to vector<16xf32>
      %max3A_342 = arith.maximumf %add3A_339, %max3A_341 : vector<16xf32>
      %add3A_343 = arith.addf %scan3A_264, %max3A_325 : vector<16xf32>
      %add3A_344 = arith.addf %scan3A_265, %max3A_342 : vector<16xf32>
      %get3A_345 = arith.index_cast %add3A_273 : i32 to index
      %get3A_346 = arith.constant 64 : index
      %get3A_347 = tpu.vector_load %arg12[%get3A_345, %get3A_346] {strides = array<i32>} : memref<80x128xf32, #tpu.memory_space<vmem>>, vector<1x16xf32>,
      %get3A_348 = vector.shape_cast %get3A_347 : vector<1x16xf32> to vector<16xf32>
      %get3A_349 = arith.index_cast %add3A_273 : i32 to index
      %get3A_350 = arith.constant 64 : index
      %get3A_351 = tpu.vector_load %arg13[%get3A_349, %get3A_350] {strides = array<i32>} : memref<80x128xf32, #tpu.memory_space<vmem>>, vector<1x16xf32>,
      %get3A_352 = vector.shape_cast %get3A_351 : vector<1x16xf32> to vector<16xf32>
      %add3A_353 = arith.addf %get3A_348, %get3A_352 : vector<16xf32>
      %get3A_354 = arith.index_cast %add3A_273 : i32 to index
      %get3A_355 = arith.constant 64 : index
      %get3A_356 = tpu.vector_load %arg14[%get3A_354, %get3A_355] {strides = array<i32>} : memref<80x128xf32, #tpu.memory_space<vmem>>, vector<1x16xf32>,
      %get3A_357 = vector.shape_cast %get3A_356 : vector<1x16xf32> to vector<16xf32>
      %add3A_358 = arith.addf %add3A_353, %get3A_357 : vector<16xf32>
      %max3A_359 = arith.constant 0.000000e+00 : f32
      %max3A_360 = vector.broadcast %max3A_359 : f32 to vector<16xf32>
      %max3A_361 = arith.maximumf %add3A_358, %max3A_360 : vector<16xf32>
      %get3A_362 = arith.index_cast %add3A_273 : i32 to index
      %get3A_363 = arith.constant 80 : index
      %get3A_364 = tpu.vector_load %arg12[%get3A_362, %get3A_363] {strides = array<i32>} : memref<80x128xf32, #tpu.memory_space<vmem>>, vector<1x16xf32>,
      %get3A_365 = vector.shape_cast %get3A_364 : vector<1x16xf32> to vector<16xf32>
      %get3A_366 = arith.index_cast %add3A_273 : i32 to index
      %get3A_367 = arith.constant 80 : index
      %get3A_368 = tpu.vector_load %arg13[%get3A_366, %get3A_367] {strides = array<i32>} : memref<80x128xf32, #tpu.memory_space<vmem>>, vector<1x16xf32>,
      %get3A_369 = vector.shape_cast %get3A_368 : vector<1x16xf32> to vector<16xf32>
      %add3A_370 = arith.addf %get3A_365, %get3A_369 : vector<16xf32>
      %get3A_371 = arith.index_cast %add3A_273 : i32 to index
      %get3A_372 = arith.constant 80 : index
      %get3A_373 = tpu.vector_load %arg14[%get3A_371, %get3A_372] {strides = array<i32>} : memref<80x128xf32, #tpu.memory_space<vmem>>, vector<1x16xf32>,
      %get3A_374 = vector.shape_cast %get3A_373 : vector<1x16xf32> to vector<16xf32>
      %add3A_375 = arith.addf %add3A_370, %get3A_374 : vector<16xf32>
      %max3A_376 = arith.constant 0.000000e+00 : f32
      %max3A_377 = vector.broadcast %max3A_376 : f32 to vector<16xf32>
      %max3A_378 = arith.maximumf %add3A_375, %max3A_377 : vector<16xf32>
      %add3A_379 = arith.addf %scan3A_266, %max3A_361 : vector<16xf32>
      %add3A_380 = arith.addf %scan3A_267, %max3A_378 : vector<16xf32>
      %get3A_381 = arith.index_cast %add3A_273 : i32 to index
      %get3A_382 = arith.constant 96 : index
      %get3A_383 = tpu.vector_load %arg12[%get3A_381, %get3A_382] {strides = array<i32>} : memref<80x128xf32, #tpu.memory_space<vmem>>, vector<1x16xf32>,
      %get3A_384 = vector.shape_cast %get3A_383 : vector<1x16xf32> to vector<16xf32>
      %get3A_385 = arith.index_cast %add3A_273 : i32 to index
      %get3A_386 = arith.constant 96 : index
      %get3A_387 = tpu.vector_load %arg13[%get3A_385, %get3A_386] {strides = array<i32>} : memref<80x128xf32, #tpu.memory_space<vmem>>, vector<1x16xf32>,
      %get3A_388 = vector.shape_cast %get3A_387 : vector<1x16xf32> to vector<16xf32>
      %add3A_389 = arith.addf %get3A_384, %get3A_388 : vector<16xf32>
      %get3A_390 = arith.index_cast %add3A_273 : i32 to index
      %get3A_391 = arith.constant 96 : index
      %get3A_392 = tpu.vector_load %arg14[%get3A_390, %get3A_391] {strides = array<i32>} : memref<80x128xf32, #tpu.memory_space<vmem>>, vector<1x16xf32>,
      %get3A_393 = vector.shape_cast %get3A_392 : vector<1x16xf32> to vector<16xf32>
      %add3A_394 = arith.addf %add3A_389, %get3A_393 : vector<16xf32>
      %max3A_395 = arith.constant 0.000000e+00 : f32
      %max3A_396 = vector.broadcast %max3A_395 : f32 to vector<16xf32>
      %max3A_397 = arith.maximumf %add3A_394, %max3A_396 : vector<16xf32>
      %get3A_398 = arith.index_cast %add3A_273 : i32 to index
      %get3A_399 = arith.constant 112 : index
      %get3A_400 = tpu.vector_load %arg12[%get3A_398, %get3A_399] {strides = array<i32>} : memref<80x128xf32, #tpu.memory_space<vmem>>, vector<1x16xf32>,
      %get3A_401 = vector.shape_cast %get3A_400 : vector<1x16xf32> to vector<16xf32>
      %get3A_402 = arith.index_cast %add3A_273 : i32 to index
      %get3A_403 = arith.constant 112 : index
      %get3A_404 = tpu.vector_load %arg13[%get3A_402, %get3A_403] {strides = array<i32>} : memref<80x128xf32, #tpu.memory_space<vmem>>, vector<1x16xf32>,
      %get3A_405 = vector.shape_cast %get3A_404 : vector<1x16xf32> to vector<16xf32>
      %add3A_406 = arith.addf %get3A_401, %get3A_405 : vector<16xf32>
      %get3A_407 = arith.index_cast %add3A_273 : i32 to index
      %get3A_408 = arith.constant 112 : index
      %get3A_409 = tpu.vector_load %arg14[%get3A_407, %get3A_408] {strides = array<i32>} : memref<80x128xf32, #tpu.memory_space<vmem>>, vector<1x16xf32>,
      %get3A_410 = vector.shape_cast %get3A_409 : vector<1x16xf32> to vector<16xf32>
      %add3A_411 = arith.addf %add3A_406, %get3A_410 : vector<16xf32>
      %max3A_412 = arith.constant 0.000000e+00 : f32
      %max3A_413 = vector.broadcast %max3A_412 : f32 to vector<16xf32>
      %max3A_414 = arith.maximumf %add3A_411, %max3A_413 : vector<16xf32>
      %add3A_415 = arith.addf %scan3A_268, %max3A_397 : vector<16xf32>
      %add3A_416 = arith.addf %scan3A_269, %max3A_414 : vector<16xf32>
      %mul3A_417 = arith.constant 2 : i32
      %mul3A_418 = arith.muli %mul3A_417, %scan3A_261 : i32
      %add3A_419 = arith.constant 1 : i32
      %add3A_420 = arith.addi %mul3A_418, %add3A_419 : i32
      %get3A_421 = arith.index_cast %add3A_420 : i32 to index
      %get3A_422 = arith.constant 0 : index
      %get3A_423 = tpu.vector_load %arg12[%get3A_421, %get3A_422] {strides = array<i32>} : memref<80x128xf32, #tpu.memory_space<vmem>>, vector<1x16xf32>,
      %get3A_424 = vector.shape_cast %get3A_423 : vector<1x16xf32> to vector<16xf32>
      %get3A_425 = arith.index_cast %add3A_420 : i32 to index
      %get3A_426 = arith.constant 0 : index
      %get3A_427 = tpu.vector_load %arg13[%get3A_425, %get3A_426] {strides = array<i32>} : memref<80x128xf32, #tpu.memory_space<vmem>>, vector<1x16xf32>,
      %get3A_428 = vector.shape_cast %get3A_427 : vector<1x16xf32> to vector<16xf32>
      %add3A_429 = arith.addf %get3A_424, %get3A_428 : vector<16xf32>
      %get3A_430 = arith.index_cast %add3A_420 : i32 to index
      %get3A_431 = arith.constant 0 : index
      %get3A_432 = tpu.vector_load %arg14[%get3A_430, %get3A_431] {strides = array<i32>} : memref<80x128xf32, #tpu.memory_space<vmem>>, vector<1x16xf32>,
      %get3A_433 = vector.shape_cast %get3A_432 : vector<1x16xf32> to vector<16xf32>
      %add3A_434 = arith.addf %add3A_429, %get3A_433 : vector<16xf32>
      %max3A_435 = arith.constant 0.000000e+00 : f32
      %max3A_436 = vector.broadcast %max3A_435 : f32 to vector<16xf32>
      %max3A_437 = arith.maximumf %add3A_434, %max3A_436 : vector<16xf32>
      %get3A_438 = arith.index_cast %add3A_420 : i32 to index
      %get3A_439 = arith.constant 16 : index
      %get3A_440 = tpu.vector_load %arg12[%get3A_438, %get3A_439] {strides = array<i32>} : memref<80x128xf32, #tpu.memory_space<vmem>>, vector<1x16xf32>,
      %get3A_441 = vector.shape_cast %get3A_440 : vector<1x16xf32> to vector<16xf32>
      %get3A_442 = arith.index_cast %add3A_420 : i32 to index
      %get3A_443 = arith.constant 16 : index
      %get3A_444 = tpu.vector_load %arg13[%get3A_442, %get3A_443] {strides = array<i32>} : memref<80x128xf32, #tpu.memory_space<vmem>>, vector<1x16xf32>,
      %get3A_445 = vector.shape_cast %get3A_444 : vector<1x16xf32> to vector<16xf32>
      %add3A_446 = arith.addf %get3A_441, %get3A_445 : vector<16xf32>
      %get3A_447 = arith.index_cast %add3A_420 : i32 to index
      %get3A_448 = arith.constant 16 : index
      %get3A_449 = tpu.vector_load %arg14[%get3A_447, %get3A_448] {strides = array<i32>} : memref<80x128xf32, #tpu.memory_space<vmem>>, vector<1x16xf32>,
      %get3A_450 = vector.shape_cast %get3A_449 : vector<1x16xf32> to vector<16xf32>
      %add3A_451 = arith.addf %add3A_446, %get3A_450 : vector<16xf32>
      %max3A_452 = arith.constant 0.000000e+00 : f32
      %max3A_453 = vector.broadcast %max3A_452 : f32 to vector<16xf32>
      %max3A_454 = arith.maximumf %add3A_451, %max3A_453 : vector<16xf32>
      %add3A_455 = arith.addf %add3A_307, %max3A_437 : vector<16xf32>
      %add3A_456 = arith.addf %add3A_308, %max3A_454 : vector<16xf32>
      %get3A_457 = arith.index_cast %add3A_420 : i32 to index
      %get3A_458 = arith.constant 32 : index
      %get3A_459 = tpu.vector_load %arg12[%get3A_457, %get3A_458] {strides = array<i32>} : memref<80x128xf32, #tpu.memory_space<vmem>>, vector<1x16xf32>,
      %get3A_460 = vector.shape_cast %get3A_459 : vector<1x16xf32> to vector<16xf32>
      %get3A_461 = arith.index_cast %add3A_420 : i32 to index
      %get3A_462 = arith.constant 32 : index
      %get3A_463 = tpu.vector_load %arg13[%get3A_461, %get3A_462] {strides = array<i32>} : memref<80x128xf32, #tpu.memory_space<vmem>>, vector<1x16xf32>,
      %get3A_464 = vector.shape_cast %get3A_463 : vector<1x16xf32> to vector<16xf32>
      %add3A_465 = arith.addf %get3A_460, %get3A_464 : vector<16xf32>
      %get3A_466 = arith.index_cast %add3A_420 : i32 to index
      %get3A_467 = arith.constant 32 : index
      %get3A_468 = tpu.vector_load %arg14[%get3A_466, %get3A_467] {strides = array<i32>} : memref<80x128xf32, #tpu.memory_space<vmem>>, vector<1x16xf32>,
      %get3A_469 = vector.shape_cast %get3A_468 : vector<1x16xf32> to vector<16xf32>
      %add3A_470 = arith.addf %add3A_465, %get3A_469 : vector<16xf32>
      %max3A_471 = arith.constant 0.000000e+00 : f32
      %max3A_472 = vector.broadcast %max3A_471 : f32 to vector<16xf32>
      %max3A_473 = arith.maximumf %add3A_470, %max3A_472 : vector<16xf32>
      %get3A_474 = arith.index_cast %add3A_420 : i32 to index
      %get3A_475 = arith.constant 48 : index
      %get3A_476 = tpu.vector_load %arg12[%get3A_474, %get3A_475] {strides = array<i32>} : memref<80x128xf32, #tpu.memory_space<vmem>>, vector<1x16xf32>,
      %get3A_477 = vector.shape_cast %get3A_476 : vector<1x16xf32> to vector<16xf32>
      %get3A_478 = arith.index_cast %add3A_420 : i32 to index
      %get3A_479 = arith.constant 48 : index
      %get3A_480 = tpu.vector_load %arg13[%get3A_478, %get3A_479] {strides = array<i32>} : memref<80x128xf32, #tpu.memory_space<vmem>>, vector<1x16xf32>,
      %get3A_481 = vector.shape_cast %get3A_480 : vector<1x16xf32> to vector<16xf32>
      %add3A_482 = arith.addf %get3A_477, %get3A_481 : vector<16xf32>
      %get3A_483 = arith.index_cast %add3A_420 : i32 to index
      %get3A_484 = arith.constant 48 : index
      %get3A_485 = tpu.vector_load %arg14[%get3A_483, %get3A_484] {strides = array<i32>} : memref<80x128xf32, #tpu.memory_space<vmem>>, vector<1x16xf32>,
      %get3A_486 = vector.shape_cast %get3A_485 : vector<1x16xf32> to vector<16xf32>
      %add3A_487 = arith.addf %add3A_482, %get3A_486 : vector<16xf32>
      %max3A_488 = arith.constant 0.000000e+00 : f32
      %max3A_489 = vector.broadcast %max3A_488 : f32 to vector<16xf32>
      %max3A_490 = arith.maximumf %add3A_487, %max3A_489 : vector<16xf32>
      %add3A_491 = arith.addf %add3A_343, %max3A_473 : vector<16xf32>
      %add3A_492 = arith.addf %add3A_344, %max3A_490 : vector<16xf32>
      %get3A_493 = arith.index_cast %add3A_420 : i32 to index
      %get3A_494 = arith.constant 64 : index
      %get3A_495 = tpu.vector_load %arg12[%get3A_493, %get3A_494] {strides = array<i32>} : memref<80x128xf32, #tpu.memory_space<vmem>>, vector<1x16xf32>,
      %get3A_496 = vector.shape_cast %get3A_495 : vector<1x16xf32> to vector<16xf32>
      %get3A_497 = arith.index_cast %add3A_420 : i32 to index
      %get3A_498 = arith.constant 64 : index
      %get3A_499 = tpu.vector_load %arg13[%get3A_497, %get3A_498] {strides = array<i32>} : memref<80x128xf32, #tpu.memory_space<vmem>>, vector<1x16xf32>,
      %get3A_500 = vector.shape_cast %get3A_499 : vector<1x16xf32> to vector<16xf32>
      %add3A_501 = arith.addf %get3A_496, %get3A_500 : vector<16xf32>
      %get3A_502 = arith.index_cast %add3A_420 : i32 to index
      %get3A_503 = arith.constant 64 : index
      %get3A_504 = tpu.vector_load %arg14[%get3A_502, %get3A_503] {strides = array<i32>} : memref<80x128xf32, #tpu.memory_space<vmem>>, vector<1x16xf32>,
      %get3A_505 = vector.shape_cast %get3A_504 : vector<1x16xf32> to vector<16xf32>
      %add3A_506 = arith.addf %add3A_501, %get3A_505 : vector<16xf32>
      %max3A_507 = arith.constant 0.000000e+00 : f32
      %max3A_508 = vector.broadcast %max3A_507 : f32 to vector<16xf32>
      %max3A_509 = arith.maximumf %add3A_506, %max3A_508 : vector<16xf32>
      %get3A_510 = arith.index_cast %add3A_420 : i32 to index
      %get3A_511 = arith.constant 80 : index
      %get3A_512 = tpu.vector_load %arg12[%get3A_510, %get3A_511] {strides = array<i32>} : memref<80x128xf32, #tpu.memory_space<vmem>>, vector<1x16xf32>,
      %get3A_513 = vector.shape_cast %get3A_512 : vector<1x16xf32> to vector<16xf32>
      %get3A_514 = arith.index_cast %add3A_420 : i32 to index
      %get3A_515 = arith.constant 80 : index
      %get3A_516 = tpu.vector_load %arg13[%get3A_514, %get3A_515] {strides = array<i32>} : memref<80x128xf32, #tpu.memory_space<vmem>>, vector<1x16xf32>,
      %get3A_517 = vector.shape_cast %get3A_516 : vector<1x16xf32> to vector<16xf32>
      %add3A_518 = arith.addf %get3A_513, %get3A_517 : vector<16xf32>
      %get3A_519 = arith.index_cast %add3A_420 : i32 to index
      %get3A_520 = arith.constant 80 : index
      %get3A_521 = tpu.vector_load %arg14[%get3A_519, %get3A_520] {strides = array<i32>} : memref<80x128xf32, #tpu.memory_space<vmem>>, vector<1x16xf32>,
      %get3A_522 = vector.shape_cast %get3A_521 : vector<1x16xf32> to vector<16xf32>
      %add3A_523 = arith.addf %add3A_518, %get3A_522 : vector<16xf32>
      %max3A_524 = arith.constant 0.000000e+00 : f32
      %max3A_525 = vector.broadcast %max3A_524 : f32 to vector<16xf32>
      %max3A_526 = arith.maximumf %add3A_523, %max3A_525 : vector<16xf32>
      %add3A_527 = arith.addf %add3A_379, %max3A_509 : vector<16xf32>
      %add3A_528 = arith.addf %add3A_380, %max3A_526 : vector<16xf32>
      %get3A_529 = arith.index_cast %add3A_420 : i32 to index
      %get3A_530 = arith.constant 96 : index
      %get3A_531 = tpu.vector_load %arg12[%get3A_529, %get3A_530] {strides = array<i32>} : memref<80x128xf32, #tpu.memory_space<vmem>>, vector<1x16xf32>,
      %get3A_532 = vector.shape_cast %get3A_531 : vector<1x16xf32> to vector<16xf32>
      %get3A_533 = arith.index_cast %add3A_420 : i32 to index
      %get3A_534 = arith.constant 96 : index
      %get3A_535 = tpu.vector_load %arg13[%get3A_533, %get3A_534] {strides = array<i32>} : memref<80x128xf32, #tpu.memory_space<vmem>>, vector<1x16xf32>,
      %get3A_536 = vector.shape_cast %get3A_535 : vector<1x16xf32> to vector<16xf32>
      %add3A_537 = arith.addf %get3A_532, %get3A_536 : vector<16xf32>
      %get3A_538 = arith.index_cast %add3A_420 : i32 to index
      %get3A_539 = arith.constant 96 : index
      %get3A_540 = tpu.vector_load %arg14[%get3A_538, %get3A_539] {strides = array<i32>} : memref<80x128xf32, #tpu.memory_space<vmem>>, vector<1x16xf32>,
      %get3A_541 = vector.shape_cast %get3A_540 : vector<1x16xf32> to vector<16xf32>
      %add3A_542 = arith.addf %add3A_537, %get3A_541 : vector<16xf32>
      %max3A_543 = arith.constant 0.000000e+00 : f32
      %max3A_544 = vector.broadcast %max3A_543 : f32 to vector<16xf32>
      %max3A_545 = arith.maximumf %add3A_542, %max3A_544 : vector<16xf32>
      %get3A_546 = arith.index_cast %add3A_420 : i32 to index
      %get3A_547 = arith.constant 112 : index
      %get3A_548 = tpu.vector_load %arg12[%get3A_546, %get3A_547] {strides = array<i32>} : memref<80x128xf32, #tpu.memory_space<vmem>>, vector<1x16xf32>,
      %get3A_549 = vector.shape_cast %get3A_548 : vector<1x16xf32> to vector<16xf32>
      %get3A_550 = arith.index_cast %add3A_420 : i32 to index
      %get3A_551 = arith.constant 112 : index
      %get3A_552 = tpu.vector_load %arg13[%get3A_550, %get3A_551] {strides = array<i32>} : memref<80x128xf32, #tpu.memory_space<vmem>>, vector<1x16xf32>,
      %get3A_553 = vector.shape_cast %get3A_552 : vector<1x16xf32> to vector<16xf32>
      %add3A_554 = arith.addf %get3A_549, %get3A_553 : vector<16xf32>
      %get3A_555 = arith.index_cast %add3A_420 : i32 to index
      %get3A_556 = arith.constant 112 : index
      %get3A_557 = tpu.vector_load %arg14[%get3A_555, %get3A_556] {strides = array<i32>} : memref<80x128xf32, #tpu.memory_space<vmem>>, vector<1x16xf32>,
      %get3A_558 = vector.shape_cast %get3A_557 : vector<1x16xf32> to vector<16xf32>
      %add3A_559 = arith.addf %add3A_554, %get3A_558 : vector<16xf32>
      %max3A_560 = arith.constant 0.000000e+00 : f32
      %max3A_561 = vector.broadcast %max3A_560 : f32 to vector<16xf32>
      %max3A_562 = arith.maximumf %add3A_559, %max3A_561 : vector<16xf32>
      %add3A_563 = arith.addf %add3A_415, %max3A_545 : vector<16xf32>
      %add3A_564 = arith.addf %add3A_416, %max3A_562 : vector<16xf32>
      scf.yield %add3A_455, %add3A_456, %add3A_491, %add3A_492, %add3A_527, %add3A_528, %add3A_563, %add3A_564 : vector<16xf32>, vector<16xf32>, vector<16xf32>, vector<16xf32>, vector<16xf32>, vector<16xf32>, vector<16xf32>, vector<16xf32>
    }
    %scan3A_228 = arith.constant 40 : i32
    %swap3A_229 = arith.constant 0 : index
    %swap3A_230 = tpu.vector_load %arg18[%swap3A_229] {strides = array<i32>} : memref<128xf32, #tpu.memory_space<vmem>>, vector<16xf32>,
    %swap3A_231 = vector.shape_cast %swap3A_230 : vector<16xf32> to vector<16xf32>
    %swap3A_232 = vector.shape_cast %scan3A_227#0 : vector<16xf32> to vector<16xf32>
    tpu.vector_store %arg18[%swap3A_229], %swap3A_232 {strides = array<i32>} : memref<128xf32, #tpu.memory_space<vmem>>, vector<16xf32>,
    %swap3A_233 = arith.constant 16 : index
    %swap3A_234 = tpu.vector_load %arg18[%swap3A_233] {strides = array<i32>} : memref<128xf32, #tpu.memory_space<vmem>>, vector<16xf32>,
    %swap3A_235 = vector.shape_cast %swap3A_234 : vector<16xf32> to vector<16xf32>
    %swap3A_236 = vector.shape_cast %scan3A_227#1 : vector<16xf32> to vector<16xf32>
    tpu.vector_store %arg18[%swap3A_233], %swap3A_236 {strides = array<i32>} : memref<128xf32, #tpu.memory_space<vmem>>, vector<16xf32>,
    %swap3A_237 = arith.constant 32 : index
    %swap3A_238 = tpu.vector_load %arg18[%swap3A_237] {strides = array<i32>} : memref<128xf32, #tpu.memory_space<vmem>>, vector<16xf32>,
    %swap3A_239 = vector.shape_cast %swap3A_238 : vector<16xf32> to vector<16xf32>
    %swap3A_240 = vector.shape_cast %scan3A_227#2 : vector<16xf32> to vector<16xf32>
    tpu.vector_store %arg18[%swap3A_237], %swap3A_240 {strides = array<i32>} : memref<128xf32, #tpu.memory_space<vmem>>, vector<16xf32>,
    %swap3A_241 = arith.constant 48 : index
    %swap3A_242 = tpu.vector_load %arg18[%swap3A_241] {strides = array<i32>} : memref<128xf32, #tpu.memory_space<vmem>>, vector<16xf32>,
    %swap3A_243 = vector.shape_cast %swap3A_242 : vector<16xf32> to vector<16xf32>
    %swap3A_244 = vector.shape_cast %scan3A_227#3 : vector<16xf32> to vector<16xf32>
    tpu.vector_store %arg18[%swap3A_241], %swap3A_244 {strides = array<i32>} : memref<128xf32, #tpu.memory_space<vmem>>, vector<16xf32>,
    %swap3A_245 = arith.constant 64 : index
    %swap3A_246 = tpu.vector_load %arg18[%swap3A_245] {strides = array<i32>} : memref<128xf32, #tpu.memory_space<vmem>>, vector<16xf32>,
    %swap3A_247 = vector.shape_cast %swap3A_246 : vector<16xf32> to vector<16xf32>
    %swap3A_248 = vector.shape_cast %scan3A_227#4 : vector<16xf32> to vector<16xf32>
    tpu.vector_store %arg18[%swap3A_245], %swap3A_248 {strides = array<i32>} : memref<128xf32, #tpu.memory_space<vmem>>, vector<16xf32>,
    %swap3A_249 = arith.constant 80 : index
    %swap3A_250 = tpu.vector_load %arg18[%swap3A_249] {strides = array<i32>} : memref<128xf32, #tpu.memory_space<vmem>>, vector<16xf32>,
    %swap3A_251 = vector.shape_cast %swap3A_250 : vector<16xf32> to vector<16xf32>
    %swap3A_252 = vector.shape_cast %scan3A_227#5 : vector<16xf32> to vector<16xf32>
    tpu.vector_store %arg18[%swap3A_249], %swap3A_252 {strides = array<i32>} : memref<128xf32, #tpu.memory_space<vmem>>, vector<16xf32>,
    %swap3A_253 = arith.constant 96 : index
    %swap3A_254 = tpu.vector_load %arg18[%swap3A_253] {strides = array<i32>} : memref<128xf32, #tpu.memory_space<vmem>>, vector<16xf32>,
    %swap3A_255 = vector.shape_cast %swap3A_254 : vector<16xf32> to vector<16xf32>
    %swap3A_256 = vector.shape_cast %scan3A_227#6 : vector<16xf32> to vector<16xf32>
    tpu.vector_store %arg18[%swap3A_253], %swap3A_256 {strides = array<i32>} : memref<128xf32, #tpu.memory_space<vmem>>, vector<16xf32>,
    %swap3A_257 = arith.constant 112 : index
    %swap3A_258 = tpu.vector_load %arg18[%swap3A_257] {strides = array<i32>} : memref<128xf32, #tpu.memory_space<vmem>>, vector<16xf32>,
    %swap3A_259 = vector.shape_cast %swap3A_258 : vector<16xf32> to vector<16xf32>
    %swap3A_260 = vector.shape_cast %scan3A_227#7 : vector<16xf32> to vector<16xf32>
    tpu.vector_store %arg18[%swap3A_257], %swap3A_260 {strides = array<i32>} : memref<128xf32, #tpu.memory_space<vmem>>, vector<16xf32>,
    "tpu.region"() ({
      %run_scoped3A = tpu.sem_alloc : memref<!tpu.dma_semaphore, #tpu.memory_space<semaphore_mem>>
      %dma_start3A_261 = arith.constant 0 : i32
      %dma_start3A_262 = tpu.memref_slice %arg6[%add3A, %dma_start3A_261] : memref<32x128xf32, #tpu.memory_space<hbm>> -> memref<1x128xf32, #tpu.memory_space<hbm>>
      %dma_start3A_263 = tpu.memref_squeeze %dma_start3A_262 : memref<1x128xf32, #tpu.memory_space<hbm>> -> memref<128xf32, #tpu.memory_space<hbm>>
      %dma_start3A_264 = arith.constant 0 : i32
      %dma_start3A_265 = tpu.memref_slice %arg6[%add3A, %dma_start3A_264] : memref<32x128xf32, #tpu.memory_space<hbm>> -> memref<1x128xf32, #tpu.memory_space<hbm>>
      %dma_start3A_266 = tpu.memref_squeeze %dma_start3A_265 : memref<1x128xf32, #tpu.memory_space<hbm>> -> memref<128xf32, #tpu.memory_space<hbm>>
      tpu.enqueue_dma source(%arg18 : memref<128xf32, #tpu.memory_space<vmem>>) target(%dma_start3A_266 : memref<128xf32, #tpu.memory_space<hbm>>) target_semaphore(%run_scoped3A : memref<!tpu.dma_semaphore, #tpu.memory_space<semaphore_mem>>)
      %dma_wait3A_267 = arith.constant 0 : i32
      %dma_wait3A_268 = tpu.memref_slice %arg6[%add3A, %dma_wait3A_267] : memref<32x128xf32, #tpu.memory_space<hbm>> -> memref<1x128xf32, #tpu.memory_space<hbm>>
      %dma_wait3A_269 = tpu.memref_squeeze %dma_wait3A_268 : memref<1x128xf32, #tpu.memory_space<hbm>> -> memref<128xf32, #tpu.memory_space<hbm>>
      %dma_wait3A_270 = arith.constant 0 : i32
      %dma_wait3A_271 = tpu.memref_slice %arg6[%add3A, %dma_wait3A_270] : memref<32x128xf32, #tpu.memory_space<hbm>> -> memref<1x128xf32, #tpu.memory_space<hbm>>
      %dma_wait3A_272 = tpu.memref_squeeze %dma_wait3A_271 : memref<1x128xf32, #tpu.memory_space<hbm>> -> memref<128xf32, #tpu.memory_space<hbm>>
      tpu.wait_dma2 semaphore(%run_scoped3A : memref<!tpu.dma_semaphore, #tpu.memory_space<semaphore_mem>>) src(%arg18 : memref<128xf32, #tpu.memory_space<vmem>>) dst(%dma_wait3A_272 : memref<128xf32, #tpu.memory_space<hbm>>)
      tpu.yield
    }) : () -> ()
    return
  }
}

module attributes {stable_mosaic.version = 14 : i64} {
  func.func @_edgeC_body(%arg0: i32, %arg1: memref<4000x4xf32, #tpu.memory_space<vmem>>, %arg2: memref<4x128xf32, #tpu.memory_space<vmem>>, %arg3: memref<1x128xf32, #tpu.memory_space<vmem>>, %arg4: memref<4x128xf32, #tpu.memory_space<vmem>>, %arg5: memref<1x128xf32, #tpu.memory_space<vmem>>, %arg6: memref<4000x128xf32, #tpu.memory_space<vmem>>, %arg7: memref<4000x128xf32, #tpu.memory_space<vmem>>) attributes {dimension_semantics = [#tpu.dimension_semantics<arbitrary>], iteration_bounds = array<i64: 80>, scalar_prefetch = 0 : i64, scratch_operands = 0 : i64, tpu.core_type = #tpu.core_type<tc>, window_params = [{transform_indices = @transform_0, window_bounds = array<i64: 4000, 4>}, {pipeline_mode = #tpu.pipeline_mode<synchronous>, transform_indices = @transform_1, window_bounds = array<i64: 4, 128>}, {pipeline_mode = #tpu.pipeline_mode<synchronous>, transform_indices = @transform_2, window_bounds = array<i64: 1, 128>}, {pipeline_mode = #tpu.pipeline_mode<synchronous>, transform_indices = @transform_3, window_bounds = array<i64: 4, 128>}, {pipeline_mode = #tpu.pipeline_mode<synchronous>, transform_indices = @transform_4, window_bounds = array<i64: 1, 128>}, {transform_indices = @transform_5, window_bounds = array<i64: 4000, 128>}, {transform_indices = @transform_6, window_bounds = array<i64: 4000, 128>}]} {
    %get3A = arith.constant 0 : index
    %get3A_0 = arith.constant 0 : index
    %get3A_1 = vector.load %arg1[%get3A, %get3A_0] : memref<4000x4xf32, #tpu.memory_space<vmem>>, vector<4000x4xf32>
    %get3A_2 = arith.constant 0 : index
    %get3A_3 = arith.constant 0 : index
    %get3A_4 = vector.load %arg2[%get3A_2, %get3A_3] : memref<4x128xf32, #tpu.memory_space<vmem>>, vector<4x128xf32>
    %dot_general3A = arith.constant dense<0.000000e+00> : vector<4000x128xf32>
    %dot_general3A_5 = tpu.matmul %get3A_1, %get3A_4, %dot_general3A {dimension_numbers = #tpu.dot_dimension_numbers<[1], [0], [0], [1], [0, 0, 1, 1], [], []>, transpose_lhs_hint = false} : vector<4000x4xf32>, vector<4x128xf32>, vector<4000x128xf32> -> vector<4000x128xf32>
    %get3A_6 = arith.constant 0 : index
    %get3A_7 = arith.constant 0 : index
    %get3A_8 = vector.load %arg3[%get3A_6, %get3A_7] : memref<1x128xf32, #tpu.memory_space<vmem>>, vector<1x128xf32>
    %add3A = vector.broadcast %get3A_8 : vector<1x128xf32> to vector<4000x128xf32>
    %add3A_9 = arith.addf %dot_general3A_5, %add3A : vector<4000x128xf32>
    %swap3A = arith.constant 0 : index
    %swap3A_10 = arith.constant 0 : index
    %swap3A_11 = vector.load %arg6[%swap3A, %swap3A_10] : memref<4000x128xf32, #tpu.memory_space<vmem>>, vector<4000x128xf32>
    tpu.vector_store %arg6[%swap3A, %swap3A_10], %add3A_9 {strides = array<i32>} : memref<4000x128xf32, #tpu.memory_space<vmem>>, vector<4000x128xf32>,
    %get3A_12 = arith.constant 0 : index
    %get3A_13 = arith.constant 0 : index
    %get3A_14 = vector.load %arg4[%get3A_12, %get3A_13] : memref<4x128xf32, #tpu.memory_space<vmem>>, vector<4x128xf32>
    %dot_general3A_15 = arith.constant dense<0.000000e+00> : vector<4000x128xf32>
    %dot_general3A_16 = tpu.matmul %get3A_1, %get3A_14, %dot_general3A_15 {dimension_numbers = #tpu.dot_dimension_numbers<[1], [0], [0], [1], [0, 0, 1, 1], [], []>, transpose_lhs_hint = false} : vector<4000x4xf32>, vector<4x128xf32>, vector<4000x128xf32> -> vector<4000x128xf32>
    %get3A_17 = arith.constant 0 : index
    %get3A_18 = arith.constant 0 : index
    %get3A_19 = vector.load %arg5[%get3A_17, %get3A_18] : memref<1x128xf32, #tpu.memory_space<vmem>>, vector<1x128xf32>
    %add3A_20 = vector.broadcast %get3A_19 : vector<1x128xf32> to vector<4000x128xf32>
    %add3A_21 = arith.addf %dot_general3A_16, %add3A_20 : vector<4000x128xf32>
    %swap3A_22 = arith.constant 0 : index
    %swap3A_23 = arith.constant 0 : index
    %swap3A_24 = vector.load %arg7[%swap3A_22, %swap3A_23] : memref<4000x128xf32, #tpu.memory_space<vmem>>, vector<4000x128xf32>
    tpu.vector_store %arg7[%swap3A_22, %swap3A_23], %add3A_21 {strides = array<i32>} : memref<4000x128xf32, #tpu.memory_space<vmem>>, vector<4000x128xf32>,
    return
  }
  func.func @transform_0(%arg0: i32) -> (i32, i32) {
    %c0_i32 = arith.constant 0 : i32
    %c0_i32_0 = arith.constant 0 : i32
    return %arg0, %c0_i32 : i32, i32
  }
  func.func @transform_1(%arg0: i32) -> (i32, i32) {
    %c0_i32 = arith.constant 0 : i32
    %c0_i32_0 = arith.constant 0 : i32
    %c0_i32_1 = arith.constant 0 : i32
    return %c0_i32, %c0_i32_0 : i32, i32
  }
  func.func @transform_2(%arg0: i32) -> (i32, i32) {
    %c0_i32 = arith.constant 0 : i32
    %c0_i32_0 = arith.constant 0 : i32
    %c0_i32_1 = arith.constant 0 : i32
    return %c0_i32, %c0_i32_0 : i32, i32
  }
  func.func @transform_3(%arg0: i32) -> (i32, i32) {
    %c0_i32 = arith.constant 0 : i32
    %c0_i32_0 = arith.constant 0 : i32
    %c0_i32_1 = arith.constant 0 : i32
    return %c0_i32, %c0_i32_0 : i32, i32
  }
  func.func @transform_4(%arg0: i32) -> (i32, i32) {
    %c0_i32 = arith.constant 0 : i32
    %c0_i32_0 = arith.constant 0 : i32
    %c0_i32_1 = arith.constant 0 : i32
    return %c0_i32, %c0_i32_0 : i32, i32
  }
  func.func @transform_5(%arg0: i32) -> (i32, i32) {
    %c0_i32 = arith.constant 0 : i32
    %c0_i32_0 = arith.constant 0 : i32
    return %arg0, %c0_i32 : i32, i32
  }
  func.func @transform_6(%arg0: i32) -> (i32, i32) {
    %c0_i32 = arith.constant 0 : i32
    %c0_i32_0 = arith.constant 0 : i32
    return %arg0, %c0_i32 : i32, i32
  }
}

module attributes {stable_mosaic.version = 14 : i64} {
  func.func @_dense0_body(%arg0: i32, %arg1: memref<1000x128xf32, #tpu.memory_space<vmem>>, %arg2: memref<1000x1xf32, #tpu.memory_space<vmem>>, %arg3: memref<128x128xf32, #tpu.memory_space<vmem>>, %arg4: memref<1x128xf32, #tpu.memory_space<vmem>>, %arg5: memref<128x128xf32, #tpu.memory_space<vmem>>, %arg6: memref<128x128xf32, #tpu.memory_space<vmem>>, %arg7: memref<1000x128xf32, #tpu.memory_space<vmem>>, %arg8: memref<1000x128xf32, #tpu.memory_space<vmem>>, %arg9: memref<1x128xf32, #tpu.memory_space<vmem>>) attributes {dimension_semantics = [#tpu.dimension_semantics<arbitrary>], iteration_bounds = array<i64: 10>, scalar_prefetch = 0 : i64, scratch_operands = 0 : i64, tpu.core_type = #tpu.core_type<tc>, window_params = [{transform_indices = @transform_0, window_bounds = array<i64: 1000, 128>}, {transform_indices = @transform_1, window_bounds = array<i64: 1000, 1>}, {pipeline_mode = #tpu.pipeline_mode<synchronous>, transform_indices = @transform_2, window_bounds = array<i64: 128, 128>}, {pipeline_mode = #tpu.pipeline_mode<synchronous>, transform_indices = @transform_3, window_bounds = array<i64: 1, 128>}, {pipeline_mode = #tpu.pipeline_mode<synchronous>, transform_indices = @transform_4, window_bounds = array<i64: 128, 128>}, {pipeline_mode = #tpu.pipeline_mode<synchronous>, transform_indices = @transform_5, window_bounds = array<i64: 128, 128>}, {transform_indices = @transform_6, window_bounds = array<i64: 1000, 128>}, {transform_indices = @transform_7, window_bounds = array<i64: 1000, 128>}, {pipeline_mode = #tpu.pipeline_mode<synchronous>, transform_indices = @transform_8, window_bounds = array<i64: 1, 128>}]} {
    %get3A = arith.constant 0 : index
    %get3A_0 = arith.constant 0 : index
    %get3A_1 = vector.load %arg1[%get3A, %get3A_0] : memref<1000x128xf32, #tpu.memory_space<vmem>>, vector<1000x128xf32>
    %get3A_2 = arith.constant 0 : index
    %get3A_3 = arith.constant 0 : index
    %get3A_4 = vector.load %arg3[%get3A_2, %get3A_3] : memref<128x128xf32, #tpu.memory_space<vmem>>, vector<128x128xf32>
    %dot_general3A = arith.constant dense<0.000000e+00> : vector<1000x128xf32>
    %dot_general3A_5 = tpu.matmul %get3A_1, %get3A_4, %dot_general3A {dimension_numbers = #tpu.dot_dimension_numbers<[1], [0], [0], [1], [0, 0, 1, 1], [], []>, transpose_lhs_hint = false} : vector<1000x128xf32>, vector<128x128xf32>, vector<1000x128xf32> -> vector<1000x128xf32>
    %get3A_6 = arith.constant 0 : index
    %get3A_7 = arith.constant 0 : index
    %get3A_8 = vector.load %arg4[%get3A_6, %get3A_7] : memref<1x128xf32, #tpu.memory_space<vmem>>, vector<1x128xf32>
    %add3A = vector.broadcast %get3A_8 : vector<1x128xf32> to vector<1000x128xf32>
    %add3A_9 = arith.addf %dot_general3A_5, %add3A : vector<1000x128xf32>
    %max3A = arith.constant 0.000000e+00 : f32
    %max3A_10 = vector.broadcast %max3A : f32 to vector<1000x128xf32>
    %max3A_11 = arith.maximumf %add3A_9, %max3A_10 : vector<1000x128xf32>
    %get3A_12 = arith.constant 0 : index
    %get3A_13 = arith.constant 0 : index
    %get3A_14 = vector.load %arg2[%get3A_12, %get3A_13] : memref<1000x1xf32, #tpu.memory_space<vmem>>, vector<1000x1xf32>
    %mul3A = vector.broadcast %get3A_14 : vector<1000x1xf32> to vector<1000x128xf32>
    %mul3A_15 = arith.mulf %max3A_11, %mul3A : vector<1000x128xf32>
    %get3A_16 = arith.constant 0 : index
    %get3A_17 = arith.constant 0 : index
    %get3A_18 = vector.load %arg5[%get3A_16, %get3A_17] : memref<128x128xf32, #tpu.memory_space<vmem>>, vector<128x128xf32>
    %dot_general3A_19 = arith.constant dense<0.000000e+00> : vector<1000x128xf32>
    %dot_general3A_20 = tpu.matmul %mul3A_15, %get3A_18, %dot_general3A_19 {dimension_numbers = #tpu.dot_dimension_numbers<[1], [0], [0], [1], [0, 0, 1, 1], [], []>, transpose_lhs_hint = false} : vector<1000x128xf32>, vector<128x128xf32>, vector<1000x128xf32> -> vector<1000x128xf32>
    %swap3A = arith.constant 0 : index
    %swap3A_21 = arith.constant 0 : index
    %swap3A_22 = vector.load %arg7[%swap3A, %swap3A_21] : memref<1000x128xf32, #tpu.memory_space<vmem>>, vector<1000x128xf32>
    tpu.vector_store %arg7[%swap3A, %swap3A_21], %dot_general3A_20 {strides = array<i32>} : memref<1000x128xf32, #tpu.memory_space<vmem>>, vector<1000x128xf32>,
    %get3A_23 = arith.constant 0 : index
    %get3A_24 = arith.constant 0 : index
    %get3A_25 = vector.load %arg6[%get3A_23, %get3A_24] : memref<128x128xf32, #tpu.memory_space<vmem>>, vector<128x128xf32>
    %dot_general3A_26 = arith.constant dense<0.000000e+00> : vector<1000x128xf32>
    %dot_general3A_27 = tpu.matmul %mul3A_15, %get3A_25, %dot_general3A_26 {dimension_numbers = #tpu.dot_dimension_numbers<[1], [0], [0], [1], [0, 0, 1, 1], [], []>, transpose_lhs_hint = false} : vector<1000x128xf32>, vector<128x128xf32>, vector<1000x128xf32> -> vector<1000x128xf32>
    %swap3A_28 = arith.constant 0 : index
    %swap3A_29 = arith.constant 0 : index
    %swap3A_30 = vector.load %arg8[%swap3A_28, %swap3A_29] : memref<1000x128xf32, #tpu.memory_space<vmem>>, vector<1000x128xf32>
    tpu.vector_store %arg8[%swap3A_28, %swap3A_29], %dot_general3A_27 {strides = array<i32>} : memref<1000x128xf32, #tpu.memory_space<vmem>>, vector<1000x128xf32>,
    %eq3A = arith.constant 0 : i32
    %eq3A_31 = arith.cmpi eq, %arg0, %eq3A : i32
    %convert_element_type3A = arith.extui %eq3A_31 : i1 to i32
    %cond3A = arith.constant 0 : i32
    %cond3A_32 = arith.cmpi ne, %convert_element_type3A, %cond3A : i32
    scf.if %cond3A_32 {
      %broadcast_in_dim3A_41 = arith.constant 0.000000e+00 : f32
      %broadcast_in_dim3A_42 = vector.broadcast %broadcast_in_dim3A_41 : f32 to vector<1x128xf32>
      %swap3A_43 = arith.constant 0 : index
      %swap3A_44 = arith.constant 0 : index
      %swap3A_45 = vector.load %arg9[%swap3A_43, %swap3A_44] : memref<1x128xf32, #tpu.memory_space<vmem>>, vector<1x128xf32>
      tpu.vector_store %arg9[%swap3A_43, %swap3A_44], %broadcast_in_dim3A_42 {strides = array<i32>} : memref<1x128xf32, #tpu.memory_space<vmem>>, vector<1x128xf32>,
    } else {
    }
    %get3A_33 = arith.constant 0 : index
    %get3A_34 = arith.constant 0 : index
    %get3A_35 = vector.load %arg9[%get3A_33, %get3A_34] : memref<1x128xf32, #tpu.memory_space<vmem>>, vector<1x128xf32>
    %reduce_sum3A = arith.constant dense<0.000000e+00> : vector<128xf32>
    %reduce_sum3A_36 = vector.multi_reduction <add>, %mul3A_15, %reduce_sum3A [0] : vector<1000x128xf32> to vector<128xf32>
    %broadcast_in_dim3A = vector.shape_cast %reduce_sum3A_36 : vector<128xf32> to vector<1x128xf32>
    %add3A_37 = arith.addf %get3A_35, %broadcast_in_dim3A : vector<1x128xf32>
    %swap3A_38 = arith.constant 0 : index
    %swap3A_39 = arith.constant 0 : index
    %swap3A_40 = vector.load %arg9[%swap3A_38, %swap3A_39] : memref<1x128xf32, #tpu.memory_space<vmem>>, vector<1x128xf32>
    tpu.vector_store %arg9[%swap3A_38, %swap3A_39], %add3A_37 {strides = array<i32>} : memref<1x128xf32, #tpu.memory_space<vmem>>, vector<1x128xf32>,
    return
  }
  func.func @transform_0(%arg0: i32) -> (i32, i32) {
    %c0_i32 = arith.constant 0 : i32
    %c0_i32_0 = arith.constant 0 : i32
    return %arg0, %c0_i32 : i32, i32
  }
  func.func @transform_1(%arg0: i32) -> (i32, i32) {
    %c0_i32 = arith.constant 0 : i32
    %c0_i32_0 = arith.constant 0 : i32
    return %arg0, %c0_i32 : i32, i32
  }
  func.func @transform_2(%arg0: i32) -> (i32, i32) {
    %c0_i32 = arith.constant 0 : i32
    %c0_i32_0 = arith.constant 0 : i32
    %c0_i32_1 = arith.constant 0 : i32
    return %c0_i32, %c0_i32_0 : i32, i32
  }
  func.func @transform_3(%arg0: i32) -> (i32, i32) {
    %c0_i32 = arith.constant 0 : i32
    %c0_i32_0 = arith.constant 0 : i32
    %c0_i32_1 = arith.constant 0 : i32
    return %c0_i32, %c0_i32_0 : i32, i32
  }
  func.func @transform_4(%arg0: i32) -> (i32, i32) {
    %c0_i32 = arith.constant 0 : i32
    %c0_i32_0 = arith.constant 0 : i32
    %c0_i32_1 = arith.constant 0 : i32
    return %c0_i32, %c0_i32_0 : i32, i32
  }
  func.func @transform_5(%arg0: i32) -> (i32, i32) {
    %c0_i32 = arith.constant 0 : i32
    %c0_i32_0 = arith.constant 0 : i32
    %c0_i32_1 = arith.constant 0 : i32
    return %c0_i32, %c0_i32_0 : i32, i32
  }
  func.func @transform_6(%arg0: i32) -> (i32, i32) {
    %c0_i32 = arith.constant 0 : i32
    %c0_i32_0 = arith.constant 0 : i32
    return %arg0, %c0_i32 : i32, i32
  }
  func.func @transform_7(%arg0: i32) -> (i32, i32) {
    %c0_i32 = arith.constant 0 : i32
    %c0_i32_0 = arith.constant 0 : i32
    return %arg0, %c0_i32 : i32, i32
  }
  func.func @transform_8(%arg0: i32) -> (i32, i32) {
    %c0_i32 = arith.constant 0 : i32
    %c0_i32_0 = arith.constant 0 : i32
    %c0_i32_1 = arith.constant 0 : i32
    return %c0_i32, %c0_i32_0 : i32, i32
  }
}

module attributes {stable_mosaic.version = 14 : i64} {
  func.func @_mid_body(%arg0: i32, %arg1: memref<2x1000x128xf32, #tpu.memory_space<vmem>>, %arg2: memref<128x128xf32, #tpu.memory_space<vmem>>, %arg3: memref<128x128xf32, #tpu.memory_space<vmem>>, %arg4: memref<1000x128xf32, #tpu.memory_space<vmem>>, %arg5: memref<1000x128xf32, #tpu.memory_space<vmem>>, %arg6: memref<1x128xf32, #tpu.memory_space<vmem>>) attributes {dimension_semantics = [#tpu.dimension_semantics<arbitrary>], iteration_bounds = array<i64: 10>, scalar_prefetch = 0 : i64, scratch_operands = 0 : i64, tpu.core_type = #tpu.core_type<tc>, window_params = [{transform_indices = @transform_0, window_bounds = array<i64: 2, 1000, 128>}, {pipeline_mode = #tpu.pipeline_mode<synchronous>, transform_indices = @transform_1, window_bounds = array<i64: 128, 128>}, {pipeline_mode = #tpu.pipeline_mode<synchronous>, transform_indices = @transform_2, window_bounds = array<i64: 128, 128>}, {transform_indices = @transform_3, window_bounds = array<i64: 1000, 128>}, {transform_indices = @transform_4, window_bounds = array<i64: 1000, 128>}, {pipeline_mode = #tpu.pipeline_mode<synchronous>, transform_indices = @transform_5, window_bounds = array<i64: 1, 128>}]} {
    %get3A = arith.constant 0 : index
    %get3A_0 = arith.constant 0 : index
    %get3A_1 = arith.constant 0 : index
    %get3A_2 = vector.load %arg1[%get3A, %get3A_0, %get3A_1] : memref<2x1000x128xf32, #tpu.memory_space<vmem>>, vector<1x1000x128xf32>
    %get3A_3 = vector.shape_cast %get3A_2 : vector<1x1000x128xf32> to vector<1000x128xf32>
    %get3A_4 = arith.constant 1 : index
    %get3A_5 = arith.constant 0 : index
    %get3A_6 = arith.constant 0 : index
    %get3A_7 = vector.load %arg1[%get3A_4, %get3A_5, %get3A_6] : memref<2x1000x128xf32, #tpu.memory_space<vmem>>, vector<1x1000x128xf32>
    %get3A_8 = vector.shape_cast %get3A_7 : vector<1x1000x128xf32> to vector<1000x128xf32>
    %add3A = arith.addf %get3A_3, %get3A_8 : vector<1000x128xf32>
    %get3A_9 = arith.constant 0 : index
    %get3A_10 = arith.constant 0 : index
    %get3A_11 = vector.load %arg2[%get3A_9, %get3A_10] : memref<128x128xf32, #tpu.memory_space<vmem>>, vector<128x128xf32>
    %dot_general3A = arith.constant dense<0.000000e+00> : vector<1000x128xf32>
    %dot_general3A_12 = tpu.matmul %add3A, %get3A_11, %dot_general3A {dimension_numbers = #tpu.dot_dimension_numbers<[1], [0], [0], [1], [0, 0, 1, 1], [], []>, transpose_lhs_hint = false} : vector<1000x128xf32>, vector<128x128xf32>, vector<1000x128xf32> -> vector<1000x128xf32>
    %swap3A = arith.constant 0 : index
    %swap3A_13 = arith.constant 0 : index
    %swap3A_14 = vector.load %arg4[%swap3A, %swap3A_13] : memref<1000x128xf32, #tpu.memory_space<vmem>>, vector<1000x128xf32>
    tpu.vector_store %arg4[%swap3A, %swap3A_13], %dot_general3A_12 {strides = array<i32>} : memref<1000x128xf32, #tpu.memory_space<vmem>>, vector<1000x128xf32>,
    %get3A_15 = arith.constant 0 : index
    %get3A_16 = arith.constant 0 : index
    %get3A_17 = vector.load %arg3[%get3A_15, %get3A_16] : memref<128x128xf32, #tpu.memory_space<vmem>>, vector<128x128xf32>
    %dot_general3A_18 = arith.constant dense<0.000000e+00> : vector<1000x128xf32>
    %dot_general3A_19 = tpu.matmul %add3A, %get3A_17, %dot_general3A_18 {dimension_numbers = #tpu.dot_dimension_numbers<[1], [0], [0], [1], [0, 0, 1, 1], [], []>, transpose_lhs_hint = false} : vector<1000x128xf32>, vector<128x128xf32>, vector<1000x128xf32> -> vector<1000x128xf32>
    %swap3A_20 = arith.constant 0 : index
    %swap3A_21 = arith.constant 0 : index
    %swap3A_22 = vector.load %arg5[%swap3A_20, %swap3A_21] : memref<1000x128xf32, #tpu.memory_space<vmem>>, vector<1000x128xf32>
    tpu.vector_store %arg5[%swap3A_20, %swap3A_21], %dot_general3A_19 {strides = array<i32>} : memref<1000x128xf32, #tpu.memory_space<vmem>>, vector<1000x128xf32>,
    %eq3A = arith.constant 0 : i32
    %eq3A_23 = arith.cmpi eq, %arg0, %eq3A : i32
    %convert_element_type3A = arith.extui %eq3A_23 : i1 to i32
    %cond3A = arith.constant 0 : i32
    %cond3A_24 = arith.cmpi ne, %convert_element_type3A, %cond3A : i32
    scf.if %cond3A_24 {
      %broadcast_in_dim3A_33 = arith.constant 0.000000e+00 : f32
      %broadcast_in_dim3A_34 = vector.broadcast %broadcast_in_dim3A_33 : f32 to vector<1x128xf32>
      %swap3A_35 = arith.constant 0 : index
      %swap3A_36 = arith.constant 0 : index
      %swap3A_37 = vector.load %arg6[%swap3A_35, %swap3A_36] : memref<1x128xf32, #tpu.memory_space<vmem>>, vector<1x128xf32>
      tpu.vector_store %arg6[%swap3A_35, %swap3A_36], %broadcast_in_dim3A_34 {strides = array<i32>} : memref<1x128xf32, #tpu.memory_space<vmem>>, vector<1x128xf32>,
    } else {
    }
    %get3A_25 = arith.constant 0 : index
    %get3A_26 = arith.constant 0 : index
    %get3A_27 = vector.load %arg6[%get3A_25, %get3A_26] : memref<1x128xf32, #tpu.memory_space<vmem>>, vector<1x128xf32>
    %reduce_sum3A = arith.constant dense<0.000000e+00> : vector<128xf32>
    %reduce_sum3A_28 = vector.multi_reduction <add>, %add3A, %reduce_sum3A [0] : vector<1000x128xf32> to vector<128xf32>
    %broadcast_in_dim3A = vector.shape_cast %reduce_sum3A_28 : vector<128xf32> to vector<1x128xf32>
    %add3A_29 = arith.addf %get3A_27, %broadcast_in_dim3A : vector<1x128xf32>
    %swap3A_30 = arith.constant 0 : index
    %swap3A_31 = arith.constant 0 : index
    %swap3A_32 = vector.load %arg6[%swap3A_30, %swap3A_31] : memref<1x128xf32, #tpu.memory_space<vmem>>, vector<1x128xf32>
    tpu.vector_store %arg6[%swap3A_30, %swap3A_31], %add3A_29 {strides = array<i32>} : memref<1x128xf32, #tpu.memory_space<vmem>>, vector<1x128xf32>,
    return
  }
  func.func @transform_0(%arg0: i32) -> (i32, i32, i32) {
    %c0_i32 = arith.constant 0 : i32
    %c0_i32_0 = arith.constant 0 : i32
    %c0_i32_1 = arith.constant 0 : i32
    return %c0_i32, %arg0, %c0_i32_0 : i32, i32, i32
  }
  func.func @transform_1(%arg0: i32) -> (i32, i32) {
    %c0_i32 = arith.constant 0 : i32
    %c0_i32_0 = arith.constant 0 : i32
    %c0_i32_1 = arith.constant 0 : i32
    return %c0_i32, %c0_i32_0 : i32, i32
  }
  func.func @transform_2(%arg0: i32) -> (i32, i32) {
    %c0_i32 = arith.constant 0 : i32
    %c0_i32_0 = arith.constant 0 : i32
    %c0_i32_1 = arith.constant 0 : i32
    return %c0_i32, %c0_i32_0 : i32, i32
  }
  func.func @transform_3(%arg0: i32) -> (i32, i32) {
    %c0_i32 = arith.constant 0 : i32
    %c0_i32_0 = arith.constant 0 : i32
    return %arg0, %c0_i32 : i32, i32
  }
  func.func @transform_4(%arg0: i32) -> (i32, i32) {
    %c0_i32 = arith.constant 0 : i32
    %c0_i32_0 = arith.constant 0 : i32
    return %arg0, %c0_i32 : i32, i32
  }
  func.func @transform_5(%arg0: i32) -> (i32, i32) {
    %c0_i32 = arith.constant 0 : i32
    %c0_i32_0 = arith.constant 0 : i32
    %c0_i32_1 = arith.constant 0 : i32
    return %c0_i32, %c0_i32_0 : i32, i32
  }
}

module attributes {stable_mosaic.version = 14 : i64} {
  func.func @_post_body(%arg0: memref<1x128xf32, #tpu.memory_space<vmem>>, %arg1: memref<1x128xf32, #tpu.memory_space<vmem>>, %arg2: memref<32x128xf32, #tpu.memory_space<vmem>>, %arg3: memref<128x128xf32, #tpu.memory_space<vmem>>, %arg4: memref<128x128xf32, #tpu.memory_space<vmem>>, %arg5: memref<128x128xf32, #tpu.memory_space<vmem>>, %arg6: memref<1x128xf32, #tpu.memory_space<vmem>>, %arg7: memref<1x128xf32, #tpu.memory_space<vmem>>) attributes {dimension_semantics = [], scalar_prefetch = 0 : i64, scratch_operands = 0 : i64, tpu.core_type = #tpu.core_type<tc>} {
    %get3A = arith.constant 0 : index
    %get3A_0 = arith.constant 0 : index
    %get3A_1 = vector.load %arg2[%get3A, %get3A_0] : memref<32x128xf32, #tpu.memory_space<vmem>>, vector<32x128xf32>
    %reduce_sum3A = arith.constant dense<0.000000e+00> : vector<128xf32>
    %reduce_sum3A_2 = vector.multi_reduction <add>, %get3A_1, %reduce_sum3A [0] : vector<32x128xf32> to vector<128xf32>
    %broadcast_in_dim3A = vector.shape_cast %reduce_sum3A_2 : vector<128xf32> to vector<1x128xf32>
    %get3A_3 = arith.constant 0 : index
    %get3A_4 = arith.constant 0 : index
    %get3A_5 = vector.load %arg0[%get3A_3, %get3A_4] : memref<1x128xf32, #tpu.memory_space<vmem>>, vector<1x128xf32>
    %get3A_6 = arith.constant 0 : index
    %get3A_7 = arith.constant 0 : index
    %get3A_8 = vector.load %arg3[%get3A_6, %get3A_7] : memref<128x128xf32, #tpu.memory_space<vmem>>, vector<128x128xf32>
    %dot_general3A = arith.constant dense<0.000000e+00> : vector<1x128xf32>
    %dot_general3A_9 = tpu.matmul %get3A_5, %get3A_8, %dot_general3A {dimension_numbers = #tpu.dot_dimension_numbers<[1], [0], [0], [1], [0, 0, 1, 1], [], []>, transpose_lhs_hint = false} : vector<1x128xf32>, vector<128x128xf32>, vector<1x128xf32> -> vector<1x128xf32>
    %get3A_10 = arith.constant 0 : index
    %get3A_11 = arith.constant 0 : index
    %get3A_12 = vector.load %arg1[%get3A_10, %get3A_11] : memref<1x128xf32, #tpu.memory_space<vmem>>, vector<1x128xf32>
    %get3A_13 = arith.constant 0 : index
    %get3A_14 = arith.constant 0 : index
    %get3A_15 = vector.load %arg4[%get3A_13, %get3A_14] : memref<128x128xf32, #tpu.memory_space<vmem>>, vector<128x128xf32>
    %dot_general3A_16 = arith.constant dense<0.000000e+00> : vector<1x128xf32>
    %dot_general3A_17 = tpu.matmul %get3A_12, %get3A_15, %dot_general3A_16 {dimension_numbers = #tpu.dot_dimension_numbers<[1], [0], [0], [1], [0, 0, 1, 1], [], []>, transpose_lhs_hint = false} : vector<1x128xf32>, vector<128x128xf32>, vector<1x128xf32> -> vector<1x128xf32>
    %add3A = arith.addf %dot_general3A_9, %dot_general3A_17 : vector<1x128xf32>
    %get3A_18 = arith.constant 0 : index
    %get3A_19 = arith.constant 0 : index
    %get3A_20 = vector.load %arg5[%get3A_18, %get3A_19] : memref<128x128xf32, #tpu.memory_space<vmem>>, vector<128x128xf32>
    %dot_general3A_21 = arith.constant dense<0.000000e+00> : vector<1x128xf32>
    %dot_general3A_22 = tpu.matmul %broadcast_in_dim3A, %get3A_20, %dot_general3A_21 {dimension_numbers = #tpu.dot_dimension_numbers<[1], [0], [0], [1], [0, 0, 1, 1], [], []>, transpose_lhs_hint = false} : vector<1x128xf32>, vector<128x128xf32>, vector<1x128xf32> -> vector<1x128xf32>
    %add3A_23 = arith.addf %add3A, %dot_general3A_22 : vector<1x128xf32>
    %get3A_24 = arith.constant 0 : index
    %get3A_25 = arith.constant 0 : index
    %get3A_26 = vector.load %arg6[%get3A_24, %get3A_25] : memref<1x128xf32, #tpu.memory_space<vmem>>, vector<1x128xf32>
    %add3A_27 = arith.addf %add3A_23, %get3A_26 : vector<1x128xf32>
    %max3A = arith.constant 0.000000e+00 : f32
    %max3A_28 = vector.broadcast %max3A : f32 to vector<1x128xf32>
    %max3A_29 = arith.maximumf %add3A_27, %max3A_28 : vector<1x128xf32>
    %swap3A = arith.constant 0 : index
    %swap3A_30 = arith.constant 0 : index
    %swap3A_31 = vector.load %arg7[%swap3A, %swap3A_30] : memref<1x128xf32, #tpu.memory_space<vmem>>, vector<1x128xf32>
    tpu.vector_store %arg7[%swap3A, %swap3A_30], %max3A_29 {strides = array<i32>} : memref<1x128xf32, #tpu.memory_space<vmem>>, vector<1x128xf32>,
    return
  }
}

</mosaic_0001>

<sc_bundles>
// kernel: kernel.11.cloned.1.call-start
scs
__scs_entry_jumppad:
0x0: {  	(pc) =	sbr.rel $0x88, $3  }
0x1: {  	(tag) =	ssettag $0x0;
	lr =	simm.s32 $0x1  }
0x2: {  	[smem:$0x3F95] =	sst lr;
	_ =	strace $0xD0000000  }
0x3: {  	_ = 	snop  }
0x4: {  	_ = 	snop  }
0x5: {  	_ = 	snop  }
0x6: {  	_ = 	snop  }
0x7: {  	_ = 	snop  }
__scs_overlays_trampoline_lowered:
0x8: {  	[smem:$0x3FA4] =	sst s0  }
0x9: {  	[smem:$0x3FA5] =	sst s1  }
0xa: {  	[smem:$0x3FA6] =	sst s2  }
0xb: {  	[smem:$0x3FA7] =	sst s3  }
0xc: {  	[smem:$0x3FA8] =	sst s4  }
0xd: {  	[smem:$0x3FA9] =	sst s5  }
0xe: {  	[smem:$0x3FAA] =	sst s6  }
0xf: {  	[smem:$0x3FAB] =	sst s7  }
0x10: {  	[smem:$0x3FAC] =	sst s8  }
0x11: {  	[smem:$0x3FAD] =	sst s9;
	s0 =	simm.s32 @!p0 $0x0  }
0x12: {  	s1 =	sld [smem:$0x3F93];
	s0 =	simm.s32 @p0 $0x1  }
0x13: {  	[smem:$0x3FAE] =	sst s0;
	s0 =	simm.s32 @!p1 $0x0  }
0x14: {  	s2 =	sld [smem:$0x3F92];
	s0 =	simm.s32 @p1 $0x1  }
0x15: {  	[smem:$0x3FAF] =	sst s0;
	s0 =	simm.s32 @!p2 $0x0  }
0x16: {  	s3 =	sld [smem:$0x3FDB];
	s0 =	simm.s32 @p2 $0x1  }
0x17: {  	s4 =	simm.s32 $0x1BF5;
	[smem:$0x3FB1] =	sst s0  }
0x18: {  	s0 =	sld [smem:$0x3F94];
	_ =	swait.ge [sflag:s4], $0x0  }
0x19: {  	s7 =	sld [smem:$0x3F95]  }
0x1a: {  	s8 =	sadd.s32 $0xFFFFE003, lr  }
0x1b: {  	s9 =	sadd.s32 $0xFFFFFEF7, lr;
	s5 =	simm.s32 $0xFFFFFFFF;
	p2 =	slt.u32 s8, $0xFFFFF086  }
0x1c: {  	p1 =	slt.u32 s9, $0xF7A;
	s5 =	simm.s32 @!p2 $0x0  }
0x1d: {  	s5 =	simm.s32 @p1 $0x1;
	p0 =	seq.s32 s7, s2  }
0x1e: {  	s7 =	smul.u32 @!p0 $0xF7A, s2;
	p2 =	seq.s32 @!p0 s5, $0x0  }
0x1f: {  	s9 =	smul.u32 $0xF7A, s1;
	s8 =	simm.s32 @!p0 $0x1BF5;
	p2 =	por !p2, p0  }
0x20: {  	[sflag:s8] =	ssyncset.s32 @!p0 $0xFFFFF086;
	s6 =	sadd.s32 @!p0 s3, s7;
	s7 =	simm.s32 @!p0 $0x108  }
0x21: {  	s3 =	sadd.s32 s3, s9;
	s6 =	sadd.s32 @!p0 $0x88, s6;
	s7 =	simm.s32 @p2 $0x1082  }
0x22: {  	[simem:s7], [sflag:s8] =	dma.local @!p0 [hbm:s6], $0xF7A  }
0x23: {  	s9 =	sor.u32 $0xD0000000, s2;
	s6 =	simm.s32 $0x108;
	_ =	swait.ge @!p0 [sflag:s8], $0x0  }
0x24: {  	s3 =	sadd.s32 $0x88, s3;
	s6 =	simm.s32 @!p1 $0x1082;
	[sflag:s4] =	ssyncset.s32 $0xFFFFF086  }
0x25: {  	[simem:s6], [sflag:s4] =	dma.local [hbm:s3], $0xF7A  }
0x26: {  	[smem:$0x3F95] =	sst s1;
	(tag) =	ssettag s2;
	_ =	strace s9  }
0x27: {  	s1 =	sld [smem:$0x3FA5]  }
0x28: {  	s2 =	sld [smem:$0x3FA6]  }
0x29: {  	s4 =	sld [smem:$0x3FA8]  }
0x2a: {  	p0 =	seq.s32 s5, $0x0;
	s5 =	sld [smem:$0x3FA9]  }
0x2b: {  	s6 =	sld [smem:$0x3FAA]  }
0x2c: {  	s7 =	sld [smem:$0x3FAB]  }
0x2d: {  	s3 =	simm.s32 $0x108;
	s8 =	sld [smem:$0x3FAC]  }
0x2e: {  	s3 =	simm.s32 @!p0 $0x1082;
	s9 =	sld [smem:$0x3FAD]  }
0x2f: {  	lr =	sadd.s32 s0, s3;
	s0 =	sld [smem:$0x3FA4]  }
0x30: {  	s3 =	sld [smem:$0x3FA7]  }
0x31: {  	[smem:$0x3FB0] =	sst s10  }
0x32: {  	s10 =	sld [smem:$0x3FAE];
	_ =	sdelay $0x3  }
0x33: {  	p0 =	seq.s32 s10, $0x1;
	s10 =	sld [smem:$0x3FB0];
	_ =	sdelay $0x3  }
0x34: {  	[smem:$0x3FB0] =	sst s10  }
0x35: {  	s10 =	sld [smem:$0x3FAF];
	_ =	sdelay $0x3  }
0x36: {  	p1 =	seq.s32 s10, $0x1;
	s10 =	sld [smem:$0x3FB0];
	_ =	sdelay $0x3  }
0x37: {  	[smem:$0x3FB0] =	sst s10  }
0x38: {  	s10 =	sld [smem:$0x3FB1]  }
0x39: {  	_ = 	snop;
	(pc) =	sbr.ind lr, $3  }
0x3a: {  	_ = 	snop  }
0x3b: {  	_ = 	snop  }
0x3c: {  	p2 =	seq.s32 s10, $0x1;
	s10 =	sld [smem:$0x3FB0]  }
0x3d: {  	_ =	shalt  }
0x3e: {  	_ =	shalt  }
0x3f: {  	_ =	shalt  }
0x40: {  	_ =	shalt  }
0x41: {  	_ =	shalt  }
0x42: {  	_ =	shalt  }
0x43: {  	_ =	shalt  }
0x44: {  	_ =	shalt  }
0x45: {  	_ =	shalt  }
0x46: {  	_ =	shalt  }
0x47: {  	_ =	shalt  }
0x48: {  	_ =	shalt  }
0x49: {  	_ =	shalt  }
0x4a: {  	_ =	shalt  }
0x4b: {  	_ =	shalt  }
0x4c: {  	_ =	shalt  }
0x4d: {  	_ =	shalt  }
0x4e: {  	_ =	shalt  }
0x4f: {  	_ =	shalt  }
0x50: {  	_ =	shalt  }
0x51: {  	_ =	shalt  }
0x52: {  	_ =	shalt  }
0x53: {  	_ =	shalt  }
0x54: {  	_ =	shalt  }
0x55: {  	_ =	shalt  }
0x56: {  	_ =	shalt  }
0x57: {  	_ =	shalt  }
0x58: {  	_ =	shalt  }
0x59: {  	_ =	shalt  }
0x5a: {  	_ =	shalt  }
0x5b: {  	_ =	shalt  }
0x5c: {  	_ =	shalt  }
0x5d: {  	_ =	shalt  }
0x5e: {  	_ =	shalt  }
0x5f: {  	_ =	shalt  }
0x60: {  	_ =	shalt  }
0x61: {  	_ =	shalt  }
0x62: {  	_ =	shalt  }
0x63: {  	_ =	shalt  }
0x64: {  	_ =	shalt  }
0x65: {  	_ =	shalt  }
0x66: {  	_ =	shalt  }
0x67: {  	_ =	shalt  }
0x68: {  	_ =	shalt  }
0x69: {  	_ =	shalt  }
0x6a: {  	_ =	shalt  }
0x6b: {  	_ =	shalt  }
0x6c: {  	_ =	shalt  }
0x6d: {  	_ =	shalt  }
0x6e: {  	_ =	shalt  }
0x6f: {  	_ =	shalt  }
0x70: {  	_ =	shalt  }
0x71: {  	_ =	shalt  }
0x72: {  	_ =	shalt  }
0x73: {  	_ =	shalt  }
0x74: {  	_ =	shalt  }
0x75: {  	_ =	shalt  }
0x76: {  	_ =	shalt  }
0x77: {  	_ =	shalt  }
0x78: {  	_ =	shalt  }
0x79: {  	_ =	shalt  }
0x7a: {  	_ =	shalt  }
0x7b: {  	_ =	shalt  }
0x7c: {  	_ =	shalt  }
0x7d: {  	_ =	shalt  }
0x7e: {  	_ =	shalt  }
0x7f: {  	_ =	shalt  }
0x80: {  	_ =	shalt  }
0x81: {  	_ =	shalt  }
0x82: {  	_ =	shalt  }
0x83: {  	_ =	shalt  }
0x84: {  	_ =	shalt  }
0x85: {  	_ =	shalt  }
0x86: {  	_ =	shalt  }
0x87: {  	_ =	shalt  }
.Lfunc_end0:
.L_simem_size_0:
called_computation.1_lowered:
.L_overlay_start_0:
0x88: {  	s2 =	sld [smem:$0x3FD9]  }
0x89: {  	s3 =	sld [smem:$0x3FFE];
	_ =	sdelay $0x1  }
0x8a: {  	s1 =	srdreg.scid  }
0x8b: {  	s0 =	sand.u32 $0x1, s1  }
0x8c: {  	s16 =	sshll.u32 s0, $0xA;
	s2 =	sadd.s32 s3, s2  }
0x8d: {  	s2 =	sadd.s32 s2, s16  }
0x8e: {  	[smem:$0x3FBC] =	sst s2  }
0x8f: {  	_ = 	snop  }
0x90: {  	(tm) =	ssettm $0x1  }
0x91: {  	s17 =	sld [smem:$0x3FFB];
	_ =	sdelay $0x3  }
0x92: {  	_ =	strace s17  }
0x93: {  	s2 =	sld [smem:$0x3FFC];
	_ =	sdelay $0x3  }
0x94: {  	_ =	strace s2  }
0x95: {  	s2 =	sld [smem:$0x3FFD];
	_ =	sdelay $0x3  }
0x96: {  	_ =	strace s2  }
0x97: {  	_ =	strace $0x8FFFFFFF  }
0x98: {  	s18 =	sld [smem:$0x3FDB];
	_ =	sdelay $0x1  }
0x99: {  	s19 =	simm.s32 $_scs_section_size  }
0x9a: {  	s4 =	simm.s32 $_size__tile_overlayer_lowered;
	s5 =	simm.s32 $_tile_overlayer_lowered  }
0x9b: {  	s22 =	simm.s32 $0x1BFF;
	s21 =	sshll.u32 s5, $0x1;
	s2 =	sadd.s32 s19, s18  }
0x9c: {  	s6 =	simm.s32 $0x0;
	s20 =	sshll.u32 s4, $0x1;
	s4 =	sadd.s32 s21, s2  }
0x9d: {  	[timem:s6], [sflag:s22] =	dma.local [hbm:s4], s20  }
0x9e: {  	_ =	swait.ge [sflag:s22], s20  }
0x9f: {  	s3 =	ssub.s32 $0x0, s20;
	[sflag:s22] =	ssyncset.done $0x0  }
0xa0: {  	[sflag:s22] =	ssyncadd.s32 s3;
	_ =	sdelay $0x1  }
0xa1: {  	s23 =	simm.s32 $0x1B8B  }
0xa2: {  	_ =	swait.ge [sflag:s23], $0x1  }
0xa3: {  	[sflag:s23] =	ssyncset.done $0x0  }
0xa4: {  	s25 =	simm.s32 $0x1B8E;
	s24 =	sld [smem:$0x3FFE];
	[sflag:s23] =	ssyncadd.s32 $0xFFFFFFFF  }
0xa5: {  	s26 =	simm.s32 $execute0_lowered;
	[smem:$0x3FD2] =	sst s25  }
0xa6: {  	s4 =	sshll.u32 s26, $0x1;
	_ =	strace $0x80000049;
	[dreg:$0x1] =	wrdreg $0xFFFFFFFF  }
0xa7: {  	s28 =	simm.s32 $_size_execute0_lowered;
	s2 =	sadd.s32 s2, s4;
	[dreg:$0x0] =	wrdreg $0x0  }
0xa8: {  	s4 =	sshll.u32 s28, $0x1;
	[dreg:$0x2] =	wrdreg s2  }
0xa9: {  	[dreg:$0x3] =	wrdreg s4  }
0xaa: {  	[dreg:$0x4] =	wrdreg $0xC0  }
0xab: {  	_ =	task [dreg:s6], $0x5FFFF  }
0xac: {  	[dreg:$0x1] =	wrdreg $0xFFFFFFFF  }
0xad: {  	[dreg:$0x0] =	wrdreg $0x60  }
0xae: {  	[dreg:$0x2] =	wrdreg s24  }
0xaf: {  	[dreg:$0x3] =	wrdreg $0x9  }
0xb0: {  	_ =	task.clear_ibuf [dreg:s6], $0x4FFFF;
	_ =	strace $0x90000049  }
0xb1: {  	s29 =	simm.s32 $0x9;
	_ =	strace $0x8000004B  }
0xb2: {  	_ =	swait.ge [sflag:s29], $0x1  }
0xb3: {  	[sflag:s29] =	ssyncadd.s32 $0xFFFFFFFF  }
0xb4: {  	_ =	strace $0x9000004B  }
0xb5: {  	_ =	sfence  }
0xb6: {  	s30 =	sld [smem:$0x0];
	_ =	sdelay $0x2  }
0xb7: {  	s31 =	sshll.u32 s1, $0xD;
	s1 =	sshrl.u32 s1, $0x2  }
0xb8: {  	s3 =	sand.u32 $0x4000, s31;
	s1 =	sadd.s32 s1, s30  }
0xb9: {  	s0 =	sor.u32 s3, s0;
	s1 =	sshll.u32 s1, $0x11  }
0xba: {  	s0 =	sor.u32 s1, s0  }
0xbb: {  	s0 =	sadd.s32 $0x8F2B, s0  }
0xbc: {  	[sflag:s0] =	ssyncadd.remote.s32 $0x1  }
0xbd: {  	_ =	sfence.sel $0xFFFF  }
0xbe: {  	[dreg:$0x0] =	wrdreg $0xFFFFFFFF;
	(pc) =	sbr.abs _section_cstart, $3  }
0xbf: {  	[dreg:$0x1] =	wrdreg $0xFFFFFFFF  }
0xc0: {  	_ =	task.clear_ibuf [dreg:s6], $0x2FFFF;
	_ =	strace $0x9FFFFFFF  }
0xc1: {  	(tm) =	ssettm $0x7FFFFFFF  }
tec
execute0_lowered:
.L_overlay_start_1:
0x0: {  	(tag) =	ssettag $0x1  }
0x1: {  	s0 =	rddreg [dreg:$0x0];
	s1 =	srdreg.scid;
	s2 =	simm.s32 $0x0  }
0x2: {  	s4 =	stileid.u32;
	s14 =	simm.s32 $0x7;
	s15 =	simm.s32 $0x50  }
0x3: {  	s16 =	simm.s32 $0x2780;
	s17 =	simm.s32 $0x2980;
	s18 =	simm.s32 $0x2800  }
0x4: {  	s19 =	simm.s32 $0x5180;
	s20 =	simm.s32 $0x7980;
	s21 =	simm.s32 $0x2880  }
0x5: {  	s22 =	simm.s32 $0xA180;
	s28 =	simm.s32 $0x2;
	s29 =	simm.s32 $0x3  }
0x6: {  	s30 =	simm.s32 $0x4;
	s31 =	simm.s32 $0x5;
	s1 =	sand.u32 $0x1, s1  }
0x7: {  	s12 =	simm.s32 $0x0;
	[smem:$0x7FF] =	sst s2;
	s3 =	sshll.u32 s1, $0x4  }
0x8: {  	s7 =	sshll.u32 s4, $0x7;
	_ =	strace $0x8000004A;
	s6 =	sor.u32 s4, s3  }
0x9: {  	s7 =	sand.u32 $0x380, s7;
	s1 =	ssub.s32 $0x2, s1;
	s23 =	smul.u32 $0x138800, s6  }
0xa: {  	s3 =	sadd.s32 $0x3A00, s0;
	s4 =	sadd.s32 $0x2AC00, s0;
	s10 =	smul.u32 $0x27100, s6  }
0xb: {  	s24 =	sshrl.u32 s1, $0x1;
	s5 =	sshrl.u32 s6, $0x3;
	s6 =	smul.u32 $0x2710, s6  }
0xc: {  	s1 =	ssub.s32 s1, s24;
	s24 =	simm.s32 $0xC980;
	s8 =	smul.u32 $0x13C00, s5  }
0xd: {  	s9 =	sshll.u32 s5, $0xA;
	s5 =	sadd.s32 $0x9D1800, s0;
	s11 =	smax.u32 s1, $0x1  }
0xe: {  	s26 =	sadd.s32 s5, s10;
	s8 =	sor.u32 s7, s8;
	s7 =	sor.u32 s7, s9  }
0xf: {  	s9 =	sshrl.u32 s23, $0x3;
	[dreg:$0x3] =	wrdreg s26;
	s23 =	simm.s32 $0x2900  }
0x10: {  	s26 =	simm.s32 $0x1;
	s8 =	sshrl.u32 s8, $0x3;
	s7 =	sshrl.u32 s7, $0x3  }
0x11: {  	s25 =	sadd.s32 s5, s9;
	s8 =	sadd.s32 s8, s0;
	s0 =	sadd.s32 s7, s0  }
0x12: {  	s9 =	sadd.s32 $0x500, s25;
	s25 =	simm.s32 $0xF180;
	s8 =	sadd.s32 $0x4E5A00, s8  }
0x13: {  	s10 =	sadd.s32 $0x51E00, s0;
	s0 =	simm.s32 $0x6;
	[dreg:$0x2] =	wrdreg s8  }
.LBB2_1:
0x14: {  	s1 =	rddreg [dreg:$0x2];
	s7 =	simm.s32 $0x80;
	s8 =	simm.s32 $0x400  }
0x15: {  	[tilespmem:s2], [sflag:$0x7] =	stream.strided.gather [hbm4b:s1+s7], $0x2780, s8, s7, $0x38;
	[tilespmem:$0x11A00] =	vst v63  }
0x16: {  	_ =	swait.ge [sflag:s14], $0x2780  }
0x17: {  	[sflag:s14] =	ssyncset.done $0x0  }
0x18: {  	[sflag:s14] =	ssyncadd.s32 $0xFFFFD880  }
0x19: {  	v0 =	vld [tilespmem:$0x0];
	_ =	sdelay $0x1  }
0x1a: {  	v1 =	vld [tilespmem:$0x10];
	_ =	sdelay $0x1  }
0x1b: {  	v2 =	vld [tilespmem:$0x20]  }
0x1c: {  	v3 =	vand.u32 $0xFFFF, v0  }
0x1d: {  	v0 =	vshra.s32 v0, $0x10;
	[tilespmem:$0x2780] =	vst v3;
	v3 =	vld [tilespmem:$0x30]  }
0x1e: {  	[tilespmem:$0x2800] =	vst v0;
	v0 =	vand.u32 $0xFFFF, v1  }
0x1f: {  	[tilespmem:$0x2790] =	vst v0;
	v0 =	vshra.s32 v1, $0x10;
	v1 =	vld [tilespmem:$0x40]  }
0x20: {  	[tilespmem:$0x2810] =	vst v0;
	v0 =	vand.u32 $0xFFFF, v2  }
0x21: {  	[tilespmem:$0x27A0] =	vst v0;
	v0 =	vshra.s32 v2, $0x10  }
0x22: {  	[tilespmem:$0x2820] =	vst v0;
	v0 =	vand.u32 $0xFFFF, v3  }
0x23: {  	[tilespmem:$0x27B0] =	vst v0;
	v0 =	vshra.s32 v3, $0x10  }
0x24: {  	[tilespmem:$0x2830] =	vst v0;
	v0 =	vand.u32 $0xFFFF, v1  }
0x25: {  	[tilespmem:$0x27C0] =	vst v0;
	v0 =	vshra.s32 v1, $0x10  }
0x26: {  	[tilespmem:$0x2840] =	vst v0  }
0x27: {  	[tilespmem:s17], [sflag:$0x1] =	stream.indirect.gather [hbm4b:s3+s15], $0x80, s16, s15, $0xb8;
	[tilespmem:$0x11A00] =	vst v63  }
0x28: {  	_ = 	snop  }
0x29: {  	[tilespmem:s19], [sflag:$0x2] =	stream.indirect.gather [hbm4b:s4+s15], $0x80, s18, s15, $0xb8;
	[tilespmem:$0x11A00] =	vst v63  }
0x2a: {  	s13 =	rddreg [dreg:$0x3]  }
0x2b: {  	[tilespmem:s20], [sflag:$0x3] =	stream.linear.gather [hbm4b:s13+s2], $0x2800, $0x38;
	[tilespmem:$0x11A00] =	vst v63  }
0x2c: {  	v0 =	vld [tilespmem:$0x50];
	_ =	sdelay $0x1  }
0x2d: {  	v1 =	vld [tilespmem:$0x60];
	_ =	sdelay $0x1  }
0x2e: {  	v2 =	vld [tilespmem:$0x70]  }
0x2f: {  	v3 =	vand.u32 $0xFFFF, v0  }
0x30: {  	v0 =	vshra.s32 v0, $0x10;
	[tilespmem:$0x2880] =	vst v3;
	v3 =	vld [tilespmem:$0x80]  }
0x31: {  	[tilespmem:$0x2900] =	vst v0;
	v0 =	vand.u32 $0xFFFF, v1  }
0x32: {  	[tilespmem:$0x2890] =	vst v0;
	v0 =	vshra.s32 v1, $0x10;
	v1 =	vld [tilespmem:$0x90]  }
0x33: {  	[tilespmem:$0x2910] =	vst v0;
	v0 =	vand.u32 $0xFFFF, v2  }
0x34: {  	[tilespmem:$0x28A0] =	vst v0;
	v0 =	vshra.s32 v2, $0x10  }
0x35: {  	[tilespmem:$0x2920] =	vst v0;
	v0 =	vand.u32 $0xFFFF, v3  }
0x36: {  	[tilespmem:$0x28B0] =	vst v0;
	v0 =	vshra.s32 v3, $0x10  }
0x37: {  	[tilespmem:$0x2930] =	vst v0;
	v0 =	vand.u32 $0xFFFF, v1  }
0x38: {  	[tilespmem:$0x28C0] =	vst v0;
	v0 =	vshra.s32 v1, $0x10  }
0x39: {  	[tilespmem:$0x2940] =	vst v0  }
0x3a: {  	[tilespmem:s22], [sflag:$0x4] =	stream.indirect.gather [hbm4b:s3+s15], $0x80, s21, s15, $0xb8;
	[tilespmem:$0x11A00] =	vst v63  }
0x3b: {  	_ = 	snop  }
0x3c: {  	v4 =	vimm.f32 $0.0e+00;
	v5 =	vimm.f32 $0.0e+00;
	[tilespmem:s24], [sflag:$0x5] =	stream.indirect.gather [hbm4b:s4+s15], $0x80, s23, s15, $0xb8;
	[tilespmem:$0x11A00] =	vst v63  }
0x3d: {  	v6 =	vimm.f32 $0.0e+00;
	v7 =	vimm.f32 $0.0e+00;
	s13 =	simm.s32 $0x0;
	v2 =	vimm.f32 $0.0e+00  }
0x3e: {  	v3 =	vimm.f32 $0.0e+00;
	v1 =	vimm.f32 $0.0e+00;
	v0 =	vimm.f32 $0.0e+00;
	[tilespmem:s25], [sflag:$0x6] =	stream.linear.gather [hbm4b:s9+s2], $0x2800, $0x38;
	[tilespmem:$0x11A00] =	vst v63  }
.LBB2_2:
0x3f: {  	_ =	swait.ge [sflag:s26], $0x2800  }
0x40: {  	[sflag:s26] =	ssyncset.done $0x0  }
0x41: {  	[sflag:s26] =	ssyncadd.s32 $0xFFFFD800  }
0x42: {  	_ =	swait.ge [sflag:s28], $0x2800  }
0x43: {  	[sflag:s28] =	ssyncset.done $0x0  }
0x44: {  	[sflag:s28] =	ssyncadd.s32 $0xFFFFD800  }
0x45: {  	_ =	swait.ge [sflag:s29], $0x2800  }
0x46: {  	[sflag:s29] =	ssyncset.done $0x0  }
0x47: {  	s1 =	simm.s32 $0xF0;
	[sflag:s29] =	ssyncadd.s32 $0xFFFFD800  }
0x48: {  	v8 =	vld [tilespmem:s1+$0x7910]  }
0x49: {  	v9 =	vld [tilespmem:s1+$0x7920]  }
0x4a: {  	v10 =	vld [tilespmem:s1+$0x7930]  }
0x4b: {  	v11 =	vld [tilespmem:s1+$0x7940]  }
0x4c: {  	v12 =	vld [tilespmem:s1+$0x7950]  }
0x4d: {  	v22 =	vld [tilespmem:s1+$0x7960]  }
0x4e: {  	v13 =	vld [tilespmem:s1+$0x2910]  }
0x4f: {  	v14 =	vld [tilespmem:s1+$0x5110]  }
0x50: {  	v15 =	vld [tilespmem:s1+$0x2920]  }
0x51: {  	v16 =	vld [tilespmem:s1+$0x5120]  }
0x52: {  	v17 =	vld [tilespmem:s1+$0x2930]  }
0x53: {  	v18 =	vld [tilespmem:s1+$0x5130]  }
0x54: {  	v19 =	vld [tilespmem:s1+$0x2940]  }
0x55: {  	v20 =	vld [tilespmem:s1+$0x5140]  }
0x56: {  	v21 =	vld [tilespmem:s1+$0x2950]  }
0x57: {  	v23 =	vld [tilespmem:s1+$0x5150]  }
0x58: {  	v24 =	vld [tilespmem:s1+$0x2960]  }
0x59: {  	v25 =	vld [tilespmem:s1+$0x5160]  }
0x5a: {  	v26 =	vld [tilespmem:s1+$0x2970]  }
0x5b: {  	v27 =	vld [tilespmem:s1+$0x5170]  }
0x5c: {  	v28 =	vld [tilespmem:s1+$0x2980]  }
0x5d: {  	v29 =	vld [tilespmem:s1+$0x5180]  }
0x5e: {  	v30 =	vld [tilespmem:s1+$0x2890]  }
0x5f: {  	v31 =	vld [tilespmem:s1+$0x5090]  }
0x60: {  	v32 =	vld [tilespmem:s1+$0x28A0]  }
0x61: {  	v33 =	vld [tilespmem:s1+$0x50A0]  }
0x62: {  	v34 =	vld [tilespmem:s1+$0x28B0]  }
0x63: {  	v35 =	vld [tilespmem:s1+$0x50B0]  }
0x64: {  	v36 =	vld [tilespmem:s1+$0x28C0]  }
0x65: {  	v37 =	vld [tilespmem:s1+$0x50C0]  }
0x66: {  	v38 =	vld [tilespmem:s1+$0x28D0]  }
0x67: {  	v39 =	vld [tilespmem:s1+$0x50D0]  }
0x68: {  	v40 =	vld [tilespmem:s1+$0x28E0]  }
0x69: {  	v41 =	vld [tilespmem:s1+$0x50E0]  }
0x6a: {  	v42 =	vld [tilespmem:s1+$0x28F0]  }
0x6b: {  	v43 =	vld [tilespmem:s1+$0x50F0]  }
0x6c: {  	v58 =	vld [tilespmem:s1+$0x7890]  }
0x6d: {  	v61 =	vld [tilespmem:s1+$0x78A0];
	v13 =	vadd.f32 v14, v13;
	v14 =	vadd.f32 v16, v15  }
0x6e: {  	v62 =	vld [tilespmem:s1+$0x78B0];
	v44 =	vadd.f32 v18, v17;
	v45 =	vadd.f32 v20, v19  }
0x6f: {  	v63 =	vld [tilespmem:s1+$0x78C0];
	v46 =	vadd.f32 v23, v21;
	v24 =	vadd.f32 v25, v24  }
0x70: {  	v15 =	vld [tilespmem:s1+$0x2900];
	v27 =	vadd.f32 v27, v26;
	v28 =	vadd.f32 v29, v28  }
0x71: {  	v16 =	vld [tilespmem:s1+$0x5100];
	v30 =	vadd.f32 v31, v30;
	v31 =	vadd.f32 v33, v32  }
0x72: {  	v29 =	vld [tilespmem:s1+$0x7980];
	v59 =	vadd.f32 v35, v34;
	v60 =	vadd.f32 v37, v36  }
0x73: {  	v25 =	vld [tilespmem:s1+$0x7970];
	v20 =	vadd.f32 v39, v38;
	v19 =	vadd.f32 v41, v40  }
0x74: {  	v21 =	vadd.f32 v43, v42;
	v23 =	vld [tilespmem:s1+$0x78D0];
	v17 =	vadd.f32 v8, v13  }
0x75: {  	v26 =	vld [tilespmem:s1+$0x78E0];
	v13 =	vadd.f32 v11, v45;
	v11 =	vadd.f32 v22, v24  }
0x76: {  	v18 =	vadd.f32 v16, v15;
	v15 =	vadd.f32 v12, v46;
	v12 =	vld [tilespmem:s1+$0x78F0]  }
0x77: {  	v24 =	vadd.f32 v61, v31;
	v8 =	vadd.f32 v29, v28;
	v28 =	vld [tilespmem:s1+$0x7900]  }
0x78: {  	v22 =	vadd.f32 v63, v60;
	v16 =	vadd.f32 v9, v14  }
0x79: {  	v14 =	vadd.f32 v10, v44;
	v9 =	vadd.f32 v25, v27  }
0x7a: {  	v27 =	vadd.f32 v58, v30;
	v25 =	vadd.f32 v62, v59;
	s1 =	simm.s32 $0x7C0  }
.LBB2_3:
0x7b: {  	s7 =	sshra.s32 s1, $0x2;
	p0 =	sne.s32 s1, $0x9FC0;
	v20 =	vadd.f32 v23, v20;
	v19 =	vadd.f32 v26, v19  }
0x7c: {  	v21 =	vadd.f32 v12, v21;
	v10 =	vld [tilespmem:s7+$0x7910];
	v18 =	vadd.f32 v28, v18  }
0x7d: {  	v17 =	vmax.f32 v17, $0.0e+00;
	v16 =	vmax.f32 v16, $0.0e+00;
	v23 =	vmax.f32 v14, $0.0e+00;
	v12 =	vld [tilespmem:s7+$0x7920]  }
0x7e: {  	v13 =	vmax.f32 v13, $0.0e+00;
	v26 =	vmax.f32 v15, $0.0e+00;
	v28 =	vmax.f32 v11, $0.0e+00;
	v14 =	vld [tilespmem:s7+$0x7930]  }
0x7f: {  	v27 =	vmax.f32 v27, $0.0e+00;
	v24 =	vmax.f32 v24, $0.0e+00;
	v25 =	vmax.f32 v25, $0.0e+00;
	v11 =	vld [tilespmem:s7+$0x7940]  }
0x80: {  	v7 =	vadd.f32 v27, v7;
	v6 =	vadd.f32 v24, v6;
	v22 =	vmax.f32 v22, $0.0e+00;
	v15 =	vld [tilespmem:s7+$0x7950]  }
0x81: {  	v5 =	vadd.f32 v25, v5;
	v4 =	vadd.f32 v22, v4;
	v20 =	vmax.f32 v20, $0.0e+00;
	v24 =	vld [tilespmem:s7+$0x7960]  }
0x82: {  	v19 =	vmax.f32 v19, $0.0e+00;
	v7 =	vadd.f32 v17, v7;
	v6 =	vadd.f32 v16, v6;
	v22 =	vld [tilespmem:s7+$0x7970]  }
0x83: {  	v16 =	vmax.f32 v21, $0.0e+00;
	v5 =	vadd.f32 v23, v5;
	v4 =	vadd.f32 v13, v4;
	v25 =	vld [tilespmem:s7+$0x7980]  }
0x84: {  	v3 =	vadd.f32 v20, v3;
	v2 =	vadd.f32 v19, v2;
	v17 =	vmax.f32 v18, $0.0e+00;
	v13 =	vld [tilespmem:s7+$0x2910]  }
0x85: {  	v9 =	vmax.f32 v9, $0.0e+00;
	v1 =	vadd.f32 v16, v1;
	v0 =	vadd.f32 v17, v0;
	v18 =	vld [tilespmem:s7+$0x5110]  }
0x86: {  	v8 =	vmax.f32 v8, $0.0e+00;
	v3 =	vadd.f32 v26, v3;
	v2 =	vadd.f32 v28, v2;
	v16 =	vld [tilespmem:s7+$0x2920]  }
0x87: {  	v1 =	vadd.f32 v9, v1;
	v0 =	vadd.f32 v8, v0;
	v17 =	vld [tilespmem:s7+$0x5120]  }
0x88: {  	v8 =	vld [tilespmem:s7+$0x2930]  }
0x89: {  	v9 =	vld [tilespmem:s7+$0x5130]  }
0x8a: {  	v19 =	vld [tilespmem:s7+$0x2940]  }
0x8b: {  	v20 =	vld [tilespmem:s7+$0x5140]  }
0x8c: {  	v21 =	vld [tilespmem:s7+$0x2950]  }
0x8d: {  	v23 =	vld [tilespmem:s7+$0x5150]  }
0x8e: {  	v26 =	vld [tilespmem:s7+$0x2960]  }
0x8f: {  	v27 =	vld [tilespmem:s7+$0x5160]  }
0x90: {  	v28 =	vld [tilespmem:s7+$0x2970]  }
0x91: {  	v29 =	vld [tilespmem:s7+$0x5170]  }
0x92: {  	v30 =	vld [tilespmem:s7+$0x2980]  }
0x93: {  	v31 =	vld [tilespmem:s7+$0x5180]  }
0x94: {  	v32 =	vld [tilespmem:s7+$0x2890]  }
0x95: {  	v33 =	vld [tilespmem:s7+$0x5090]  }
0x96: {  	v34 =	vld [tilespmem:s7+$0x28A0]  }
0x97: {  	v35 =	vld [tilespmem:s7+$0x50A0]  }
0x98: {  	v36 =	vld [tilespmem:s7+$0x28B0]  }
0x99: {  	v37 =	vld [tilespmem:s7+$0x50B0]  }
0x9a: {  	v38 =	vld [tilespmem:s7+$0x28C0]  }
0x9b: {  	v39 =	vld [tilespmem:s7+$0x50C0]  }
0x9c: {  	v40 =	vld [tilespmem:s7+$0x28D0]  }
0x9d: {  	v41 =	vld [tilespmem:s7+$0x50D0]  }
0x9e: {  	v42 =	vld [tilespmem:s7+$0x28E0]  }
0x9f: {  	v43 =	vld [tilespmem:s7+$0x50E0]  }
0xa0: {  	v44 =	vld [tilespmem:s7+$0x28F0]  }
0xa1: {  	v13 =	vadd.f32 v18, v13;
	v16 =	vadd.f32 v17, v16;
	v45 =	vld [tilespmem:s7+$0x50F0]  }
0xa2: {  	v8 =	vadd.f32 v9, v8;
	v9 =	vadd.f32 v20, v19;
	v17 =	vld [tilespmem:s7+$0x2900]  }
0xa3: {  	v46 =	vadd.f32 v23, v21;
	v27 =	vadd.f32 v27, v26;
	v18 =	vld [tilespmem:s7+$0x5100]  }
0xa4: {  	v29 =	vadd.f32 v29, v28;
	v30 =	vadd.f32 v31, v30;
	v47 =	vld [tilespmem:s7+$0x7890]  }
0xa5: {  	v31 =	vadd.f32 v33, v32;
	v32 =	vadd.f32 v35, v34;
	v33 =	vld [tilespmem:s7+$0x78A0]  }
0xa6: {  	v34 =	vadd.f32 v37, v36;
	v36 =	vadd.f32 v39, v38;
	v35 =	vld [tilespmem:s7+$0x78B0]  }
0xa7: {  	v20 =	vadd.f32 v41, v40;
	v19 =	vadd.f32 v43, v42;
	v37 =	vld [tilespmem:s7+$0x78C0]  }
0xa8: {  	v21 =	vadd.f32 v45, v44;
	v23 =	vld [tilespmem:s7+$0x78D0];
	v18 =	vadd.f32 v18, v17  }
0xa9: {  	v16 =	vadd.f32 v12, v16;
	v17 =	vadd.f32 v10, v13;
	v26 =	vld [tilespmem:s7+$0x78E0]  }
.Ltmp0:
0xaa: {  	v14 =	vadd.f32 v14, v8;
	v13 =	vadd.f32 v11, v9;
	v12 =	vld [tilespmem:s7+$0x78F0];
	(pc) =	sbr.rel @p0 .LBB2_3-.Ltmp0, $4  }
0xab: {  	v15 =	vadd.f32 v15, v46;
	v11 =	vadd.f32 v24, v27;
	v28 =	vld [tilespmem:s7+$0x7900]  }
0xac: {  	v8 =	vadd.f32 v25, v30;
	v9 =	vadd.f32 v22, v29  }
0xad: {  	v27 =	vadd.f32 v47, v31;
	v24 =	vadd.f32 v33, v32  }
0xae: {  	s1 =	sadd.s32 $0x400, s1;
	v25 =	vadd.f32 v35, v34;
	v22 =	vadd.f32 v37, v36  }
0xaf: {  	s1 =	smul.u32 $0xA0, s13;
	_ =	sdelay $0x1  }
0xb0: {  	v10 =	vld [tilespmem:s1+$0xA0];
	_ =	sdelay $0x4  }
0xb1: {  	v29 =	vand.u32 $0xFFFF, v10  }
0xb2: {  	v10 =	vshra.s32 v10, $0x10;
	[tilespmem:$0x2780] =	vst v29  }
0xb3: {  	[tilespmem:$0x2800] =	vst v10  }
0xb4: {  	v10 =	vld [tilespmem:s1+$0xB0];
	_ =	sdelay $0x4  }
0xb5: {  	v29 =	vand.u32 $0xFFFF, v10  }
0xb6: {  	v10 =	vshra.s32 v10, $0x10;
	[tilespmem:$0x2790] =	vst v29  }
0xb7: {  	[tilespmem:$0x2810] =	vst v10  }
0xb8: {  	v10 =	vld [tilespmem:s1+$0xC0];
	_ =	sdelay $0x4  }
0xb9: {  	v29 =	vand.u32 $0xFFFF, v10  }
0xba: {  	v10 =	vshra.s32 v10, $0x10;
	[tilespmem:$0x27A0] =	vst v29  }
0xbb: {  	[tilespmem:$0x2820] =	vst v10  }
0xbc: {  	v10 =	vld [tilespmem:s1+$0xD0];
	_ =	sdelay $0x4  }
0xbd: {  	v29 =	vand.u32 $0xFFFF, v10  }
0xbe: {  	v10 =	vshra.s32 v10, $0x10;
	[tilespmem:$0x27B0] =	vst v29  }
0xbf: {  	[tilespmem:$0x2830] =	vst v10  }
0xc0: {  	v10 =	vld [tilespmem:s1+$0xE0];
	_ =	sdelay $0x4  }
0xc1: {  	v29 =	vand.u32 $0xFFFF, v10  }
0xc2: {  	s7 =	sadd.s32 $0xA0, s1;
	v10 =	vshra.s32 v10, $0x10;
	[tilespmem:$0x27C0] =	vst v29  }
0xc3: {  	s7 =	sadd.s32 s6, s7;
	[tilespmem:$0x2840] =	vst v10  }
0xc4: {  	[tilespmem:s17], [sflag:$0x1] =	stream.indirect.gather [hbm4b:s3+s15], $0x80, s16, s15, $0xb8;
	[tilespmem:$0x11A00] =	vst v63  }
0xc5: {  	s7 =	sshll.u32 s7, $0x4  }
0xc6: {  	[tilespmem:s19], [sflag:$0x2] =	stream.indirect.gather [hbm4b:s4+s15], $0x80, s18, s15, $0xb8;
	[tilespmem:$0x11A00] =	vst v63  }
0xc7: {  	s7 =	sadd.s32 s5, s7  }
0xc8: {  	[tilespmem:s20], [sflag:$0x3] =	stream.linear.gather [hbm4b:s7+s2], $0x2800, $0x38;
	[tilespmem:$0x11A00] =	vst v63  }
0xc9: {  	_ =	swait.ge [sflag:s30], $0x2800  }
0xca: {  	[sflag:s30] =	ssyncset.done $0x0  }
0xcb: {  	[sflag:s30] =	ssyncadd.s32 $0xFFFFD800  }
0xcc: {  	_ =	swait.ge [sflag:s31], $0x2800  }
0xcd: {  	[sflag:s31] =	ssyncset.done $0x0  }
0xce: {  	[sflag:s31] =	ssyncadd.s32 $0xFFFFD800  }
0xcf: {  	_ =	swait.ge [sflag:s0], $0x2800  }
0xd0: {  	[sflag:s0] =	ssyncset.done $0x0  }
0xd1: {  	s8 =	simm.s32 $0xF0;
	[sflag:s0] =	ssyncadd.s32 $0xFFFFD800  }
0xd2: {  	v10 =	vld [tilespmem:s8+$0xF110]  }
0xd3: {  	v29 =	vld [tilespmem:s8+$0xF120]  }
0xd4: {  	v30 =	vld [tilespmem:s8+$0xF130]  }
0xd5: {  	v31 =	vld [tilespmem:s8+$0xF140]  }
0xd6: {  	v32 =	vld [tilespmem:s8+$0xF150]  }
0xd7: {  	v33 =	vld [tilespmem:s8+$0xF160]  }
0xd8: {  	v34 =	vld [tilespmem:s8+$0xA110]  }
0xd9: {  	v35 =	vld [tilespmem:s8+$0xC910]  }
0xda: {  	v36 =	vld [tilespmem:s8+$0xA120]  }
0xdb: {  	v37 =	vld [tilespmem:s8+$0xC920]  }
0xdc: {  	v38 =	vld [tilespmem:s8+$0xA130]  }
0xdd: {  	v39 =	vld [tilespmem:s8+$0xC930]  }
0xde: {  	v40 =	vld [tilespmem:s8+$0xA140]  }
0xdf: {  	v41 =	vld [tilespmem:s8+$0xC940]  }
0xe0: {  	v42 =	vld [tilespmem:s8+$0xA150]  }
0xe1: {  	v43 =	vld [tilespmem:s8+$0xC950]  }
0xe2: {  	v44 =	vld [tilespmem:s8+$0xA160]  }
0xe3: {  	v45 =	vld [tilespmem:s8+$0xC960]  }
0xe4: {  	v46 =	vld [tilespmem:s8+$0xA170]  }
0xe5: {  	v47 =	vld [tilespmem:s8+$0xC970]  }
0xe6: {  	v48 =	vld [tilespmem:s8+$0xA180]  }
0xe7: {  	v49 =	vld [tilespmem:s8+$0xC980]  }
0xe8: {  	v20 =	vadd.f32 v23, v20;
	v23 =	vld [tilespmem:s8+$0xA090]  }
0xe9: {  	v19 =	vadd.f32 v26, v19;
	v12 =	vadd.f32 v12, v21;
	v21 =	vmax.f32 v27, $0.0e+00;
	v26 =	vld [tilespmem:s8+$0xC890]  }
0xea: {  	v24 =	vmax.f32 v24, $0.0e+00;
	v7 =	vadd.f32 v21, v7;
	v21 =	vld [tilespmem:s8+$0xA0A0]  }
0xeb: {  	v25 =	vmax.f32 v25, $0.0e+00;
	v6 =	vadd.f32 v24, v6;
	v22 =	vmax.f32 v22, $0.0e+00;
	v24 =	vld [tilespmem:s8+$0xC8A0]  }
0xec: {  	v25 =	vadd.f32 v25, v5;
	v5 =	vmax.f32 v17, $0.0e+00;
	v17 =	vadd.f32 v22, v4;
	v22 =	vld [tilespmem:s8+$0xA0B0]  }
0xed: {  	v16 =	vmax.f32 v16, $0.0e+00;
	v14 =	vmax.f32 v14, $0.0e+00;
	v18 =	vadd.f32 v28, v18;
	v27 =	vld [tilespmem:s8+$0xC8B0]  }
0xee: {  	v4 =	vadd.f32 v5, v7;
	v5 =	vadd.f32 v16, v6;
	v7 =	vmax.f32 v13, $0.0e+00;
	v13 =	vld [tilespmem:s8+$0xA0C0]  }
0xef: {  	v6 =	vadd.f32 v14, v25;
	v14 =	vmax.f32 v15, $0.0e+00;
	v15 =	vmax.f32 v20, $0.0e+00;
	v16 =	vld [tilespmem:s8+$0xC8C0]  }
0xf0: {  	v7 =	vadd.f32 v7, v17;
	v17 =	vmax.f32 v19, $0.0e+00;
	v3 =	vadd.f32 v15, v3;
	v15 =	vld [tilespmem:s8+$0xA0D0]  }
0xf1: {  	v12 =	vmax.f32 v12, $0.0e+00;
	v2 =	vadd.f32 v17, v2;
	v17 =	vmax.f32 v18, $0.0e+00;
	v18 =	vld [tilespmem:s8+$0xC8D0]  }
0xf2: {  	v11 =	vmax.f32 v11, $0.0e+00;
	v9 =	vmax.f32 v9, $0.0e+00;
	v12 =	vadd.f32 v12, v1;
	v19 =	vld [tilespmem:s8+$0xA0E0]  }
0xf3: {  	v17 =	vadd.f32 v17, v0;
	v0 =	vadd.f32 v14, v3;
	v3 =	vmax.f32 v8, $0.0e+00;
	v8 =	vld [tilespmem:s8+$0xC8E0]  }
0xf4: {  	v1 =	vadd.f32 v11, v2;
	v2 =	vadd.f32 v9, v12;
	v9 =	vld [tilespmem:s8+$0xA0F0]  }
0xf5: {  	v11 =	vld [tilespmem:s8+$0xC8F0]  }
0xf6: {  	v3 =	vadd.f32 v3, v17;
	v20 =	vld [tilespmem:s8+$0xA100]  }
0xf7: {  	v54 =	vld [tilespmem:s8+$0xC900];
	v12 =	vadd.f32 v35, v34;
	v14 =	vadd.f32 v37, v36  }
0xf8: {  	v57 =	vld [tilespmem:s8+$0xF170];
	v25 =	vadd.f32 v39, v38;
	v28 =	vadd.f32 v41, v40  }
0xf9: {  	v60 =	vld [tilespmem:s8+$0xF180];
	v55 =	vadd.f32 v43, v42;
	v56 =	vadd.f32 v45, v44  }
0xfa: {  	v62 =	vld [tilespmem:s8+$0xF0A0];
	v58 =	vadd.f32 v47, v46;
	v59 =	vadd.f32 v49, v48  }
0xfb: {  	v63 =	vld [tilespmem:s8+$0xF0C0];
	v23 =	vadd.f32 v26, v23;
	v24 =	vadd.f32 v24, v21  }
0xfc: {  	v26 =	vld [tilespmem:s8+$0xF090];
	v22 =	vadd.f32 v27, v22;
	v61 =	vadd.f32 v16, v13  }
0xfd: {  	v15 =	vadd.f32 v18, v15;
	v16 =	vadd.f32 v8, v19;
	v8 =	vld [tilespmem:s8+$0xF0B0]  }
0xfe: {  	v17 =	vadd.f32 v11, v9;
	v18 =	vadd.f32 v54, v20;
	v27 =	vld [tilespmem:s8+$0xF0E0]  }
0xff: {  	v9 =	vld [tilespmem:s8+$0xF0F0];
	v19 =	vadd.f32 v10, v12;
	v20 =	vadd.f32 v29, v14  }
0x100: {  	v10 =	vadd.f32 v30, v25;
	v11 =	vadd.f32 v31, v28;
	v25 =	vld [tilespmem:s8+$0xF0D0]  }
0x101: {  	v12 =	vadd.f32 v32, v55;
	v21 =	vadd.f32 v33, v56;
	v28 =	vld [tilespmem:s8+$0xF100]  }
0x102: {  	v14 =	vadd.f32 v57, v58;
	v13 =	vadd.f32 v60, v59  }
0x103: {  	v24 =	vadd.f32 v62, v24;
	v23 =	vadd.f32 v26, v23  }
0x104: {  	s7 =	simm.s32 $0x7C0;
	v26 =	vadd.f32 v8, v22;
	v22 =	vadd.f32 v63, v61  }
.LBB2_5:
0x105: {  	s8 =	sshra.s32 s7, $0x2;
	p0 =	sne.s32 s7, $0x9FC0;
	v15 =	vadd.f32 v25, v15;
	v16 =	vadd.f32 v27, v16  }
0x106: {  	v17 =	vadd.f32 v9, v17;
	v8 =	vld [tilespmem:s8+$0xF110];
	v18 =	vadd.f32 v28, v18  }
0x107: {  	v19 =	vmax.f32 v19, $0.0e+00;
	v20 =	vmax.f32 v20, $0.0e+00;
	v25 =	vmax.f32 v10, $0.0e+00;
	v9 =	vld [tilespmem:s8+$0xF120]  }
0x108: {  	v27 =	vmax.f32 v11, $0.0e+00;
	v21 =	vmax.f32 v21, $0.0e+00;
	v28 =	vmax.f32 v12, $0.0e+00;
	v10 =	vld [tilespmem:s8+$0xF130]  }
0x109: {  	v23 =	vmax.f32 v23, $0.0e+00;
	v24 =	vmax.f32 v24, $0.0e+00;
	v26 =	vmax.f32 v26, $0.0e+00;
	v11 =	vld [tilespmem:s8+$0xF140]  }
0x10a: {  	v4 =	vadd.f32 v23, v4;
	v5 =	vadd.f32 v24, v5;
	v22 =	vmax.f32 v22, $0.0e+00;
	v12 =	vld [tilespmem:s8+$0xF150]  }
0x10b: {  	v6 =	vadd.f32 v26, v6;
	v7 =	vadd.f32 v22, v7;
	v15 =	vmax.f32 v15, $0.0e+00;
	v23 =	vld [tilespmem:s8+$0xF160]  }
0x10c: {  	v16 =	vmax.f32 v16, $0.0e+00;
	v4 =	vadd.f32 v19, v4;
	v5 =	vadd.f32 v20, v5;
	v22 =	vld [tilespmem:s8+$0xF170]  }
0x10d: {  	v17 =	vmax.f32 v17, $0.0e+00;
	v6 =	vadd.f32 v25, v6;
	v7 =	vadd.f32 v27, v7;
	v24 =	vld [tilespmem:s8+$0xF180]  }
0x10e: {  	v0 =	vadd.f32 v15, v0;
	v1 =	vadd.f32 v16, v1;
	v15 =	vmax.f32 v18, $0.0e+00;
	v19 =	vld [tilespmem:s8+$0xA110]  }
0x10f: {  	v14 =	vmax.f32 v14, $0.0e+00;
	v2 =	vadd.f32 v17, v2;
	v3 =	vadd.f32 v15, v3;
	v16 =	vld [tilespmem:s8+$0xC910]  }
0x110: {  	v13 =	vmax.f32 v13, $0.0e+00;
	v0 =	vadd.f32 v28, v0;
	v1 =	vadd.f32 v21, v1;
	v15 =	vld [tilespmem:s8+$0xA120]  }
0x111: {  	v2 =	vadd.f32 v14, v2;
	v3 =	vadd.f32 v13, v3;
	v17 =	vld [tilespmem:s8+$0xC920]  }
0x112: {  	v13 =	vld [tilespmem:s8+$0xA130]  }
0x113: {  	v14 =	vld [tilespmem:s8+$0xC930]  }
0x114: {  	v18 =	vld [tilespmem:s8+$0xA140]  }
0x115: {  	v20 =	vld [tilespmem:s8+$0xC940]  }
0x116: {  	v21 =	vld [tilespmem:s8+$0xA150]  }
0x117: {  	v25 =	vld [tilespmem:s8+$0xC950]  }
0x118: {  	v26 =	vld [tilespmem:s8+$0xA160]  }
0x119: {  	v27 =	vld [tilespmem:s8+$0xC960]  }
0x11a: {  	v28 =	vld [tilespmem:s8+$0xA170]  }
0x11b: {  	v29 =	vld [tilespmem:s8+$0xC970]  }
0x11c: {  	v30 =	vld [tilespmem:s8+$0xA180]  }
0x11d: {  	v31 =	vld [tilespmem:s8+$0xC980]  }
0x11e: {  	v32 =	vld [tilespmem:s8+$0xA090]  }
0x11f: {  	v33 =	vld [tilespmem:s8+$0xC890]  }
0x120: {  	v34 =	vld [tilespmem:s8+$0xA0A0]  }
0x121: {  	v35 =	vld [tilespmem:s8+$0xC8A0]  }
0x122: {  	v36 =	vld [tilespmem:s8+$0xA0B0]  }
0x123: {  	v37 =	vld [tilespmem:s8+$0xC8B0]  }
0x124: {  	v38 =	vld [tilespmem:s8+$0xA0C0]  }
0x125: {  	v39 =	vld [tilespmem:s8+$0xC8C0]  }
0x126: {  	v40 =	vld [tilespmem:s8+$0xA0D0]  }
0x127: {  	v41 =	vld [tilespmem:s8+$0xC8D0]  }
0x128: {  	v42 =	vld [tilespmem:s8+$0xA0E0]  }
0x129: {  	v43 =	vld [tilespmem:s8+$0xC8E0]  }
0x12a: {  	v44 =	vld [tilespmem:s8+$0xA0F0]  }
0x12b: {  	v19 =	vadd.f32 v16, v19;
	v46 =	vadd.f32 v17, v15;
	v45 =	vld [tilespmem:s8+$0xC8F0]  }
0x12c: {  	v13 =	vadd.f32 v14, v13;
	v14 =	vadd.f32 v20, v18;
	v47 =	vld [tilespmem:s8+$0xA100]  }
0x12d: {  	v21 =	vadd.f32 v25, v21;
	v26 =	vadd.f32 v27, v26;
	v18 =	vld [tilespmem:s8+$0xC900]  }
0x12e: {  	v29 =	vadd.f32 v29, v28;
	v30 =	vadd.f32 v31, v30;
	v48 =	vld [tilespmem:s8+$0xF090]  }
0x12f: {  	v31 =	vadd.f32 v33, v32;
	v32 =	vadd.f32 v35, v34;
	v33 =	vld [tilespmem:s8+$0xF0A0]  }
0x130: {  	v34 =	vadd.f32 v37, v36;
	v36 =	vadd.f32 v39, v38;
	v35 =	vld [tilespmem:s8+$0xF0B0]  }
0x131: {  	v15 =	vadd.f32 v41, v40;
	v16 =	vadd.f32 v43, v42;
	v37 =	vld [tilespmem:s8+$0xF0C0]  }
0x132: {  	v17 =	vadd.f32 v45, v44;
	v25 =	vld [tilespmem:s8+$0xF0D0];
	v18 =	vadd.f32 v18, v47  }
0x133: {  	v19 =	vadd.f32 v8, v19;
	v20 =	vadd.f32 v9, v46;
	v27 =	vld [tilespmem:s8+$0xF0E0]  }
.Ltmp1:
0x134: {  	v10 =	vadd.f32 v10, v13;
	v11 =	vadd.f32 v11, v14;
	v9 =	vld [tilespmem:s8+$0xF0F0];
	(pc) =	sbr.rel @p0 .LBB2_5-.Ltmp1, $4  }
0x135: {  	v12 =	vadd.f32 v12, v21;
	v21 =	vadd.f32 v23, v26;
	v28 =	vld [tilespmem:s8+$0xF100]  }
0x136: {  	v14 =	vadd.f32 v22, v29;
	v13 =	vadd.f32 v24, v30  }
0x137: {  	v23 =	vadd.f32 v48, v31;
	v24 =	vadd.f32 v33, v32  }
0x138: {  	s7 =	sadd.s32 $0x400, s7;
	v26 =	vadd.f32 v35, v34;
	v22 =	vadd.f32 v37, v36  }
0x139: {  	v8 =	vadd.f32 v25, v15  }
0x13a: {  	v53 =	vadd.f32 v27, v16;
	v9 =	vadd.f32 v9, v17;
	v55 =	vmax.f32 v19, $0.0e+00  }
0x13b: {  	v56 =	vmax.f32 v20, $0.0e+00;
	v10 =	vmax.f32 v10, $0.0e+00;
	v11 =	vmax.f32 v11, $0.0e+00  }
0x13c: {  	v12 =	vmax.f32 v12, $0.0e+00;
	v57 =	vmax.f32 v21, $0.0e+00;
	v58 =	vmax.f32 v23, $0.0e+00  }
0x13d: {  	v59 =	vmax.f32 v24, $0.0e+00;
	v54 =	vadd.f32 v28, v18;
	v60 =	vmax.f32 v26, $0.0e+00  }
0x13e: {  	v4 =	vadd.f32 v58, v4;
	v5 =	vadd.f32 v59, v5;
	v61 =	vmax.f32 v22, $0.0e+00  }
0x13f: {  	v62 =	vadd.f32 v60, v6;
	v20 =	vadd.f32 v61, v7;
	v8 =	vmax.f32 v8, $0.0e+00  }
0x140: {  	p0 =	seq.s32 s13, $0x3D;
	v15 =	vmax.f32 v53, $0.0e+00;
	v7 =	vadd.f32 v55, v4;
	v6 =	vadd.f32 v56, v5  }
.Ltmp2:
0x141: {  	v9 =	vmax.f32 v9, $0.0e+00;
	v0 =	vadd.f32 v8, v0;
	v1 =	vadd.f32 v15, v1;
	(pc) =	sbr.rel @p0 .LBB2_8-.Ltmp2, $4  }
0x142: {  	v8 =	vmax.f32 v54, $0.0e+00;
	v9 =	vadd.f32 v9, v2;
	v5 =	vadd.f32 v10, v62  }
0x143: {  	v63 =	vmax.f32 v14, $0.0e+00;
	v4 =	vadd.f32 v11, v20;
	v8 =	vadd.f32 v8, v3  }
0x144: {  	v3 =	vadd.f32 v12, v0;
	v2 =	vadd.f32 v57, v1;
	v0 =	vmax.f32 v13, $0.0e+00  }
0x145: {  	v1 =	vadd.f32 v63, v9;
	v0 =	vadd.f32 v0, v8  }
0x146: {  	v8 =	vld [tilespmem:s1+$0xF0];
	_ =	sdelay $0x4  }
0x147: {  	v9 =	vand.u32 $0xFFFF, v8  }
0x148: {  	v8 =	vshra.s32 v8, $0x10;
	[tilespmem:$0x2880] =	vst v9  }
0x149: {  	[tilespmem:$0x2900] =	vst v8  }
0x14a: {  	v8 =	vld [tilespmem:s1+$0x100];
	_ =	sdelay $0x4  }
0x14b: {  	v60 =	vand.u32 $0xFFFF, v8  }
0x14c: {  	v8 =	vshra.s32 v8, $0x10;
	[tilespmem:$0x2890] =	vst v60  }
0x14d: {  	[tilespmem:$0x2910] =	vst v8  }
0x14e: {  	v8 =	vld [tilespmem:s1+$0x110];
	_ =	sdelay $0x4  }
0x14f: {  	v61 =	vand.u32 $0xFFFF, v8  }
0x150: {  	v8 =	vshra.s32 v8, $0x10;
	[tilespmem:$0x28A0] =	vst v61  }
0x151: {  	[tilespmem:$0x2920] =	vst v8  }
0x152: {  	v8 =	vld [tilespmem:s1+$0x120];
	_ =	sdelay $0x4  }
0x153: {  	v62 =	vand.u32 $0xFFFF, v8  }
0x154: {  	v8 =	vshra.s32 v8, $0x10;
	[tilespmem:$0x28B0] =	vst v62  }
0x155: {  	[tilespmem:$0x2930] =	vst v8  }
0x156: {  	v8 =	vld [tilespmem:s1+$0x130];
	_ =	sdelay $0x4  }
0x157: {  	v63 =	vand.u32 $0xFFFF, v8  }
0x158: {  	v8 =	vshra.s32 v8, $0x10;
	[tilespmem:$0x28C0] =	vst v63  }
0x159: {  	s8 =	sadd.s32 $0xF0, s1;
	[tilespmem:$0x2940] =	vst v8  }
0x15a: {  	[tilespmem:s22], [sflag:$0x4] =	stream.indirect.gather [hbm4b:s3+s15], $0x80, s21, s15, $0xb8;
	[tilespmem:$0x11A00] =	vst v63  }
.Ltmp3:
0x15b: {  	s1 =	sadd.s32 s6, s8;
	(pc) =	sbr.rel .LBB2_2-.Ltmp3, $4  }
0x15c: {  	s1 =	sshll.u32 s1, $0x4  }
0x15d: {  	[tilespmem:s24], [sflag:$0x5] =	stream.indirect.gather [hbm4b:s4+s15], $0x80, s23, s15, $0xb8;
	[tilespmem:$0x11A00] =	vst v63  }
0x15e: {  	s13 =	sadd.s32 $0x1, s13;
	s1 =	sadd.s32 s5, s1  }
0x15f: {  	[tilespmem:s25], [sflag:$0x6] =	stream.linear.gather [hbm4b:s1+s2], $0x2800, $0x38;
	[tilespmem:$0x11A00] =	vst v63  }
.LBB2_8:
0x160: {  	_ =	swait.ge [sflag:s26], $0x2800  }
0x161: {  	[sflag:s26] =	ssyncset.done $0x0  }
0x162: {  	[sflag:s26] =	ssyncadd.s32 $0xFFFFD800  }
0x163: {  	_ =	swait.ge [sflag:s28], $0x2800  }
0x164: {  	[sflag:s28] =	ssyncset.done $0x0  }
0x165: {  	[sflag:s28] =	ssyncadd.s32 $0xFFFFD800  }
0x166: {  	_ =	swait.ge [sflag:s29], $0x2800  }
0x167: {  	[sflag:s29] =	ssyncset.done $0x0  }
0x168: {  	s1 =	simm.s32 $0xF0;
	[sflag:s29] =	ssyncadd.s32 $0xFFFFD800  }
0x169: {  	v8 =	vld [tilespmem:s1+$0x7910]  }
0x16a: {  	v9 =	vld [tilespmem:s1+$0x7920]  }
0x16b: {  	v10 =	vld [tilespmem:s1+$0x7930]  }
0x16c: {  	v11 =	vld [tilespmem:s1+$0x7940]  }
0x16d: {  	v12 =	vld [tilespmem:s1+$0x7950]  }
0x16e: {  	v13 =	vld [tilespmem:s1+$0x7960]  }
0x16f: {  	v14 =	vld [tilespmem:s1+$0x2910]  }
0x170: {  	v15 =	vld [tilespmem:s1+$0x5110]  }
0x171: {  	v16 =	vld [tilespmem:s1+$0x2920]  }
0x172: {  	v17 =	vld [tilespmem:s1+$0x5120]  }
0x173: {  	v18 =	vld [tilespmem:s1+$0x2930]  }
0x174: {  	v19 =	vld [tilespmem:s1+$0x5130]  }
0x175: {  	v20 =	vld [tilespmem:s1+$0x2940]  }
0x176: {  	v21 =	vld [tilespmem:s1+$0x5140]  }
0x177: {  	v22 =	vld [tilespmem:s1+$0x2950]  }
0x178: {  	v23 =	vld [tilespmem:s1+$0x5150]  }
0x179: {  	v24 =	vld [tilespmem:s1+$0x2960]  }
0x17a: {  	v25 =	vld [tilespmem:s1+$0x5160]  }
0x17b: {  	v26 =	vld [tilespmem:s1+$0x2970]  }
0x17c: {  	v27 =	vld [tilespmem:s1+$0x5170]  }
0x17d: {  	v28 =	vld [tilespmem:s1+$0x2980]  }
0x17e: {  	v29 =	vld [tilespmem:s1+$0x5180]  }
0x17f: {  	v30 =	vld [tilespmem:s1+$0x2890]  }
0x180: {  	v31 =	vld [tilespmem:s1+$0x5090]  }
0x181: {  	v32 =	vld [tilespmem:s1+$0x28A0]  }
0x182: {  	v33 =	vld [tilespmem:s1+$0x50A0]  }
0x183: {  	v34 =	vld [tilespmem:s1+$0x28B0]  }
0x184: {  	v35 =	vld [tilespmem:s1+$0x50B0]  }
0x185: {  	v36 =	vld [tilespmem:s1+$0x28C0]  }
0x186: {  	v37 =	vld [tilespmem:s1+$0x50C0]  }
0x187: {  	v38 =	vld [tilespmem:s1+$0x28D0]  }
0x188: {  	v39 =	vld [tilespmem:s1+$0x50D0]  }
0x189: {  	v40 =	vld [tilespmem:s1+$0x28E0]  }
0x18a: {  	v41 =	vld [tilespmem:s1+$0x50E0]  }
0x18b: {  	v42 =	vld [tilespmem:s1+$0x28F0]  }
0x18c: {  	v43 =	vld [tilespmem:s1+$0x50F0]  }
0x18d: {  	v45 =	vld [tilespmem:s1+$0x2900]  }
0x18e: {  	v58 =	vld [tilespmem:s1+$0x7890];
	v14 =	vadd.f32 v15, v14;
	v44 =	vadd.f32 v17, v16  }
0x18f: {  	v61 =	vld [tilespmem:s1+$0x78A0];
	v46 =	vadd.f32 v19, v18;
	v21 =	vadd.f32 v21, v20  }
0x190: {  	v62 =	vld [tilespmem:s1+$0x78B0];
	v22 =	vadd.f32 v23, v22;
	v23 =	vadd.f32 v25, v24  }
0x191: {  	v63 =	vld [tilespmem:s1+$0x78C0];
	v26 =	vadd.f32 v27, v26;
	v28 =	vadd.f32 v29, v28  }
0x192: {  	v18 =	vld [tilespmem:s1+$0x5100];
	v30 =	vadd.f32 v31, v30;
	v31 =	vadd.f32 v33, v32  }
0x193: {  	v29 =	vld [tilespmem:s1+$0x7980];
	v59 =	vadd.f32 v35, v34;
	v60 =	vadd.f32 v37, v36  }
0x194: {  	v24 =	vld [tilespmem:s1+$0x7970];
	v15 =	vadd.f32 v39, v38;
	v16 =	vadd.f32 v41, v40  }
0x195: {  	v17 =	vadd.f32 v43, v42;
	v25 =	vld [tilespmem:s1+$0x78D0];
	v19 =	vadd.f32 v8, v14  }
0x196: {  	v27 =	vld [tilespmem:s1+$0x78E0];
	v20 =	vadd.f32 v9, v44;
	v10 =	vadd.f32 v10, v46  }
0x197: {  	v11 =	vadd.f32 v11, v21;
	v21 =	vadd.f32 v12, v22;
	v9 =	vld [tilespmem:s1+$0x78F0]  }
0x198: {  	v12 =	vadd.f32 v13, v23;
	v13 =	vadd.f32 v29, v28;
	v28 =	vld [tilespmem:s1+$0x7900]  }
0x199: {  	v23 =	vadd.f32 v61, v31;
	v22 =	vadd.f32 v63, v60  }
0x19a: {  	v18 =	vadd.f32 v18, v45;
	v14 =	vadd.f32 v24, v26  }
0x19b: {  	v26 =	vadd.f32 v58, v30;
	v24 =	vadd.f32 v62, v59;
	s1 =	simm.s32 $0x7C0  }
.LBB2_9:
0x19c: {  	s7 =	sshra.s32 s1, $0x2;
	p0 =	sne.s32 s1, $0x9FC0;
	v15 =	vadd.f32 v25, v15;
	v16 =	vadd.f32 v27, v16  }
0x19d: {  	v17 =	vadd.f32 v9, v17;
	v8 =	vld [tilespmem:s7+$0x7910];
	v18 =	vadd.f32 v28, v18  }
0x19e: {  	v19 =	vmax.f32 v19, $0.0e+00;
	v20 =	vmax.f32 v20, $0.0e+00;
	v25 =	vmax.f32 v10, $0.0e+00;
	v9 =	vld [tilespmem:s7+$0x7920]  }
0x19f: {  	v27 =	vmax.f32 v11, $0.0e+00;
	v21 =	vmax.f32 v21, $0.0e+00;
	v28 =	vmax.f32 v12, $0.0e+00;
	v10 =	vld [tilespmem:s7+$0x7930]  }
0x1a0: {  	v26 =	vmax.f32 v26, $0.0e+00;
	v23 =	vmax.f32 v23, $0.0e+00;
	v24 =	vmax.f32 v24, $0.0e+00;
	v11 =	vld [tilespmem:s7+$0x7940]  }
0x1a1: {  	v7 =	vadd.f32 v26, v7;
	v6 =	vadd.f32 v23, v6;
	v22 =	vmax.f32 v22, $0.0e+00;
	v12 =	vld [tilespmem:s7+$0x7950]  }
0x1a2: {  	v5 =	vadd.f32 v24, v5;
	v4 =	vadd.f32 v22, v4;
	v15 =	vmax.f32 v15, $0.0e+00;
	v23 =	vld [tilespmem:s7+$0x7960]  }
0x1a3: {  	v16 =	vmax.f32 v16, $0.0e+00;
	v7 =	vadd.f32 v19, v7;
	v6 =	vadd.f32 v20, v6;
	v22 =	vld [tilespmem:s7+$0x7970]  }
0x1a4: {  	v17 =	vmax.f32 v17, $0.0e+00;
	v5 =	vadd.f32 v25, v5;
	v4 =	vadd.f32 v27, v4;
	v24 =	vld [tilespmem:s7+$0x7980]  }
0x1a5: {  	v3 =	vadd.f32 v15, v3;
	v2 =	vadd.f32 v16, v2;
	v15 =	vmax.f32 v18, $0.0e+00;
	v19 =	vld [tilespmem:s7+$0x2910]  }
0x1a6: {  	v14 =	vmax.f32 v14, $0.0e+00;
	v1 =	vadd.f32 v17, v1;
	v0 =	vadd.f32 v15, v0;
	v16 =	vld [tilespmem:s7+$0x5110]  }
0x1a7: {  	v13 =	vmax.f32 v13, $0.0e+00;
	v3 =	vadd.f32 v21, v3;
	v2 =	vadd.f32 v28, v2;
	v15 =	vld [tilespmem:s7+$0x2920]  }
0x1a8: {  	v1 =	vadd.f32 v14, v1;
	v0 =	vadd.f32 v13, v0;
	v17 =	vld [tilespmem:s7+$0x5120]  }
0x1a9: {  	v13 =	vld [tilespmem:s7+$0x2930]  }
0x1aa: {  	v14 =	vld [tilespmem:s7+$0x5130]  }
0x1ab: {  	v18 =	vld [tilespmem:s7+$0x2940]  }
0x1ac: {  	v20 =	vld [tilespmem:s7+$0x5140]  }
0x1ad: {  	v21 =	vld [tilespmem:s7+$0x2950]  }
0x1ae: {  	v25 =	vld [tilespmem:s7+$0x5150]  }
0x1af: {  	v26 =	vld [tilespmem:s7+$0x2960]  }
0x1b0: {  	v27 =	vld [tilespmem:s7+$0x5160]  }
0x1b1: {  	v28 =	vld [tilespmem:s7+$0x2970]  }
0x1b2: {  	v29 =	vld [tilespmem:s7+$0x5170]  }
0x1b3: {  	v30 =	vld [tilespmem:s7+$0x2980]  }
0x1b4: {  	v31 =	vld [tilespmem:s7+$0x5180]  }
0x1b5: {  	v32 =	vld [tilespmem:s7+$0x2890]  }
0x1b6: {  	v33 =	vld [tilespmem:s7+$0x5090]  }
0x1b7: {  	v34 =	vld [tilespmem:s7+$0x28A0]  }
0x1b8: {  	v35 =	vld [tilespmem:s7+$0x50A0]  }
0x1b9: {  	v36 =	vld [tilespmem:s7+$0x28B0]  }
0x1ba: {  	v37 =	vld [tilespmem:s7+$0x50B0]  }
0x1bb: {  	v38 =	vld [tilespmem:s7+$0x28C0]  }
0x1bc: {  	v39 =	vld [tilespmem:s7+$0x50C0]  }
0x1bd: {  	v40 =	vld [tilespmem:s7+$0x28D0]  }
0x1be: {  	v41 =	vld [tilespmem:s7+$0x50D0]  }
0x1bf: {  	v42 =	vld [tilespmem:s7+$0x28E0]  }
0x1c0: {  	v43 =	vld [tilespmem:s7+$0x50E0]  }
0x1c1: {  	v44 =	vld [tilespmem:s7+$0x28F0]  }
0x1c2: {  	v19 =	vadd.f32 v16, v19;
	v46 =	vadd.f32 v17, v15;
	v45 =	vld [tilespmem:s7+$0x50F0]  }
0x1c3: {  	v13 =	vadd.f32 v14, v13;
	v14 =	vadd.f32 v20, v18;
	v47 =	vld [tilespmem:s7+$0x2900]  }
0x1c4: {  	v21 =	vadd.f32 v25, v21;
	v26 =	vadd.f32 v27, v26;
	v18 =	vld [tilespmem:s7+$0x5100]  }
0x1c5: {  	v29 =	vadd.f32 v29, v28;
	v30 =	vadd.f32 v31, v30;
	v48 =	vld [tilespmem:s7+$0x7890]  }
0x1c6: {  	v31 =	vadd.f32 v33, v32;
	v32 =	vadd.f32 v35, v34;
	v33 =	vld [tilespmem:s7+$0x78A0]  }
0x1c7: {  	v34 =	vadd.f32 v37, v36;
	v36 =	vadd.f32 v39, v38;
	v35 =	vld [tilespmem:s7+$0x78B0]  }
0x1c8: {  	v15 =	vadd.f32 v41, v40;
	v16 =	vadd.f32 v43, v42;
	v37 =	vld [tilespmem:s7+$0x78C0]  }
0x1c9: {  	v17 =	vadd.f32 v45, v44;
	v25 =	vld [tilespmem:s7+$0x78D0];
	v18 =	vadd.f32 v18, v47  }
0x1ca: {  	v19 =	vadd.f32 v8, v19;
	v20 =	vadd.f32 v9, v46;
	v27 =	vld [tilespmem:s7+$0x78E0]  }
.Ltmp4:
0x1cb: {  	v10 =	vadd.f32 v10, v13;
	v11 =	vadd.f32 v11, v14;
	v9 =	vld [tilespmem:s7+$0x78F0];
	(pc) =	sbr.rel @p0 .LBB2_9-.Ltmp4, $4  }
0x1cc: {  	v21 =	vadd.f32 v12, v21;
	v12 =	vadd.f32 v23, v26;
	v28 =	vld [tilespmem:s7+$0x7900]  }
0x1cd: {  	v14 =	vadd.f32 v22, v29;
	v13 =	vadd.f32 v24, v30  }
0x1ce: {  	v26 =	vadd.f32 v48, v31;
	v23 =	vadd.f32 v33, v32  }
0x1cf: {  	s1 =	sadd.s32 $0x400, s1;
	v24 =	vadd.f32 v35, v34;
	v22 =	vadd.f32 v37, v36  }
0x1d0: {  	v8 =	vadd.f32 v25, v15  }
0x1d1: {  	v51 =	vadd.f32 v27, v16;
	v9 =	vadd.f32 v9, v17  }
0x1d2: {  	v53 =	vmax.f32 v19, $0.0e+00;
	v54 =	vmax.f32 v20, $0.0e+00;
	v10 =	vmax.f32 v10, $0.0e+00  }
0x1d3: {  	v11 =	vmax.f32 v11, $0.0e+00;
	v55 =	vmax.f32 v26, $0.0e+00;
	v56 =	vmax.f32 v21, $0.0e+00  }
0x1d4: {  	v57 =	vmax.f32 v23, $0.0e+00;
	v12 =	vmax.f32 v12, $0.0e+00;
	v7 =	vadd.f32 v55, v7  }
0x1d5: {  	v52 =	vadd.f32 v28, v18;
	v58 =	vmax.f32 v24, $0.0e+00;
	v6 =	vadd.f32 v57, v6  }
0x1d6: {  	v59 =	vmax.f32 v22, $0.0e+00;
	v5 =	vadd.f32 v58, v5;
	v7 =	vadd.f32 v53, v7  }
0x1d7: {  	v4 =	vadd.f32 v59, v4;
	v8 =	vmax.f32 v8, $0.0e+00;
	v6 =	vadd.f32 v54, v6  }
0x1d8: {  	v15 =	vmax.f32 v51, $0.0e+00;
	v3 =	vadd.f32 v8, v3;
	v5 =	vadd.f32 v10, v5;
	[tilespmem:$0x11980] =	vst v7  }
0x1d9: {  	v60 =	vmax.f32 v9, $0.0e+00;
	v2 =	vadd.f32 v15, v2;
	v4 =	vadd.f32 v11, v4;
	[tilespmem:$0x11990] =	vst v6  }
0x1da: {  	v61 =	vmax.f32 v52, $0.0e+00;
	v1 =	vadd.f32 v60, v1;
	v3 =	vadd.f32 v56, v3;
	[tilespmem:$0x119A0] =	vst v5  }
0x1db: {  	v62 =	vmax.f32 v14, $0.0e+00;
	v0 =	vadd.f32 v61, v0;
	v2 =	vadd.f32 v12, v2;
	[tilespmem:$0x119B0] =	vst v4  }
0x1dc: {  	v63 =	vmax.f32 v13, $0.0e+00;
	v1 =	vadd.f32 v62, v1;
	[tilespmem:$0x119C0] =	vst v3  }
0x1dd: {  	s12 =	sadd.s32 $0x1, s12;
	v0 =	vadd.f32 v63, v0;
	[tilespmem:$0x119D0] =	vst v2  }
0x1de: {  	p0 =	sne.s32 s12, s11;
	[tilespmem:$0x119E0] =	vst v1  }
.Ltmp5:
0x1df: {  	s1 =	simm.s32 $0x11980;
	[tilespmem:$0x119F0] =	vst v0;
	(pc) =	sbr.rel @p0 .LBB2_1-.Ltmp5, $4  }
0x1e0: {  	[hbm4b:s10+s2] =	stream.linear.scatter [tilespmem:s1], [sflag:$0x7], $0x80, $0x38;
	[tilespmem:$0x11A00] =	vst v63  }
0x1e1: {  	_ =	swait.ge [sflag:s14], $0x80  }
0x1e2: {  	[sflag:s14] =	ssyncset.done $0x0  }
0x1e3: {  	[sflag:s14] =	ssyncadd.s32 $0xFFFFFF80  }
0x1e4: {  	_ =	sfence.sel $0x180000  }
0x1e5: {  	[bflag:$0x0] =	sbarrier.arrive $0xFFFF  }
0x1e6: {  	_ =	strace $0x9000004A  }
0x1e7: {  	s0 =	stileid.u32;
	[bflag:$0x2] =	sbarrier.arrive $0xFFFF  }
0x1e8: {  	p0 =	sne.s32 s0, $0x0;
	s0 =	rddreg [dreg:$0x1]  }
0x1e9: {  	s0 =	sadd.s32 @!p0 $0x100000, s0  }
0x1ea: {  	[sflag:s0] =	ssyncadd.tile.s32 @!p0 $0x1;
	_ =	shalt  }
.Lfunc_end2:
_tile_overlayer_lowered:
.L_overlay_start_2:
0x1eb: {  	(tag) =	ssettag $0x2  }
0x1ec: {  	s0 =	rddreg [dreg:$0x0];
	s2 =	stileid.u32  }
0x1ed: {  	s1 =	rddreg [dreg:$0x1];
	p0 =	sne.s32 s2, $0x0  }
0x1ee: {  	s3 =	rddreg [dreg:$0x2];
	[bflag:$0x3] =	sbarrier.arrive $0xFFFF;
	s2 =	simm.s32 @!p0 $0x1C07  }
0x1ef: {  	[timem:s3], [sflag:s2] =	dma.local @!p0 [hbm:s0], s1  }
0x1f0: {  	s0 =	simm.s32 @!p0 $0x7  }
0x1f1: {  	_ =	swait.ge @!p0 [sflag:s0], s1  }
0x1f2: {  	s1 =	ssub.s32 @!p0 $0x0, s1;
	[sflag:s0] =	ssyncset.done @!p0 $0x0  }
0x1f3: {  	[sflag:s0] =	ssyncadd.s32 @!p0 s1  }
0x1f4: {  	[bflag:$0x3] =	sbarrier.arrive $0xFFFF  }
0x1f5: {  	_ =	shalt  }

// kernel: kernel.8.cloned.1.call-start
scs
__scs_entry_jumppad:
0x0: {  	(pc) =	sbr.rel $0x88, $3  }
0x1: {  	(tag) =	ssettag $0x0;
	lr =	simm.s32 $0x1  }
0x2: {  	[smem:$0x3F95] =	sst lr;
	_ =	strace $0xD0000000  }
0x3: {  	_ = 	snop  }
0x4: {  	_ = 	snop  }
0x5: {  	_ = 	snop  }
0x6: {  	_ = 	snop  }
0x7: {  	_ = 	snop  }
__scs_overlays_trampoline_lowered:
0x8: {  	[smem:$0x3FA4] =	sst s0  }
0x9: {  	[smem:$0x3FA5] =	sst s1  }
0xa: {  	[smem:$0x3FA6] =	sst s2  }
0xb: {  	[smem:$0x3FA7] =	sst s3  }
0xc: {  	[smem:$0x3FA8] =	sst s4  }
0xd: {  	[smem:$0x3FA9] =	sst s5  }
0xe: {  	[smem:$0x3FAA] =	sst s6  }
0xf: {  	[smem:$0x3FAB] =	sst s7  }
0x10: {  	[smem:$0x3FAC] =	sst s8  }
0x11: {  	[smem:$0x3FAD] =	sst s9;
	s0 =	simm.s32 @!p0 $0x0  }
0x12: {  	s1 =	sld [smem:$0x3F93];
	s0 =	simm.s32 @p0 $0x1  }
0x13: {  	[smem:$0x3FAE] =	sst s0;
	s0 =	simm.s32 @!p1 $0x0  }
0x14: {  	s2 =	sld [smem:$0x3F92];
	s0 =	simm.s32 @p1 $0x1  }
0x15: {  	[smem:$0x3FAF] =	sst s0;
	s0 =	simm.s32 @!p2 $0x0  }
0x16: {  	s3 =	sld [smem:$0x3FDB];
	s0 =	simm.s32 @p2 $0x1  }
0x17: {  	s4 =	simm.s32 $0x1BF5;
	[smem:$0x3FB1] =	sst s0  }
0x18: {  	s0 =	sld [smem:$0x3F94];
	_ =	swait.ge [sflag:s4], $0x0  }
0x19: {  	s7 =	sld [smem:$0x3F95]  }
0x1a: {  	s8 =	sadd.s32 $0xFFFFE003, lr  }
0x1b: {  	s9 =	sadd.s32 $0xFFFFFEF7, lr;
	s5 =	simm.s32 $0xFFFFFFFF;
	p2 =	slt.u32 s8, $0xFFFFF086  }
0x1c: {  	p1 =	slt.u32 s9, $0xF7A;
	s5 =	simm.s32 @!p2 $0x0  }
0x1d: {  	s5 =	simm.s32 @p1 $0x1;
	p0 =	seq.s32 s7, s2  }
0x1e: {  	s7 =	smul.u32 @!p0 $0xF7A, s2;
	p2 =	seq.s32 @!p0 s5, $0x0  }
0x1f: {  	s9 =	smul.u32 $0xF7A, s1;
	s8 =	simm.s32 @!p0 $0x1BF5;
	p2 =	por !p2, p0  }
0x20: {  	[sflag:s8] =	ssyncset.s32 @!p0 $0xFFFFF086;
	s6 =	sadd.s32 @!p0 s3, s7;
	s7 =	simm.s32 @!p0 $0x108  }
0x21: {  	s3 =	sadd.s32 s3, s9;
	s6 =	sadd.s32 @!p0 $0x88, s6;
	s7 =	simm.s32 @p2 $0x1082  }
0x22: {  	[simem:s7], [sflag:s8] =	dma.local @!p0 [hbm:s6], $0xF7A  }
0x23: {  	s9 =	sor.u32 $0xD0000000, s2;
	s6 =	simm.s32 $0x108;
	_ =	swait.ge @!p0 [sflag:s8], $0x0  }
0x24: {  	s3 =	sadd.s32 $0x88, s3;
	s6 =	simm.s32 @!p1 $0x1082;
	[sflag:s4] =	ssyncset.s32 $0xFFFFF086  }
0x25: {  	[simem:s6], [sflag:s4] =	dma.local [hbm:s3], $0xF7A  }
0x26: {  	[smem:$0x3F95] =	sst s1;
	(tag) =	ssettag s2;
	_ =	strace s9  }
0x27: {  	s1 =	sld [smem:$0x3FA5]  }
0x28: {  	s2 =	sld [smem:$0x3FA6]  }
0x29: {  	s4 =	sld [smem:$0x3FA8]  }
0x2a: {  	p0 =	seq.s32 s5, $0x0;
	s5 =	sld [smem:$0x3FA9]  }
0x2b: {  	s6 =	sld [smem:$0x3FAA]  }
0x2c: {  	s7 =	sld [smem:$0x3FAB]  }
0x2d: {  	s3 =	simm.s32 $0x108;
	s8 =	sld [smem:$0x3FAC]  }
0x2e: {  	s3 =	simm.s32 @!p0 $0x1082;
	s9 =	sld [smem:$0x3FAD]  }
0x2f: {  	lr =	sadd.s32 s0, s3;
	s0 =	sld [smem:$0x3FA4]  }
0x30: {  	s3 =	sld [smem:$0x3FA7]  }
0x31: {  	[smem:$0x3FB0] =	sst s10  }
0x32: {  	s10 =	sld [smem:$0x3FAE];
	_ =	sdelay $0x3  }
0x33: {  	p0 =	seq.s32 s10, $0x1;
	s10 =	sld [smem:$0x3FB0];
	_ =	sdelay $0x3  }
0x34: {  	[smem:$0x3FB0] =	sst s10  }
0x35: {  	s10 =	sld [smem:$0x3FAF];
	_ =	sdelay $0x3  }
0x36: {  	p1 =	seq.s32 s10, $0x1;
	s10 =	sld [smem:$0x3FB0];
	_ =	sdelay $0x3  }
0x37: {  	[smem:$0x3FB0] =	sst s10  }
0x38: {  	s10 =	sld [smem:$0x3FB1]  }
0x39: {  	_ = 	snop;
	(pc) =	sbr.ind lr, $3  }
0x3a: {  	_ = 	snop  }
0x3b: {  	_ = 	snop  }
0x3c: {  	p2 =	seq.s32 s10, $0x1;
	s10 =	sld [smem:$0x3FB0]  }
0x3d: {  	_ =	shalt  }
0x3e: {  	_ =	shalt  }
0x3f: {  	_ =	shalt  }
0x40: {  	_ =	shalt  }
0x41: {  	_ =	shalt  }
0x42: {  	_ =	shalt  }
0x43: {  	_ =	shalt  }
0x44: {  	_ =	shalt  }
0x45: {  	_ =	shalt  }
0x46: {  	_ =	shalt  }
0x47: {  	_ =	shalt  }
0x48: {  	_ =	shalt  }
0x49: {  	_ =	shalt  }
0x4a: {  	_ =	shalt  }
0x4b: {  	_ =	shalt  }
0x4c: {  	_ =	shalt  }
0x4d: {  	_ =	shalt  }
0x4e: {  	_ =	shalt  }
0x4f: {  	_ =	shalt  }
0x50: {  	_ =	shalt  }
0x51: {  	_ =	shalt  }
0x52: {  	_ =	shalt  }
0x53: {  	_ =	shalt  }
0x54: {  	_ =	shalt  }
0x55: {  	_ =	shalt  }
0x56: {  	_ =	shalt  }
0x57: {  	_ =	shalt  }
0x58: {  	_ =	shalt  }
0x59: {  	_ =	shalt  }
0x5a: {  	_ =	shalt  }
0x5b: {  	_ =	shalt  }
0x5c: {  	_ =	shalt  }
0x5d: {  	_ =	shalt  }
0x5e: {  	_ =	shalt  }
0x5f: {  	_ =	shalt  }
0x60: {  	_ =	shalt  }
0x61: {  	_ =	shalt  }
0x62: {  	_ =	shalt  }
0x63: {  	_ =	shalt  }
0x64: {  	_ =	shalt  }
0x65: {  	_ =	shalt  }
0x66: {  	_ =	shalt  }
0x67: {  	_ =	shalt  }
0x68: {  	_ =	shalt  }
0x69: {  	_ =	shalt  }
0x6a: {  	_ =	shalt  }
0x6b: {  	_ =	shalt  }
0x6c: {  	_ =	shalt  }
0x6d: {  	_ =	shalt  }
0x6e: {  	_ =	shalt  }
0x6f: {  	_ =	shalt  }
0x70: {  	_ =	shalt  }
0x71: {  	_ =	shalt  }
0x72: {  	_ =	shalt  }
0x73: {  	_ =	shalt  }
0x74: {  	_ =	shalt  }
0x75: {  	_ =	shalt  }
0x76: {  	_ =	shalt  }
0x77: {  	_ =	shalt  }
0x78: {  	_ =	shalt  }
0x79: {  	_ =	shalt  }
0x7a: {  	_ =	shalt  }
0x7b: {  	_ =	shalt  }
0x7c: {  	_ =	shalt  }
0x7d: {  	_ =	shalt  }
0x7e: {  	_ =	shalt  }
0x7f: {  	_ =	shalt  }
0x80: {  	_ =	shalt  }
0x81: {  	_ =	shalt  }
0x82: {  	_ =	shalt  }
0x83: {  	_ =	shalt  }
0x84: {  	_ =	shalt  }
0x85: {  	_ =	shalt  }
0x86: {  	_ =	shalt  }
0x87: {  	_ =	shalt  }
.Lfunc_end0:
.L_simem_size_0:
called_computation_lowered:
.L_overlay_start_0:
0x88: {  	s2 =	sld [smem:$0x3FD9]  }
0x89: {  	s3 =	sld [smem:$0x3FFE];
	_ =	sdelay $0x1  }
0x8a: {  	s1 =	srdreg.scid  }
0x8b: {  	s0 =	sand.u32 $0x1, s1  }
0x8c: {  	s16 =	sshll.u32 s0, $0xA;
	s2 =	sadd.s32 s3, s2  }
0x8d: {  	s2 =	sadd.s32 s2, s16  }
0x8e: {  	[smem:$0x3FBC] =	sst s2  }
0x8f: {  	_ = 	snop  }
0x90: {  	(tm) =	ssettm $0x1  }
0x91: {  	s17 =	sld [smem:$0x3FFB];
	_ =	sdelay $0x3  }
0x92: {  	_ =	strace s17  }
0x93: {  	s2 =	sld [smem:$0x3FFC];
	_ =	sdelay $0x3  }
0x94: {  	_ =	strace s2  }
0x95: {  	s2 =	sld [smem:$0x3FFD];
	_ =	sdelay $0x3  }
0x96: {  	_ =	strace s2  }
0x97: {  	_ =	strace $0x8FFFFFFF  }
0x98: {  	s18 =	sld [smem:$0x3FDB];
	_ =	sdelay $0x1  }
0x99: {  	s19 =	simm.s32 $_scs_section_size  }
0x9a: {  	s4 =	simm.s32 $_size__tile_overlayer_lowered;
	s5 =	simm.s32 $_tile_overlayer_lowered  }
0x9b: {  	s22 =	simm.s32 $0x1BFF;
	s21 =	sshll.u32 s5, $0x1;
	s2 =	sadd.s32 s19, s18  }
0x9c: {  	s6 =	simm.s32 $0x0;
	s20 =	sshll.u32 s4, $0x1;
	s4 =	sadd.s32 s21, s2  }
0x9d: {  	[timem:s6], [sflag:s22] =	dma.local [hbm:s4], s20  }
0x9e: {  	_ =	swait.ge [sflag:s22], s20  }
0x9f: {  	s3 =	ssub.s32 $0x0, s20;
	[sflag:s22] =	ssyncset.done $0x0  }
0xa0: {  	[sflag:s22] =	ssyncadd.s32 s3;
	_ =	sdelay $0x1  }
0xa1: {  	s23 =	simm.s32 $0x1B8B  }
0xa2: {  	_ =	swait.ge [sflag:s23], $0x1  }
0xa3: {  	[sflag:s23] =	ssyncset.done $0x0  }
0xa4: {  	s25 =	simm.s32 $0x1B8E;
	s24 =	sld [smem:$0x3FFE];
	[sflag:s23] =	ssyncadd.s32 $0xFFFFFFFF  }
0xa5: {  	s26 =	simm.s32 $execute0_lowered;
	[smem:$0x3FD2] =	sst s25  }
0xa6: {  	s4 =	sshll.u32 s26, $0x1;
	_ =	strace $0x80000046;
	[dreg:$0x1] =	wrdreg $0xFFFFFFFF  }
0xa7: {  	s28 =	simm.s32 $_size_execute0_lowered;
	s2 =	sadd.s32 s2, s4;
	[dreg:$0x0] =	wrdreg $0x0  }
0xa8: {  	s4 =	sshll.u32 s28, $0x1;
	[dreg:$0x2] =	wrdreg s2  }
0xa9: {  	[dreg:$0x3] =	wrdreg s4  }
0xaa: {  	[dreg:$0x4] =	wrdreg $0xC0  }
0xab: {  	_ =	task [dreg:s6], $0x5FFFF  }
0xac: {  	[dreg:$0x1] =	wrdreg $0xFFFFFFFF  }
0xad: {  	[dreg:$0x0] =	wrdreg $0x60  }
0xae: {  	[dreg:$0x2] =	wrdreg s24  }
0xaf: {  	[dreg:$0x3] =	wrdreg $0x0  }
0xb0: {  	[dreg:$0x4] =	wrdreg $0x9  }
0xb1: {  	_ =	task.clear_ibuf [dreg:s6], $0x5FFFF;
	_ =	strace $0x90000046  }
0xb2: {  	s29 =	simm.s32 $0x9;
	_ =	strace $0x80000048  }
0xb3: {  	_ =	swait.ge [sflag:s29], $0x1  }
0xb4: {  	[sflag:s29] =	ssyncadd.s32 $0xFFFFFFFF  }
0xb5: {  	_ =	strace $0x90000048  }
0xb6: {  	_ =	sfence  }
0xb7: {  	s30 =	sld [smem:$0x0];
	_ =	sdelay $0x2  }
0xb8: {  	s31 =	sshll.u32 s1, $0xD;
	s1 =	sshrl.u32 s1, $0x2  }
0xb9: {  	s3 =	sand.u32 $0x4000, s31;
	s1 =	sadd.s32 s1, s30  }
0xba: {  	s0 =	sor.u32 s3, s0;
	s1 =	sshll.u32 s1, $0x11  }
0xbb: {  	s0 =	sor.u32 s1, s0  }
0xbc: {  	s0 =	sadd.s32 $0x8F2B, s0  }
0xbd: {  	[sflag:s0] =	ssyncadd.remote.s32 $0x1  }
0xbe: {  	_ =	sfence.sel $0xFFFF  }
0xbf: {  	[dreg:$0x0] =	wrdreg $0xFFFFFFFF;
	(pc) =	sbr.abs _section_cstart, $3  }
0xc0: {  	[dreg:$0x1] =	wrdreg $0xFFFFFFFF  }
0xc1: {  	_ =	task.clear_ibuf [dreg:s6], $0x2FFFF;
	_ =	strace $0x9FFFFFFF  }
0xc2: {  	(tm) =	ssettm $0x7FFFFFFF  }
0xc3: {  	_ =	shalt  }
tec
execute0_lowered:
.L_overlay_start_1:
0x0: {  	(tag) =	ssettag $0x1  }
0x1: {  	s0 =	srdreg.scid;
	s8 =	rddreg [dreg:$0x0]  }
0x2: {  	s2 =	rddreg [dreg:$0x1];
	s1 =	stileid.u32;
	s3 =	simm.s32 $0x0  }
0x3: {  	s17 =	simm.s32 $0x7;
	s18 =	simm.s32 $0x28;
	s19 =	simm.s32 $0x16000  }
0x4: {  	s28 =	simm.s32 $0x1B200;
	s29 =	simm.s32 $0x1C600;
	s30 =	simm.s32 $0x1  }
0x5: {  	s31 =	simm.s32 $0x2;
	s14 =	simm.s32 $0x4;
	s15 =	simm.s32 $0x5  }
0x6: {  	s16 =	simm.s32 $0x6;
	s0 =	sand.u32 $0x1, s0;
	s11 =	smul.u32 $0x1400, s1  }
0x7: {  	[smem:$0x7FF] =	sst s3;
	s20 =	sshll.u32 s1, $0x7;
	s23 =	smul.u32 $0x5000, s1  }
0x8: {  	s4 =	sshll.u32 s0, $0x4;
	_ =	strace $0x80000047;
	s7 =	smul.u32 $0x138800, s0  }
0x9: {  	s6 =	sand.u32 $0x380, s20;
	s0 =	ssub.s32 $0x2, s0;
	s9 =	sor.u32 s1, s4  }
0xa: {  	s20 =	simm.s32 $0x16200;
	s11 =	sadd.s32 s11, s7;
	s7 =	smul.u32 $0x2710, s9  }
0xb: {  	s21 =	sshrl.u32 s0, $0x1;
	s25 =	sshrl.u32 s23, $0x2;
	s12 =	smul.u32 $0x138800, s9  }
0xc: {  	s4 =	sshrl.u32 s9, $0x3;
	s9 =	smul.u32 $0x27100, s9;
	s0 =	ssub.s32 s0, s21  }
0xd: {  	s21 =	simm.s32 $0x0;
	s5 =	smul.u32 $0x13C00, s4;
	s4 =	sadd.s32 $0x3A00, s8  }
0xe: {  	s11 =	sshrl.u32 s11, $0x3;
	s0 =	smax.u32 s0, $0x1;
	s22 =	sshrl.u32 s12, $0x3  }
0xf: {  	[dreg:$0x6] =	wrdreg s0;
	s12 =	sadd.s32 s25, s2;
	s25 =	simm.s32 $0x19E00  }
0x10: {  	s10 =	sor.u32 s6, s5;
	s5 =	sadd.s32 $0x2AC00, s8;
	s6 =	sadd.s32 $0x4EF800, s8  }
0x11: {  	s10 =	sshrl.u32 s10, $0x3;
	s9 =	sadd.s32 s6, s9;
	s24 =	sadd.s32 s6, s22  }
0x12: {  	s10 =	sadd.s32 s10, s8;
	[dreg:$0x4] =	wrdreg s9;
	s9 =	sadd.s32 $0x280, s24  }
0x13: {  	s8 =	sadd.s32 s11, s8;
	s10 =	sadd.s32 $0x4E5A00, s10;
	[dreg:$0x5] =	wrdreg s9  }
0x14: {  	s0 =	simm.s32 $0x3;
	s26 =	sadd.s32 $0x51E00, s8;
	[dreg:$0x3] =	wrdreg s10  }
0x15: {  	v0 =	vimm.f32 $0.0e+00;
	s24 =	simm.s32 $0x16100;
	[dreg:$0x7] =	wrdreg s26;
	s26 =	simm.s32 $0x16180  }
.LBB2_1:
0x16: {  	s8 =	rddreg [dreg:$0x3]  }
0x17: {  	s9 =	simm.s32 $0x80;
	s10 =	simm.s32 $0x400;
	s11 =	simm.s32 $0x13880  }
0x18: {  	[tilespmem:s11], [sflag:$0x7] =	stream.strided.gather [hbm4b:s8+s9], $0x2780, s10, s9, $0x38;
	[tilespmem:$0x1DA00] =	vst v63  }
0x19: {  	_ =	swait.ge [sflag:s17], $0x2780  }
0x1a: {  	[sflag:s17] =	ssyncset.done $0x0  }
0x1b: {  	s8 =	simm.s32 $0x0;
	s9 =	simm.s32 $0x200;
	[sflag:s17] =	ssyncadd.s32 $0xFFFFD880  }
.LBB2_2:
0x1c: {  	p0 =	sne.s32 s9, $0x4E00;
	[tilespmem:s8+$0x16270] =	vst v0  }
0x1d: {  	[tilespmem:s8+$0x16200] =	vst v0  }
0x1e: {  	[tilespmem:s8+$0x16210] =	vst v0  }
.Ltmp0:
0x1f: {  	[tilespmem:s8+$0x16220] =	vst v0;
	(pc) =	sbr.rel @p0 .LBB2_2-.Ltmp0, $4  }
0x20: {  	[tilespmem:s8+$0x16230] =	vst v0  }
0x21: {  	[tilespmem:s8+$0x16240] =	vst v0  }
0x22: {  	[tilespmem:s8+$0x16250] =	vst v0  }
0x23: {  	[tilespmem:s8+$0x16260] =	vst v0;
	s8 =	sshra.s32 s9, $0x2;
	s9 =	sadd.s32 $0x200, s9  }
0x24: {  	[tilespmem:s8+$0x16270] =	vst v0  }
0x25: {  	[tilespmem:s8+$0x16200] =	vst v0  }
0x26: {  	[tilespmem:s8+$0x16210] =	vst v0  }
0x27: {  	[tilespmem:s8+$0x16220] =	vst v0  }
0x28: {  	[tilespmem:s8+$0x16230] =	vst v0  }
0x29: {  	[tilespmem:s8+$0x16240] =	vst v0;
	s9 =	sadd.s32 $0x0, s1  }
0x2a: {  	[tilespmem:s8+$0x16250] =	vst v0;
	p0 =	sgt.u32 s9, $0xF9  }
0x2b: {  	[tilespmem:s8+$0x16260] =	vst v0;
	s8 =	simm.s32 @!p0 $0x16200;
	s23 =	simm.s32 @!p0 $0x7  }
0x2c: {  	[spmem:s12] =	stream.linear.scatter @!p0 [tilespmem:s8], [sflag:$0x7], $0x1400, $0x38;
	[tilespmem:$0x1DA00] =	vst v63  }
0x2d: {  	s22 =	simm.s32 $0x10;
	_ =	swait.ge @!p0 [sflag:s23], $0x1400  }
0x2e: {  	s9 =	simm.s32 $0x20;
	s8 =	sadd.s32 $0x14000, s12;
	[sflag:s23] =	ssyncset.done @!p0 $0x0  }
.LBB2_4:
0x2f: {  	s10 =	sadd.s32 s22, s1;
	s22 =	smov.u32 s9;
	s9 =	sadd.s32 $0x10, s9  }
0x30: {  	[sflag:s23] =	ssyncadd.s32 @!p0 $0xFFFFEC00;
	p1 =	sne.s32 s9, $0x100  }
.Ltmp1:
0x31: {  	p0 =	sgt.u32 s10, $0xF9;
	(pc) =	sbr.rel @p1 .LBB2_4-.Ltmp1, $4  }
0x32: {  	s10 =	simm.s32 @!p0 $0x16200;
	s23 =	simm.s32 @!p0 $0x7  }
0x33: {  	[spmem:s8] =	stream.linear.scatter @!p0 [tilespmem:s10], [sflag:$0x7], $0x1400, $0x38;
	[tilespmem:$0x1DA00] =	vst v63  }
0x34: {  	_ =	swait.ge @!p0 [sflag:s23], $0x1400  }
0x35: {  	s8 =	sadd.s32 $0x14000, s8;
	[sflag:s23] =	ssyncset.done @!p0 $0x0  }
0x36: {  	s9 =	sadd.s32 s22, s1  }
0x37: {  	p1 =	sgt.u32 s9, $0xF9  }
0x38: {  	[sflag:s23] =	ssyncadd.s32 @!p0 $0xFFFFEC00;
	s9 =	simm.s32 @!p1 $0x16200;
	s10 =	simm.s32 @!p1 $0x7  }
0x39: {  	[spmem:s8] =	stream.linear.scatter @!p1 [tilespmem:s9], [sflag:$0x7], $0x1400, $0x38;
	[tilespmem:$0x1DA00] =	vst v63  }
0x3a: {  	_ =	swait.ge @!p1 [sflag:s10], $0x1400  }
0x3b: {  	[sflag:s10] =	ssyncset.done @!p1 $0x0  }
0x3c: {  	[sflag:s10] =	ssyncadd.s32 @!p1 $0xFFFFEC00  }
0x3d: {  	[bflag:$0x0] =	sbarrier.arrive $0xFFFF  }
0x3e: {  	v1 =	vld [tilespmem:$0x13880];
	_ =	sdelay $0x1  }
0x3f: {  	v2 =	vld [tilespmem:$0x13890];
	_ =	sdelay $0x1  }
0x40: {  	v3 =	vld [tilespmem:$0x13898]  }
0x41: {  	v4 =	vand.u32 $0xFFFF, v1  }
0x42: {  	v1 =	vshra.s32 v1, $0x10;
	[tilespmem:$0x16000] =	vst v4  }
0x43: {  	[tilespmem:$0x16080] =	vst v1;
	v1 =	vand.u32 $0xFFFF, v2  }
0x44: {  	[tilespmem:$0x16010] =	vst v1;
	v1 =	vshra.s32 v2, $0x10  }
0x45: {  	[tilespmem:$0x16090] =	vst v1;
	v1 =	vand.u32 $0xFFFF, v3  }
0x46: {  	[tilespmem:$0x16018] =	vst v1;
	v1 =	vshra.s32 v3, $0x10  }
0x47: {  	[tilespmem:$0x16098] =	vst v1  }
0x48: {  	[tilespmem:s20], [sflag:$0x1] =	stream.indirect.gather [hbm4b:s4+s18], $0x80, s19, s18, $0xb8;
	[tilespmem:$0x1DA00] =	vst v63  }
0x49: {  	s9 =	simm.s32 $0x16080;
	s10 =	simm.s32 $0x17600  }
0x4a: {  	[tilespmem:s10], [sflag:$0x2] =	stream.indirect.gather [hbm4b:s5+s18], $0x80, s9, s18, $0xb8;
	[tilespmem:$0x1DA00] =	vst v63  }
0x4b: {  	s22 =	simm.s32 $0x0;
	s13 =	simm.s32 $0x18A00;
	s11 =	rddreg [dreg:$0x4]  }
0x4c: {  	[tilespmem:s13], [sflag:$0x3] =	stream.linear.gather [hbm4b:s11+s22], $0x1400, $0x38;
	[tilespmem:$0x1DA00] =	vst v63  }
0x4d: {  	v1 =	vld [tilespmem:$0x138A8];
	_ =	sdelay $0x1  }
0x4e: {  	v2 =	vld [tilespmem:$0x138B8];
	_ =	sdelay $0x1  }
0x4f: {  	v3 =	vld [tilespmem:$0x138C0]  }
0x50: {  	v63 =	vand.u32 $0xFFFF, v1  }
0x51: {  	v1 =	vshra.s32 v1, $0x10;
	[tilespmem:$0x16100] =	vst v63  }
0x52: {  	[tilespmem:$0x16180] =	vst v1;
	v1 =	vand.u32 $0xFFFF, v2  }
0x53: {  	[tilespmem:$0x16110] =	vst v1;
	v1 =	vshra.s32 v2, $0x10  }
0x54: {  	[tilespmem:$0x16190] =	vst v1;
	v1 =	vand.u32 $0xFFFF, v3  }
0x55: {  	[tilespmem:$0x16118] =	vst v1;
	v1 =	vshra.s32 v3, $0x10  }
0x56: {  	[tilespmem:$0x16198] =	vst v1  }
0x57: {  	[tilespmem:s25], [sflag:$0x4] =	stream.indirect.gather [hbm4b:s4+s18], $0x80, s24, s18, $0xb8;
	[tilespmem:$0x1DA00] =	vst v63  }
0x58: {  	_ = 	snop  }
0x59: {  	[tilespmem:s28], [sflag:$0x5] =	stream.indirect.gather [hbm4b:s5+s18], $0x80, s26, s18, $0xb8;
	[tilespmem:$0x1DA00] =	vst v63  }
0x5a: {  	s23 =	rddreg [dreg:$0x5]  }
0x5b: {  	[tilespmem:s29], [sflag:$0x6] =	stream.linear.gather [hbm4b:s23+s22], $0x1400, $0x38;
	[tilespmem:$0x1DA00] =	vst v63  }
.LBB2_6:
0x5c: {  	_ =	swait.ge [sflag:s30], $0x1400  }
0x5d: {  	[sflag:s30] =	ssyncset.done $0x0  }
0x5e: {  	[sflag:s30] =	ssyncadd.s32 $0xFFFFEC00  }
0x5f: {  	_ =	swait.ge [sflag:s31], $0x1400  }
0x60: {  	[sflag:s31] =	ssyncset.done $0x0  }
0x61: {  	[sflag:s31] =	ssyncadd.s32 $0xFFFFEC00  }
0x62: {  	_ =	swait.ge [sflag:s0], $0x1400  }
0x63: {  	[sflag:s0] =	ssyncset.done $0x0  }
0x64: {  	s23 =	simm.s32 $0xF0;
	[sflag:s0] =	ssyncadd.s32 $0xFFFFEC00  }
0x65: {  	v13 =	vld [tilespmem:s23+$0x18910]  }
0x66: {  	v14 =	vld [tilespmem:s23+$0x18920]  }
0x67: {  	v15 =	vld [tilespmem:s23+$0x18930]  }
0x68: {  	v16 =	vld [tilespmem:s23+$0x18940]  }
0x69: {  	v17 =	vld [tilespmem:s23+$0x18950]  }
0x6a: {  	v18 =	vld [tilespmem:s23+$0x18960]  }
0x6b: {  	v19 =	vld [tilespmem:s23+$0x18970]  }
0x6c: {  	v21 =	vld [tilespmem:s23+$0x18980]  }
0x6d: {  	v6 =	vld [tilespmem:s23+$0x18990]  }
0x6e: {  	v5 =	vld [tilespmem:s23+$0x189A0]  }
0x6f: {  	v4 =	vld [tilespmem:s23+$0x189B0]  }
0x70: {  	v3 =	vld [tilespmem:s23+$0x189C0]  }
0x71: {  	v2 =	vld [tilespmem:s23+$0x189D0]  }
0x72: {  	v1 =	vld [tilespmem:s23+$0x189E0]  }
0x73: {  	v20 =	vld [tilespmem:s23+$0x17510]  }
0x74: {  	v22 =	vld [tilespmem:s23+$0x17520]  }
0x75: {  	v23 =	vld [tilespmem:s23+$0x17530]  }
0x76: {  	v24 =	vld [tilespmem:s23+$0x17540]  }
0x77: {  	v25 =	vld [tilespmem:s23+$0x17550]  }
0x78: {  	v26 =	vld [tilespmem:s23+$0x17560]  }
0x79: {  	v27 =	vld [tilespmem:s23+$0x17570]  }
0x7a: {  	v28 =	vld [tilespmem:s23+$0x17580]  }
0x7b: {  	v29 =	vld [tilespmem:s23+$0x17590]  }
0x7c: {  	v30 =	vld [tilespmem:s23+$0x175A0]  }
0x7d: {  	v12 =	vld [tilespmem:s23+$0x175B0]  }
0x7e: {  	v11 =	vld [tilespmem:s23+$0x175C0]  }
0x7f: {  	v10 =	vld [tilespmem:s23+$0x175D0]  }
0x80: {  	v9 =	vld [tilespmem:s23+$0x175E0]  }
0x81: {  	v8 =	vld [tilespmem:s23+$0x175F0]  }
0x82: {  	v7 =	vld [tilespmem:s23+$0x17600]  }
0x83: {  	v31 =	vld [tilespmem:s23+$0x16110]  }
0x84: {  	v32 =	vld [tilespmem:s23+$0x16120]  }
0x85: {  	v33 =	vld [tilespmem:s23+$0x16130]  }
0x86: {  	v34 =	vld [tilespmem:s23+$0x16140]  }
0x87: {  	v35 =	vld [tilespmem:s23+$0x16150]  }
0x88: {  	v60 =	vld [tilespmem:s23+$0x16160];
	v20 =	vadd.f32 v20, v31  }
0x89: {  	v36 =	vld [tilespmem:s23+$0x16170];
	v22 =	vadd.f32 v22, v32  }
0x8a: {  	v23 =	vadd.f32 v23, v33;
	v13 =	vadd.f32 v13, v20;
	v20 =	vld [tilespmem:s23+$0x16180]  }
0x8b: {  	v61 =	vld [tilespmem:s23+$0x16190];
	v14 =	vadd.f32 v14, v22;
	v22 =	vadd.f32 v24, v34  }
0x8c: {  	v62 =	vld [tilespmem:s23+$0x161A0];
	v15 =	vadd.f32 v15, v23;
	v23 =	vadd.f32 v25, v35;
	v13 =	vmax.f32 v13, $0.0e+00  }
0x8d: {  	v14 =	vmax.f32 v14, $0.0e+00;
	v16 =	vadd.f32 v16, v22;
	v22 =	vadd.f32 v26, v60;
	[tilespmem:s23+$0x16110] =	vst v13;
	v13 =	vld [tilespmem:s23+$0x161B0]  }
0x8e: {  	v15 =	vmax.f32 v15, $0.0e+00;
	v17 =	vadd.f32 v17, v23;
	v23 =	vadd.f32 v27, v36;
	[tilespmem:s23+$0x16120] =	vst v14;
	v14 =	vld [tilespmem:s23+$0x161C0]  }
0x8f: {  	[tilespmem:s23+$0x16130] =	vst v15;
	v15 =	vld [tilespmem:s23+$0x161D0];
	v16 =	vmax.f32 v16, $0.0e+00;
	v22 =	vadd.f32 v18, v22;
	v63 =	vadd.f32 v28, v20  }
0x90: {  	v17 =	vmax.f32 v17, $0.0e+00;
	v18 =	vadd.f32 v29, v61;
	[tilespmem:s23+$0x16140] =	vst v16;
	v16 =	vld [tilespmem:s23+$0x161E0];
	v20 =	vadd.f32 v19, v23  }
0x91: {  	s8 =	simm.s32 $0x7C0;
	[tilespmem:s23+$0x16150] =	vst v17;
	v19 =	vadd.f32 v30, v62;
	v17 =	vld [tilespmem:s23+$0x161F0];
	v22 =	vmax.f32 v22, $0.0e+00;
	v21 =	vadd.f32 v21, v63  }
.LBB2_7:
0x92: {  	p0 =	sne.s32 s8, $0x4FC0;
	[tilespmem:s23+$0x16160] =	vst v22;
	v20 =	vmax.f32 v20, $0.0e+00;
	v6 =	vadd.f32 v6, v18;
	v12 =	vadd.f32 v12, v13;
	v13 =	vld [tilespmem:s23+$0x16200]  }
0x93: {  	v18 =	vmax.f32 v21, $0.0e+00;
	[tilespmem:s23+$0x16170] =	vst v20;
	v5 =	vadd.f32 v5, v19;
	v11 =	vadd.f32 v11, v14;
	v14 =	vld [tilespmem:s23+$0x189F0]  }
0x94: {  	s9 =	sshra.s32 s8, $0x2;
	[tilespmem:s23+$0x16180] =	vst v18;
	v6 =	vmax.f32 v6, $0.0e+00;
	v4 =	vadd.f32 v4, v12;
	v10 =	vadd.f32 v10, v15;
	v12 =	vld [tilespmem:s23+$0x18A00]  }
0x95: {  	v15 =	vld [tilespmem:s9+$0x18910];
	v5 =	vmax.f32 v5, $0.0e+00;
	[tilespmem:s23+$0x16190] =	vst v6;
	v3 =	vadd.f32 v3, v11;
	v6 =	vadd.f32 v9, v16  }
0x96: {  	v16 =	vld [tilespmem:s9+$0x18920];
	[tilespmem:s23+$0x161A0] =	vst v5;
	v4 =	vmax.f32 v4, $0.0e+00;
	v2 =	vadd.f32 v2, v10;
	v5 =	vadd.f32 v8, v17  }
0x97: {  	v17 =	vld [tilespmem:s9+$0x18930];
	v3 =	vmax.f32 v3, $0.0e+00;
	[tilespmem:s23+$0x161B0] =	vst v4;
	v1 =	vadd.f32 v1, v6;
	v4 =	vadd.f32 v7, v13  }
0x98: {  	v13 =	vld [tilespmem:s9+$0x18940];
	[tilespmem:s23+$0x161C0] =	vst v3;
	v2 =	vmax.f32 v2, $0.0e+00;
	v3 =	vadd.f32 v14, v5  }
0x99: {  	v14 =	vld [tilespmem:s9+$0x18950];
	v1 =	vmax.f32 v1, $0.0e+00;
	[tilespmem:s23+$0x161D0] =	vst v2;
	v2 =	vadd.f32 v12, v4  }
0x9a: {  	v18 =	vld [tilespmem:s9+$0x18960];
	[tilespmem:s23+$0x161E0] =	vst v1;
	v1 =	vmax.f32 v3, $0.0e+00  }
0x9b: {  	v19 =	vld [tilespmem:s9+$0x18970];
	v2 =	vmax.f32 v2, $0.0e+00;
	[tilespmem:s23+$0x161F0] =	vst v1  }
0x9c: {  	v21 =	vld [tilespmem:s9+$0x18980];
	[tilespmem:s23+$0x16200] =	vst v2;
	s23 =	smov.u32 s9  }
0x9d: {  	v6 =	vld [tilespmem:s23+$0x18990]  }
0x9e: {  	v5 =	vld [tilespmem:s23+$0x189A0]  }
0x9f: {  	v4 =	vld [tilespmem:s23+$0x189B0]  }
0xa0: {  	v3 =	vld [tilespmem:s23+$0x189C0]  }
0xa1: {  	v2 =	vld [tilespmem:s23+$0x189D0]  }
0xa2: {  	v1 =	vld [tilespmem:s23+$0x189E0]  }
0xa3: {  	v20 =	vld [tilespmem:s23+$0x17510]  }
0xa4: {  	v22 =	vld [tilespmem:s23+$0x17520]  }
0xa5: {  	v23 =	vld [tilespmem:s23+$0x17530]  }
0xa6: {  	v24 =	vld [tilespmem:s23+$0x17540]  }
0xa7: {  	v25 =	vld [tilespmem:s23+$0x17550]  }
0xa8: {  	v26 =	vld [tilespmem:s23+$0x17560]  }
0xa9: {  	v27 =	vld [tilespmem:s23+$0x17570]  }
0xaa: {  	v28 =	vld [tilespmem:s23+$0x17580]  }
0xab: {  	v29 =	vld [tilespmem:s23+$0x17590]  }
0xac: {  	v30 =	vld [tilespmem:s23+$0x175A0]  }
0xad: {  	v12 =	vld [tilespmem:s23+$0x175B0]  }
0xae: {  	v11 =	vld [tilespmem:s23+$0x175C0]  }
0xaf: {  	v10 =	vld [tilespmem:s23+$0x175D0]  }
0xb0: {  	v9 =	vld [tilespmem:s23+$0x175E0]  }
0xb1: {  	v8 =	vld [tilespmem:s23+$0x175F0]  }
0xb2: {  	v7 =	vld [tilespmem:s23+$0x17600]  }
0xb3: {  	v31 =	vld [tilespmem:s23+$0x16110]  }
0xb4: {  	v32 =	vld [tilespmem:s23+$0x16120]  }
0xb5: {  	v33 =	vld [tilespmem:s23+$0x16130]  }
0xb6: {  	v34 =	vld [tilespmem:s23+$0x16140]  }
0xb7: {  	v35 =	vld [tilespmem:s23+$0x16150]  }
0xb8: {  	v20 =	vadd.f32 v20, v31;
	v31 =	vld [tilespmem:s23+$0x16160]  }
0xb9: {  	v22 =	vadd.f32 v22, v32;
	v32 =	vld [tilespmem:s23+$0x16170]  }
0xba: {  	v15 =	vadd.f32 v15, v20;
	v20 =	vadd.f32 v23, v33;
	v23 =	vld [tilespmem:s23+$0x16180]  }
0xbb: {  	v16 =	vadd.f32 v16, v22;
	v22 =	vadd.f32 v24, v34;
	v24 =	vld [tilespmem:s23+$0x16190]  }
0xbc: {  	v15 =	vmax.f32 v15, $0.0e+00;
	v17 =	vadd.f32 v17, v20;
	v20 =	vadd.f32 v25, v35;
	v25 =	vld [tilespmem:s23+$0x161A0]  }
.Ltmp2:
0xbd: {  	v16 =	vmax.f32 v16, $0.0e+00;
	[tilespmem:s23+$0x16110] =	vst v15;
	v15 =	vadd.f32 v13, v22;
	v22 =	vadd.f32 v26, v31;
	v13 =	vld [tilespmem:s23+$0x161B0];
	(pc) =	sbr.rel @p0 .LBB2_7-.Ltmp2, $4  }
0xbe: {  	[tilespmem:s23+$0x16120] =	vst v16;
	v16 =	vmax.f32 v17, $0.0e+00;
	v17 =	vadd.f32 v14, v20;
	v20 =	vadd.f32 v27, v32;
	v14 =	vld [tilespmem:s23+$0x161C0]  }
0xbf: {  	v26 =	vmax.f32 v15, $0.0e+00;
	[tilespmem:s23+$0x16130] =	vst v16;
	v22 =	vadd.f32 v18, v22;
	v23 =	vadd.f32 v28, v23;
	v15 =	vld [tilespmem:s23+$0x161D0]  }
0xc0: {  	[tilespmem:s23+$0x16140] =	vst v26;
	v17 =	vmax.f32 v17, $0.0e+00;
	v20 =	vadd.f32 v19, v20;
	v18 =	vadd.f32 v29, v24;
	v16 =	vld [tilespmem:s23+$0x161E0]  }
0xc1: {  	s8 =	sadd.s32 $0x400, s8;
	v22 =	vmax.f32 v22, $0.0e+00;
	[tilespmem:s23+$0x16150] =	vst v17;
	v21 =	vadd.f32 v21, v23;
	v19 =	vadd.f32 v30, v25;
	v17 =	vld [tilespmem:s23+$0x161F0]  }
0xc2: {  	[tilespmem:s23+$0x16160] =	vst v22;
	v20 =	vmax.f32 v20, $0.0e+00;
	v22 =	vld [tilespmem:s23+$0x16200];
	v6 =	vadd.f32 v6, v18;
	v12 =	vadd.f32 v12, v13  }
0xc3: {  	v18 =	vld [tilespmem:s23+$0x189F0];
	[tilespmem:s23+$0x16170] =	vst v20;
	v13 =	vmax.f32 v21, $0.0e+00;
	v5 =	vadd.f32 v5, v19;
	v11 =	vadd.f32 v11, v14  }
0xc4: {  	[tilespmem:s23+$0x16180] =	vst v13;
	v6 =	vmax.f32 v6, $0.0e+00;
	v4 =	vadd.f32 v4, v12;
	v10 =	vadd.f32 v10, v15;
	v12 =	vld [tilespmem:s23+$0x18A00]  }
0xc5: {  	v5 =	vmax.f32 v5, $0.0e+00;
	[tilespmem:s23+$0x16190] =	vst v6;
	v3 =	vadd.f32 v3, v11;
	v6 =	vadd.f32 v9, v16  }
0xc6: {  	[tilespmem:s23+$0x161A0] =	vst v5;
	v4 =	vmax.f32 v4, $0.0e+00;
	v2 =	vadd.f32 v2, v10;
	v5 =	vadd.f32 v8, v17  }
0xc7: {  	v3 =	vmax.f32 v3, $0.0e+00;
	[tilespmem:s23+$0x161B0] =	vst v4;
	v1 =	vadd.f32 v1, v6;
	v4 =	vadd.f32 v7, v22  }
0xc8: {  	[tilespmem:s23+$0x161C0] =	vst v3;
	v2 =	vmax.f32 v2, $0.0e+00;
	v3 =	vadd.f32 v18, v5  }
0xc9: {  	v1 =	vmax.f32 v1, $0.0e+00;
	[tilespmem:s23+$0x161D0] =	vst v2;
	v2 =	vadd.f32 v12, v4  }
0xca: {  	[tilespmem:s23+$0x161E0] =	vst v1;
	v1 =	vmax.f32 v3, $0.0e+00  }
0xcb: {  	v2 =	vmax.f32 v2, $0.0e+00;
	[tilespmem:s23+$0x161F0] =	vst v1  }
0xcc: {  	[tilespmem:s23+$0x16200] =	vst v2  }
0xcd: {  	[spmem:s2] =	stream.indirect.scatter.add.f32 [tilespmem:s20], [sflag:$0x7], $0x80, s19, s18, $0xb8;
	[tilespmem:$0x1DA00] =	vst v63  }
0xce: {  	p0 =	seq.s32 s22, $0x7C;
	_ =	swait.ge [sflag:s17], $0x1400  }
0xcf: {  	s8 =	smul.u32 @!p0 $0x50, s22;
	[sflag:s17] =	ssyncset.done $0x0  }
0xd0: {  	[sflag:s17] =	ssyncadd.s32 $0xFFFFEC00  }
0xd1: {  	v1 =	vld @!p0 [tilespmem:s8+$0x138D0];
	_ =	sdelay $0x4  }
0xd2: {  	v2 =	vand.u32 @!p0 $0xFFFF, v1  }
0xd3: {  	v1 =	vshra.s32 @!p0 v1, $0x10;
	[tilespmem:$0x16000] =	vst @!p0 v2  }
0xd4: {  	[tilespmem:$0x16080] =	vst @!p0 v1  }
0xd5: {  	v1 =	vld @!p0 [tilespmem:s8+$0x138E0];
	_ =	sdelay $0x4  }
0xd6: {  	v2 =	vand.u32 @!p0 $0xFFFF, v1  }
0xd7: {  	v1 =	vshra.s32 @!p0 v1, $0x10;
	[tilespmem:$0x16010] =	vst @!p0 v2  }
0xd8: {  	[tilespmem:$0x16090] =	vst @!p0 v1  }
0xd9: {  	v1 =	vld @!p0 [tilespmem:s8+$0x138E8];
	_ =	sdelay $0x4  }
0xda: {  	v2 =	vand.u32 @!p0 $0xFFFF, v1  }
0xdb: {  	s9 =	simm.s32 @!p0 $0x28;
	s8 =	sadd.s32 @!p0 s7, s8;
	v1 =	vshra.s32 @!p0 v1, $0x10;
	[tilespmem:$0x16018] =	vst @!p0 v2  }
0xdc: {  	s10 =	simm.s32 @!p0 $0x16000;
	s23 =	simm.s32 @!p0 $0x16200;
	s8 =	sshll.u32 @!p0 s8, $0x4;
	[tilespmem:$0x16098] =	vst @!p0 v1  }
0xdd: {  	[tilespmem:s23], [sflag:$0x1] =	stream.indirect.gather @!p0 [hbm4b:s4+s9], $0x80, s10, s9, $0xb8;
	[tilespmem:$0x1DA00] =	vst v63  }
0xde: {  	s8 =	sadd.s32 @!p0 s6, s8;
	s10 =	simm.s32 @!p0 $0x16080;
	s23 =	simm.s32 @!p0 $0x17600  }
0xdf: {  	[tilespmem:s23], [sflag:$0x2] =	stream.indirect.gather @!p0 [hbm4b:s5+s9], $0x80, s10, s9, $0xb8;
	[tilespmem:$0x1DA00] =	vst v63  }
0xe0: {  	s8 =	sadd.s32 @!p0 $0x500, s8;
	s9 =	simm.s32 @!p0 $0x0;
	s10 =	simm.s32 @!p0 $0x18A00  }
0xe1: {  	[tilespmem:s10], [sflag:$0x3] =	stream.linear.gather @!p0 [hbm4b:s8+s9], $0x1400, $0x38;
	[tilespmem:$0x1DA00] =	vst v63  }
0xe2: {  	_ =	swait.ge [sflag:s14], $0x1400  }
0xe3: {  	[sflag:s14] =	ssyncset.done $0x0  }
0xe4: {  	[sflag:s14] =	ssyncadd.s32 $0xFFFFEC00  }
0xe5: {  	_ =	swait.ge [sflag:s15], $0x1400  }
0xe6: {  	[sflag:s15] =	ssyncset.done $0x0  }
0xe7: {  	[sflag:s15] =	ssyncadd.s32 $0xFFFFEC00  }
0xe8: {  	_ =	swait.ge [sflag:s16], $0x1400  }
0xe9: {  	[sflag:s16] =	ssyncset.done $0x0  }
0xea: {  	s23 =	simm.s32 $0xF0;
	[sflag:s16] =	ssyncadd.s32 $0xFFFFEC00  }
0xeb: {  	v13 =	vld [tilespmem:s23+$0x1C510]  }
0xec: {  	v14 =	vld [tilespmem:s23+$0x1C520]  }
0xed: {  	v15 =	vld [tilespmem:s23+$0x1C530]  }
0xee: {  	v16 =	vld [tilespmem:s23+$0x1C540]  }
0xef: {  	v17 =	vld [tilespmem:s23+$0x1C550]  }
0xf0: {  	v18 =	vld [tilespmem:s23+$0x1C560]  }
0xf1: {  	v19 =	vld [tilespmem:s23+$0x1C570]  }
0xf2: {  	v21 =	vld [tilespmem:s23+$0x1C580]  }
0xf3: {  	v6 =	vld [tilespmem:s23+$0x1C590]  }
0xf4: {  	v5 =	vld [tilespmem:s23+$0x1C5A0]  }
0xf5: {  	v4 =	vld [tilespmem:s23+$0x1C5B0]  }
0xf6: {  	v3 =	vld [tilespmem:s23+$0x1C5C0]  }
0xf7: {  	v2 =	vld [tilespmem:s23+$0x1C5D0]  }
0xf8: {  	v1 =	vld [tilespmem:s23+$0x1C5E0]  }
0xf9: {  	v20 =	vld [tilespmem:s23+$0x1B110]  }
0xfa: {  	v22 =	vld [tilespmem:s23+$0x1B120]  }
0xfb: {  	v23 =	vld [tilespmem:s23+$0x1B130]  }
0xfc: {  	v24 =	vld [tilespmem:s23+$0x1B140]  }
0xfd: {  	v25 =	vld [tilespmem:s23+$0x1B150]  }
0xfe: {  	v26 =	vld [tilespmem:s23+$0x1B160]  }
0xff: {  	v27 =	vld [tilespmem:s23+$0x1B170]  }
0x100: {  	v28 =	vld [tilespmem:s23+$0x1B180]  }
0x101: {  	v29 =	vld [tilespmem:s23+$0x1B190]  }
0x102: {  	v30 =	vld [tilespmem:s23+$0x1B1A0]  }
0x103: {  	v12 =	vld [tilespmem:s23+$0x1B1B0]  }
0x104: {  	v11 =	vld [tilespmem:s23+$0x1B1C0]  }
0x105: {  	v10 =	vld [tilespmem:s23+$0x1B1D0]  }
0x106: {  	v9 =	vld [tilespmem:s23+$0x1B1E0]  }
0x107: {  	v8 =	vld [tilespmem:s23+$0x1B1F0]  }
0x108: {  	v7 =	vld [tilespmem:s23+$0x1B200]  }
0x109: {  	v31 =	vld [tilespmem:s23+$0x19D10]  }
0x10a: {  	v32 =	vld [tilespmem:s23+$0x19D20]  }
0x10b: {  	v33 =	vld [tilespmem:s23+$0x19D30]  }
0x10c: {  	v34 =	vld [tilespmem:s23+$0x19D40]  }
0x10d: {  	v35 =	vld [tilespmem:s23+$0x19D50]  }
0x10e: {  	v60 =	vld [tilespmem:s23+$0x19D60];
	v20 =	vadd.f32 v20, v31  }
0x10f: {  	v36 =	vld [tilespmem:s23+$0x19D70];
	v22 =	vadd.f32 v22, v32  }
0x110: {  	v23 =	vadd.f32 v23, v33;
	v13 =	vadd.f32 v13, v20;
	v20 =	vld [tilespmem:s23+$0x19D80]  }
0x111: {  	v61 =	vld [tilespmem:s23+$0x19D90];
	v14 =	vadd.f32 v14, v22;
	v22 =	vadd.f32 v24, v34  }
0x112: {  	v62 =	vld [tilespmem:s23+$0x19DA0];
	v15 =	vadd.f32 v15, v23;
	v23 =	vadd.f32 v25, v35;
	v13 =	vmax.f32 v13, $0.0e+00  }
0x113: {  	v14 =	vmax.f32 v14, $0.0e+00;
	v16 =	vadd.f32 v16, v22;
	v22 =	vadd.f32 v26, v60;
	[tilespmem:s23+$0x19D10] =	vst v13;
	v13 =	vld [tilespmem:s23+$0x19DB0]  }
0x114: {  	v15 =	vmax.f32 v15, $0.0e+00;
	v17 =	vadd.f32 v17, v23;
	v23 =	vadd.f32 v27, v36;
	[tilespmem:s23+$0x19D20] =	vst v14;
	v14 =	vld [tilespmem:s23+$0x19DC0]  }
0x115: {  	[tilespmem:s23+$0x19D30] =	vst v15;
	v15 =	vld [tilespmem:s23+$0x19DD0];
	v16 =	vmax.f32 v16, $0.0e+00;
	v22 =	vadd.f32 v18, v22;
	v63 =	vadd.f32 v28, v20  }
0x116: {  	v17 =	vmax.f32 v17, $0.0e+00;
	v18 =	vadd.f32 v29, v61;
	[tilespmem:s23+$0x19D40] =	vst v16;
	v16 =	vld [tilespmem:s23+$0x19DE0];
	v20 =	vadd.f32 v19, v23  }
0x117: {  	s8 =	simm.s32 $0x7C0;
	[tilespmem:s23+$0x19D50] =	vst v17;
	v19 =	vadd.f32 v30, v62;
	v17 =	vld [tilespmem:s23+$0x19DF0];
	v22 =	vmax.f32 v22, $0.0e+00;
	v21 =	vadd.f32 v21, v63  }
.LBB2_9:
0x118: {  	p1 =	sne.s32 s8, $0x4FC0;
	[tilespmem:s23+$0x19D60] =	vst v22;
	v20 =	vmax.f32 v20, $0.0e+00;
	v6 =	vadd.f32 v6, v18;
	v12 =	vadd.f32 v12, v13;
	v13 =	vld [tilespmem:s23+$0x19E00]  }
0x119: {  	v18 =	vmax.f32 v21, $0.0e+00;
	[tilespmem:s23+$0x19D70] =	vst v20;
	v5 =	vadd.f32 v5, v19;
	v11 =	vadd.f32 v11, v14;
	v14 =	vld [tilespmem:s23+$0x1C5F0]  }
0x11a: {  	s9 =	sshra.s32 s8, $0x2;
	[tilespmem:s23+$0x19D80] =	vst v18;
	v6 =	vmax.f32 v6, $0.0e+00;
	v4 =	vadd.f32 v4, v12;
	v10 =	vadd.f32 v10, v15;
	v12 =	vld [tilespmem:s23+$0x1C600]  }
0x11b: {  	v15 =	vld [tilespmem:s9+$0x1C510];
	v5 =	vmax.f32 v5, $0.0e+00;
	[tilespmem:s23+$0x19D90] =	vst v6;
	v3 =	vadd.f32 v3, v11;
	v6 =	vadd.f32 v9, v16  }
0x11c: {  	v16 =	vld [tilespmem:s9+$0x1C520];
	[tilespmem:s23+$0x19DA0] =	vst v5;
	v4 =	vmax.f32 v4, $0.0e+00;
	v2 =	vadd.f32 v2, v10;
	v5 =	vadd.f32 v8, v17  }
0x11d: {  	v17 =	vld [tilespmem:s9+$0x1C530];
	v3 =	vmax.f32 v3, $0.0e+00;
	[tilespmem:s23+$0x19DB0] =	vst v4;
	v1 =	vadd.f32 v1, v6;
	v4 =	vadd.f32 v7, v13  }
0x11e: {  	v13 =	vld [tilespmem:s9+$0x1C540];
	[tilespmem:s23+$0x19DC0] =	vst v3;
	v2 =	vmax.f32 v2, $0.0e+00;
	v3 =	vadd.f32 v14, v5  }
0x11f: {  	v14 =	vld [tilespmem:s9+$0x1C550];
	v1 =	vmax.f32 v1, $0.0e+00;
	[tilespmem:s23+$0x19DD0] =	vst v2;
	v2 =	vadd.f32 v12, v4  }
0x120: {  	v18 =	vld [tilespmem:s9+$0x1C560];
	[tilespmem:s23+$0x19DE0] =	vst v1;
	v1 =	vmax.f32 v3, $0.0e+00  }
0x121: {  	v19 =	vld [tilespmem:s9+$0x1C570];
	v2 =	vmax.f32 v2, $0.0e+00;
	[tilespmem:s23+$0x19DF0] =	vst v1  }
0x122: {  	v21 =	vld [tilespmem:s9+$0x1C580];
	[tilespmem:s23+$0x19E00] =	vst v2;
	s23 =	smov.u32 s9  }
0x123: {  	v6 =	vld [tilespmem:s23+$0x1C590]  }
0x124: {  	v5 =	vld [tilespmem:s23+$0x1C5A0]  }
0x125: {  	v4 =	vld [tilespmem:s23+$0x1C5B0]  }
0x126: {  	v3 =	vld [tilespmem:s23+$0x1C5C0]  }
0x127: {  	v2 =	vld [tilespmem:s23+$0x1C5D0]  }
0x128: {  	v1 =	vld [tilespmem:s23+$0x1C5E0]  }
0x129: {  	v20 =	vld [tilespmem:s23+$0x1B110]  }
0x12a: {  	v22 =	vld [tilespmem:s23+$0x1B120]  }
0x12b: {  	v23 =	vld [tilespmem:s23+$0x1B130]  }
0x12c: {  	v24 =	vld [tilespmem:s23+$0x1B140]  }
0x12d: {  	v25 =	vld [tilespmem:s23+$0x1B150]  }
0x12e: {  	v26 =	vld [tilespmem:s23+$0x1B160]  }
0x12f: {  	v27 =	vld [tilespmem:s23+$0x1B170]  }
0x130: {  	v28 =	vld [tilespmem:s23+$0x1B180]  }
0x131: {  	v29 =	vld [tilespmem:s23+$0x1B190]  }
0x132: {  	v30 =	vld [tilespmem:s23+$0x1B1A0]  }
0x133: {  	v12 =	vld [tilespmem:s23+$0x1B1B0]  }
0x134: {  	v11 =	vld [tilespmem:s23+$0x1B1C0]  }
0x135: {  	v10 =	vld [tilespmem:s23+$0x1B1D0]  }
0x136: {  	v9 =	vld [tilespmem:s23+$0x1B1E0]  }
0x137: {  	v8 =	vld [tilespmem:s23+$0x1B1F0]  }
0x138: {  	v7 =	vld [tilespmem:s23+$0x1B200]  }
0x139: {  	v31 =	vld [tilespmem:s23+$0x19D10]  }
0x13a: {  	v32 =	vld [tilespmem:s23+$0x19D20]  }
0x13b: {  	v33 =	vld [tilespmem:s23+$0x19D30]  }
0x13c: {  	v34 =	vld [tilespmem:s23+$0x19D40]  }
0x13d: {  	v35 =	vld [tilespmem:s23+$0x19D50]  }
0x13e: {  	v20 =	vadd.f32 v20, v31;
	v31 =	vld [tilespmem:s23+$0x19D60]  }
0x13f: {  	v22 =	vadd.f32 v22, v32;
	v32 =	vld [tilespmem:s23+$0x19D70]  }
0x140: {  	v15 =	vadd.f32 v15, v20;
	v20 =	vadd.f32 v23, v33;
	v23 =	vld [tilespmem:s23+$0x19D80]  }
0x141: {  	v16 =	vadd.f32 v16, v22;
	v22 =	vadd.f32 v24, v34;
	v24 =	vld [tilespmem:s23+$0x19D90]  }
0x142: {  	v15 =	vmax.f32 v15, $0.0e+00;
	v17 =	vadd.f32 v17, v20;
	v20 =	vadd.f32 v25, v35;
	v25 =	vld [tilespmem:s23+$0x19DA0]  }
.Ltmp3:
0x143: {  	v16 =	vmax.f32 v16, $0.0e+00;
	[tilespmem:s23+$0x19D10] =	vst v15;
	v15 =	vadd.f32 v13, v22;
	v22 =	vadd.f32 v26, v31;
	v13 =	vld [tilespmem:s23+$0x19DB0];
	(pc) =	sbr.rel @p1 .LBB2_9-.Ltmp3, $4  }
0x144: {  	[tilespmem:s23+$0x19D20] =	vst v16;
	v16 =	vmax.f32 v17, $0.0e+00;
	v17 =	vadd.f32 v14, v20;
	v20 =	vadd.f32 v27, v32;
	v14 =	vld [tilespmem:s23+$0x19DC0]  }
0x145: {  	v26 =	vmax.f32 v15, $0.0e+00;
	[tilespmem:s23+$0x19D30] =	vst v16;
	v22 =	vadd.f32 v18, v22;
	v23 =	vadd.f32 v28, v23;
	v15 =	vld [tilespmem:s23+$0x19DD0]  }
0x146: {  	[tilespmem:s23+$0x19D40] =	vst v26;
	v17 =	vmax.f32 v17, $0.0e+00;
	v20 =	vadd.f32 v19, v20;
	v18 =	vadd.f32 v29, v24;
	v16 =	vld [tilespmem:s23+$0x19DE0]  }
0x147: {  	s8 =	sadd.s32 $0x400, s8;
	v22 =	vmax.f32 v22, $0.0e+00;
	[tilespmem:s23+$0x19D50] =	vst v17;
	v21 =	vadd.f32 v21, v23;
	v19 =	vadd.f32 v30, v25;
	v17 =	vld [tilespmem:s23+$0x19DF0]  }
0x148: {  	[tilespmem:s23+$0x19D60] =	vst v22;
	v20 =	vmax.f32 v20, $0.0e+00;
	v57 =	vld [tilespmem:s23+$0x19E00];
	v6 =	vadd.f32 v6, v18;
	v12 =	vadd.f32 v12, v13  }
0x149: {  	v59 =	vld [tilespmem:s23+$0x1C5F0];
	[tilespmem:s23+$0x19D70] =	vst v20;
	v58 =	vmax.f32 v21, $0.0e+00;
	v5 =	vadd.f32 v5, v19;
	v11 =	vadd.f32 v11, v14  }
0x14a: {  	v60 =	vld [tilespmem:s23+$0x1C600];
	[tilespmem:s23+$0x19D80] =	vst v58;
	v6 =	vmax.f32 v6, $0.0e+00;
	v4 =	vadd.f32 v4, v12;
	v10 =	vadd.f32 v10, v15  }
0x14b: {  	v5 =	vmax.f32 v5, $0.0e+00;
	[tilespmem:s23+$0x19D90] =	vst v6;
	v3 =	vadd.f32 v3, v11;
	v61 =	vadd.f32 v9, v16  }
0x14c: {  	[tilespmem:s23+$0x19DA0] =	vst v5;
	v4 =	vmax.f32 v4, $0.0e+00;
	v2 =	vadd.f32 v2, v10;
	v62 =	vadd.f32 v8, v17  }
0x14d: {  	v3 =	vmax.f32 v3, $0.0e+00;
	[tilespmem:s23+$0x19DB0] =	vst v4;
	v1 =	vadd.f32 v1, v61;
	v63 =	vadd.f32 v7, v57  }
0x14e: {  	[tilespmem:s23+$0x19DC0] =	vst v3;
	v2 =	vmax.f32 v2, $0.0e+00;
	v3 =	vadd.f32 v59, v62  }
0x14f: {  	v1 =	vmax.f32 v1, $0.0e+00;
	[tilespmem:s23+$0x19DD0] =	vst v2;
	v2 =	vadd.f32 v60, v63  }
0x150: {  	[tilespmem:s23+$0x19DE0] =	vst v1;
	v1 =	vmax.f32 v3, $0.0e+00  }
0x151: {  	v2 =	vmax.f32 v2, $0.0e+00;
	[tilespmem:s23+$0x19DF0] =	vst v1  }
.Ltmp4:
0x152: {  	[tilespmem:s23+$0x19E00] =	vst v2;
	(pc) =	sbr.rel @p0 .LBB2_12-.Ltmp4, $4  }
0x153: {  	[spmem:s2] =	stream.indirect.scatter.add.f32 [tilespmem:s25], [sflag:$0x7], $0x80, s24, s18, $0xb8;
	[tilespmem:$0x1DA00] =	vst v63  }
0x154: {  	_ =	swait.ge [sflag:s17], $0x1400  }
0x155: {  	[sflag:s17] =	ssyncset.done $0x0  }
0x156: {  	[sflag:s17] =	ssyncadd.s32 $0xFFFFEC00  }
0x157: {  	s8 =	smul.u32 $0x50, s22;
	_ =	sdelay $0x1  }
0x158: {  	v1 =	vld [tilespmem:s8+$0x138F8];
	_ =	sdelay $0x4  }
0x159: {  	v2 =	vand.u32 $0xFFFF, v1  }
0x15a: {  	v1 =	vshra.s32 v1, $0x10;
	[tilespmem:$0x16100] =	vst v2  }
0x15b: {  	[tilespmem:$0x16180] =	vst v1  }
0x15c: {  	v1 =	vld [tilespmem:s8+$0x13908];
	_ =	sdelay $0x4  }
0x15d: {  	v2 =	vand.u32 $0xFFFF, v1  }
0x15e: {  	v1 =	vshra.s32 v1, $0x10;
	[tilespmem:$0x16110] =	vst v2  }
0x15f: {  	[tilespmem:$0x16190] =	vst v1  }
0x160: {  	v1 =	vld [tilespmem:s8+$0x13910];
	_ =	sdelay $0x4  }
0x161: {  	v2 =	vand.u32 $0xFFFF, v1  }
0x162: {  	v1 =	vshra.s32 v1, $0x10;
	[tilespmem:$0x16118] =	vst v2  }
0x163: {  	s8 =	sadd.s32 s7, s8;
	[tilespmem:$0x16198] =	vst v1  }
0x164: {  	[tilespmem:s25], [sflag:$0x4] =	stream.indirect.gather [hbm4b:s4+s18], $0x80, s24, s18, $0xb8;
	[tilespmem:$0x1DA00] =	vst v63  }
.Ltmp5:
0x165: {  	s8 =	sshll.u32 s8, $0x4;
	(pc) =	sbr.rel .LBB2_6-.Ltmp5, $4  }
0x166: {  	s8 =	sadd.s32 s6, s8  }
0x167: {  	[tilespmem:s28], [sflag:$0x5] =	stream.indirect.gather [hbm4b:s5+s18], $0x80, s26, s18, $0xb8;
	[tilespmem:$0x1DA00] =	vst v63  }
0x168: {  	s22 =	sadd.s32 $0x1, s22;
	s8 =	sadd.s32 $0x780, s8  }
0x169: {  	[tilespmem:s29], [sflag:$0x6] =	stream.linear.gather [hbm4b:s8+s3], $0x1400, $0x38;
	[tilespmem:$0x1DA00] =	vst v63  }
.LBB2_12:
0x16a: {  	s8 =	sadd.s32 $0x0, s1  }
0x16b: {  	[bflag:$0x0] =	sbarrier.arrive $0xFFFF;
	p0 =	sgt.u32 s8, $0xF9  }
0x16c: {  	s11 =	rddreg [dreg:$0x7];
	s8 =	sshll.u32 @!p0 s1, $0x6  }
0x16d: {  	s10 =	sshrl.u32 @!p0 s12, $0x3;
	s9 =	simm.s32 @!p0 $0x7;
	s8 =	sor.u32 @!p0 $0x1C07, s8  }
0x16e: {  	[hbm:s11], [sflag:s8] =	dma.local @!p0 [spmem:s10], $0x280  }
0x16f: {  	s23 =	simm.s32 $0x20;
	s22 =	sadd.s32 $0x2800, s11;
	_ =	swait.ge @!p0 [sflag:s9], $0x280  }
0x170: {  	s8 =	sadd.s32 $0x14000, s12;
	s10 =	sadd.s32 $0x10, s1;
	[sflag:s9] =	ssyncset.done @!p0 $0x0  }
.LBB2_13:
0x171: {  	[sflag:s9] =	ssyncadd.s32 @!p0 $0xFFFFFD80  }
0x172: {  	p0 =	sgt.u32 s10, $0xF9;
	s10 =	smov.u32 s23;
	s23 =	sadd.s32 $0x10, s23  }
0x173: {  	p1 =	sne.s32 s23, $0x100  }
.Ltmp6:
0x174: {  	s9 =	sshll.u32 @!p0 s1, $0x6;
	s11 =	sshrl.u32 @!p0 s8, $0x3;
	(pc) =	sbr.rel @p1 .LBB2_13-.Ltmp6, $4  }
0x175: {  	s13 =	sor.u32 @!p0 $0x1C07, s9;
	s9 =	simm.s32 @!p0 $0x7  }
0x176: {  	[hbm:s22], [sflag:s13] =	dma.local @!p0 [spmem:s11], $0x280  }
0x177: {  	s8 =	sadd.s32 $0x14000, s8;
	_ =	swait.ge @!p0 [sflag:s9], $0x280  }
0x178: {  	s10 =	sadd.s32 s10, s1;
	s22 =	sadd.s32 $0x2800, s22;
	[sflag:s9] =	ssyncset.done @!p0 $0x0  }
0x179: {  	p1 =	sgt.u32 s10, $0xF9  }
0x17a: {  	[sflag:s9] =	ssyncadd.s32 @!p0 $0xFFFFFD80;
	s9 =	sshll.u32 @!p1 s1, $0x6  }
0x17b: {  	s8 =	sshrl.u32 @!p1 s8, $0x3;
	s10 =	simm.s32 @!p1 $0x7;
	s9 =	sor.u32 @!p1 $0x1C07, s9  }
0x17c: {  	[hbm:s22], [sflag:s9] =	dma.local @!p1 [spmem:s8], $0x280  }
0x17d: {  	_ =	swait.ge @!p1 [sflag:s10], $0x280  }
0x17e: {  	s21 =	sadd.s32 $0x1, s21;
	s23 =	rddreg [dreg:$0x6]  }
0x17f: {  	p0 =	sne.s32 s21, s23  }
.Ltmp7:
0x180: {  	_ = 	snop;
	(pc) =	sbr.rel @p0 .LBB2_1-.Ltmp7, $3  }
0x181: {  	_ =	sdelay $0x1  }
0x182: {  	[sflag:s10] =	ssyncset.done @!p1 $0x0  }
0x183: {  	[sflag:s10] =	ssyncadd.s32 @!p1 $0xFFFFFD80  }
0x184: {  	_ =	sfence.sel $0x180000  }
0x185: {  	[bflag:$0x0] =	sbarrier.arrive $0xFFFF  }
0x186: {  	_ =	strace $0x90000047  }
0x187: {  	[bflag:$0x2] =	sbarrier.arrive $0xFFFF  }
0x188: {  	p0 =	sne.s32 s1, $0x0;
	s0 =	rddreg [dreg:$0x2]  }
0x189: {  	s0 =	sadd.s32 @!p0 $0x100000, s0  }
0x18a: {  	[sflag:s0] =	ssyncadd.tile.s32 @!p0 $0x1;
	_ =	shalt  }
.Lfunc_end2:
_tile_overlayer_lowered:
.L_overlay_start_2:
0x18b: {  	(tag) =	ssettag $0x2  }
0x18c: {  	s0 =	rddreg [dreg:$0x0];
	s2 =	stileid.u32  }
0x18d: {  	s1 =	rddreg [dreg:$0x1];
	p0 =	sne.s32 s2, $0x0  }
0x18e: {  	s3 =	rddreg [dreg:$0x2];
	[bflag:$0x3] =	sbarrier.arrive $0xFFFF;
	s2 =	simm.s32 @!p0 $0x1C07  }
0x18f: {  	[timem:s3], [sflag:s2] =	dma.local @!p0 [hbm:s0], s1  }
0x190: {  	s0 =	simm.s32 @!p0 $0x7  }
0x191: {  	_ =	swait.ge @!p0 [sflag:s0], s1  }
0x192: {  	s1 =	ssub.s32 @!p0 $0x0, s1;
	[sflag:s0] =	ssyncset.done @!p0 $0x0  }
0x193: {  	[sflag:s0] =	ssyncadd.s32 @!p0 s1  }
0x194: {  	[bflag:$0x3] =	sbarrier.arrive $0xFFFF  }
0x195: {  	_ =	shalt  }

</sc_bundles>
